<compile_context>
chip_gen: v7x
topology: tpu7x:2x2x1
jax: 0.10.2.dev20260603
libtpu: 0.0.44.dev20260713+nightly
codegen_flags: <defaults>
</compile_context>

<pallas_src>
import functools

import jax
import jax.numpy as jnp
from jax import lax
from jax.experimental import pallas as pl
from jax.experimental.pallas import tpu as pltpu
from jax.experimental.pallas import tpu_sc as plsc

F32 = jnp.float32




def _dot(a, b):
    return jax.lax.dot_general(a, b, (((1,), (0,)), ((), ())),
                               preferred_element_type=F32)


def _edge_prep_body(ef_ref, w1, b1, w2, b2, wl, bl, out_ref):
    x2 = ef_ref[...]
    din = x2.shape[1] // 2
    outs = []
    for h in range(2):
        x = x2[:, h * din:(h + 1) * din]
        hh = jnp.maximum(_dot(x, w1[...]) + b1[...], 0.0)
        outs.append(_dot(hh, w2[...]) + b2[...] + _dot(x, wl[...]) + bl[...])
    out_ref[...] = jnp.concatenate(outs, axis=1)


def _edge_prep(ef2, p_ff, p_lin, block):
    e2, din2 = ef2.shape
    dout = p_lin["W"].shape[1]
    grid = e2 // block
    full = lambda arr: pl.BlockSpec(arr.shape, lambda i: (0,) * arr.ndim)
    args = (p_ff["W1"], p_ff["b1"].reshape(1, -1), p_ff["W2"],
            p_ff["b2"].reshape(1, -1), p_lin["W"], p_lin["b"].reshape(1, -1))
    return pl.pallas_call(
        _edge_prep_body,
        grid=(grid,),
        in_specs=[pl.BlockSpec((block, din2), lambda i: (i, 0))]
        + [full(a) for a in args],
        out_specs=pl.BlockSpec((block, 2 * dout), lambda i: (i, 0)),
        out_shape=jax.ShapeDtypeStruct((e2, 2 * dout), F32),
    )(ef2, *args)


def _node_prep_body(nf_ref, w1, b1, w2, b2, wl, bl, wmsg, bmsg,
                    res_ref, mn_ref, xm_ref):
    x = nf_ref[...]
    h = jnp.maximum(_dot(x, w1[...]) + b1[...], 0.0)
    res = _dot(h, w2[...]) + b2[...]
    mn = res + _dot(x, wl[...]) + bl[...]
    res_ref[...] = res
    mn_ref[...] = mn
    xm = _dot(mn, wmsg[...]) + bmsg[...]
    xm_ref[...] = jnp.concatenate([xm, jnp.zeros_like(xm)], axis=1)


def _node_prep(node_feature, p_ff, p_lin, wmsg, bmsg, block):
    n, din = node_feature.shape
    dout = p_lin["W"].shape[1]
    grid = n // block
    full = lambda arr: pl.BlockSpec(arr.shape, lambda i: (0,) * arr.ndim)
    args = (p_ff["W1"], p_ff["b1"].reshape(1, -1), p_ff["W2"],
            p_ff["b2"].reshape(1, -1), p_lin["W"], p_lin["b"].reshape(1, -1),
            wmsg, bmsg.reshape(1, -1))
    shp = jax.ShapeDtypeStruct((n, dout), F32)
    return pl.pallas_call(
        _node_prep_body,
        grid=(grid,),
        in_specs=[pl.BlockSpec((block, din), lambda i: (i, 0))]
        + [full(a) for a in args],
        out_specs=[pl.BlockSpec((block, dout), lambda i: (i, 0))] * 2
        + [pl.BlockSpec((block, 2 * dout), lambda i: (i, 0))],
        out_shape=[shp, shp, jax.ShapeDtypeStruct((n, 2 * dout), F32)],
    )(node_feature, *args)


def _state_prep_body(gs_ref, w1, b1, w2, b2, wl, bl, out_ref):
    x = gs_ref[...]
    h = jnp.maximum(_dot(x, w1[...]) + b1[...], 0.0)
    out_ref[...] = _dot(h, w2[...]) + b2[...] + _dot(x, wl[...]) + bl[...]


def _state_prep(gs_row, p_ff, p_lin):
    b = gs_row.shape[1]
    args = (p_ff["W1"], p_ff["b1"].reshape(1, -1), p_ff["W2"],
            p_ff["b2"].reshape(1, -1), p_lin["W"], p_lin["b"].reshape(1, -1))
    return pl.pallas_call(
        _state_prep_body,
        out_shape=jax.ShapeDtypeStruct((1, b), F32),
    )(gs_row, *args)


def _update_body(x_ref, a0_ref, a1_ref, res_ref, st_ref,
                 wself, wagg, wstate, bout, wmsg, bmsg,
                 xn_ref, xmn_ref):
    x = x_ref[...]
    d = x.shape[1]
    agg = a0_ref[:, :d] + a1_ref[:, :d]
    t = (_dot(x, wself[...]) + _dot(agg, wagg[...])
         + st_ref[...] * wstate[...] + bout[...])
    xn = res_ref[...] + jnp.maximum(t, 0.0)
    xn_ref[...] = xn
    xm = _dot(xn, wmsg[...]) + bmsg[...]
    xmn_ref[...] = jnp.concatenate([xm, jnp.zeros_like(xm)], axis=1)


def _update(x, a0, a1, node_res, state_col, p, wmsg_next, bmsg_next, block):
    n, d = x.shape
    grid = n // block
    full = lambda arr: pl.BlockSpec(arr.shape, lambda i: (0,) * arr.ndim)
    args = (p["Wself"], p["Wagg"], p["wstate"].reshape(1, -1),
            p["bout"].reshape(1, -1), wmsg_next, bmsg_next.reshape(1, -1))
    blk = lambda w=d: pl.BlockSpec((block, w), lambda i: (i, 0))
    return pl.pallas_call(
        _update_body,
        grid=(grid,),
        in_specs=[blk(), blk(2 * d), blk(2 * d), blk(),
                  pl.BlockSpec((block, 1), lambda i: (i, 0))]
        + [full(a) for a in args],
        out_specs=[blk(), blk(2 * d)],
        out_shape=[jax.ShapeDtypeStruct((n, d), F32),
                   jax.ShapeDtypeStruct((n, 2 * d), F32)],
    )(x, a0, a1, node_res, state_col, *args)




def _sc_msgpass(xm, me2, src, dst, wedge):
    n, dw = xm.shape
    d = dw // 2
    e = src.shape[0]
    kc = 80
    info = plsc.get_sparse_core_info()
    nc, ns = info.num_cores, info.num_subcores
    ts = e // (nc * ns * kc)
    kh = kc // 2
    nb = 2
    cp_sub = 5
    rows_w = n // cp_sub
    zr = kc
    nz = rows_w // zr

    mesh = plsc.VectorSubcoreMesh(core_axis_name="c", subcore_axis_name="s")

    @functools.partial(
        pl.kernel,
        out_type=jax.ShapeDtypeStruct((nc, n, dw), F32),
        mesh=mesh,
        scratch_types=[
            pltpu.VMEM_SHARED((n, dw), F32),
            pltpu.VMEM((ts * kc,), jnp.int32),
            [pltpu.VMEM((kc,), jnp.int32)] * nb,
            [pltpu.VMEM((kc, dw), F32)] * nb,
            [pltpu.VMEM((kh, dw), F32)] * nb,
            pltpu.VMEM((d,), F32),
            [pltpu.SemaphoreType.DMA] * nb,
            [pltpu.SemaphoreType.DMA] * nb,
            [pltpu.SemaphoreType.DMA] * nb,
            [pltpu.SemaphoreType.DMA] * nb,
        ],
    )
    def k(xm_h, me_h, src_h, dst_h, wedge_h, out_h,
          agg_sh, srcb, dst2, gbuf, ebuf, wv, sem_g, sem_e, sem_sc,
          sem_i):
        c = lax.axis_index("c")
        s = lax.axis_index("s")

        pltpu.sync_copy(wedge_h, wv)
        w = [wv[pl.ds(j * 16, 16)] for j in range(d // 16)]
        zero = jnp.zeros((16,), F32)

        e0 = pl.multiple_of((c * ns + s) * (ts * kc), kc)
        me0 = pl.multiple_of((c * ns + s) * (ts * kh), kh)

        pltpu.sync_copy(src_h.at[pl.ds(e0, ts * kc)], srcb)

        @pl.loop(0, kc)
        def _(r):
            for j in range(dw // 16):
                gbuf[0][r, pl.ds(j * 16, 16)] = zero

        @pl.when(s < cp_sub)
        def _():
            @pl.loop(0, nz)
            def _(kz):
                r0 = pl.multiple_of(s * rows_w + kz * zr, zr)
                pltpu.sync_copy(gbuf[0], agg_sh.at[pl.ds(r0, zr)])

        plsc.subcore_barrier()

        def body(t, nbi):
            idxs = []
            for i in range(nbi):
                u = t + i
                eo = pl.multiple_of(e0 + u * kc, kc)
                idxs.append(pltpu.async_copy(dst_h.at[pl.ds(eo, kc)],
                                             dst2[i], sem_i[i]))
            loads = []
            for i in range(nbi):
                u = t + i
                so = pl.multiple_of(u * kc, kc)
                cpg = pltpu.async_copy(xm_h.at[srcb.at[pl.ds(so, kc)]],
                                       gbuf[i], sem_g[i])
                off2 = pl.multiple_of(me0 + u * kh, kh)
                cpe = pltpu.async_copy(me_h.at[pl.ds(off2, kh)], ebuf[i],
                                       sem_e[i])
                loads.append((cpg, cpe))
            stores = []
            for i in range(nbi):
                loads[i][0].wait()
                loads[i][1].wait()

                @pl.loop(0, kh)
                def _(rr):
                    for half in range(2):
                        r = 2 * rr + half
                        for j in range(d // 16):
                            gsl = pl.ds(j * 16, 16)
                            esl = pl.ds(half * d + j * 16, 16)
                            gbuf[i][r, gsl] = jnp.maximum(
                                gbuf[i][r, gsl] + ebuf[i][rr, esl] * w[j],
                                0.0)

                idxs[i].wait()
                stores.append(pltpu.async_copy(
                    gbuf[i], agg_sh.at[dst2[i]], sem_sc[i], add=True))
            for cp in stores:
                cp.wait()

        main = (ts // nb) * nb
        @pl.loop(0, main, step=nb)
        def _(t):
            body(t, nb)

        for u in range(main, ts):
            body(u, 1)

        plsc.subcore_barrier()

        @pl.when(s < cp_sub)
        def _():
            @pl.loop(0, nz)
            def _(kz):
                r0 = pl.multiple_of(s * rows_w + kz * zr, zr)
                pltpu.sync_copy(agg_sh.at[pl.ds(r0, zr)], gbuf[0])
                pltpu.sync_copy(gbuf[0], out_h.at[c].at[pl.ds(r0, zr)])

    return k(xm, me2, src, dst, wedge)




def kernel(node_feature, edge_index, edge_feature, global_state, group_size,
           params):
    n = node_feature.shape[0]
    batch = global_state.shape[0]
    group = n // batch
    convs = params["convs"]

    ef2 = edge_feature.reshape(edge_feature.shape[0] // 2,
                               2 * edge_feature.shape[1])
    me2 = _edge_prep(ef2, params["edge_ff"], params["edge_linear"],
                     block=8000)
    node_res, meta_node, xm = _node_prep(
        node_feature, params["node_ff"], params["node_linear"],
        convs[0]["Wmsg"], convs[0]["bmsg"], block=2000)
    tot_state = _state_prep(global_state.reshape(1, batch),
                            params["state_ff"], params["state_linear"])
    state_col = jnp.broadcast_to(tot_state.reshape(batch, 1, 1),
                                 (batch, group, 1)).reshape(n, 1)

    src = edge_index[0]
    dst = edge_index[1]
    nl = len(convs)
    for l, p in enumerate(convs):
        agg2 = _sc_msgpass(xm, me2, src, dst, p["wedge"])
        pn = convs[(l + 1) % nl]
        meta_node, xm = _update(meta_node, agg2[0], agg2[1], node_res,
                                state_col, p, pn["Wmsg"], pn["bmsg"],
                                block=2000)
    return meta_node

# --- scband reference (transcript-rebuilt; emitter-appended) ---
"""Pipeline reference for scband-gnn-68719476736453 (READ-ONLY COPY).

The authoritative reference and input builder live on the scoring server;
editing this copy changes nothing except your own understanding.
"""

import jax, jax.numpy as jnp
import numpy as np

N = 10000
E = 320000
IN_DIM = 128
N_HID = 64
N_LAYERS = 3
BATCH = 100
FF_HID = 32
EDGE_DIM = 20
GROUP = N // BATCH


def _mlp_params(key, din, dout, dh):
    k1, k2 = jax.random.split(key)
    return {"W1": 0.05 * jax.random.normal(k1, (din, dh), dtype=jnp.float32),
            "b1": jnp.zeros((dh,), dtype=jnp.float32),
            "W2": 0.05 * jax.random.normal(k2, (dh, dout), dtype=jnp.float32),
            "b2": jnp.zeros((dout,), dtype=jnp.float32)}


def _lin_params(key, din, dout):
    return {"W": 0.05 * jax.random.normal(key, (din, dout), dtype=jnp.float32),
            "b": jnp.zeros((dout,), dtype=jnp.float32)}


def _conv_params(key, d):
    ks = jax.random.split(key, 5)
    return {"Wmsg": 0.05 * jax.random.normal(ks[0], (d, d), dtype=jnp.float32),
            "wedge": 0.05 * jax.random.normal(ks[1], (d,), dtype=jnp.float32),
            "bmsg": jnp.zeros((d,), dtype=jnp.float32),
            "Wself": 0.05 * jax.random.normal(ks[2], (d, d), dtype=jnp.float32),
            "Wagg": 0.05 * jax.random.normal(ks[3], (d, d), dtype=jnp.float32),
            "wstate": 0.05 * jax.random.normal(ks[4], (d,), dtype=jnp.float32),
            "bout": jnp.zeros((d,), dtype=jnp.float32)}


def setup_inputs(seed: int = 0) -> dict:
    key = jax.random.key(seed)
    ks = jax.random.split(key, 12)
    node_feature = jax.random.normal(ks[0], (N, IN_DIM), dtype=jnp.float32)
    edge_index = jax.random.randint(ks[1], (2, E), 0, N, dtype=jnp.int32)
    edge_feature = jax.random.normal(ks[2], (E, EDGE_DIM), dtype=jnp.float32)
    global_state = jax.random.normal(ks[3], (BATCH,), dtype=jnp.float32)
    params = {
        "node_linear": _lin_params(ks[4], IN_DIM, N_HID),
        "edge_linear": _lin_params(ks[5], EDGE_DIM, N_HID),
        "state_linear": _lin_params(ks[6], BATCH, BATCH),
        "node_ff": _mlp_params(ks[7], IN_DIM, N_HID, FF_HID),
        "edge_ff": _mlp_params(ks[8], EDGE_DIM, N_HID, FF_HID),
        "state_ff": _mlp_params(ks[9], BATCH, BATCH, FF_HID),
        "convs": [_conv_params(jax.random.fold_in(ks[10], l), N_HID) for l in range(N_LAYERS)],
    }
    return {"node_feature": node_feature, "edge_index": edge_index,
            "edge_feature": edge_feature, "global_state": global_state,
            "group_size": GROUP, "params": params}


def _mlp(x, p):
    return jax.nn.relu(x @ p["W1"] + p["b1"]) @ p["W2"] + p["b2"]


def _conv(x, edge_index, edge_attr, state, p):
    # message passing: project nodes once, gather to edges, elementwise edge gate,
    # scatter-add back to dst nodes (segment_sum), then node update.
    src = edge_index[0]
    dst = edge_index[1]
    xm = x @ p["Wmsg"]
    msg = jax.nn.relu(xm[src] + edge_attr * p["wedge"] + p["bmsg"])
    agg = jax.ops.segment_sum(msg, dst, num_segments=x.shape[0])
    return jax.nn.relu(x @ p["Wself"] + agg @ p["Wagg"] + state[:, None] * p["wstate"] + p["bout"])


def reference(node_feature, edge_index, edge_feature, global_state, group_size, params):
    # dropout is identity in eval/reference mode
    node_res = _mlp(node_feature, params["node_ff"])
    node_skip = node_feature @ params["node_linear"]["W"] + params["node_linear"]["b"]
    meta_node = node_res + node_skip
    edge_res = _mlp(edge_feature, params["edge_ff"])
    edge_skip = edge_feature @ params["edge_linear"]["W"] + params["edge_linear"]["b"]
    meta_edge = edge_res + edge_skip
    state_res = _mlp(global_state, params["state_ff"])
    state_skip = global_state @ params["state_linear"]["W"] + params["state_linear"]["b"]
    tot_state = state_res + state_skip
    meta_state = jnp.repeat(tot_state, group_size, total_repeat_length=node_feature.shape[0])
    for p in params["convs"]:
        meta_node = _conv(meta_node, edge_index, meta_edge, meta_state, p)
        meta_node = node_res + meta_node
    return meta_node

if __name__ == "__main__":
    import jax
    _d = setup_inputs()
    print(jax.jit(kernel)(*tuple(_d.values())))

</pallas_src>

<mosaic_0001>
#map = affine_map<(d0, d1) -> (0, 0)>
#map1 = affine_map<(d0, d1) -> (0)>
#map2 = affine_map<(d0, d1) -> (0, 0, 0)>
module attributes {stable_mosaic.version = 14 : i64} {
  func.func @k(%arg0: i32, %arg1: i32, %arg2: memref<10000x128xf32, #tpu.memory_space<hbm>>, %arg3: memref<160000x128xf32, #tpu.memory_space<hbm>>, %arg4: memref<320000xi32, #tpu.memory_space<hbm>>, %arg5: memref<320000xi32, #tpu.memory_space<hbm>>, %arg6: memref<64xf32, #tpu.memory_space<hbm>>, %arg7: memref<2x10000x128xf32, #tpu.memory_space<hbm>>, %arg8: memref<10000x128xf32, #tpu.memory_space<vmem_shared>>, %arg9: memref<10000xi32, #tpu.memory_space<vmem>>, %arg10: memref<80xi32, #tpu.memory_space<vmem>>, %arg11: memref<80xi32, #tpu.memory_space<vmem>>, %arg12: memref<80x128xf32, #tpu.memory_space<vmem>>, %arg13: memref<80x128xf32, #tpu.memory_space<vmem>>, %arg14: memref<40x128xf32, #tpu.memory_space<vmem>>, %arg15: memref<40x128xf32, #tpu.memory_space<vmem>>, %arg16: memref<64xf32, #tpu.memory_space<vmem>>, %arg17: memref<!tpu.dma_semaphore, #tpu.memory_space<semaphore_mem>>, %arg18: memref<!tpu.dma_semaphore, #tpu.memory_space<semaphore_mem>>, %arg19: memref<!tpu.dma_semaphore, #tpu.memory_space<semaphore_mem>>, %arg20: memref<!tpu.dma_semaphore, #tpu.memory_space<semaphore_mem>>, %arg21: memref<!tpu.dma_semaphore, #tpu.memory_space<semaphore_mem>>, %arg22: memref<!tpu.dma_semaphore, #tpu.memory_space<semaphore_mem>>, %arg23: memref<!tpu.dma_semaphore, #tpu.memory_space<semaphore_mem>>, %arg24: memref<!tpu.dma_semaphore, #tpu.memory_space<semaphore_mem>>) attributes {dimension_semantics = [#tpu.dimension_semantics<core_parallel>, #tpu.dimension_semantics<subcore_parallel>], iteration_bounds = array<i64: 2, 16>, scalar_prefetch = 0 : i64, scratch_operands = 17 : i64, tpu.core_type = #tpu.core_type<sc_vector_subcore>, window_params = [{transform_indices = #map}, {transform_indices = #map}, {transform_indices = #map1}, {transform_indices = #map1}, {transform_indices = #map1}, {transform_indices = #map2}]} {
    "tpu.region"() ({
      %run_scoped3A = tpu.sem_alloc : memref<!tpu.dma_semaphore, #tpu.memory_space<semaphore_mem>>
      tpu.enqueue_dma source(%arg6 : memref<64xf32, #tpu.memory_space<hbm>>) target(%arg16 : memref<64xf32, #tpu.memory_space<vmem>>) target_semaphore(%run_scoped3A : memref<!tpu.dma_semaphore, #tpu.memory_space<semaphore_mem>>)
      tpu.wait_dma2 semaphore(%run_scoped3A : memref<!tpu.dma_semaphore, #tpu.memory_space<semaphore_mem>>) src(%arg6 : memref<64xf32, #tpu.memory_space<hbm>>) dst(%arg16 : memref<64xf32, #tpu.memory_space<vmem>>)
      tpu.yield
    }) : () -> ()
    %get3A = arith.constant 0 : index
    %get3A_0 = tpu.vector_load %arg16[%get3A] {strides = array<i32>} : memref<64xf32, #tpu.memory_space<vmem>>, vector<16xf32>,
    %get3A_1 = vector.shape_cast %get3A_0 : vector<16xf32> to vector<16xf32>
    %get3A_2 = arith.constant 16 : index
    %get3A_3 = tpu.vector_load %arg16[%get3A_2] {strides = array<i32>} : memref<64xf32, #tpu.memory_space<vmem>>, vector<16xf32>,
    %get3A_4 = vector.shape_cast %get3A_3 : vector<16xf32> to vector<16xf32>
    %get3A_5 = arith.constant 32 : index
    %get3A_6 = tpu.vector_load %arg16[%get3A_5] {strides = array<i32>} : memref<64xf32, #tpu.memory_space<vmem>>, vector<16xf32>,
    %get3A_7 = vector.shape_cast %get3A_6 : vector<16xf32> to vector<16xf32>
    %get3A_8 = arith.constant 48 : index
    %get3A_9 = tpu.vector_load %arg16[%get3A_8] {strides = array<i32>} : memref<64xf32, #tpu.memory_space<vmem>>, vector<16xf32>,
    %get3A_10 = vector.shape_cast %get3A_9 : vector<16xf32> to vector<16xf32>
    %broadcast_in_dim3A = arith.constant 0.000000e+00 : f32
    %broadcast_in_dim3A_11 = vector.broadcast %broadcast_in_dim3A : f32 to vector<16xf32>
    %mul3A = arith.constant 16 : i32
    %mul3A_12 = arith.muli %arg0, %mul3A : i32
    %add3A = arith.addi %mul3A_12, %arg1 : i32
    %mul3A_13 = arith.constant 10000 : i32
    %mul3A_14 = arith.muli %add3A, %mul3A_13 : i32
    %multiple_of3A = tpu.assume_multiple %mul3A_14, 80 : i32
    %mul3A_15 = arith.constant 16 : i32
    %mul3A_16 = arith.muli %arg0, %mul3A_15 : i32
    %add3A_17 = arith.addi %mul3A_16, %arg1 : i32
    %mul3A_18 = arith.constant 5000 : i32
    %mul3A_19 = arith.muli %add3A_17, %mul3A_18 : i32
    %multiple_of3A_20 = tpu.assume_multiple %mul3A_19, 40 : i32
    "tpu.region"() ({
      %run_scoped3A = tpu.sem_alloc : memref<!tpu.dma_semaphore, #tpu.memory_space<semaphore_mem>>
      %dma_start3A_75 = tpu.memref_slice %arg4[%multiple_of3A] : memref<320000xi32, #tpu.memory_space<hbm>> -> memref<10000xi32, #tpu.memory_space<hbm>>
      %dma_start3A_76 = tpu.memref_slice %arg4[%multiple_of3A] : memref<320000xi32, #tpu.memory_space<hbm>> -> memref<10000xi32, #tpu.memory_space<hbm>>
      tpu.enqueue_dma source(%dma_start3A_76 : memref<10000xi32, #tpu.memory_space<hbm>>) target(%arg9 : memref<10000xi32, #tpu.memory_space<vmem>>) target_semaphore(%run_scoped3A : memref<!tpu.dma_semaphore, #tpu.memory_space<semaphore_mem>>)
      %dma_wait3A_77 = tpu.memref_slice %arg4[%multiple_of3A] : memref<320000xi32, #tpu.memory_space<hbm>> -> memref<10000xi32, #tpu.memory_space<hbm>>
      %dma_wait3A_78 = tpu.memref_slice %arg4[%multiple_of3A] : memref<320000xi32, #tpu.memory_space<hbm>> -> memref<10000xi32, #tpu.memory_space<hbm>>
      tpu.wait_dma2 semaphore(%run_scoped3A : memref<!tpu.dma_semaphore, #tpu.memory_space<semaphore_mem>>) src(%dma_wait3A_78 : memref<10000xi32, #tpu.memory_space<hbm>>) dst(%arg9 : memref<10000xi32, #tpu.memory_space<vmem>>)
      tpu.yield
    }) : () -> ()
    %scan3A = arith.constant 0 : i32
    %scan3A_21 = arith.constant 80 : i32
    %scan3A_22 = arith.addi %scan3A, %scan3A_21 : i32
    %scan3A_23 = arith.constant 1 : i32
    scf.for %scan3A_75 = %scan3A to %scan3A_22 step %scan3A_23  : i32 {
      %mul3A_76 = arith.constant 1 : i32
      %mul3A_77 = arith.muli %scan3A_75, %mul3A_76 : i32
      %add3A_78 = arith.constant 0 : i32
      %add3A_79 = arith.addi %add3A_78, %mul3A_77 : i32
      %swap3A = arith.index_cast %add3A_79 : i32 to index
      %swap3A_80 = arith.constant 0 : index
      %swap3A_81 = tpu.vector_load %arg12[%swap3A, %swap3A_80] {strides = array<i32>} : memref<80x128xf32, #tpu.memory_space<vmem>>, vector<1x16xf32>,
      %swap3A_82 = vector.shape_cast %swap3A_81 : vector<1x16xf32> to vector<16xf32>
      %swap3A_83 = vector.shape_cast %broadcast_in_dim3A_11 : vector<16xf32> to vector<1x16xf32>
      tpu.vector_store %arg12[%swap3A, %swap3A_80], %swap3A_83 {strides = array<i32>} : memref<80x128xf32, #tpu.memory_space<vmem>>, vector<1x16xf32>,
      %swap3A_84 = arith.index_cast %add3A_79 : i32 to index
      %swap3A_85 = arith.constant 16 : index
      %swap3A_86 = tpu.vector_load %arg12[%swap3A_84, %swap3A_85] {strides = array<i32>} : memref<80x128xf32, #tpu.memory_space<vmem>>, vector<1x16xf32>,
      %swap3A_87 = vector.shape_cast %swap3A_86 : vector<1x16xf32> to vector<16xf32>
      %swap3A_88 = vector.shape_cast %broadcast_in_dim3A_11 : vector<16xf32> to vector<1x16xf32>
      tpu.vector_store %arg12[%swap3A_84, %swap3A_85], %swap3A_88 {strides = array<i32>} : memref<80x128xf32, #tpu.memory_space<vmem>>, vector<1x16xf32>,
      %swap3A_89 = arith.index_cast %add3A_79 : i32 to index
      %swap3A_90 = arith.constant 32 : index
      %swap3A_91 = tpu.vector_load %arg12[%swap3A_89, %swap3A_90] {strides = array<i32>} : memref<80x128xf32, #tpu.memory_space<vmem>>, vector<1x16xf32>,
      %swap3A_92 = vector.shape_cast %swap3A_91 : vector<1x16xf32> to vector<16xf32>
      %swap3A_93 = vector.shape_cast %broadcast_in_dim3A_11 : vector<16xf32> to vector<1x16xf32>
      tpu.vector_store %arg12[%swap3A_89, %swap3A_90], %swap3A_93 {strides = array<i32>} : memref<80x128xf32, #tpu.memory_space<vmem>>, vector<1x16xf32>,
      %swap3A_94 = arith.index_cast %add3A_79 : i32 to index
      %swap3A_95 = arith.constant 48 : index
      %swap3A_96 = tpu.vector_load %arg12[%swap3A_94, %swap3A_95] {strides = array<i32>} : memref<80x128xf32, #tpu.memory_space<vmem>>, vector<1x16xf32>,
      %swap3A_97 = vector.shape_cast %swap3A_96 : vector<1x16xf32> to vector<16xf32>
      %swap3A_98 = vector.shape_cast %broadcast_in_dim3A_11 : vector<16xf32> to vector<1x16xf32>
      tpu.vector_store %arg12[%swap3A_94, %swap3A_95], %swap3A_98 {strides = array<i32>} : memref<80x128xf32, #tpu.memory_space<vmem>>, vector<1x16xf32>,
      %swap3A_99 = arith.index_cast %add3A_79 : i32 to index
      %swap3A_100 = arith.constant 64 : index
      %swap3A_101 = tpu.vector_load %arg12[%swap3A_99, %swap3A_100] {strides = array<i32>} : memref<80x128xf32, #tpu.memory_space<vmem>>, vector<1x16xf32>,
      %swap3A_102 = vector.shape_cast %swap3A_101 : vector<1x16xf32> to vector<16xf32>
      %swap3A_103 = vector.shape_cast %broadcast_in_dim3A_11 : vector<16xf32> to vector<1x16xf32>
      tpu.vector_store %arg12[%swap3A_99, %swap3A_100], %swap3A_103 {strides = array<i32>} : memref<80x128xf32, #tpu.memory_space<vmem>>, vector<1x16xf32>,
      %swap3A_104 = arith.index_cast %add3A_79 : i32 to index
      %swap3A_105 = arith.constant 80 : index
      %swap3A_106 = tpu.vector_load %arg12[%swap3A_104, %swap3A_105] {strides = array<i32>} : memref<80x128xf32, #tpu.memory_space<vmem>>, vector<1x16xf32>,
      %swap3A_107 = vector.shape_cast %swap3A_106 : vector<1x16xf32> to vector<16xf32>
      %swap3A_108 = vector.shape_cast %broadcast_in_dim3A_11 : vector<16xf32> to vector<1x16xf32>
      tpu.vector_store %arg12[%swap3A_104, %swap3A_105], %swap3A_108 {strides = array<i32>} : memref<80x128xf32, #tpu.memory_space<vmem>>, vector<1x16xf32>,
      %swap3A_109 = arith.index_cast %add3A_79 : i32 to index
      %swap3A_110 = arith.constant 96 : index
      %swap3A_111 = tpu.vector_load %arg12[%swap3A_109, %swap3A_110] {strides = array<i32>} : memref<80x128xf32, #tpu.memory_space<vmem>>, vector<1x16xf32>,
      %swap3A_112 = vector.shape_cast %swap3A_111 : vector<1x16xf32> to vector<16xf32>
      %swap3A_113 = vector.shape_cast %broadcast_in_dim3A_11 : vector<16xf32> to vector<1x16xf32>
      tpu.vector_store %arg12[%swap3A_109, %swap3A_110], %swap3A_113 {strides = array<i32>} : memref<80x128xf32, #tpu.memory_space<vmem>>, vector<1x16xf32>,
      %swap3A_114 = arith.index_cast %add3A_79 : i32 to index
      %swap3A_115 = arith.constant 112 : index
      %swap3A_116 = tpu.vector_load %arg12[%swap3A_114, %swap3A_115] {strides = array<i32>} : memref<80x128xf32, #tpu.memory_space<vmem>>, vector<1x16xf32>,
      %swap3A_117 = vector.shape_cast %swap3A_116 : vector<1x16xf32> to vector<16xf32>
      %swap3A_118 = vector.shape_cast %broadcast_in_dim3A_11 : vector<16xf32> to vector<1x16xf32>
      tpu.vector_store %arg12[%swap3A_114, %swap3A_115], %swap3A_118 {strides = array<i32>} : memref<80x128xf32, #tpu.memory_space<vmem>>, vector<1x16xf32>,
    }
    %scan3A_24 = arith.constant 80 : i32
    %lt3A = arith.constant 5 : i32
    %lt3A_25 = arith.cmpi slt, %arg1, %lt3A : i32
    %convert_element_type3A = arith.extui %lt3A_25 : i1 to i32
    %cond3A = arith.constant 0 : i32
    %cond3A_26 = arith.cmpi ne, %convert_element_type3A, %cond3A : i32
    scf.if %cond3A_26 {
      %scan3A_75 = arith.constant 0 : i32
      %scan3A_76 = arith.constant 25 : i32
      %scan3A_77 = arith.addi %scan3A_75, %scan3A_76 : i32
      %scan3A_78 = arith.constant 1 : i32
      scf.for %scan3A_80 = %scan3A_75 to %scan3A_77 step %scan3A_78  : i32 {
        %mul3A_81 = arith.constant 1 : i32
        %mul3A_82 = arith.muli %scan3A_80, %mul3A_81 : i32
        %add3A_83 = arith.constant 0 : i32
        %add3A_84 = arith.addi %add3A_83, %mul3A_82 : i32
        %mul3A_85 = arith.constant 2000 : i32
        %mul3A_86 = arith.muli %arg1, %mul3A_85 : i32
        %mul3A_87 = arith.constant 80 : i32
        %mul3A_88 = arith.muli %add3A_84, %mul3A_87 : i32
        %add3A_89 = arith.addi %mul3A_86, %mul3A_88 : i32
        %multiple_of3A_90 = tpu.assume_multiple %add3A_89, 80 : i32
        "tpu.region"() ({
          %run_scoped3A = tpu.sem_alloc : memref<!tpu.dma_semaphore, #tpu.memory_space<semaphore_mem>>
          %dma_start3A_91 = arith.constant 0 : i32
          %dma_start3A_92 = tpu.memref_slice %arg8[%multiple_of3A_90, %dma_start3A_91] : memref<10000x128xf32, #tpu.memory_space<vmem_shared>> -> memref<80x128xf32, #tpu.memory_space<vmem_shared>>
          %dma_start3A_93 = arith.constant 0 : i32
          %dma_start3A_94 = tpu.memref_slice %arg8[%multiple_of3A_90, %dma_start3A_93] : memref<10000x128xf32, #tpu.memory_space<vmem_shared>> -> memref<80x128xf32, #tpu.memory_space<vmem_shared>>
          tpu.enqueue_dma source(%arg12 : memref<80x128xf32, #tpu.memory_space<vmem>>) target(%dma_start3A_94 : memref<80x128xf32, #tpu.memory_space<vmem_shared>>) target_semaphore(%run_scoped3A : memref<!tpu.dma_semaphore, #tpu.memory_space<semaphore_mem>>)
          %dma_wait3A_95 = arith.constant 0 : i32
          %dma_wait3A_96 = tpu.memref_slice %arg8[%multiple_of3A_90, %dma_wait3A_95] : memref<10000x128xf32, #tpu.memory_space<vmem_shared>> -> memref<80x128xf32, #tpu.memory_space<vmem_shared>>
          %dma_wait3A_97 = arith.constant 0 : i32
          %dma_wait3A_98 = tpu.memref_slice %arg8[%multiple_of3A_90, %dma_wait3A_97] : memref<10000x128xf32, #tpu.memory_space<vmem_shared>> -> memref<80x128xf32, #tpu.memory_space<vmem_shared>>
          tpu.wait_dma2 semaphore(%run_scoped3A : memref<!tpu.dma_semaphore, #tpu.memory_space<semaphore_mem>>) src(%arg12 : memref<80x128xf32, #tpu.memory_space<vmem>>) dst(%dma_wait3A_98 : memref<80x128xf32, #tpu.memory_space<vmem_shared>>)
          tpu.yield
        }) : () -> ()
      }
      %scan3A_79 = arith.constant 25 : i32
    } else {
    }
    %barrier3A = arith.constant 0 : index
    tpu.barrier barrier_id(%barrier3A)
    %scan3A_27 = arith.constant 0 : i32
    %scan3A_28 = arith.constant 62 : i32
    %scan3A_29 = arith.addi %scan3A_27, %scan3A_28 : i32
    %scan3A_30 = arith.constant 1 : i32
    scf.for %scan3A_75 = %scan3A_27 to %scan3A_29 step %scan3A_30  : i32 {
      %mul3A_76 = arith.constant 2 : i32
      %mul3A_77 = arith.muli %scan3A_75, %mul3A_76 : i32
      %add3A_78 = arith.constant 0 : i32
      %add3A_79 = arith.addi %add3A_78, %mul3A_77 : i32
      %add3A_80 = arith.constant 0 : i32
      %add3A_81 = arith.addi %add3A_79, %add3A_80 : i32
      %mul3A_82 = arith.constant 80 : i32
      %mul3A_83 = arith.muli %add3A_81, %mul3A_82 : i32
      %add3A_84 = arith.addi %multiple_of3A, %mul3A_83 : i32
      %multiple_of3A_85 = tpu.assume_multiple %add3A_84, 80 : i32
      %dma_start3A_86 = tpu.memref_slice %arg5[%multiple_of3A_85] : memref<320000xi32, #tpu.memory_space<hbm>> -> memref<80xi32, #tpu.memory_space<hbm>>
      %dma_start3A_87 = tpu.memref_slice %arg5[%multiple_of3A_85] : memref<320000xi32, #tpu.memory_space<hbm>> -> memref<80xi32, #tpu.memory_space<hbm>>
      tpu.enqueue_dma source(%dma_start3A_87 : memref<80xi32, #tpu.memory_space<hbm>>) target(%arg10 : memref<80xi32, #tpu.memory_space<vmem>>) target_semaphore(%arg23 : memref<!tpu.dma_semaphore, #tpu.memory_space<semaphore_mem>>)
      %add3A_88 = arith.constant 1 : i32
      %add3A_89 = arith.addi %add3A_79, %add3A_88 : i32
      %mul3A_90 = arith.constant 80 : i32
      %mul3A_91 = arith.muli %add3A_89, %mul3A_90 : i32
      %add3A_92 = arith.addi %multiple_of3A, %mul3A_91 : i32
      %multiple_of3A_93 = tpu.assume_multiple %add3A_92, 80 : i32
      %dma_start3A_94 = tpu.memref_slice %arg5[%multiple_of3A_93] : memref<320000xi32, #tpu.memory_space<hbm>> -> memref<80xi32, #tpu.memory_space<hbm>>
      %dma_start3A_95 = tpu.memref_slice %arg5[%multiple_of3A_93] : memref<320000xi32, #tpu.memory_space<hbm>> -> memref<80xi32, #tpu.memory_space<hbm>>
      tpu.enqueue_dma source(%dma_start3A_95 : memref<80xi32, #tpu.memory_space<hbm>>) target(%arg11 : memref<80xi32, #tpu.memory_space<vmem>>) target_semaphore(%arg24 : memref<!tpu.dma_semaphore, #tpu.memory_space<semaphore_mem>>)
      %add3A_96 = arith.constant 0 : i32
      %add3A_97 = arith.addi %add3A_79, %add3A_96 : i32
      %mul3A_98 = arith.constant 80 : i32
      %mul3A_99 = arith.muli %add3A_97, %mul3A_98 : i32
      %multiple_of3A_100 = tpu.assume_multiple %mul3A_99, 80 : i32
      %dma_start3A_101 = tpu.memref_slice %arg9[%multiple_of3A_100] : memref<10000xi32, #tpu.memory_space<vmem>> -> memref<80xi32, #tpu.memory_space<vmem>>
      %dma_start3A_102 = arith.constant 0 : i32
      %dma_start3A_103 = arith.constant 0 : i32
      %dma_start3A_104 = tpu.memref_slice %arg2[%dma_start3A_102, %dma_start3A_103] : memref<10000x128xf32, #tpu.memory_space<hbm>> -> memref<10000x128xf32, #tpu.memory_space<hbm>>
      tpu.enqueue_indirect_dma source(%dma_start3A_104 : memref<10000x128xf32, #tpu.memory_space<hbm>>) target(%arg12 : memref<80x128xf32, #tpu.memory_space<vmem>>) offsets(%dma_start3A_101 : memref<80xi32, #tpu.memory_space<vmem>>) semaphore(%arg17 : memref<!tpu.dma_semaphore, #tpu.memory_space<semaphore_mem>>)
      %mul3A_105 = arith.constant 40 : i32
      %mul3A_106 = arith.muli %add3A_97, %mul3A_105 : i32
      %add3A_107 = arith.addi %multiple_of3A_20, %mul3A_106 : i32
      %multiple_of3A_108 = tpu.assume_multiple %add3A_107, 40 : i32
      %dma_start3A_109 = arith.constant 0 : i32
      %dma_start3A_110 = tpu.memref_slice %arg3[%multiple_of3A_108, %dma_start3A_109] : memref<160000x128xf32, #tpu.memory_space<hbm>> -> memref<40x128xf32, #tpu.memory_space<hbm>>
      %dma_start3A_111 = arith.constant 0 : i32
      %dma_start3A_112 = tpu.memref_slice %arg3[%multiple_of3A_108, %dma_start3A_111] : memref<160000x128xf32, #tpu.memory_space<hbm>> -> memref<40x128xf32, #tpu.memory_space<hbm>>
      tpu.enqueue_dma source(%dma_start3A_112 : memref<40x128xf32, #tpu.memory_space<hbm>>) target(%arg14 : memref<40x128xf32, #tpu.memory_space<vmem>>) target_semaphore(%arg19 : memref<!tpu.dma_semaphore, #tpu.memory_space<semaphore_mem>>)
      %add3A_113 = arith.constant 1 : i32
      %add3A_114 = arith.addi %add3A_79, %add3A_113 : i32
      %mul3A_115 = arith.constant 80 : i32
      %mul3A_116 = arith.muli %add3A_114, %mul3A_115 : i32
      %multiple_of3A_117 = tpu.assume_multiple %mul3A_116, 80 : i32
      %dma_start3A_118 = tpu.memref_slice %arg9[%multiple_of3A_117] : memref<10000xi32, #tpu.memory_space<vmem>> -> memref<80xi32, #tpu.memory_space<vmem>>
      %dma_start3A_119 = arith.constant 0 : i32
      %dma_start3A_120 = arith.constant 0 : i32
      %dma_start3A_121 = tpu.memref_slice %arg2[%dma_start3A_119, %dma_start3A_120] : memref<10000x128xf32, #tpu.memory_space<hbm>> -> memref<10000x128xf32, #tpu.memory_space<hbm>>
      tpu.enqueue_indirect_dma source(%dma_start3A_121 : memref<10000x128xf32, #tpu.memory_space<hbm>>) target(%arg13 : memref<80x128xf32, #tpu.memory_space<vmem>>) offsets(%dma_start3A_118 : memref<80xi32, #tpu.memory_space<vmem>>) semaphore(%arg18 : memref<!tpu.dma_semaphore, #tpu.memory_space<semaphore_mem>>)
      %mul3A_122 = arith.constant 40 : i32
      %mul3A_123 = arith.muli %add3A_114, %mul3A_122 : i32
      %add3A_124 = arith.addi %multiple_of3A_20, %mul3A_123 : i32
      %multiple_of3A_125 = tpu.assume_multiple %add3A_124, 40 : i32
      %dma_start3A_126 = arith.constant 0 : i32
      %dma_start3A_127 = tpu.memref_slice %arg3[%multiple_of3A_125, %dma_start3A_126] : memref<160000x128xf32, #tpu.memory_space<hbm>> -> memref<40x128xf32, #tpu.memory_space<hbm>>
      %dma_start3A_128 = arith.constant 0 : i32
      %dma_start3A_129 = tpu.memref_slice %arg3[%multiple_of3A_125, %dma_start3A_128] : memref<160000x128xf32, #tpu.memory_space<hbm>> -> memref<40x128xf32, #tpu.memory_space<hbm>>
      tpu.enqueue_dma source(%dma_start3A_129 : memref<40x128xf32, #tpu.memory_space<hbm>>) target(%arg15 : memref<40x128xf32, #tpu.memory_space<vmem>>) target_semaphore(%arg20 : memref<!tpu.dma_semaphore, #tpu.memory_space<semaphore_mem>>)
      %dma_wait3A_130 = tpu.memref_slice %arg9[%multiple_of3A_100] : memref<10000xi32, #tpu.memory_space<vmem>> -> memref<80xi32, #tpu.memory_space<vmem>>
      %dma_wait3A_131 = arith.constant 0 : i32
      %dma_wait3A_132 = arith.constant 0 : i32
      %dma_wait3A_133 = tpu.memref_slice %arg2[%dma_wait3A_131, %dma_wait3A_132] : memref<10000x128xf32, #tpu.memory_space<hbm>> -> memref<10000x128xf32, #tpu.memory_space<hbm>>
      tpu.wait_indirect_dma semaphore(%arg17 : memref<!tpu.dma_semaphore, #tpu.memory_space<semaphore_mem>>) src(%dma_wait3A_133 : memref<10000x128xf32, #tpu.memory_space<hbm>>) dst(%arg12 : memref<80x128xf32, #tpu.memory_space<vmem>>)
      %dma_wait3A_134 = arith.constant 0 : i32
      %dma_wait3A_135 = tpu.memref_slice %arg3[%multiple_of3A_108, %dma_wait3A_134] : memref<160000x128xf32, #tpu.memory_space<hbm>> -> memref<40x128xf32, #tpu.memory_space<hbm>>
      %dma_wait3A_136 = arith.constant 0 : i32
      %dma_wait3A_137 = tpu.memref_slice %arg3[%multiple_of3A_108, %dma_wait3A_136] : memref<160000x128xf32, #tpu.memory_space<hbm>> -> memref<40x128xf32, #tpu.memory_space<hbm>>
      tpu.wait_dma2 semaphore(%arg19 : memref<!tpu.dma_semaphore, #tpu.memory_space<semaphore_mem>>) src(%dma_wait3A_137 : memref<40x128xf32, #tpu.memory_space<hbm>>) dst(%arg14 : memref<40x128xf32, #tpu.memory_space<vmem>>)
      %scan3A_138 = arith.constant 0 : i32
      %scan3A_139 = arith.constant 40 : i32
      %scan3A_140 = arith.addi %scan3A_138, %scan3A_139 : i32
      %scan3A_141 = arith.constant 1 : i32
      scf.for %scan3A_172 = %scan3A_138 to %scan3A_140 step %scan3A_141  : i32 {
        %mul3A_173 = arith.constant 1 : i32
        %mul3A_174 = arith.muli %scan3A_172, %mul3A_173 : i32
        %add3A_175 = arith.constant 0 : i32
        %add3A_176 = arith.addi %add3A_175, %mul3A_174 : i32
        %mul3A_177 = arith.constant 2 : i32
        %mul3A_178 = arith.muli %mul3A_177, %add3A_176 : i32
        %add3A_179 = arith.constant 0 : i32
        %add3A_180 = arith.addi %mul3A_178, %add3A_179 : i32
        %get3A_181 = arith.index_cast %add3A_180 : i32 to index
        %get3A_182 = arith.constant 0 : index
        %get3A_183 = tpu.vector_load %arg12[%get3A_181, %get3A_182] {strides = array<i32>} : memref<80x128xf32, #tpu.memory_space<vmem>>, vector<1x16xf32>,
        %get3A_184 = vector.shape_cast %get3A_183 : vector<1x16xf32> to vector<16xf32>
        %get3A_185 = arith.index_cast %add3A_176 : i32 to index
        %get3A_186 = arith.constant 0 : index
        %get3A_187 = tpu.vector_load %arg14[%get3A_185, %get3A_186] {strides = array<i32>} : memref<40x128xf32, #tpu.memory_space<vmem>>, vector<1x16xf32>,
        %get3A_188 = vector.shape_cast %get3A_187 : vector<1x16xf32> to vector<16xf32>
        %mul3A_189 = arith.mulf %get3A_188, %get3A_1 : vector<16xf32>
        %add3A_190 = arith.addf %get3A_184, %mul3A_189 : vector<16xf32>
        %max3A = arith.constant 0.000000e+00 : f32
        %max3A_191 = vector.broadcast %max3A : f32 to vector<16xf32>
        %max3A_192 = arith.maximumf %add3A_190, %max3A_191 : vector<16xf32>
        %swap3A = arith.index_cast %add3A_180 : i32 to index
        %swap3A_193 = arith.constant 0 : index
        %swap3A_194 = tpu.vector_load %arg12[%swap3A, %swap3A_193] {strides = array<i32>} : memref<80x128xf32, #tpu.memory_space<vmem>>, vector<1x16xf32>,
        %swap3A_195 = vector.shape_cast %swap3A_194 : vector<1x16xf32> to vector<16xf32>
        %swap3A_196 = vector.shape_cast %max3A_192 : vector<16xf32> to vector<1x16xf32>
        tpu.vector_store %arg12[%swap3A, %swap3A_193], %swap3A_196 {strides = array<i32>} : memref<80x128xf32, #tpu.memory_space<vmem>>, vector<1x16xf32>,
        %get3A_197 = arith.index_cast %add3A_180 : i32 to index
        %get3A_198 = arith.constant 16 : index
        %get3A_199 = tpu.vector_load %arg12[%get3A_197, %get3A_198] {strides = array<i32>} : memref<80x128xf32, #tpu.memory_space<vmem>>, vector<1x16xf32>,
        %get3A_200 = vector.shape_cast %get3A_199 : vector<1x16xf32> to vector<16xf32>
        %get3A_201 = arith.index_cast %add3A_176 : i32 to index
        %get3A_202 = arith.constant 16 : index
        %get3A_203 = tpu.vector_load %arg14[%get3A_201, %get3A_202] {strides = array<i32>} : memref<40x128xf32, #tpu.memory_space<vmem>>, vector<1x16xf32>,
        %get3A_204 = vector.shape_cast %get3A_203 : vector<1x16xf32> to vector<16xf32>
        %mul3A_205 = arith.mulf %get3A_204, %get3A_4 : vector<16xf32>
        %add3A_206 = arith.addf %get3A_200, %mul3A_205 : vector<16xf32>
        %max3A_207 = arith.constant 0.000000e+00 : f32
        %max3A_208 = vector.broadcast %max3A_207 : f32 to vector<16xf32>
        %max3A_209 = arith.maximumf %add3A_206, %max3A_208 : vector<16xf32>
        %swap3A_210 = arith.index_cast %add3A_180 : i32 to index
        %swap3A_211 = arith.constant 16 : index
        %swap3A_212 = tpu.vector_load %arg12[%swap3A_210, %swap3A_211] {strides = array<i32>} : memref<80x128xf32, #tpu.memory_space<vmem>>, vector<1x16xf32>,
        %swap3A_213 = vector.shape_cast %swap3A_212 : vector<1x16xf32> to vector<16xf32>
        %swap3A_214 = vector.shape_cast %max3A_209 : vector<16xf32> to vector<1x16xf32>
        tpu.vector_store %arg12[%swap3A_210, %swap3A_211], %swap3A_214 {strides = array<i32>} : memref<80x128xf32, #tpu.memory_space<vmem>>, vector<1x16xf32>,
        %get3A_215 = arith.index_cast %add3A_180 : i32 to index
        %get3A_216 = arith.constant 32 : index
        %get3A_217 = tpu.vector_load %arg12[%get3A_215, %get3A_216] {strides = array<i32>} : memref<80x128xf32, #tpu.memory_space<vmem>>, vector<1x16xf32>,
        %get3A_218 = vector.shape_cast %get3A_217 : vector<1x16xf32> to vector<16xf32>
        %get3A_219 = arith.index_cast %add3A_176 : i32 to index
        %get3A_220 = arith.constant 32 : index
        %get3A_221 = tpu.vector_load %arg14[%get3A_219, %get3A_220] {strides = array<i32>} : memref<40x128xf32, #tpu.memory_space<vmem>>, vector<1x16xf32>,
        %get3A_222 = vector.shape_cast %get3A_221 : vector<1x16xf32> to vector<16xf32>
        %mul3A_223 = arith.mulf %get3A_222, %get3A_7 : vector<16xf32>
        %add3A_224 = arith.addf %get3A_218, %mul3A_223 : vector<16xf32>
        %max3A_225 = arith.constant 0.000000e+00 : f32
        %max3A_226 = vector.broadcast %max3A_225 : f32 to vector<16xf32>
        %max3A_227 = arith.maximumf %add3A_224, %max3A_226 : vector<16xf32>
        %swap3A_228 = arith.index_cast %add3A_180 : i32 to index
        %swap3A_229 = arith.constant 32 : index
        %swap3A_230 = tpu.vector_load %arg12[%swap3A_228, %swap3A_229] {strides = array<i32>} : memref<80x128xf32, #tpu.memory_space<vmem>>, vector<1x16xf32>,
        %swap3A_231 = vector.shape_cast %swap3A_230 : vector<1x16xf32> to vector<16xf32>
        %swap3A_232 = vector.shape_cast %max3A_227 : vector<16xf32> to vector<1x16xf32>
        tpu.vector_store %arg12[%swap3A_228, %swap3A_229], %swap3A_232 {strides = array<i32>} : memref<80x128xf32, #tpu.memory_space<vmem>>, vector<1x16xf32>,
        %get3A_233 = arith.index_cast %add3A_180 : i32 to index
        %get3A_234 = arith.constant 48 : index
        %get3A_235 = tpu.vector_load %arg12[%get3A_233, %get3A_234] {strides = array<i32>} : memref<80x128xf32, #tpu.memory_space<vmem>>, vector<1x16xf32>,
        %get3A_236 = vector.shape_cast %get3A_235 : vector<1x16xf32> to vector<16xf32>
        %get3A_237 = arith.index_cast %add3A_176 : i32 to index
        %get3A_238 = arith.constant 48 : index
        %get3A_239 = tpu.vector_load %arg14[%get3A_237, %get3A_238] {strides = array<i32>} : memref<40x128xf32, #tpu.memory_space<vmem>>, vector<1x16xf32>,
        %get3A_240 = vector.shape_cast %get3A_239 : vector<1x16xf32> to vector<16xf32>
        %mul3A_241 = arith.mulf %get3A_240, %get3A_10 : vector<16xf32>
        %add3A_242 = arith.addf %get3A_236, %mul3A_241 : vector<16xf32>
        %max3A_243 = arith.constant 0.000000e+00 : f32
        %max3A_244 = vector.broadcast %max3A_243 : f32 to vector<16xf32>
        %max3A_245 = arith.maximumf %add3A_242, %max3A_244 : vector<16xf32>
        %swap3A_246 = arith.index_cast %add3A_180 : i32 to index
        %swap3A_247 = arith.constant 48 : index
        %swap3A_248 = tpu.vector_load %arg12[%swap3A_246, %swap3A_247] {strides = array<i32>} : memref<80x128xf32, #tpu.memory_space<vmem>>, vector<1x16xf32>,
        %swap3A_249 = vector.shape_cast %swap3A_248 : vector<1x16xf32> to vector<16xf32>
        %swap3A_250 = vector.shape_cast %max3A_245 : vector<16xf32> to vector<1x16xf32>
        tpu.vector_store %arg12[%swap3A_246, %swap3A_247], %swap3A_250 {strides = array<i32>} : memref<80x128xf32, #tpu.memory_space<vmem>>, vector<1x16xf32>,
        %mul3A_251 = arith.constant 2 : i32
        %mul3A_252 = arith.muli %mul3A_251, %add3A_176 : i32
        %add3A_253 = arith.constant 1 : i32
        %add3A_254 = arith.addi %mul3A_252, %add3A_253 : i32
        %get3A_255 = arith.index_cast %add3A_254 : i32 to index
        %get3A_256 = arith.constant 0 : index
        %get3A_257 = tpu.vector_load %arg12[%get3A_255, %get3A_256] {strides = array<i32>} : memref<80x128xf32, #tpu.memory_space<vmem>>, vector<1x16xf32>,
        %get3A_258 = vector.shape_cast %get3A_257 : vector<1x16xf32> to vector<16xf32>
        %get3A_259 = arith.index_cast %add3A_176 : i32 to index
        %get3A_260 = arith.constant 64 : index
        %get3A_261 = tpu.vector_load %arg14[%get3A_259, %get3A_260] {strides = array<i32>} : memref<40x128xf32, #tpu.memory_space<vmem>>, vector<1x16xf32>,
        %get3A_262 = vector.shape_cast %get3A_261 : vector<1x16xf32> to vector<16xf32>
        %mul3A_263 = arith.mulf %get3A_262, %get3A_1 : vector<16xf32>
        %add3A_264 = arith.addf %get3A_258, %mul3A_263 : vector<16xf32>
        %max3A_265 = arith.constant 0.000000e+00 : f32
        %max3A_266 = vector.broadcast %max3A_265 : f32 to vector<16xf32>
        %max3A_267 = arith.maximumf %add3A_264, %max3A_266 : vector<16xf32>
        %swap3A_268 = arith.index_cast %add3A_254 : i32 to index
        %swap3A_269 = arith.constant 0 : index
        %swap3A_270 = tpu.vector_load %arg12[%swap3A_268, %swap3A_269] {strides = array<i32>} : memref<80x128xf32, #tpu.memory_space<vmem>>, vector<1x16xf32>,
        %swap3A_271 = vector.shape_cast %swap3A_270 : vector<1x16xf32> to vector<16xf32>
        %swap3A_272 = vector.shape_cast %max3A_267 : vector<16xf32> to vector<1x16xf32>
        tpu.vector_store %arg12[%swap3A_268, %swap3A_269], %swap3A_272 {strides = array<i32>} : memref<80x128xf32, #tpu.memory_space<vmem>>, vector<1x16xf32>,
        %get3A_273 = arith.index_cast %add3A_254 : i32 to index
        %get3A_274 = arith.constant 16 : index
        %get3A_275 = tpu.vector_load %arg12[%get3A_273, %get3A_274] {strides = array<i32>} : memref<80x128xf32, #tpu.memory_space<vmem>>, vector<1x16xf32>,
        %get3A_276 = vector.shape_cast %get3A_275 : vector<1x16xf32> to vector<16xf32>
        %get3A_277 = arith.index_cast %add3A_176 : i32 to index
        %get3A_278 = arith.constant 80 : index
        %get3A_279 = tpu.vector_load %arg14[%get3A_277, %get3A_278] {strides = array<i32>} : memref<40x128xf32, #tpu.memory_space<vmem>>, vector<1x16xf32>,
        %get3A_280 = vector.shape_cast %get3A_279 : vector<1x16xf32> to vector<16xf32>
        %mul3A_281 = arith.mulf %get3A_280, %get3A_4 : vector<16xf32>
        %add3A_282 = arith.addf %get3A_276, %mul3A_281 : vector<16xf32>
        %max3A_283 = arith.constant 0.000000e+00 : f32
        %max3A_284 = vector.broadcast %max3A_283 : f32 to vector<16xf32>
        %max3A_285 = arith.maximumf %add3A_282, %max3A_284 : vector<16xf32>
        %swap3A_286 = arith.index_cast %add3A_254 : i32 to index
        %swap3A_287 = arith.constant 16 : index
        %swap3A_288 = tpu.vector_load %arg12[%swap3A_286, %swap3A_287] {strides = array<i32>} : memref<80x128xf32, #tpu.memory_space<vmem>>, vector<1x16xf32>,
        %swap3A_289 = vector.shape_cast %swap3A_288 : vector<1x16xf32> to vector<16xf32>
        %swap3A_290 = vector.shape_cast %max3A_285 : vector<16xf32> to vector<1x16xf32>
        tpu.vector_store %arg12[%swap3A_286, %swap3A_287], %swap3A_290 {strides = array<i32>} : memref<80x128xf32, #tpu.memory_space<vmem>>, vector<1x16xf32>,
        %get3A_291 = arith.index_cast %add3A_254 : i32 to index
        %get3A_292 = arith.constant 32 : index
        %get3A_293 = tpu.vector_load %arg12[%get3A_291, %get3A_292] {strides = array<i32>} : memref<80x128xf32, #tpu.memory_space<vmem>>, vector<1x16xf32>,
        %get3A_294 = vector.shape_cast %get3A_293 : vector<1x16xf32> to vector<16xf32>
        %get3A_295 = arith.index_cast %add3A_176 : i32 to index
        %get3A_296 = arith.constant 96 : index
        %get3A_297 = tpu.vector_load %arg14[%get3A_295, %get3A_296] {strides = array<i32>} : memref<40x128xf32, #tpu.memory_space<vmem>>, vector<1x16xf32>,
        %get3A_298 = vector.shape_cast %get3A_297 : vector<1x16xf32> to vector<16xf32>
        %mul3A_299 = arith.mulf %get3A_298, %get3A_7 : vector<16xf32>
        %add3A_300 = arith.addf %get3A_294, %mul3A_299 : vector<16xf32>
        %max3A_301 = arith.constant 0.000000e+00 : f32
        %max3A_302 = vector.broadcast %max3A_301 : f32 to vector<16xf32>
        %max3A_303 = arith.maximumf %add3A_300, %max3A_302 : vector<16xf32>
        %swap3A_304 = arith.index_cast %add3A_254 : i32 to index
        %swap3A_305 = arith.constant 32 : index
        %swap3A_306 = tpu.vector_load %arg12[%swap3A_304, %swap3A_305] {strides = array<i32>} : memref<80x128xf32, #tpu.memory_space<vmem>>, vector<1x16xf32>,
        %swap3A_307 = vector.shape_cast %swap3A_306 : vector<1x16xf32> to vector<16xf32>
        %swap3A_308 = vector.shape_cast %max3A_303 : vector<16xf32> to vector<1x16xf32>
        tpu.vector_store %arg12[%swap3A_304, %swap3A_305], %swap3A_308 {strides = array<i32>} : memref<80x128xf32, #tpu.memory_space<vmem>>, vector<1x16xf32>,
        %get3A_309 = arith.index_cast %add3A_254 : i32 to index
        %get3A_310 = arith.constant 48 : index
        %get3A_311 = tpu.vector_load %arg12[%get3A_309, %get3A_310] {strides = array<i32>} : memref<80x128xf32, #tpu.memory_space<vmem>>, vector<1x16xf32>,
        %get3A_312 = vector.shape_cast %get3A_311 : vector<1x16xf32> to vector<16xf32>
        %get3A_313 = arith.index_cast %add3A_176 : i32 to index
        %get3A_314 = arith.constant 112 : index
        %get3A_315 = tpu.vector_load %arg14[%get3A_313, %get3A_314] {strides = array<i32>} : memref<40x128xf32, #tpu.memory_space<vmem>>, vector<1x16xf32>,
        %get3A_316 = vector.shape_cast %get3A_315 : vector<1x16xf32> to vector<16xf32>
        %mul3A_317 = arith.mulf %get3A_316, %get3A_10 : vector<16xf32>
        %add3A_318 = arith.addf %get3A_312, %mul3A_317 : vector<16xf32>
        %max3A_319 = arith.constant 0.000000e+00 : f32
        %max3A_320 = vector.broadcast %max3A_319 : f32 to vector<16xf32>
        %max3A_321 = arith.maximumf %add3A_318, %max3A_320 : vector<16xf32>
        %swap3A_322 = arith.index_cast %add3A_254 : i32 to index
        %swap3A_323 = arith.constant 48 : index
        %swap3A_324 = tpu.vector_load %arg12[%swap3A_322, %swap3A_323] {strides = array<i32>} : memref<80x128xf32, #tpu.memory_space<vmem>>, vector<1x16xf32>,
        %swap3A_325 = vector.shape_cast %swap3A_324 : vector<1x16xf32> to vector<16xf32>
        %swap3A_326 = vector.shape_cast %max3A_321 : vector<16xf32> to vector<1x16xf32>
        tpu.vector_store %arg12[%swap3A_322, %swap3A_323], %swap3A_326 {strides = array<i32>} : memref<80x128xf32, #tpu.memory_space<vmem>>, vector<1x16xf32>,
      }
      %scan3A_142 = arith.constant 40 : i32
      %dma_wait3A_143 = tpu.memref_slice %arg5[%multiple_of3A_85] : memref<320000xi32, #tpu.memory_space<hbm>> -> memref<80xi32, #tpu.memory_space<hbm>>
      %dma_wait3A_144 = tpu.memref_slice %arg5[%multiple_of3A_85] : memref<320000xi32, #tpu.memory_space<hbm>> -> memref<80xi32, #tpu.memory_space<hbm>>
      tpu.wait_dma2 semaphore(%arg23 : memref<!tpu.dma_semaphore, #tpu.memory_space<semaphore_mem>>) src(%dma_wait3A_144 : memref<80xi32, #tpu.memory_space<hbm>>) dst(%arg10 : memref<80xi32, #tpu.memory_space<vmem>>)
      %dma_start3A_145 = arith.constant 0 : i32
      %dma_start3A_146 = arith.constant 0 : i32
      %dma_start3A_147 = tpu.memref_slice %arg8[%dma_start3A_145, %dma_start3A_146] : memref<10000x128xf32, #tpu.memory_space<vmem_shared>> -> memref<10000x128xf32, #tpu.memory_space<vmem_shared>>
      tpu.enqueue_indirect_dma source(%arg12 : memref<80x128xf32, #tpu.memory_space<vmem>>) target(%dma_start3A_147 : memref<10000x128xf32, #tpu.memory_space<vmem_shared>>) offsets(%arg10 : memref<80xi32, #tpu.memory_space<vmem>>) semaphore(%arg21 : memref<!tpu.dma_semaphore, #tpu.memory_space<semaphore_mem>>) {add = true}
      %dma_wait3A_148 = tpu.memref_slice %arg9[%multiple_of3A_117] : memref<10000xi32, #tpu.memory_space<vmem>> -> memref<80xi32, #tpu.memory_space<vmem>>
      %dma_wait3A_149 = arith.constant 0 : i32
      %dma_wait3A_150 = arith.constant 0 : i32
      %dma_wait3A_151 = tpu.memref_slice %arg2[%dma_wait3A_149, %dma_wait3A_150] : memref<10000x128xf32, #tpu.memory_space<hbm>> -> memref<10000x128xf32, #tpu.memory_space<hbm>>
      tpu.wait_indirect_dma semaphore(%arg18 : memref<!tpu.dma_semaphore, #tpu.memory_space<semaphore_mem>>) src(%dma_wait3A_151 : memref<10000x128xf32, #tpu.memory_space<hbm>>) dst(%arg13 : memref<80x128xf32, #tpu.memory_space<vmem>>)
      %dma_wait3A_152 = arith.constant 0 : i32
      %dma_wait3A_153 = tpu.memref_slice %arg3[%multiple_of3A_125, %dma_wait3A_152] : memref<160000x128xf32, #tpu.memory_space<hbm>> -> memref<40x128xf32, #tpu.memory_space<hbm>>
      %dma_wait3A_154 = arith.constant 0 : i32
      %dma_wait3A_155 = tpu.memref_slice %arg3[%multiple_of3A_125, %dma_wait3A_154] : memref<160000x128xf32, #tpu.memory_space<hbm>> -> memref<40x128xf32, #tpu.memory_space<hbm>>
      tpu.wait_dma2 semaphore(%arg20 : memref<!tpu.dma_semaphore, #tpu.memory_space<semaphore_mem>>) src(%dma_wait3A_155 : memref<40x128xf32, #tpu.memory_space<hbm>>) dst(%arg15 : memref<40x128xf32, #tpu.memory_space<vmem>>)
      %scan3A_156 = arith.constant 0 : i32
      %scan3A_157 = arith.constant 40 : i32
      %scan3A_158 = arith.addi %scan3A_156, %scan3A_157 : i32
      %scan3A_159 = arith.constant 1 : i32
      scf.for %scan3A_172 = %scan3A_156 to %scan3A_158 step %scan3A_159  : i32 {
        %mul3A_173 = arith.constant 1 : i32
        %mul3A_174 = arith.muli %scan3A_172, %mul3A_173 : i32
        %add3A_175 = arith.constant 0 : i32
        %add3A_176 = arith.addi %add3A_175, %mul3A_174 : i32
        %mul3A_177 = arith.constant 2 : i32
        %mul3A_178 = arith.muli %mul3A_177, %add3A_176 : i32
        %add3A_179 = arith.constant 0 : i32
        %add3A_180 = arith.addi %mul3A_178, %add3A_179 : i32
        %get3A_181 = arith.index_cast %add3A_180 : i32 to index
        %get3A_182 = arith.constant 0 : index
        %get3A_183 = tpu.vector_load %arg13[%get3A_181, %get3A_182] {strides = array<i32>} : memref<80x128xf32, #tpu.memory_space<vmem>>, vector<1x16xf32>,
        %get3A_184 = vector.shape_cast %get3A_183 : vector<1x16xf32> to vector<16xf32>
        %get3A_185 = arith.index_cast %add3A_176 : i32 to index
        %get3A_186 = arith.constant 0 : index
        %get3A_187 = tpu.vector_load %arg15[%get3A_185, %get3A_186] {strides = array<i32>} : memref<40x128xf32, #tpu.memory_space<vmem>>, vector<1x16xf32>,
        %get3A_188 = vector.shape_cast %get3A_187 : vector<1x16xf32> to vector<16xf32>
        %mul3A_189 = arith.mulf %get3A_188, %get3A_1 : vector<16xf32>
        %add3A_190 = arith.addf %get3A_184, %mul3A_189 : vector<16xf32>
        %max3A = arith.constant 0.000000e+00 : f32
        %max3A_191 = vector.broadcast %max3A : f32 to vector<16xf32>
        %max3A_192 = arith.maximumf %add3A_190, %max3A_191 : vector<16xf32>
        %swap3A = arith.index_cast %add3A_180 : i32 to index
        %swap3A_193 = arith.constant 0 : index
        %swap3A_194 = tpu.vector_load %arg13[%swap3A, %swap3A_193] {strides = array<i32>} : memref<80x128xf32, #tpu.memory_space<vmem>>, vector<1x16xf32>,
        %swap3A_195 = vector.shape_cast %swap3A_194 : vector<1x16xf32> to vector<16xf32>
        %swap3A_196 = vector.shape_cast %max3A_192 : vector<16xf32> to vector<1x16xf32>
        tpu.vector_store %arg13[%swap3A, %swap3A_193], %swap3A_196 {strides = array<i32>} : memref<80x128xf32, #tpu.memory_space<vmem>>, vector<1x16xf32>,
        %get3A_197 = arith.index_cast %add3A_180 : i32 to index
        %get3A_198 = arith.constant 16 : index
        %get3A_199 = tpu.vector_load %arg13[%get3A_197, %get3A_198] {strides = array<i32>} : memref<80x128xf32, #tpu.memory_space<vmem>>, vector<1x16xf32>,
        %get3A_200 = vector.shape_cast %get3A_199 : vector<1x16xf32> to vector<16xf32>
        %get3A_201 = arith.index_cast %add3A_176 : i32 to index
        %get3A_202 = arith.constant 16 : index
        %get3A_203 = tpu.vector_load %arg15[%get3A_201, %get3A_202] {strides = array<i32>} : memref<40x128xf32, #tpu.memory_space<vmem>>, vector<1x16xf32>,
        %get3A_204 = vector.shape_cast %get3A_203 : vector<1x16xf32> to vector<16xf32>
        %mul3A_205 = arith.mulf %get3A_204, %get3A_4 : vector<16xf32>
        %add3A_206 = arith.addf %get3A_200, %mul3A_205 : vector<16xf32>
        %max3A_207 = arith.constant 0.000000e+00 : f32
        %max3A_208 = vector.broadcast %max3A_207 : f32 to vector<16xf32>
        %max3A_209 = arith.maximumf %add3A_206, %max3A_208 : vector<16xf32>
        %swap3A_210 = arith.index_cast %add3A_180 : i32 to index
        %swap3A_211 = arith.constant 16 : index
        %swap3A_212 = tpu.vector_load %arg13[%swap3A_210, %swap3A_211] {strides = array<i32>} : memref<80x128xf32, #tpu.memory_space<vmem>>, vector<1x16xf32>,
        %swap3A_213 = vector.shape_cast %swap3A_212 : vector<1x16xf32> to vector<16xf32>
        %swap3A_214 = vector.shape_cast %max3A_209 : vector<16xf32> to vector<1x16xf32>
        tpu.vector_store %arg13[%swap3A_210, %swap3A_211], %swap3A_214 {strides = array<i32>} : memref<80x128xf32, #tpu.memory_space<vmem>>, vector<1x16xf32>,
        %get3A_215 = arith.index_cast %add3A_180 : i32 to index
        %get3A_216 = arith.constant 32 : index
        %get3A_217 = tpu.vector_load %arg13[%get3A_215, %get3A_216] {strides = array<i32>} : memref<80x128xf32, #tpu.memory_space<vmem>>, vector<1x16xf32>,
        %get3A_218 = vector.shape_cast %get3A_217 : vector<1x16xf32> to vector<16xf32>
        %get3A_219 = arith.index_cast %add3A_176 : i32 to index
        %get3A_220 = arith.constant 32 : index
        %get3A_221 = tpu.vector_load %arg15[%get3A_219, %get3A_220] {strides = array<i32>} : memref<40x128xf32, #tpu.memory_space<vmem>>, vector<1x16xf32>,
        %get3A_222 = vector.shape_cast %get3A_221 : vector<1x16xf32> to vector<16xf32>
        %mul3A_223 = arith.mulf %get3A_222, %get3A_7 : vector<16xf32>
        %add3A_224 = arith.addf %get3A_218, %mul3A_223 : vector<16xf32>
        %max3A_225 = arith.constant 0.000000e+00 : f32
        %max3A_226 = vector.broadcast %max3A_225 : f32 to vector<16xf32>
        %max3A_227 = arith.maximumf %add3A_224, %max3A_226 : vector<16xf32>
        %swap3A_228 = arith.index_cast %add3A_180 : i32 to index
        %swap3A_229 = arith.constant 32 : index
        %swap3A_230 = tpu.vector_load %arg13[%swap3A_228, %swap3A_229] {strides = array<i32>} : memref<80x128xf32, #tpu.memory_space<vmem>>, vector<1x16xf32>,
        %swap3A_231 = vector.shape_cast %swap3A_230 : vector<1x16xf32> to vector<16xf32>
        %swap3A_232 = vector.shape_cast %max3A_227 : vector<16xf32> to vector<1x16xf32>
        tpu.vector_store %arg13[%swap3A_228, %swap3A_229], %swap3A_232 {strides = array<i32>} : memref<80x128xf32, #tpu.memory_space<vmem>>, vector<1x16xf32>,
        %get3A_233 = arith.index_cast %add3A_180 : i32 to index
        %get3A_234 = arith.constant 48 : index
        %get3A_235 = tpu.vector_load %arg13[%get3A_233, %get3A_234] {strides = array<i32>} : memref<80x128xf32, #tpu.memory_space<vmem>>, vector<1x16xf32>,
        %get3A_236 = vector.shape_cast %get3A_235 : vector<1x16xf32> to vector<16xf32>
        %get3A_237 = arith.index_cast %add3A_176 : i32 to index
        %get3A_238 = arith.constant 48 : index
        %get3A_239 = tpu.vector_load %arg15[%get3A_237, %get3A_238] {strides = array<i32>} : memref<40x128xf32, #tpu.memory_space<vmem>>, vector<1x16xf32>,
        %get3A_240 = vector.shape_cast %get3A_239 : vector<1x16xf32> to vector<16xf32>
        %mul3A_241 = arith.mulf %get3A_240, %get3A_10 : vector<16xf32>
        %add3A_242 = arith.addf %get3A_236, %mul3A_241 : vector<16xf32>
        %max3A_243 = arith.constant 0.000000e+00 : f32
        %max3A_244 = vector.broadcast %max3A_243 : f32 to vector<16xf32>
        %max3A_245 = arith.maximumf %add3A_242, %max3A_244 : vector<16xf32>
        %swap3A_246 = arith.index_cast %add3A_180 : i32 to index
        %swap3A_247 = arith.constant 48 : index
        %swap3A_248 = tpu.vector_load %arg13[%swap3A_246, %swap3A_247] {strides = array<i32>} : memref<80x128xf32, #tpu.memory_space<vmem>>, vector<1x16xf32>,
        %swap3A_249 = vector.shape_cast %swap3A_248 : vector<1x16xf32> to vector<16xf32>
        %swap3A_250 = vector.shape_cast %max3A_245 : vector<16xf32> to vector<1x16xf32>
        tpu.vector_store %arg13[%swap3A_246, %swap3A_247], %swap3A_250 {strides = array<i32>} : memref<80x128xf32, #tpu.memory_space<vmem>>, vector<1x16xf32>,
        %mul3A_251 = arith.constant 2 : i32
        %mul3A_252 = arith.muli %mul3A_251, %add3A_176 : i32
        %add3A_253 = arith.constant 1 : i32
        %add3A_254 = arith.addi %mul3A_252, %add3A_253 : i32
        %get3A_255 = arith.index_cast %add3A_254 : i32 to index
        %get3A_256 = arith.constant 0 : index
        %get3A_257 = tpu.vector_load %arg13[%get3A_255, %get3A_256] {strides = array<i32>} : memref<80x128xf32, #tpu.memory_space<vmem>>, vector<1x16xf32>,
        %get3A_258 = vector.shape_cast %get3A_257 : vector<1x16xf32> to vector<16xf32>
        %get3A_259 = arith.index_cast %add3A_176 : i32 to index
        %get3A_260 = arith.constant 64 : index
        %get3A_261 = tpu.vector_load %arg15[%get3A_259, %get3A_260] {strides = array<i32>} : memref<40x128xf32, #tpu.memory_space<vmem>>, vector<1x16xf32>,
        %get3A_262 = vector.shape_cast %get3A_261 : vector<1x16xf32> to vector<16xf32>
        %mul3A_263 = arith.mulf %get3A_262, %get3A_1 : vector<16xf32>
        %add3A_264 = arith.addf %get3A_258, %mul3A_263 : vector<16xf32>
        %max3A_265 = arith.constant 0.000000e+00 : f32
        %max3A_266 = vector.broadcast %max3A_265 : f32 to vector<16xf32>
        %max3A_267 = arith.maximumf %add3A_264, %max3A_266 : vector<16xf32>
        %swap3A_268 = arith.index_cast %add3A_254 : i32 to index
        %swap3A_269 = arith.constant 0 : index
        %swap3A_270 = tpu.vector_load %arg13[%swap3A_268, %swap3A_269] {strides = array<i32>} : memref<80x128xf32, #tpu.memory_space<vmem>>, vector<1x16xf32>,
        %swap3A_271 = vector.shape_cast %swap3A_270 : vector<1x16xf32> to vector<16xf32>
        %swap3A_272 = vector.shape_cast %max3A_267 : vector<16xf32> to vector<1x16xf32>
        tpu.vector_store %arg13[%swap3A_268, %swap3A_269], %swap3A_272 {strides = array<i32>} : memref<80x128xf32, #tpu.memory_space<vmem>>, vector<1x16xf32>,
        %get3A_273 = arith.index_cast %add3A_254 : i32 to index
        %get3A_274 = arith.constant 16 : index
        %get3A_275 = tpu.vector_load %arg13[%get3A_273, %get3A_274] {strides = array<i32>} : memref<80x128xf32, #tpu.memory_space<vmem>>, vector<1x16xf32>,
        %get3A_276 = vector.shape_cast %get3A_275 : vector<1x16xf32> to vector<16xf32>
        %get3A_277 = arith.index_cast %add3A_176 : i32 to index
        %get3A_278 = arith.constant 80 : index
        %get3A_279 = tpu.vector_load %arg15[%get3A_277, %get3A_278] {strides = array<i32>} : memref<40x128xf32, #tpu.memory_space<vmem>>, vector<1x16xf32>,
        %get3A_280 = vector.shape_cast %get3A_279 : vector<1x16xf32> to vector<16xf32>
        %mul3A_281 = arith.mulf %get3A_280, %get3A_4 : vector<16xf32>
        %add3A_282 = arith.addf %get3A_276, %mul3A_281 : vector<16xf32>
        %max3A_283 = arith.constant 0.000000e+00 : f32
        %max3A_284 = vector.broadcast %max3A_283 : f32 to vector<16xf32>
        %max3A_285 = arith.maximumf %add3A_282, %max3A_284 : vector<16xf32>
        %swap3A_286 = arith.index_cast %add3A_254 : i32 to index
        %swap3A_287 = arith.constant 16 : index
        %swap3A_288 = tpu.vector_load %arg13[%swap3A_286, %swap3A_287] {strides = array<i32>} : memref<80x128xf32, #tpu.memory_space<vmem>>, vector<1x16xf32>,
        %swap3A_289 = vector.shape_cast %swap3A_288 : vector<1x16xf32> to vector<16xf32>
        %swap3A_290 = vector.shape_cast %max3A_285 : vector<16xf32> to vector<1x16xf32>
        tpu.vector_store %arg13[%swap3A_286, %swap3A_287], %swap3A_290 {strides = array<i32>} : memref<80x128xf32, #tpu.memory_space<vmem>>, vector<1x16xf32>,
        %get3A_291 = arith.index_cast %add3A_254 : i32 to index
        %get3A_292 = arith.constant 32 : index
        %get3A_293 = tpu.vector_load %arg13[%get3A_291, %get3A_292] {strides = array<i32>} : memref<80x128xf32, #tpu.memory_space<vmem>>, vector<1x16xf32>,
        %get3A_294 = vector.shape_cast %get3A_293 : vector<1x16xf32> to vector<16xf32>
        %get3A_295 = arith.index_cast %add3A_176 : i32 to index
        %get3A_296 = arith.constant 96 : index
        %get3A_297 = tpu.vector_load %arg15[%get3A_295, %get3A_296] {strides = array<i32>} : memref<40x128xf32, #tpu.memory_space<vmem>>, vector<1x16xf32>,
        %get3A_298 = vector.shape_cast %get3A_297 : vector<1x16xf32> to vector<16xf32>
        %mul3A_299 = arith.mulf %get3A_298, %get3A_7 : vector<16xf32>
        %add3A_300 = arith.addf %get3A_294, %mul3A_299 : vector<16xf32>
        %max3A_301 = arith.constant 0.000000e+00 : f32
        %max3A_302 = vector.broadcast %max3A_301 : f32 to vector<16xf32>
        %max3A_303 = arith.maximumf %add3A_300, %max3A_302 : vector<16xf32>
        %swap3A_304 = arith.index_cast %add3A_254 : i32 to index
        %swap3A_305 = arith.constant 32 : index
        %swap3A_306 = tpu.vector_load %arg13[%swap3A_304, %swap3A_305] {strides = array<i32>} : memref<80x128xf32, #tpu.memory_space<vmem>>, vector<1x16xf32>,
        %swap3A_307 = vector.shape_cast %swap3A_306 : vector<1x16xf32> to vector<16xf32>
        %swap3A_308 = vector.shape_cast %max3A_303 : vector<16xf32> to vector<1x16xf32>
        tpu.vector_store %arg13[%swap3A_304, %swap3A_305], %swap3A_308 {strides = array<i32>} : memref<80x128xf32, #tpu.memory_space<vmem>>, vector<1x16xf32>,
        %get3A_309 = arith.index_cast %add3A_254 : i32 to index
        %get3A_310 = arith.constant 48 : index
        %get3A_311 = tpu.vector_load %arg13[%get3A_309, %get3A_310] {strides = array<i32>} : memref<80x128xf32, #tpu.memory_space<vmem>>, vector<1x16xf32>,
        %get3A_312 = vector.shape_cast %get3A_311 : vector<1x16xf32> to vector<16xf32>
        %get3A_313 = arith.index_cast %add3A_176 : i32 to index
        %get3A_314 = arith.constant 112 : index
        %get3A_315 = tpu.vector_load %arg15[%get3A_313, %get3A_314] {strides = array<i32>} : memref<40x128xf32, #tpu.memory_space<vmem>>, vector<1x16xf32>,
        %get3A_316 = vector.shape_cast %get3A_315 : vector<1x16xf32> to vector<16xf32>
        %mul3A_317 = arith.mulf %get3A_316, %get3A_10 : vector<16xf32>
        %add3A_318 = arith.addf %get3A_312, %mul3A_317 : vector<16xf32>
        %max3A_319 = arith.constant 0.000000e+00 : f32
        %max3A_320 = vector.broadcast %max3A_319 : f32 to vector<16xf32>
        %max3A_321 = arith.maximumf %add3A_318, %max3A_320 : vector<16xf32>
        %swap3A_322 = arith.index_cast %add3A_254 : i32 to index
        %swap3A_323 = arith.constant 48 : index
        %swap3A_324 = tpu.vector_load %arg13[%swap3A_322, %swap3A_323] {strides = array<i32>} : memref<80x128xf32, #tpu.memory_space<vmem>>, vector<1x16xf32>,
        %swap3A_325 = vector.shape_cast %swap3A_324 : vector<1x16xf32> to vector<16xf32>
        %swap3A_326 = vector.shape_cast %max3A_321 : vector<16xf32> to vector<1x16xf32>
        tpu.vector_store %arg13[%swap3A_322, %swap3A_323], %swap3A_326 {strides = array<i32>} : memref<80x128xf32, #tpu.memory_space<vmem>>, vector<1x16xf32>,
      }
      %scan3A_160 = arith.constant 40 : i32
      %dma_wait3A_161 = tpu.memref_slice %arg5[%multiple_of3A_93] : memref<320000xi32, #tpu.memory_space<hbm>> -> memref<80xi32, #tpu.memory_space<hbm>>
      %dma_wait3A_162 = tpu.memref_slice %arg5[%multiple_of3A_93] : memref<320000xi32, #tpu.memory_space<hbm>> -> memref<80xi32, #tpu.memory_space<hbm>>
      tpu.wait_dma2 semaphore(%arg24 : memref<!tpu.dma_semaphore, #tpu.memory_space<semaphore_mem>>) src(%dma_wait3A_162 : memref<80xi32, #tpu.memory_space<hbm>>) dst(%arg11 : memref<80xi32, #tpu.memory_space<vmem>>)
      %dma_start3A_163 = arith.constant 0 : i32
      %dma_start3A_164 = arith.constant 0 : i32
      %dma_start3A_165 = tpu.memref_slice %arg8[%dma_start3A_163, %dma_start3A_164] : memref<10000x128xf32, #tpu.memory_space<vmem_shared>> -> memref<10000x128xf32, #tpu.memory_space<vmem_shared>>
      tpu.enqueue_indirect_dma source(%arg13 : memref<80x128xf32, #tpu.memory_space<vmem>>) target(%dma_start3A_165 : memref<10000x128xf32, #tpu.memory_space<vmem_shared>>) offsets(%arg11 : memref<80xi32, #tpu.memory_space<vmem>>) semaphore(%arg22 : memref<!tpu.dma_semaphore, #tpu.memory_space<semaphore_mem>>) {add = true}
      %dma_wait3A_166 = arith.constant 0 : i32
      %dma_wait3A_167 = arith.constant 0 : i32
      %dma_wait3A_168 = tpu.memref_slice %arg8[%dma_wait3A_166, %dma_wait3A_167] : memref<10000x128xf32, #tpu.memory_space<vmem_shared>> -> memref<10000x128xf32, #tpu.memory_space<vmem_shared>>
      tpu.wait_indirect_dma semaphore(%arg21 : memref<!tpu.dma_semaphore, #tpu.memory_space<semaphore_mem>>) src(%arg12 : memref<80x128xf32, #tpu.memory_space<vmem>>) dst(%dma_wait3A_168 : memref<10000x128xf32, #tpu.memory_space<vmem_shared>>)
      %dma_wait3A_169 = arith.constant 0 : i32
      %dma_wait3A_170 = arith.constant 0 : i32
      %dma_wait3A_171 = tpu.memref_slice %arg8[%dma_wait3A_169, %dma_wait3A_170] : memref<10000x128xf32, #tpu.memory_space<vmem_shared>> -> memref<10000x128xf32, #tpu.memory_space<vmem_shared>>
      tpu.wait_indirect_dma semaphore(%arg22 : memref<!tpu.dma_semaphore, #tpu.memory_space<semaphore_mem>>) src(%arg13 : memref<80x128xf32, #tpu.memory_space<vmem>>) dst(%dma_wait3A_171 : memref<10000x128xf32, #tpu.memory_space<vmem_shared>>)
    }
    %scan3A_31 = arith.constant 62 : i32
    %add3A_32 = arith.constant 9920 : i32
    %add3A_33 = arith.addi %multiple_of3A, %add3A_32 : i32
    %multiple_of3A_34 = tpu.assume_multiple %add3A_33, 80 : i32
    %dma_start3A = tpu.memref_slice %arg5[%multiple_of3A_34] : memref<320000xi32, #tpu.memory_space<hbm>> -> memref<80xi32, #tpu.memory_space<hbm>>
    %dma_start3A_35 = tpu.memref_slice %arg5[%multiple_of3A_34] : memref<320000xi32, #tpu.memory_space<hbm>> -> memref<80xi32, #tpu.memory_space<hbm>>
    tpu.enqueue_dma source(%dma_start3A_35 : memref<80xi32, #tpu.memory_space<hbm>>) target(%arg10 : memref<80xi32, #tpu.memory_space<vmem>>) target_semaphore(%arg23 : memref<!tpu.dma_semaphore, #tpu.memory_space<semaphore_mem>>)
    %multiple_of3A_36 = arith.constant 9920 : i32
    %multiple_of3A_37 = tpu.assume_multiple %multiple_of3A_36, 80 : i32
    %dma_start3A_38 = tpu.memref_slice %arg9[%multiple_of3A_37] : memref<10000xi32, #tpu.memory_space<vmem>> -> memref<80xi32, #tpu.memory_space<vmem>>
    %dma_start3A_39 = arith.constant 0 : i32
    %dma_start3A_40 = arith.constant 0 : i32
    %dma_start3A_41 = tpu.memref_slice %arg2[%dma_start3A_39, %dma_start3A_40] : memref<10000x128xf32, #tpu.memory_space<hbm>> -> memref<10000x128xf32, #tpu.memory_space<hbm>>
    tpu.enqueue_indirect_dma source(%dma_start3A_41 : memref<10000x128xf32, #tpu.memory_space<hbm>>) target(%arg12 : memref<80x128xf32, #tpu.memory_space<vmem>>) offsets(%dma_start3A_38 : memref<80xi32, #tpu.memory_space<vmem>>) semaphore(%arg17 : memref<!tpu.dma_semaphore, #tpu.memory_space<semaphore_mem>>)
    %add3A_42 = arith.constant 4960 : i32
    %add3A_43 = arith.addi %multiple_of3A_20, %add3A_42 : i32
    %multiple_of3A_44 = tpu.assume_multiple %add3A_43, 40 : i32
    %dma_start3A_45 = arith.constant 0 : i32
    %dma_start3A_46 = tpu.memref_slice %arg3[%multiple_of3A_44, %dma_start3A_45] : memref<160000x128xf32, #tpu.memory_space<hbm>> -> memref<40x128xf32, #tpu.memory_space<hbm>>
    %dma_start3A_47 = arith.constant 0 : i32
    %dma_start3A_48 = tpu.memref_slice %arg3[%multiple_of3A_44, %dma_start3A_47] : memref<160000x128xf32, #tpu.memory_space<hbm>> -> memref<40x128xf32, #tpu.memory_space<hbm>>
    tpu.enqueue_dma source(%dma_start3A_48 : memref<40x128xf32, #tpu.memory_space<hbm>>) target(%arg14 : memref<40x128xf32, #tpu.memory_space<vmem>>) target_semaphore(%arg19 : memref<!tpu.dma_semaphore, #tpu.memory_space<semaphore_mem>>)
    %dma_wait3A = tpu.memref_slice %arg9[%multiple_of3A_37] : memref<10000xi32, #tpu.memory_space<vmem>> -> memref<80xi32, #tpu.memory_space<vmem>>
    %dma_wait3A_49 = arith.constant 0 : i32
    %dma_wait3A_50 = arith.constant 0 : i32
    %dma_wait3A_51 = tpu.memref_slice %arg2[%dma_wait3A_49, %dma_wait3A_50] : memref<10000x128xf32, #tpu.memory_space<hbm>> -> memref<10000x128xf32, #tpu.memory_space<hbm>>
    tpu.wait_indirect_dma semaphore(%arg17 : memref<!tpu.dma_semaphore, #tpu.memory_space<semaphore_mem>>) src(%dma_wait3A_51 : memref<10000x128xf32, #tpu.memory_space<hbm>>) dst(%arg12 : memref<80x128xf32, #tpu.memory_space<vmem>>)
    %dma_wait3A_52 = arith.constant 0 : i32
    %dma_wait3A_53 = tpu.memref_slice %arg3[%multiple_of3A_44, %dma_wait3A_52] : memref<160000x128xf32, #tpu.memory_space<hbm>> -> memref<40x128xf32, #tpu.memory_space<hbm>>
    %dma_wait3A_54 = arith.constant 0 : i32
    %dma_wait3A_55 = tpu.memref_slice %arg3[%multiple_of3A_44, %dma_wait3A_54] : memref<160000x128xf32, #tpu.memory_space<hbm>> -> memref<40x128xf32, #tpu.memory_space<hbm>>
    tpu.wait_dma2 semaphore(%arg19 : memref<!tpu.dma_semaphore, #tpu.memory_space<semaphore_mem>>) src(%dma_wait3A_55 : memref<40x128xf32, #tpu.memory_space<hbm>>) dst(%arg14 : memref<40x128xf32, #tpu.memory_space<vmem>>)
    %scan3A_56 = arith.constant 0 : i32
    %scan3A_57 = arith.constant 40 : i32
    %scan3A_58 = arith.addi %scan3A_56, %scan3A_57 : i32
    %scan3A_59 = arith.constant 1 : i32
    scf.for %scan3A_75 = %scan3A_56 to %scan3A_58 step %scan3A_59  : i32 {
      %mul3A_76 = arith.constant 1 : i32
      %mul3A_77 = arith.muli %scan3A_75, %mul3A_76 : i32
      %add3A_78 = arith.constant 0 : i32
      %add3A_79 = arith.addi %add3A_78, %mul3A_77 : i32
      %mul3A_80 = arith.constant 2 : i32
      %mul3A_81 = arith.muli %mul3A_80, %add3A_79 : i32
      %add3A_82 = arith.constant 0 : i32
      %add3A_83 = arith.addi %mul3A_81, %add3A_82 : i32
      %get3A_84 = arith.index_cast %add3A_83 : i32 to index
      %get3A_85 = arith.constant 0 : index
      %get3A_86 = tpu.vector_load %arg12[%get3A_84, %get3A_85] {strides = array<i32>} : memref<80x128xf32, #tpu.memory_space<vmem>>, vector<1x16xf32>,
      %get3A_87 = vector.shape_cast %get3A_86 : vector<1x16xf32> to vector<16xf32>
      %get3A_88 = arith.index_cast %add3A_79 : i32 to index
      %get3A_89 = arith.constant 0 : index
      %get3A_90 = tpu.vector_load %arg14[%get3A_88, %get3A_89] {strides = array<i32>} : memref<40x128xf32, #tpu.memory_space<vmem>>, vector<1x16xf32>,
      %get3A_91 = vector.shape_cast %get3A_90 : vector<1x16xf32> to vector<16xf32>
      %mul3A_92 = arith.mulf %get3A_91, %get3A_1 : vector<16xf32>
      %add3A_93 = arith.addf %get3A_87, %mul3A_92 : vector<16xf32>
      %max3A = arith.constant 0.000000e+00 : f32
      %max3A_94 = vector.broadcast %max3A : f32 to vector<16xf32>
      %max3A_95 = arith.maximumf %add3A_93, %max3A_94 : vector<16xf32>
      %swap3A = arith.index_cast %add3A_83 : i32 to index
      %swap3A_96 = arith.constant 0 : index
      %swap3A_97 = tpu.vector_load %arg12[%swap3A, %swap3A_96] {strides = array<i32>} : memref<80x128xf32, #tpu.memory_space<vmem>>, vector<1x16xf32>,
      %swap3A_98 = vector.shape_cast %swap3A_97 : vector<1x16xf32> to vector<16xf32>
      %swap3A_99 = vector.shape_cast %max3A_95 : vector<16xf32> to vector<1x16xf32>
      tpu.vector_store %arg12[%swap3A, %swap3A_96], %swap3A_99 {strides = array<i32>} : memref<80x128xf32, #tpu.memory_space<vmem>>, vector<1x16xf32>,
      %get3A_100 = arith.index_cast %add3A_83 : i32 to index
      %get3A_101 = arith.constant 16 : index
      %get3A_102 = tpu.vector_load %arg12[%get3A_100, %get3A_101] {strides = array<i32>} : memref<80x128xf32, #tpu.memory_space<vmem>>, vector<1x16xf32>,
      %get3A_103 = vector.shape_cast %get3A_102 : vector<1x16xf32> to vector<16xf32>
      %get3A_104 = arith.index_cast %add3A_79 : i32 to index
      %get3A_105 = arith.constant 16 : index
      %get3A_106 = tpu.vector_load %arg14[%get3A_104, %get3A_105] {strides = array<i32>} : memref<40x128xf32, #tpu.memory_space<vmem>>, vector<1x16xf32>,
      %get3A_107 = vector.shape_cast %get3A_106 : vector<1x16xf32> to vector<16xf32>
      %mul3A_108 = arith.mulf %get3A_107, %get3A_4 : vector<16xf32>
      %add3A_109 = arith.addf %get3A_103, %mul3A_108 : vector<16xf32>
      %max3A_110 = arith.constant 0.000000e+00 : f32
      %max3A_111 = vector.broadcast %max3A_110 : f32 to vector<16xf32>
      %max3A_112 = arith.maximumf %add3A_109, %max3A_111 : vector<16xf32>
      %swap3A_113 = arith.index_cast %add3A_83 : i32 to index
      %swap3A_114 = arith.constant 16 : index
      %swap3A_115 = tpu.vector_load %arg12[%swap3A_113, %swap3A_114] {strides = array<i32>} : memref<80x128xf32, #tpu.memory_space<vmem>>, vector<1x16xf32>,
      %swap3A_116 = vector.shape_cast %swap3A_115 : vector<1x16xf32> to vector<16xf32>
      %swap3A_117 = vector.shape_cast %max3A_112 : vector<16xf32> to vector<1x16xf32>
      tpu.vector_store %arg12[%swap3A_113, %swap3A_114], %swap3A_117 {strides = array<i32>} : memref<80x128xf32, #tpu.memory_space<vmem>>, vector<1x16xf32>,
      %get3A_118 = arith.index_cast %add3A_83 : i32 to index
      %get3A_119 = arith.constant 32 : index
      %get3A_120 = tpu.vector_load %arg12[%get3A_118, %get3A_119] {strides = array<i32>} : memref<80x128xf32, #tpu.memory_space<vmem>>, vector<1x16xf32>,
      %get3A_121 = vector.shape_cast %get3A_120 : vector<1x16xf32> to vector<16xf32>
      %get3A_122 = arith.index_cast %add3A_79 : i32 to index
      %get3A_123 = arith.constant 32 : index
      %get3A_124 = tpu.vector_load %arg14[%get3A_122, %get3A_123] {strides = array<i32>} : memref<40x128xf32, #tpu.memory_space<vmem>>, vector<1x16xf32>,
      %get3A_125 = vector.shape_cast %get3A_124 : vector<1x16xf32> to vector<16xf32>
      %mul3A_126 = arith.mulf %get3A_125, %get3A_7 : vector<16xf32>
      %add3A_127 = arith.addf %get3A_121, %mul3A_126 : vector<16xf32>
      %max3A_128 = arith.constant 0.000000e+00 : f32
      %max3A_129 = vector.broadcast %max3A_128 : f32 to vector<16xf32>
      %max3A_130 = arith.maximumf %add3A_127, %max3A_129 : vector<16xf32>
      %swap3A_131 = arith.index_cast %add3A_83 : i32 to index
      %swap3A_132 = arith.constant 32 : index
      %swap3A_133 = tpu.vector_load %arg12[%swap3A_131, %swap3A_132] {strides = array<i32>} : memref<80x128xf32, #tpu.memory_space<vmem>>, vector<1x16xf32>,
      %swap3A_134 = vector.shape_cast %swap3A_133 : vector<1x16xf32> to vector<16xf32>
      %swap3A_135 = vector.shape_cast %max3A_130 : vector<16xf32> to vector<1x16xf32>
      tpu.vector_store %arg12[%swap3A_131, %swap3A_132], %swap3A_135 {strides = array<i32>} : memref<80x128xf32, #tpu.memory_space<vmem>>, vector<1x16xf32>,
      %get3A_136 = arith.index_cast %add3A_83 : i32 to index
      %get3A_137 = arith.constant 48 : index
      %get3A_138 = tpu.vector_load %arg12[%get3A_136, %get3A_137] {strides = array<i32>} : memref<80x128xf32, #tpu.memory_space<vmem>>, vector<1x16xf32>,
      %get3A_139 = vector.shape_cast %get3A_138 : vector<1x16xf32> to vector<16xf32>
      %get3A_140 = arith.index_cast %add3A_79 : i32 to index
      %get3A_141 = arith.constant 48 : index
      %get3A_142 = tpu.vector_load %arg14[%get3A_140, %get3A_141] {strides = array<i32>} : memref<40x128xf32, #tpu.memory_space<vmem>>, vector<1x16xf32>,
      %get3A_143 = vector.shape_cast %get3A_142 : vector<1x16xf32> to vector<16xf32>
      %mul3A_144 = arith.mulf %get3A_143, %get3A_10 : vector<16xf32>
      %add3A_145 = arith.addf %get3A_139, %mul3A_144 : vector<16xf32>
      %max3A_146 = arith.constant 0.000000e+00 : f32
      %max3A_147 = vector.broadcast %max3A_146 : f32 to vector<16xf32>
      %max3A_148 = arith.maximumf %add3A_145, %max3A_147 : vector<16xf32>
      %swap3A_149 = arith.index_cast %add3A_83 : i32 to index
      %swap3A_150 = arith.constant 48 : index
      %swap3A_151 = tpu.vector_load %arg12[%swap3A_149, %swap3A_150] {strides = array<i32>} : memref<80x128xf32, #tpu.memory_space<vmem>>, vector<1x16xf32>,
      %swap3A_152 = vector.shape_cast %swap3A_151 : vector<1x16xf32> to vector<16xf32>
      %swap3A_153 = vector.shape_cast %max3A_148 : vector<16xf32> to vector<1x16xf32>
      tpu.vector_store %arg12[%swap3A_149, %swap3A_150], %swap3A_153 {strides = array<i32>} : memref<80x128xf32, #tpu.memory_space<vmem>>, vector<1x16xf32>,
      %mul3A_154 = arith.constant 2 : i32
      %mul3A_155 = arith.muli %mul3A_154, %add3A_79 : i32
      %add3A_156 = arith.constant 1 : i32
      %add3A_157 = arith.addi %mul3A_155, %add3A_156 : i32
      %get3A_158 = arith.index_cast %add3A_157 : i32 to index
      %get3A_159 = arith.constant 0 : index
      %get3A_160 = tpu.vector_load %arg12[%get3A_158, %get3A_159] {strides = array<i32>} : memref<80x128xf32, #tpu.memory_space<vmem>>, vector<1x16xf32>,
      %get3A_161 = vector.shape_cast %get3A_160 : vector<1x16xf32> to vector<16xf32>
      %get3A_162 = arith.index_cast %add3A_79 : i32 to index
      %get3A_163 = arith.constant 64 : index
      %get3A_164 = tpu.vector_load %arg14[%get3A_162, %get3A_163] {strides = array<i32>} : memref<40x128xf32, #tpu.memory_space<vmem>>, vector<1x16xf32>,
      %get3A_165 = vector.shape_cast %get3A_164 : vector<1x16xf32> to vector<16xf32>
      %mul3A_166 = arith.mulf %get3A_165, %get3A_1 : vector<16xf32>
      %add3A_167 = arith.addf %get3A_161, %mul3A_166 : vector<16xf32>
      %max3A_168 = arith.constant 0.000000e+00 : f32
      %max3A_169 = vector.broadcast %max3A_168 : f32 to vector<16xf32>
      %max3A_170 = arith.maximumf %add3A_167, %max3A_169 : vector<16xf32>
      %swap3A_171 = arith.index_cast %add3A_157 : i32 to index
      %swap3A_172 = arith.constant 0 : index
      %swap3A_173 = tpu.vector_load %arg12[%swap3A_171, %swap3A_172] {strides = array<i32>} : memref<80x128xf32, #tpu.memory_space<vmem>>, vector<1x16xf32>,
      %swap3A_174 = vector.shape_cast %swap3A_173 : vector<1x16xf32> to vector<16xf32>
      %swap3A_175 = vector.shape_cast %max3A_170 : vector<16xf32> to vector<1x16xf32>
      tpu.vector_store %arg12[%swap3A_171, %swap3A_172], %swap3A_175 {strides = array<i32>} : memref<80x128xf32, #tpu.memory_space<vmem>>, vector<1x16xf32>,
      %get3A_176 = arith.index_cast %add3A_157 : i32 to index
      %get3A_177 = arith.constant 16 : index
      %get3A_178 = tpu.vector_load %arg12[%get3A_176, %get3A_177] {strides = array<i32>} : memref<80x128xf32, #tpu.memory_space<vmem>>, vector<1x16xf32>,
      %get3A_179 = vector.shape_cast %get3A_178 : vector<1x16xf32> to vector<16xf32>
      %get3A_180 = arith.index_cast %add3A_79 : i32 to index
      %get3A_181 = arith.constant 80 : index
      %get3A_182 = tpu.vector_load %arg14[%get3A_180, %get3A_181] {strides = array<i32>} : memref<40x128xf32, #tpu.memory_space<vmem>>, vector<1x16xf32>,
      %get3A_183 = vector.shape_cast %get3A_182 : vector<1x16xf32> to vector<16xf32>
      %mul3A_184 = arith.mulf %get3A_183, %get3A_4 : vector<16xf32>
      %add3A_185 = arith.addf %get3A_179, %mul3A_184 : vector<16xf32>
      %max3A_186 = arith.constant 0.000000e+00 : f32
      %max3A_187 = vector.broadcast %max3A_186 : f32 to vector<16xf32>
      %max3A_188 = arith.maximumf %add3A_185, %max3A_187 : vector<16xf32>
      %swap3A_189 = arith.index_cast %add3A_157 : i32 to index
      %swap3A_190 = arith.constant 16 : index
      %swap3A_191 = tpu.vector_load %arg12[%swap3A_189, %swap3A_190] {strides = array<i32>} : memref<80x128xf32, #tpu.memory_space<vmem>>, vector<1x16xf32>,
      %swap3A_192 = vector.shape_cast %swap3A_191 : vector<1x16xf32> to vector<16xf32>
      %swap3A_193 = vector.shape_cast %max3A_188 : vector<16xf32> to vector<1x16xf32>
      tpu.vector_store %arg12[%swap3A_189, %swap3A_190], %swap3A_193 {strides = array<i32>} : memref<80x128xf32, #tpu.memory_space<vmem>>, vector<1x16xf32>,
      %get3A_194 = arith.index_cast %add3A_157 : i32 to index
      %get3A_195 = arith.constant 32 : index
      %get3A_196 = tpu.vector_load %arg12[%get3A_194, %get3A_195] {strides = array<i32>} : memref<80x128xf32, #tpu.memory_space<vmem>>, vector<1x16xf32>,
      %get3A_197 = vector.shape_cast %get3A_196 : vector<1x16xf32> to vector<16xf32>
      %get3A_198 = arith.index_cast %add3A_79 : i32 to index
      %get3A_199 = arith.constant 96 : index
      %get3A_200 = tpu.vector_load %arg14[%get3A_198, %get3A_199] {strides = array<i32>} : memref<40x128xf32, #tpu.memory_space<vmem>>, vector<1x16xf32>,
      %get3A_201 = vector.shape_cast %get3A_200 : vector<1x16xf32> to vector<16xf32>
      %mul3A_202 = arith.mulf %get3A_201, %get3A_7 : vector<16xf32>
      %add3A_203 = arith.addf %get3A_197, %mul3A_202 : vector<16xf32>
      %max3A_204 = arith.constant 0.000000e+00 : f32
      %max3A_205 = vector.broadcast %max3A_204 : f32 to vector<16xf32>
      %max3A_206 = arith.maximumf %add3A_203, %max3A_205 : vector<16xf32>
      %swap3A_207 = arith.index_cast %add3A_157 : i32 to index
      %swap3A_208 = arith.constant 32 : index
      %swap3A_209 = tpu.vector_load %arg12[%swap3A_207, %swap3A_208] {strides = array<i32>} : memref<80x128xf32, #tpu.memory_space<vmem>>, vector<1x16xf32>,
      %swap3A_210 = vector.shape_cast %swap3A_209 : vector<1x16xf32> to vector<16xf32>
      %swap3A_211 = vector.shape_cast %max3A_206 : vector<16xf32> to vector<1x16xf32>
      tpu.vector_store %arg12[%swap3A_207, %swap3A_208], %swap3A_211 {strides = array<i32>} : memref<80x128xf32, #tpu.memory_space<vmem>>, vector<1x16xf32>,
      %get3A_212 = arith.index_cast %add3A_157 : i32 to index
      %get3A_213 = arith.constant 48 : index
      %get3A_214 = tpu.vector_load %arg12[%get3A_212, %get3A_213] {strides = array<i32>} : memref<80x128xf32, #tpu.memory_space<vmem>>, vector<1x16xf32>,
      %get3A_215 = vector.shape_cast %get3A_214 : vector<1x16xf32> to vector<16xf32>
      %get3A_216 = arith.index_cast %add3A_79 : i32 to index
      %get3A_217 = arith.constant 112 : index
      %get3A_218 = tpu.vector_load %arg14[%get3A_216, %get3A_217] {strides = array<i32>} : memref<40x128xf32, #tpu.memory_space<vmem>>, vector<1x16xf32>,
      %get3A_219 = vector.shape_cast %get3A_218 : vector<1x16xf32> to vector<16xf32>
      %mul3A_220 = arith.mulf %get3A_219, %get3A_10 : vector<16xf32>
      %add3A_221 = arith.addf %get3A_215, %mul3A_220 : vector<16xf32>
      %max3A_222 = arith.constant 0.000000e+00 : f32
      %max3A_223 = vector.broadcast %max3A_222 : f32 to vector<16xf32>
      %max3A_224 = arith.maximumf %add3A_221, %max3A_223 : vector<16xf32>
      %swap3A_225 = arith.index_cast %add3A_157 : i32 to index
      %swap3A_226 = arith.constant 48 : index
      %swap3A_227 = tpu.vector_load %arg12[%swap3A_225, %swap3A_226] {strides = array<i32>} : memref<80x128xf32, #tpu.memory_space<vmem>>, vector<1x16xf32>,
      %swap3A_228 = vector.shape_cast %swap3A_227 : vector<1x16xf32> to vector<16xf32>
      %swap3A_229 = vector.shape_cast %max3A_224 : vector<16xf32> to vector<1x16xf32>
      tpu.vector_store %arg12[%swap3A_225, %swap3A_226], %swap3A_229 {strides = array<i32>} : memref<80x128xf32, #tpu.memory_space<vmem>>, vector<1x16xf32>,
    }
    %scan3A_60 = arith.constant 40 : i32
    %dma_wait3A_61 = tpu.memref_slice %arg5[%multiple_of3A_34] : memref<320000xi32, #tpu.memory_space<hbm>> -> memref<80xi32, #tpu.memory_space<hbm>>
    %dma_wait3A_62 = tpu.memref_slice %arg5[%multiple_of3A_34] : memref<320000xi32, #tpu.memory_space<hbm>> -> memref<80xi32, #tpu.memory_space<hbm>>
    tpu.wait_dma2 semaphore(%arg23 : memref<!tpu.dma_semaphore, #tpu.memory_space<semaphore_mem>>) src(%dma_wait3A_62 : memref<80xi32, #tpu.memory_space<hbm>>) dst(%arg10 : memref<80xi32, #tpu.memory_space<vmem>>)
    %dma_start3A_63 = arith.constant 0 : i32
    %dma_start3A_64 = arith.constant 0 : i32
    %dma_start3A_65 = tpu.memref_slice %arg8[%dma_start3A_63, %dma_start3A_64] : memref<10000x128xf32, #tpu.memory_space<vmem_shared>> -> memref<10000x128xf32, #tpu.memory_space<vmem_shared>>
    tpu.enqueue_indirect_dma source(%arg12 : memref<80x128xf32, #tpu.memory_space<vmem>>) target(%dma_start3A_65 : memref<10000x128xf32, #tpu.memory_space<vmem_shared>>) offsets(%arg10 : memref<80xi32, #tpu.memory_space<vmem>>) semaphore(%arg21 : memref<!tpu.dma_semaphore, #tpu.memory_space<semaphore_mem>>) {add = true}
    %dma_wait3A_66 = arith.constant 0 : i32
    %dma_wait3A_67 = arith.constant 0 : i32
    %dma_wait3A_68 = tpu.memref_slice %arg8[%dma_wait3A_66, %dma_wait3A_67] : memref<10000x128xf32, #tpu.memory_space<vmem_shared>> -> memref<10000x128xf32, #tpu.memory_space<vmem_shared>>
    tpu.wait_indirect_dma semaphore(%arg21 : memref<!tpu.dma_semaphore, #tpu.memory_space<semaphore_mem>>) src(%arg12 : memref<80x128xf32, #tpu.memory_space<vmem>>) dst(%dma_wait3A_68 : memref<10000x128xf32, #tpu.memory_space<vmem_shared>>)
    %barrier3A_69 = arith.constant 0 : index
    tpu.barrier barrier_id(%barrier3A_69)
    %lt3A_70 = arith.constant 5 : i32
    %lt3A_71 = arith.cmpi slt, %arg1, %lt3A_70 : i32
    %convert_element_type3A_72 = arith.extui %lt3A_71 : i1 to i32
    %cond3A_73 = arith.constant 0 : i32
    %cond3A_74 = arith.cmpi ne, %convert_element_type3A_72, %cond3A_73 : i32
    scf.if %cond3A_74 {
      %scan3A_75 = arith.constant 0 : i32
      %scan3A_76 = arith.constant 25 : i32
      %scan3A_77 = arith.addi %scan3A_75, %scan3A_76 : i32
      %scan3A_78 = arith.constant 1 : i32
      scf.for %scan3A_80 = %scan3A_75 to %scan3A_77 step %scan3A_78  : i32 {
        %mul3A_81 = arith.constant 1 : i32
        %mul3A_82 = arith.muli %scan3A_80, %mul3A_81 : i32
        %add3A_83 = arith.constant 0 : i32
        %add3A_84 = arith.addi %add3A_83, %mul3A_82 : i32
        %mul3A_85 = arith.constant 2000 : i32
        %mul3A_86 = arith.muli %arg1, %mul3A_85 : i32
        %mul3A_87 = arith.constant 80 : i32
        %mul3A_88 = arith.muli %add3A_84, %mul3A_87 : i32
        %add3A_89 = arith.addi %mul3A_86, %mul3A_88 : i32
        %multiple_of3A_90 = tpu.assume_multiple %add3A_89, 80 : i32
        "tpu.region"() ({
          %run_scoped3A = tpu.sem_alloc : memref<!tpu.dma_semaphore, #tpu.memory_space<semaphore_mem>>
          %dma_start3A_91 = arith.constant 0 : i32
          %dma_start3A_92 = tpu.memref_slice %arg8[%multiple_of3A_90, %dma_start3A_91] : memref<10000x128xf32, #tpu.memory_space<vmem_shared>> -> memref<80x128xf32, #tpu.memory_space<vmem_shared>>
          %dma_start3A_93 = arith.constant 0 : i32
          %dma_start3A_94 = tpu.memref_slice %arg8[%multiple_of3A_90, %dma_start3A_93] : memref<10000x128xf32, #tpu.memory_space<vmem_shared>> -> memref<80x128xf32, #tpu.memory_space<vmem_shared>>
          tpu.enqueue_dma source(%dma_start3A_94 : memref<80x128xf32, #tpu.memory_space<vmem_shared>>) target(%arg12 : memref<80x128xf32, #tpu.memory_space<vmem>>) target_semaphore(%run_scoped3A : memref<!tpu.dma_semaphore, #tpu.memory_space<semaphore_mem>>)
          %dma_wait3A_95 = arith.constant 0 : i32
          %dma_wait3A_96 = tpu.memref_slice %arg8[%multiple_of3A_90, %dma_wait3A_95] : memref<10000x128xf32, #tpu.memory_space<vmem_shared>> -> memref<80x128xf32, #tpu.memory_space<vmem_shared>>
          %dma_wait3A_97 = arith.constant 0 : i32
          %dma_wait3A_98 = tpu.memref_slice %arg8[%multiple_of3A_90, %dma_wait3A_97] : memref<10000x128xf32, #tpu.memory_space<vmem_shared>> -> memref<80x128xf32, #tpu.memory_space<vmem_shared>>
          tpu.wait_dma2 semaphore(%run_scoped3A : memref<!tpu.dma_semaphore, #tpu.memory_space<semaphore_mem>>) src(%dma_wait3A_98 : memref<80x128xf32, #tpu.memory_space<vmem_shared>>) dst(%arg12 : memref<80x128xf32, #tpu.memory_space<vmem>>)
          tpu.yield
        }) : () -> ()
        "tpu.region"() ({
          %run_scoped3A = tpu.sem_alloc : memref<!tpu.dma_semaphore, #tpu.memory_space<semaphore_mem>>
          %dma_start3A_91 = arith.constant 0 : i32
          %dma_start3A_92 = arith.constant 0 : i32
          %dma_start3A_93 = tpu.memref_slice %arg7[%arg0, %dma_start3A_91, %dma_start3A_92] : memref<2x10000x128xf32, #tpu.memory_space<hbm>> -> memref<1x10000x128xf32, #tpu.memory_space<hbm>>
          %dma_start3A_94 = tpu.memref_squeeze %dma_start3A_93 : memref<1x10000x128xf32, #tpu.memory_space<hbm>> -> memref<10000x128xf32, #tpu.memory_space<hbm>>
          %dma_start3A_95 = arith.constant 0 : i32
          %dma_start3A_96 = tpu.memref_slice %dma_start3A_94[%multiple_of3A_90, %dma_start3A_95] : memref<10000x128xf32, #tpu.memory_space<hbm>> -> memref<80x128xf32, #tpu.memory_space<hbm>>
          %dma_start3A_97 = arith.constant 0 : i32
          %dma_start3A_98 = arith.constant 0 : i32
          %dma_start3A_99 = tpu.memref_slice %arg7[%arg0, %dma_start3A_97, %dma_start3A_98] : memref<2x10000x128xf32, #tpu.memory_space<hbm>> -> memref<1x10000x128xf32, #tpu.memory_space<hbm>>
          %dma_start3A_100 = tpu.memref_squeeze %dma_start3A_99 : memref<1x10000x128xf32, #tpu.memory_space<hbm>> -> memref<10000x128xf32, #tpu.memory_space<hbm>>
          %dma_start3A_101 = arith.constant 0 : i32
          %dma_start3A_102 = tpu.memref_slice %dma_start3A_100[%multiple_of3A_90, %dma_start3A_101] : memref<10000x128xf32, #tpu.memory_space<hbm>> -> memref<80x128xf32, #tpu.memory_space<hbm>>
          tpu.enqueue_dma source(%arg12 : memref<80x128xf32, #tpu.memory_space<vmem>>) target(%dma_start3A_102 : memref<80x128xf32, #tpu.memory_space<hbm>>) target_semaphore(%run_scoped3A : memref<!tpu.dma_semaphore, #tpu.memory_space<semaphore_mem>>)
          %dma_wait3A_103 = arith.constant 0 : i32
          %dma_wait3A_104 = arith.constant 0 : i32
          %dma_wait3A_105 = tpu.memref_slice %arg7[%arg0, %dma_wait3A_103, %dma_wait3A_104] : memref<2x10000x128xf32, #tpu.memory_space<hbm>> -> memref<1x10000x128xf32, #tpu.memory_space<hbm>>
          %dma_wait3A_106 = tpu.memref_squeeze %dma_wait3A_105 : memref<1x10000x128xf32, #tpu.memory_space<hbm>> -> memref<10000x128xf32, #tpu.memory_space<hbm>>
          %dma_wait3A_107 = arith.constant 0 : i32
          %dma_wait3A_108 = tpu.memref_slice %dma_wait3A_106[%multiple_of3A_90, %dma_wait3A_107] : memref<10000x128xf32, #tpu.memory_space<hbm>> -> memref<80x128xf32, #tpu.memory_space<hbm>>
          %dma_wait3A_109 = arith.constant 0 : i32
          %dma_wait3A_110 = arith.constant 0 : i32
          %dma_wait3A_111 = tpu.memref_slice %arg7[%arg0, %dma_wait3A_109, %dma_wait3A_110] : memref<2x10000x128xf32, #tpu.memory_space<hbm>> -> memref<1x10000x128xf32, #tpu.memory_space<hbm>>
          %dma_wait3A_112 = tpu.memref_squeeze %dma_wait3A_111 : memref<1x10000x128xf32, #tpu.memory_space<hbm>> -> memref<10000x128xf32, #tpu.memory_space<hbm>>
          %dma_wait3A_113 = arith.constant 0 : i32
          %dma_wait3A_114 = tpu.memref_slice %dma_wait3A_112[%multiple_of3A_90, %dma_wait3A_113] : memref<10000x128xf32, #tpu.memory_space<hbm>> -> memref<80x128xf32, #tpu.memory_space<hbm>>
          tpu.wait_dma2 semaphore(%run_scoped3A : memref<!tpu.dma_semaphore, #tpu.memory_space<semaphore_mem>>) src(%arg12 : memref<80x128xf32, #tpu.memory_space<vmem>>) dst(%dma_wait3A_114 : memref<80x128xf32, #tpu.memory_space<hbm>>)
          tpu.yield
        }) : () -> ()
      }
      %scan3A_79 = arith.constant 25 : i32
    } else {
    }
    return
  }
}

#map = affine_map<(d0, d1) -> (0, 0)>
#map1 = affine_map<(d0, d1) -> (0)>
#map2 = affine_map<(d0, d1) -> (0, 0, 0)>
module attributes {stable_mosaic.version = 14 : i64} {
  func.func @k(%arg0: i32, %arg1: i32, %arg2: memref<10000x128xf32, #tpu.memory_space<hbm>>, %arg3: memref<160000x128xf32, #tpu.memory_space<hbm>>, %arg4: memref<320000xi32, #tpu.memory_space<hbm>>, %arg5: memref<320000xi32, #tpu.memory_space<hbm>>, %arg6: memref<64xf32, #tpu.memory_space<hbm>>, %arg7: memref<2x10000x128xf32, #tpu.memory_space<hbm>>, %arg8: memref<10000x128xf32, #tpu.memory_space<vmem_shared>>, %arg9: memref<10000xi32, #tpu.memory_space<vmem>>, %arg10: memref<80xi32, #tpu.memory_space<vmem>>, %arg11: memref<80xi32, #tpu.memory_space<vmem>>, %arg12: memref<80x128xf32, #tpu.memory_space<vmem>>, %arg13: memref<80x128xf32, #tpu.memory_space<vmem>>, %arg14: memref<40x128xf32, #tpu.memory_space<vmem>>, %arg15: memref<40x128xf32, #tpu.memory_space<vmem>>, %arg16: memref<64xf32, #tpu.memory_space<vmem>>, %arg17: memref<!tpu.dma_semaphore, #tpu.memory_space<semaphore_mem>>, %arg18: memref<!tpu.dma_semaphore, #tpu.memory_space<semaphore_mem>>, %arg19: memref<!tpu.dma_semaphore, #tpu.memory_space<semaphore_mem>>, %arg20: memref<!tpu.dma_semaphore, #tpu.memory_space<semaphore_mem>>, %arg21: memref<!tpu.dma_semaphore, #tpu.memory_space<semaphore_mem>>, %arg22: memref<!tpu.dma_semaphore, #tpu.memory_space<semaphore_mem>>, %arg23: memref<!tpu.dma_semaphore, #tpu.memory_space<semaphore_mem>>, %arg24: memref<!tpu.dma_semaphore, #tpu.memory_space<semaphore_mem>>) attributes {dimension_semantics = [#tpu.dimension_semantics<core_parallel>, #tpu.dimension_semantics<subcore_parallel>], iteration_bounds = array<i64: 2, 16>, scalar_prefetch = 0 : i64, scratch_operands = 17 : i64, tpu.core_type = #tpu.core_type<sc_vector_subcore>, window_params = [{transform_indices = #map}, {transform_indices = #map}, {transform_indices = #map1}, {transform_indices = #map1}, {transform_indices = #map1}, {transform_indices = #map2}]} {
    "tpu.region"() ({
      %run_scoped3A = tpu.sem_alloc : memref<!tpu.dma_semaphore, #tpu.memory_space<semaphore_mem>>
      tpu.enqueue_dma source(%arg6 : memref<64xf32, #tpu.memory_space<hbm>>) target(%arg16 : memref<64xf32, #tpu.memory_space<vmem>>) target_semaphore(%run_scoped3A : memref<!tpu.dma_semaphore, #tpu.memory_space<semaphore_mem>>)
      tpu.wait_dma2 semaphore(%run_scoped3A : memref<!tpu.dma_semaphore, #tpu.memory_space<semaphore_mem>>) src(%arg6 : memref<64xf32, #tpu.memory_space<hbm>>) dst(%arg16 : memref<64xf32, #tpu.memory_space<vmem>>)
      tpu.yield
    }) : () -> ()
    %get3A = arith.constant 0 : index
    %get3A_0 = tpu.vector_load %arg16[%get3A] {strides = array<i32>} : memref<64xf32, #tpu.memory_space<vmem>>, vector<16xf32>,
    %get3A_1 = vector.shape_cast %get3A_0 : vector<16xf32> to vector<16xf32>
    %get3A_2 = arith.constant 16 : index
    %get3A_3 = tpu.vector_load %arg16[%get3A_2] {strides = array<i32>} : memref<64xf32, #tpu.memory_space<vmem>>, vector<16xf32>,
    %get3A_4 = vector.shape_cast %get3A_3 : vector<16xf32> to vector<16xf32>
    %get3A_5 = arith.constant 32 : index
    %get3A_6 = tpu.vector_load %arg16[%get3A_5] {strides = array<i32>} : memref<64xf32, #tpu.memory_space<vmem>>, vector<16xf32>,
    %get3A_7 = vector.shape_cast %get3A_6 : vector<16xf32> to vector<16xf32>
    %get3A_8 = arith.constant 48 : index
    %get3A_9 = tpu.vector_load %arg16[%get3A_8] {strides = array<i32>} : memref<64xf32, #tpu.memory_space<vmem>>, vector<16xf32>,
    %get3A_10 = vector.shape_cast %get3A_9 : vector<16xf32> to vector<16xf32>
    %broadcast_in_dim3A = arith.constant 0.000000e+00 : f32
    %broadcast_in_dim3A_11 = vector.broadcast %broadcast_in_dim3A : f32 to vector<16xf32>
    %mul3A = arith.constant 16 : i32
    %mul3A_12 = arith.muli %arg0, %mul3A : i32
    %add3A = arith.addi %mul3A_12, %arg1 : i32
    %mul3A_13 = arith.constant 10000 : i32
    %mul3A_14 = arith.muli %add3A, %mul3A_13 : i32
    %multiple_of3A = tpu.assume_multiple %mul3A_14, 80 : i32
    %mul3A_15 = arith.constant 16 : i32
    %mul3A_16 = arith.muli %arg0, %mul3A_15 : i32
    %add3A_17 = arith.addi %mul3A_16, %arg1 : i32
    %mul3A_18 = arith.constant 5000 : i32
    %mul3A_19 = arith.muli %add3A_17, %mul3A_18 : i32
    %multiple_of3A_20 = tpu.assume_multiple %mul3A_19, 40 : i32
    "tpu.region"() ({
      %run_scoped3A = tpu.sem_alloc : memref<!tpu.dma_semaphore, #tpu.memory_space<semaphore_mem>>
      %dma_start3A_75 = tpu.memref_slice %arg4[%multiple_of3A] : memref<320000xi32, #tpu.memory_space<hbm>> -> memref<10000xi32, #tpu.memory_space<hbm>>
      %dma_start3A_76 = tpu.memref_slice %arg4[%multiple_of3A] : memref<320000xi32, #tpu.memory_space<hbm>> -> memref<10000xi32, #tpu.memory_space<hbm>>
      tpu.enqueue_dma source(%dma_start3A_76 : memref<10000xi32, #tpu.memory_space<hbm>>) target(%arg9 : memref<10000xi32, #tpu.memory_space<vmem>>) target_semaphore(%run_scoped3A : memref<!tpu.dma_semaphore, #tpu.memory_space<semaphore_mem>>)
      %dma_wait3A_77 = tpu.memref_slice %arg4[%multiple_of3A] : memref<320000xi32, #tpu.memory_space<hbm>> -> memref<10000xi32, #tpu.memory_space<hbm>>
      %dma_wait3A_78 = tpu.memref_slice %arg4[%multiple_of3A] : memref<320000xi32, #tpu.memory_space<hbm>> -> memref<10000xi32, #tpu.memory_space<hbm>>
      tpu.wait_dma2 semaphore(%run_scoped3A : memref<!tpu.dma_semaphore, #tpu.memory_space<semaphore_mem>>) src(%dma_wait3A_78 : memref<10000xi32, #tpu.memory_space<hbm>>) dst(%arg9 : memref<10000xi32, #tpu.memory_space<vmem>>)
      tpu.yield
    }) : () -> ()
    %scan3A = arith.constant 0 : i32
    %scan3A_21 = arith.constant 80 : i32
    %scan3A_22 = arith.addi %scan3A, %scan3A_21 : i32
    %scan3A_23 = arith.constant 1 : i32
    scf.for %scan3A_75 = %scan3A to %scan3A_22 step %scan3A_23  : i32 {
      %mul3A_76 = arith.constant 1 : i32
      %mul3A_77 = arith.muli %scan3A_75, %mul3A_76 : i32
      %add3A_78 = arith.constant 0 : i32
      %add3A_79 = arith.addi %add3A_78, %mul3A_77 : i32
      %swap3A = arith.index_cast %add3A_79 : i32 to index
      %swap3A_80 = arith.constant 0 : index
      %swap3A_81 = tpu.vector_load %arg12[%swap3A, %swap3A_80] {strides = array<i32>} : memref<80x128xf32, #tpu.memory_space<vmem>>, vector<1x16xf32>,
      %swap3A_82 = vector.shape_cast %swap3A_81 : vector<1x16xf32> to vector<16xf32>
      %swap3A_83 = vector.shape_cast %broadcast_in_dim3A_11 : vector<16xf32> to vector<1x16xf32>
      tpu.vector_store %arg12[%swap3A, %swap3A_80], %swap3A_83 {strides = array<i32>} : memref<80x128xf32, #tpu.memory_space<vmem>>, vector<1x16xf32>,
      %swap3A_84 = arith.index_cast %add3A_79 : i32 to index
      %swap3A_85 = arith.constant 16 : index
      %swap3A_86 = tpu.vector_load %arg12[%swap3A_84, %swap3A_85] {strides = array<i32>} : memref<80x128xf32, #tpu.memory_space<vmem>>, vector<1x16xf32>,
      %swap3A_87 = vector.shape_cast %swap3A_86 : vector<1x16xf32> to vector<16xf32>
      %swap3A_88 = vector.shape_cast %broadcast_in_dim3A_11 : vector<16xf32> to vector<1x16xf32>
      tpu.vector_store %arg12[%swap3A_84, %swap3A_85], %swap3A_88 {strides = array<i32>} : memref<80x128xf32, #tpu.memory_space<vmem>>, vector<1x16xf32>,
      %swap3A_89 = arith.index_cast %add3A_79 : i32 to index
      %swap3A_90 = arith.constant 32 : index
      %swap3A_91 = tpu.vector_load %arg12[%swap3A_89, %swap3A_90] {strides = array<i32>} : memref<80x128xf32, #tpu.memory_space<vmem>>, vector<1x16xf32>,
      %swap3A_92 = vector.shape_cast %swap3A_91 : vector<1x16xf32> to vector<16xf32>
      %swap3A_93 = vector.shape_cast %broadcast_in_dim3A_11 : vector<16xf32> to vector<1x16xf32>
      tpu.vector_store %arg12[%swap3A_89, %swap3A_90], %swap3A_93 {strides = array<i32>} : memref<80x128xf32, #tpu.memory_space<vmem>>, vector<1x16xf32>,
      %swap3A_94 = arith.index_cast %add3A_79 : i32 to index
      %swap3A_95 = arith.constant 48 : index
      %swap3A_96 = tpu.vector_load %arg12[%swap3A_94, %swap3A_95] {strides = array<i32>} : memref<80x128xf32, #tpu.memory_space<vmem>>, vector<1x16xf32>,
      %swap3A_97 = vector.shape_cast %swap3A_96 : vector<1x16xf32> to vector<16xf32>
      %swap3A_98 = vector.shape_cast %broadcast_in_dim3A_11 : vector<16xf32> to vector<1x16xf32>
      tpu.vector_store %arg12[%swap3A_94, %swap3A_95], %swap3A_98 {strides = array<i32>} : memref<80x128xf32, #tpu.memory_space<vmem>>, vector<1x16xf32>,
      %swap3A_99 = arith.index_cast %add3A_79 : i32 to index
      %swap3A_100 = arith.constant 64 : index
      %swap3A_101 = tpu.vector_load %arg12[%swap3A_99, %swap3A_100] {strides = array<i32>} : memref<80x128xf32, #tpu.memory_space<vmem>>, vector<1x16xf32>,
      %swap3A_102 = vector.shape_cast %swap3A_101 : vector<1x16xf32> to vector<16xf32>
      %swap3A_103 = vector.shape_cast %broadcast_in_dim3A_11 : vector<16xf32> to vector<1x16xf32>
      tpu.vector_store %arg12[%swap3A_99, %swap3A_100], %swap3A_103 {strides = array<i32>} : memref<80x128xf32, #tpu.memory_space<vmem>>, vector<1x16xf32>,
      %swap3A_104 = arith.index_cast %add3A_79 : i32 to index
      %swap3A_105 = arith.constant 80 : index
      %swap3A_106 = tpu.vector_load %arg12[%swap3A_104, %swap3A_105] {strides = array<i32>} : memref<80x128xf32, #tpu.memory_space<vmem>>, vector<1x16xf32>,
      %swap3A_107 = vector.shape_cast %swap3A_106 : vector<1x16xf32> to vector<16xf32>
      %swap3A_108 = vector.shape_cast %broadcast_in_dim3A_11 : vector<16xf32> to vector<1x16xf32>
      tpu.vector_store %arg12[%swap3A_104, %swap3A_105], %swap3A_108 {strides = array<i32>} : memref<80x128xf32, #tpu.memory_space<vmem>>, vector<1x16xf32>,
      %swap3A_109 = arith.index_cast %add3A_79 : i32 to index
      %swap3A_110 = arith.constant 96 : index
      %swap3A_111 = tpu.vector_load %arg12[%swap3A_109, %swap3A_110] {strides = array<i32>} : memref<80x128xf32, #tpu.memory_space<vmem>>, vector<1x16xf32>,
      %swap3A_112 = vector.shape_cast %swap3A_111 : vector<1x16xf32> to vector<16xf32>
      %swap3A_113 = vector.shape_cast %broadcast_in_dim3A_11 : vector<16xf32> to vector<1x16xf32>
      tpu.vector_store %arg12[%swap3A_109, %swap3A_110], %swap3A_113 {strides = array<i32>} : memref<80x128xf32, #tpu.memory_space<vmem>>, vector<1x16xf32>,
      %swap3A_114 = arith.index_cast %add3A_79 : i32 to index
      %swap3A_115 = arith.constant 112 : index
      %swap3A_116 = tpu.vector_load %arg12[%swap3A_114, %swap3A_115] {strides = array<i32>} : memref<80x128xf32, #tpu.memory_space<vmem>>, vector<1x16xf32>,
      %swap3A_117 = vector.shape_cast %swap3A_116 : vector<1x16xf32> to vector<16xf32>
      %swap3A_118 = vector.shape_cast %broadcast_in_dim3A_11 : vector<16xf32> to vector<1x16xf32>
      tpu.vector_store %arg12[%swap3A_114, %swap3A_115], %swap3A_118 {strides = array<i32>} : memref<80x128xf32, #tpu.memory_space<vmem>>, vector<1x16xf32>,
    }
    %scan3A_24 = arith.constant 80 : i32
    %lt3A = arith.constant 5 : i32
    %lt3A_25 = arith.cmpi slt, %arg1, %lt3A : i32
    %convert_element_type3A = arith.extui %lt3A_25 : i1 to i32
    %cond3A = arith.constant 0 : i32
    %cond3A_26 = arith.cmpi ne, %convert_element_type3A, %cond3A : i32
    scf.if %cond3A_26 {
      %scan3A_75 = arith.constant 0 : i32
      %scan3A_76 = arith.constant 25 : i32
      %scan3A_77 = arith.addi %scan3A_75, %scan3A_76 : i32
      %scan3A_78 = arith.constant 1 : i32
      scf.for %scan3A_80 = %scan3A_75 to %scan3A_77 step %scan3A_78  : i32 {
        %mul3A_81 = arith.constant 1 : i32
        %mul3A_82 = arith.muli %scan3A_80, %mul3A_81 : i32
        %add3A_83 = arith.constant 0 : i32
        %add3A_84 = arith.addi %add3A_83, %mul3A_82 : i32
        %mul3A_85 = arith.constant 2000 : i32
        %mul3A_86 = arith.muli %arg1, %mul3A_85 : i32
        %mul3A_87 = arith.constant 80 : i32
        %mul3A_88 = arith.muli %add3A_84, %mul3A_87 : i32
        %add3A_89 = arith.addi %mul3A_86, %mul3A_88 : i32
        %multiple_of3A_90 = tpu.assume_multiple %add3A_89, 80 : i32
        "tpu.region"() ({
          %run_scoped3A = tpu.sem_alloc : memref<!tpu.dma_semaphore, #tpu.memory_space<semaphore_mem>>
          %dma_start3A_91 = arith.constant 0 : i32
          %dma_start3A_92 = tpu.memref_slice %arg8[%multiple_of3A_90, %dma_start3A_91] : memref<10000x128xf32, #tpu.memory_space<vmem_shared>> -> memref<80x128xf32, #tpu.memory_space<vmem_shared>>
          %dma_start3A_93 = arith.constant 0 : i32
          %dma_start3A_94 = tpu.memref_slice %arg8[%multiple_of3A_90, %dma_start3A_93] : memref<10000x128xf32, #tpu.memory_space<vmem_shared>> -> memref<80x128xf32, #tpu.memory_space<vmem_shared>>
          tpu.enqueue_dma source(%arg12 : memref<80x128xf32, #tpu.memory_space<vmem>>) target(%dma_start3A_94 : memref<80x128xf32, #tpu.memory_space<vmem_shared>>) target_semaphore(%run_scoped3A : memref<!tpu.dma_semaphore, #tpu.memory_space<semaphore_mem>>)
          %dma_wait3A_95 = arith.constant 0 : i32
          %dma_wait3A_96 = tpu.memref_slice %arg8[%multiple_of3A_90, %dma_wait3A_95] : memref<10000x128xf32, #tpu.memory_space<vmem_shared>> -> memref<80x128xf32, #tpu.memory_space<vmem_shared>>
          %dma_wait3A_97 = arith.constant 0 : i32
          %dma_wait3A_98 = tpu.memref_slice %arg8[%multiple_of3A_90, %dma_wait3A_97] : memref<10000x128xf32, #tpu.memory_space<vmem_shared>> -> memref<80x128xf32, #tpu.memory_space<vmem_shared>>
          tpu.wait_dma2 semaphore(%run_scoped3A : memref<!tpu.dma_semaphore, #tpu.memory_space<semaphore_mem>>) src(%arg12 : memref<80x128xf32, #tpu.memory_space<vmem>>) dst(%dma_wait3A_98 : memref<80x128xf32, #tpu.memory_space<vmem_shared>>)
          tpu.yield
        }) : () -> ()
      }
      %scan3A_79 = arith.constant 25 : i32
    } else {
    }
    %barrier3A = arith.constant 0 : index
    tpu.barrier barrier_id(%barrier3A)
    %scan3A_27 = arith.constant 0 : i32
    %scan3A_28 = arith.constant 62 : i32
    %scan3A_29 = arith.addi %scan3A_27, %scan3A_28 : i32
    %scan3A_30 = arith.constant 1 : i32
    scf.for %scan3A_75 = %scan3A_27 to %scan3A_29 step %scan3A_30  : i32 {
      %mul3A_76 = arith.constant 2 : i32
      %mul3A_77 = arith.muli %scan3A_75, %mul3A_76 : i32
      %add3A_78 = arith.constant 0 : i32
      %add3A_79 = arith.addi %add3A_78, %mul3A_77 : i32
      %add3A_80 = arith.constant 0 : i32
      %add3A_81 = arith.addi %add3A_79, %add3A_80 : i32
      %mul3A_82 = arith.constant 80 : i32
      %mul3A_83 = arith.muli %add3A_81, %mul3A_82 : i32
      %add3A_84 = arith.addi %multiple_of3A, %mul3A_83 : i32
      %multiple_of3A_85 = tpu.assume_multiple %add3A_84, 80 : i32
      %dma_start3A_86 = tpu.memref_slice %arg5[%multiple_of3A_85] : memref<320000xi32, #tpu.memory_space<hbm>> -> memref<80xi32, #tpu.memory_space<hbm>>
      %dma_start3A_87 = tpu.memref_slice %arg5[%multiple_of3A_85] : memref<320000xi32, #tpu.memory_space<hbm>> -> memref<80xi32, #tpu.memory_space<hbm>>
      tpu.enqueue_dma source(%dma_start3A_87 : memref<80xi32, #tpu.memory_space<hbm>>) target(%arg10 : memref<80xi32, #tpu.memory_space<vmem>>) target_semaphore(%arg23 : memref<!tpu.dma_semaphore, #tpu.memory_space<semaphore_mem>>)
      %add3A_88 = arith.constant 1 : i32
      %add3A_89 = arith.addi %add3A_79, %add3A_88 : i32
      %mul3A_90 = arith.constant 80 : i32
      %mul3A_91 = arith.muli %add3A_89, %mul3A_90 : i32
      %add3A_92 = arith.addi %multiple_of3A, %mul3A_91 : i32
      %multiple_of3A_93 = tpu.assume_multiple %add3A_92, 80 : i32
      %dma_start3A_94 = tpu.memref_slice %arg5[%multiple_of3A_93] : memref<320000xi32, #tpu.memory_space<hbm>> -> memref<80xi32, #tpu.memory_space<hbm>>
      %dma_start3A_95 = tpu.memref_slice %arg5[%multiple_of3A_93] : memref<320000xi32, #tpu.memory_space<hbm>> -> memref<80xi32, #tpu.memory_space<hbm>>
      tpu.enqueue_dma source(%dma_start3A_95 : memref<80xi32, #tpu.memory_space<hbm>>) target(%arg11 : memref<80xi32, #tpu.memory_space<vmem>>) target_semaphore(%arg24 : memref<!tpu.dma_semaphore, #tpu.memory_space<semaphore_mem>>)
      %add3A_96 = arith.constant 0 : i32
      %add3A_97 = arith.addi %add3A_79, %add3A_96 : i32
      %mul3A_98 = arith.constant 80 : i32
      %mul3A_99 = arith.muli %add3A_97, %mul3A_98 : i32
      %multiple_of3A_100 = tpu.assume_multiple %mul3A_99, 80 : i32
      %dma_start3A_101 = tpu.memref_slice %arg9[%multiple_of3A_100] : memref<10000xi32, #tpu.memory_space<vmem>> -> memref<80xi32, #tpu.memory_space<vmem>>
      %dma_start3A_102 = arith.constant 0 : i32
      %dma_start3A_103 = arith.constant 0 : i32
      %dma_start3A_104 = tpu.memref_slice %arg2[%dma_start3A_102, %dma_start3A_103] : memref<10000x128xf32, #tpu.memory_space<hbm>> -> memref<10000x128xf32, #tpu.memory_space<hbm>>
      tpu.enqueue_indirect_dma source(%dma_start3A_104 : memref<10000x128xf32, #tpu.memory_space<hbm>>) target(%arg12 : memref<80x128xf32, #tpu.memory_space<vmem>>) offsets(%dma_start3A_101 : memref<80xi32, #tpu.memory_space<vmem>>) semaphore(%arg17 : memref<!tpu.dma_semaphore, #tpu.memory_space<semaphore_mem>>)
      %mul3A_105 = arith.constant 40 : i32
      %mul3A_106 = arith.muli %add3A_97, %mul3A_105 : i32
      %add3A_107 = arith.addi %multiple_of3A_20, %mul3A_106 : i32
      %multiple_of3A_108 = tpu.assume_multiple %add3A_107, 40 : i32
      %dma_start3A_109 = arith.constant 0 : i32
      %dma_start3A_110 = tpu.memref_slice %arg3[%multiple_of3A_108, %dma_start3A_109] : memref<160000x128xf32, #tpu.memory_space<hbm>> -> memref<40x128xf32, #tpu.memory_space<hbm>>
      %dma_start3A_111 = arith.constant 0 : i32
      %dma_start3A_112 = tpu.memref_slice %arg3[%multiple_of3A_108, %dma_start3A_111] : memref<160000x128xf32, #tpu.memory_space<hbm>> -> memref<40x128xf32, #tpu.memory_space<hbm>>
      tpu.enqueue_dma source(%dma_start3A_112 : memref<40x128xf32, #tpu.memory_space<hbm>>) target(%arg14 : memref<40x128xf32, #tpu.memory_space<vmem>>) target_semaphore(%arg19 : memref<!tpu.dma_semaphore, #tpu.memory_space<semaphore_mem>>)
      %add3A_113 = arith.constant 1 : i32
      %add3A_114 = arith.addi %add3A_79, %add3A_113 : i32
      %mul3A_115 = arith.constant 80 : i32
      %mul3A_116 = arith.muli %add3A_114, %mul3A_115 : i32
      %multiple_of3A_117 = tpu.assume_multiple %mul3A_116, 80 : i32
      %dma_start3A_118 = tpu.memref_slice %arg9[%multiple_of3A_117] : memref<10000xi32, #tpu.memory_space<vmem>> -> memref<80xi32, #tpu.memory_space<vmem>>
      %dma_start3A_119 = arith.constant 0 : i32
      %dma_start3A_120 = arith.constant 0 : i32
      %dma_start3A_121 = tpu.memref_slice %arg2[%dma_start3A_119, %dma_start3A_120] : memref<10000x128xf32, #tpu.memory_space<hbm>> -> memref<10000x128xf32, #tpu.memory_space<hbm>>
      tpu.enqueue_indirect_dma source(%dma_start3A_121 : memref<10000x128xf32, #tpu.memory_space<hbm>>) target(%arg13 : memref<80x128xf32, #tpu.memory_space<vmem>>) offsets(%dma_start3A_118 : memref<80xi32, #tpu.memory_space<vmem>>) semaphore(%arg18 : memref<!tpu.dma_semaphore, #tpu.memory_space<semaphore_mem>>)
      %mul3A_122 = arith.constant 40 : i32
      %mul3A_123 = arith.muli %add3A_114, %mul3A_122 : i32
      %add3A_124 = arith.addi %multiple_of3A_20, %mul3A_123 : i32
      %multiple_of3A_125 = tpu.assume_multiple %add3A_124, 40 : i32
      %dma_start3A_126 = arith.constant 0 : i32
      %dma_start3A_127 = tpu.memref_slice %arg3[%multiple_of3A_125, %dma_start3A_126] : memref<160000x128xf32, #tpu.memory_space<hbm>> -> memref<40x128xf32, #tpu.memory_space<hbm>>
      %dma_start3A_128 = arith.constant 0 : i32
      %dma_start3A_129 = tpu.memref_slice %arg3[%multiple_of3A_125, %dma_start3A_128] : memref<160000x128xf32, #tpu.memory_space<hbm>> -> memref<40x128xf32, #tpu.memory_space<hbm>>
      tpu.enqueue_dma source(%dma_start3A_129 : memref<40x128xf32, #tpu.memory_space<hbm>>) target(%arg15 : memref<40x128xf32, #tpu.memory_space<vmem>>) target_semaphore(%arg20 : memref<!tpu.dma_semaphore, #tpu.memory_space<semaphore_mem>>)
      %dma_wait3A_130 = tpu.memref_slice %arg9[%multiple_of3A_100] : memref<10000xi32, #tpu.memory_space<vmem>> -> memref<80xi32, #tpu.memory_space<vmem>>
      %dma_wait3A_131 = arith.constant 0 : i32
      %dma_wait3A_132 = arith.constant 0 : i32
      %dma_wait3A_133 = tpu.memref_slice %arg2[%dma_wait3A_131, %dma_wait3A_132] : memref<10000x128xf32, #tpu.memory_space<hbm>> -> memref<10000x128xf32, #tpu.memory_space<hbm>>
      tpu.wait_indirect_dma semaphore(%arg17 : memref<!tpu.dma_semaphore, #tpu.memory_space<semaphore_mem>>) src(%dma_wait3A_133 : memref<10000x128xf32, #tpu.memory_space<hbm>>) dst(%arg12 : memref<80x128xf32, #tpu.memory_space<vmem>>)
      %dma_wait3A_134 = arith.constant 0 : i32
      %dma_wait3A_135 = tpu.memref_slice %arg3[%multiple_of3A_108, %dma_wait3A_134] : memref<160000x128xf32, #tpu.memory_space<hbm>> -> memref<40x128xf32, #tpu.memory_space<hbm>>
      %dma_wait3A_136 = arith.constant 0 : i32
      %dma_wait3A_137 = tpu.memref_slice %arg3[%multiple_of3A_108, %dma_wait3A_136] : memref<160000x128xf32, #tpu.memory_space<hbm>> -> memref<40x128xf32, #tpu.memory_space<hbm>>
      tpu.wait_dma2 semaphore(%arg19 : memref<!tpu.dma_semaphore, #tpu.memory_space<semaphore_mem>>) src(%dma_wait3A_137 : memref<40x128xf32, #tpu.memory_space<hbm>>) dst(%arg14 : memref<40x128xf32, #tpu.memory_space<vmem>>)
      %scan3A_138 = arith.constant 0 : i32
      %scan3A_139 = arith.constant 40 : i32
      %scan3A_140 = arith.addi %scan3A_138, %scan3A_139 : i32
      %scan3A_141 = arith.constant 1 : i32
      scf.for %scan3A_172 = %scan3A_138 to %scan3A_140 step %scan3A_141  : i32 {
        %mul3A_173 = arith.constant 1 : i32
        %mul3A_174 = arith.muli %scan3A_172, %mul3A_173 : i32
        %add3A_175 = arith.constant 0 : i32
        %add3A_176 = arith.addi %add3A_175, %mul3A_174 : i32
        %mul3A_177 = arith.constant 2 : i32
        %mul3A_178 = arith.muli %mul3A_177, %add3A_176 : i32
        %add3A_179 = arith.constant 0 : i32
        %add3A_180 = arith.addi %mul3A_178, %add3A_179 : i32
        %get3A_181 = arith.index_cast %add3A_180 : i32 to index
        %get3A_182 = arith.constant 0 : index
        %get3A_183 = tpu.vector_load %arg12[%get3A_181, %get3A_182] {strides = array<i32>} : memref<80x128xf32, #tpu.memory_space<vmem>>, vector<1x16xf32>,
        %get3A_184 = vector.shape_cast %get3A_183 : vector<1x16xf32> to vector<16xf32>
        %get3A_185 = arith.index_cast %add3A_176 : i32 to index
        %get3A_186 = arith.constant 0 : index
        %get3A_187 = tpu.vector_load %arg14[%get3A_185, %get3A_186] {strides = array<i32>} : memref<40x128xf32, #tpu.memory_space<vmem>>, vector<1x16xf32>,
        %get3A_188 = vector.shape_cast %get3A_187 : vector<1x16xf32> to vector<16xf32>
        %mul3A_189 = arith.mulf %get3A_188, %get3A_1 : vector<16xf32>
        %add3A_190 = arith.addf %get3A_184, %mul3A_189 : vector<16xf32>
        %max3A = arith.constant 0.000000e+00 : f32
        %max3A_191 = vector.broadcast %max3A : f32 to vector<16xf32>
        %max3A_192 = arith.maximumf %add3A_190, %max3A_191 : vector<16xf32>
        %swap3A = arith.index_cast %add3A_180 : i32 to index
        %swap3A_193 = arith.constant 0 : index
        %swap3A_194 = tpu.vector_load %arg12[%swap3A, %swap3A_193] {strides = array<i32>} : memref<80x128xf32, #tpu.memory_space<vmem>>, vector<1x16xf32>,
        %swap3A_195 = vector.shape_cast %swap3A_194 : vector<1x16xf32> to vector<16xf32>
        %swap3A_196 = vector.shape_cast %max3A_192 : vector<16xf32> to vector<1x16xf32>
        tpu.vector_store %arg12[%swap3A, %swap3A_193], %swap3A_196 {strides = array<i32>} : memref<80x128xf32, #tpu.memory_space<vmem>>, vector<1x16xf32>,
        %get3A_197 = arith.index_cast %add3A_180 : i32 to index
        %get3A_198 = arith.constant 16 : index
        %get3A_199 = tpu.vector_load %arg12[%get3A_197, %get3A_198] {strides = array<i32>} : memref<80x128xf32, #tpu.memory_space<vmem>>, vector<1x16xf32>,
        %get3A_200 = vector.shape_cast %get3A_199 : vector<1x16xf32> to vector<16xf32>
        %get3A_201 = arith.index_cast %add3A_176 : i32 to index
        %get3A_202 = arith.constant 16 : index
        %get3A_203 = tpu.vector_load %arg14[%get3A_201, %get3A_202] {strides = array<i32>} : memref<40x128xf32, #tpu.memory_space<vmem>>, vector<1x16xf32>,
        %get3A_204 = vector.shape_cast %get3A_203 : vector<1x16xf32> to vector<16xf32>
        %mul3A_205 = arith.mulf %get3A_204, %get3A_4 : vector<16xf32>
        %add3A_206 = arith.addf %get3A_200, %mul3A_205 : vector<16xf32>
        %max3A_207 = arith.constant 0.000000e+00 : f32
        %max3A_208 = vector.broadcast %max3A_207 : f32 to vector<16xf32>
        %max3A_209 = arith.maximumf %add3A_206, %max3A_208 : vector<16xf32>
        %swap3A_210 = arith.index_cast %add3A_180 : i32 to index
        %swap3A_211 = arith.constant 16 : index
        %swap3A_212 = tpu.vector_load %arg12[%swap3A_210, %swap3A_211] {strides = array<i32>} : memref<80x128xf32, #tpu.memory_space<vmem>>, vector<1x16xf32>,
        %swap3A_213 = vector.shape_cast %swap3A_212 : vector<1x16xf32> to vector<16xf32>
        %swap3A_214 = vector.shape_cast %max3A_209 : vector<16xf32> to vector<1x16xf32>
        tpu.vector_store %arg12[%swap3A_210, %swap3A_211], %swap3A_214 {strides = array<i32>} : memref<80x128xf32, #tpu.memory_space<vmem>>, vector<1x16xf32>,
        %get3A_215 = arith.index_cast %add3A_180 : i32 to index
        %get3A_216 = arith.constant 32 : index
        %get3A_217 = tpu.vector_load %arg12[%get3A_215, %get3A_216] {strides = array<i32>} : memref<80x128xf32, #tpu.memory_space<vmem>>, vector<1x16xf32>,
        %get3A_218 = vector.shape_cast %get3A_217 : vector<1x16xf32> to vector<16xf32>
        %get3A_219 = arith.index_cast %add3A_176 : i32 to index
        %get3A_220 = arith.constant 32 : index
        %get3A_221 = tpu.vector_load %arg14[%get3A_219, %get3A_220] {strides = array<i32>} : memref<40x128xf32, #tpu.memory_space<vmem>>, vector<1x16xf32>,
        %get3A_222 = vector.shape_cast %get3A_221 : vector<1x16xf32> to vector<16xf32>
        %mul3A_223 = arith.mulf %get3A_222, %get3A_7 : vector<16xf32>
        %add3A_224 = arith.addf %get3A_218, %mul3A_223 : vector<16xf32>
        %max3A_225 = arith.constant 0.000000e+00 : f32
        %max3A_226 = vector.broadcast %max3A_225 : f32 to vector<16xf32>
        %max3A_227 = arith.maximumf %add3A_224, %max3A_226 : vector<16xf32>
        %swap3A_228 = arith.index_cast %add3A_180 : i32 to index
        %swap3A_229 = arith.constant 32 : index
        %swap3A_230 = tpu.vector_load %arg12[%swap3A_228, %swap3A_229] {strides = array<i32>} : memref<80x128xf32, #tpu.memory_space<vmem>>, vector<1x16xf32>,
        %swap3A_231 = vector.shape_cast %swap3A_230 : vector<1x16xf32> to vector<16xf32>
        %swap3A_232 = vector.shape_cast %max3A_227 : vector<16xf32> to vector<1x16xf32>
        tpu.vector_store %arg12[%swap3A_228, %swap3A_229], %swap3A_232 {strides = array<i32>} : memref<80x128xf32, #tpu.memory_space<vmem>>, vector<1x16xf32>,
        %get3A_233 = arith.index_cast %add3A_180 : i32 to index
        %get3A_234 = arith.constant 48 : index
        %get3A_235 = tpu.vector_load %arg12[%get3A_233, %get3A_234] {strides = array<i32>} : memref<80x128xf32, #tpu.memory_space<vmem>>, vector<1x16xf32>,
        %get3A_236 = vector.shape_cast %get3A_235 : vector<1x16xf32> to vector<16xf32>
        %get3A_237 = arith.index_cast %add3A_176 : i32 to index
        %get3A_238 = arith.constant 48 : index
        %get3A_239 = tpu.vector_load %arg14[%get3A_237, %get3A_238] {strides = array<i32>} : memref<40x128xf32, #tpu.memory_space<vmem>>, vector<1x16xf32>,
        %get3A_240 = vector.shape_cast %get3A_239 : vector<1x16xf32> to vector<16xf32>
        %mul3A_241 = arith.mulf %get3A_240, %get3A_10 : vector<16xf32>
        %add3A_242 = arith.addf %get3A_236, %mul3A_241 : vector<16xf32>
        %max3A_243 = arith.constant 0.000000e+00 : f32
        %max3A_244 = vector.broadcast %max3A_243 : f32 to vector<16xf32>
        %max3A_245 = arith.maximumf %add3A_242, %max3A_244 : vector<16xf32>
        %swap3A_246 = arith.index_cast %add3A_180 : i32 to index
        %swap3A_247 = arith.constant 48 : index
        %swap3A_248 = tpu.vector_load %arg12[%swap3A_246, %swap3A_247] {strides = array<i32>} : memref<80x128xf32, #tpu.memory_space<vmem>>, vector<1x16xf32>,
        %swap3A_249 = vector.shape_cast %swap3A_248 : vector<1x16xf32> to vector<16xf32>
        %swap3A_250 = vector.shape_cast %max3A_245 : vector<16xf32> to vector<1x16xf32>
        tpu.vector_store %arg12[%swap3A_246, %swap3A_247], %swap3A_250 {strides = array<i32>} : memref<80x128xf32, #tpu.memory_space<vmem>>, vector<1x16xf32>,
        %mul3A_251 = arith.constant 2 : i32
        %mul3A_252 = arith.muli %mul3A_251, %add3A_176 : i32
        %add3A_253 = arith.constant 1 : i32
        %add3A_254 = arith.addi %mul3A_252, %add3A_253 : i32
        %get3A_255 = arith.index_cast %add3A_254 : i32 to index
        %get3A_256 = arith.constant 0 : index
        %get3A_257 = tpu.vector_load %arg12[%get3A_255, %get3A_256] {strides = array<i32>} : memref<80x128xf32, #tpu.memory_space<vmem>>, vector<1x16xf32>,
        %get3A_258 = vector.shape_cast %get3A_257 : vector<1x16xf32> to vector<16xf32>
        %get3A_259 = arith.index_cast %add3A_176 : i32 to index
        %get3A_260 = arith.constant 64 : index
        %get3A_261 = tpu.vector_load %arg14[%get3A_259, %get3A_260] {strides = array<i32>} : memref<40x128xf32, #tpu.memory_space<vmem>>, vector<1x16xf32>,
        %get3A_262 = vector.shape_cast %get3A_261 : vector<1x16xf32> to vector<16xf32>
        %mul3A_263 = arith.mulf %get3A_262, %get3A_1 : vector<16xf32>
        %add3A_264 = arith.addf %get3A_258, %mul3A_263 : vector<16xf32>
        %max3A_265 = arith.constant 0.000000e+00 : f32
        %max3A_266 = vector.broadcast %max3A_265 : f32 to vector<16xf32>
        %max3A_267 = arith.maximumf %add3A_264, %max3A_266 : vector<16xf32>
        %swap3A_268 = arith.index_cast %add3A_254 : i32 to index
        %swap3A_269 = arith.constant 0 : index
        %swap3A_270 = tpu.vector_load %arg12[%swap3A_268, %swap3A_269] {strides = array<i32>} : memref<80x128xf32, #tpu.memory_space<vmem>>, vector<1x16xf32>,
        %swap3A_271 = vector.shape_cast %swap3A_270 : vector<1x16xf32> to vector<16xf32>
        %swap3A_272 = vector.shape_cast %max3A_267 : vector<16xf32> to vector<1x16xf32>
        tpu.vector_store %arg12[%swap3A_268, %swap3A_269], %swap3A_272 {strides = array<i32>} : memref<80x128xf32, #tpu.memory_space<vmem>>, vector<1x16xf32>,
        %get3A_273 = arith.index_cast %add3A_254 : i32 to index
        %get3A_274 = arith.constant 16 : index
        %get3A_275 = tpu.vector_load %arg12[%get3A_273, %get3A_274] {strides = array<i32>} : memref<80x128xf32, #tpu.memory_space<vmem>>, vector<1x16xf32>,
        %get3A_276 = vector.shape_cast %get3A_275 : vector<1x16xf32> to vector<16xf32>
        %get3A_277 = arith.index_cast %add3A_176 : i32 to index
        %get3A_278 = arith.constant 80 : index
        %get3A_279 = tpu.vector_load %arg14[%get3A_277, %get3A_278] {strides = array<i32>} : memref<40x128xf32, #tpu.memory_space<vmem>>, vector<1x16xf32>,
        %get3A_280 = vector.shape_cast %get3A_279 : vector<1x16xf32> to vector<16xf32>
        %mul3A_281 = arith.mulf %get3A_280, %get3A_4 : vector<16xf32>
        %add3A_282 = arith.addf %get3A_276, %mul3A_281 : vector<16xf32>
        %max3A_283 = arith.constant 0.000000e+00 : f32
        %max3A_284 = vector.broadcast %max3A_283 : f32 to vector<16xf32>
        %max3A_285 = arith.maximumf %add3A_282, %max3A_284 : vector<16xf32>
        %swap3A_286 = arith.index_cast %add3A_254 : i32 to index
        %swap3A_287 = arith.constant 16 : index
        %swap3A_288 = tpu.vector_load %arg12[%swap3A_286, %swap3A_287] {strides = array<i32>} : memref<80x128xf32, #tpu.memory_space<vmem>>, vector<1x16xf32>,
        %swap3A_289 = vector.shape_cast %swap3A_288 : vector<1x16xf32> to vector<16xf32>
        %swap3A_290 = vector.shape_cast %max3A_285 : vector<16xf32> to vector<1x16xf32>
        tpu.vector_store %arg12[%swap3A_286, %swap3A_287], %swap3A_290 {strides = array<i32>} : memref<80x128xf32, #tpu.memory_space<vmem>>, vector<1x16xf32>,
        %get3A_291 = arith.index_cast %add3A_254 : i32 to index
        %get3A_292 = arith.constant 32 : index
        %get3A_293 = tpu.vector_load %arg12[%get3A_291, %get3A_292] {strides = array<i32>} : memref<80x128xf32, #tpu.memory_space<vmem>>, vector<1x16xf32>,
        %get3A_294 = vector.shape_cast %get3A_293 : vector<1x16xf32> to vector<16xf32>
        %get3A_295 = arith.index_cast %add3A_176 : i32 to index
        %get3A_296 = arith.constant 96 : index
        %get3A_297 = tpu.vector_load %arg14[%get3A_295, %get3A_296] {strides = array<i32>} : memref<40x128xf32, #tpu.memory_space<vmem>>, vector<1x16xf32>,
        %get3A_298 = vector.shape_cast %get3A_297 : vector<1x16xf32> to vector<16xf32>
        %mul3A_299 = arith.mulf %get3A_298, %get3A_7 : vector<16xf32>
        %add3A_300 = arith.addf %get3A_294, %mul3A_299 : vector<16xf32>
        %max3A_301 = arith.constant 0.000000e+00 : f32
        %max3A_302 = vector.broadcast %max3A_301 : f32 to vector<16xf32>
        %max3A_303 = arith.maximumf %add3A_300, %max3A_302 : vector<16xf32>
        %swap3A_304 = arith.index_cast %add3A_254 : i32 to index
        %swap3A_305 = arith.constant 32 : index
        %swap3A_306 = tpu.vector_load %arg12[%swap3A_304, %swap3A_305] {strides = array<i32>} : memref<80x128xf32, #tpu.memory_space<vmem>>, vector<1x16xf32>,
        %swap3A_307 = vector.shape_cast %swap3A_306 : vector<1x16xf32> to vector<16xf32>
        %swap3A_308 = vector.shape_cast %max3A_303 : vector<16xf32> to vector<1x16xf32>
        tpu.vector_store %arg12[%swap3A_304, %swap3A_305], %swap3A_308 {strides = array<i32>} : memref<80x128xf32, #tpu.memory_space<vmem>>, vector<1x16xf32>,
        %get3A_309 = arith.index_cast %add3A_254 : i32 to index
        %get3A_310 = arith.constant 48 : index
        %get3A_311 = tpu.vector_load %arg12[%get3A_309, %get3A_310] {strides = array<i32>} : memref<80x128xf32, #tpu.memory_space<vmem>>, vector<1x16xf32>,
        %get3A_312 = vector.shape_cast %get3A_311 : vector<1x16xf32> to vector<16xf32>
        %get3A_313 = arith.index_cast %add3A_176 : i32 to index
        %get3A_314 = arith.constant 112 : index
        %get3A_315 = tpu.vector_load %arg14[%get3A_313, %get3A_314] {strides = array<i32>} : memref<40x128xf32, #tpu.memory_space<vmem>>, vector<1x16xf32>,
        %get3A_316 = vector.shape_cast %get3A_315 : vector<1x16xf32> to vector<16xf32>
        %mul3A_317 = arith.mulf %get3A_316, %get3A_10 : vector<16xf32>
        %add3A_318 = arith.addf %get3A_312, %mul3A_317 : vector<16xf32>
        %max3A_319 = arith.constant 0.000000e+00 : f32
        %max3A_320 = vector.broadcast %max3A_319 : f32 to vector<16xf32>
        %max3A_321 = arith.maximumf %add3A_318, %max3A_320 : vector<16xf32>
        %swap3A_322 = arith.index_cast %add3A_254 : i32 to index
        %swap3A_323 = arith.constant 48 : index
        %swap3A_324 = tpu.vector_load %arg12[%swap3A_322, %swap3A_323] {strides = array<i32>} : memref<80x128xf32, #tpu.memory_space<vmem>>, vector<1x16xf32>,
        %swap3A_325 = vector.shape_cast %swap3A_324 : vector<1x16xf32> to vector<16xf32>
        %swap3A_326 = vector.shape_cast %max3A_321 : vector<16xf32> to vector<1x16xf32>
        tpu.vector_store %arg12[%swap3A_322, %swap3A_323], %swap3A_326 {strides = array<i32>} : memref<80x128xf32, #tpu.memory_space<vmem>>, vector<1x16xf32>,
      }
      %scan3A_142 = arith.constant 40 : i32
      %dma_wait3A_143 = tpu.memref_slice %arg5[%multiple_of3A_85] : memref<320000xi32, #tpu.memory_space<hbm>> -> memref<80xi32, #tpu.memory_space<hbm>>
      %dma_wait3A_144 = tpu.memref_slice %arg5[%multiple_of3A_85] : memref<320000xi32, #tpu.memory_space<hbm>> -> memref<80xi32, #tpu.memory_space<hbm>>
      tpu.wait_dma2 semaphore(%arg23 : memref<!tpu.dma_semaphore, #tpu.memory_space<semaphore_mem>>) src(%dma_wait3A_144 : memref<80xi32, #tpu.memory_space<hbm>>) dst(%arg10 : memref<80xi32, #tpu.memory_space<vmem>>)
      %dma_start3A_145 = arith.constant 0 : i32
      %dma_start3A_146 = arith.constant 0 : i32
      %dma_start3A_147 = tpu.memref_slice %arg8[%dma_start3A_145, %dma_start3A_146] : memref<10000x128xf32, #tpu.memory_space<vmem_shared>> -> memref<10000x128xf32, #tpu.memory_space<vmem_shared>>
      tpu.enqueue_indirect_dma source(%arg12 : memref<80x128xf32, #tpu.memory_space<vmem>>) target(%dma_start3A_147 : memref<10000x128xf32, #tpu.memory_space<vmem_shared>>) offsets(%arg10 : memref<80xi32, #tpu.memory_space<vmem>>) semaphore(%arg21 : memref<!tpu.dma_semaphore, #tpu.memory_space<semaphore_mem>>) {add = true}
      %dma_wait3A_148 = tpu.memref_slice %arg9[%multiple_of3A_117] : memref<10000xi32, #tpu.memory_space<vmem>> -> memref<80xi32, #tpu.memory_space<vmem>>
      %dma_wait3A_149 = arith.constant 0 : i32
      %dma_wait3A_150 = arith.constant 0 : i32
      %dma_wait3A_151 = tpu.memref_slice %arg2[%dma_wait3A_149, %dma_wait3A_150] : memref<10000x128xf32, #tpu.memory_space<hbm>> -> memref<10000x128xf32, #tpu.memory_space<hbm>>
      tpu.wait_indirect_dma semaphore(%arg18 : memref<!tpu.dma_semaphore, #tpu.memory_space<semaphore_mem>>) src(%dma_wait3A_151 : memref<10000x128xf32, #tpu.memory_space<hbm>>) dst(%arg13 : memref<80x128xf32, #tpu.memory_space<vmem>>)
      %dma_wait3A_152 = arith.constant 0 : i32
      %dma_wait3A_153 = tpu.memref_slice %arg3[%multiple_of3A_125, %dma_wait3A_152] : memref<160000x128xf32, #tpu.memory_space<hbm>> -> memref<40x128xf32, #tpu.memory_space<hbm>>
      %dma_wait3A_154 = arith.constant 0 : i32
      %dma_wait3A_155 = tpu.memref_slice %arg3[%multiple_of3A_125, %dma_wait3A_154] : memref<160000x128xf32, #tpu.memory_space<hbm>> -> memref<40x128xf32, #tpu.memory_space<hbm>>
      tpu.wait_dma2 semaphore(%arg20 : memref<!tpu.dma_semaphore, #tpu.memory_space<semaphore_mem>>) src(%dma_wait3A_155 : memref<40x128xf32, #tpu.memory_space<hbm>>) dst(%arg15 : memref<40x128xf32, #tpu.memory_space<vmem>>)
      %scan3A_156 = arith.constant 0 : i32
      %scan3A_157 = arith.constant 40 : i32
      %scan3A_158 = arith.addi %scan3A_156, %scan3A_157 : i32
      %scan3A_159 = arith.constant 1 : i32
      scf.for %scan3A_172 = %scan3A_156 to %scan3A_158 step %scan3A_159  : i32 {
        %mul3A_173 = arith.constant 1 : i32
        %mul3A_174 = arith.muli %scan3A_172, %mul3A_173 : i32
        %add3A_175 = arith.constant 0 : i32
        %add3A_176 = arith.addi %add3A_175, %mul3A_174 : i32
        %mul3A_177 = arith.constant 2 : i32
        %mul3A_178 = arith.muli %mul3A_177, %add3A_176 : i32
        %add3A_179 = arith.constant 0 : i32
        %add3A_180 = arith.addi %mul3A_178, %add3A_179 : i32
        %get3A_181 = arith.index_cast %add3A_180 : i32 to index
        %get3A_182 = arith.constant 0 : index
        %get3A_183 = tpu.vector_load %arg13[%get3A_181, %get3A_182] {strides = array<i32>} : memref<80x128xf32, #tpu.memory_space<vmem>>, vector<1x16xf32>,
        %get3A_184 = vector.shape_cast %get3A_183 : vector<1x16xf32> to vector<16xf32>
        %get3A_185 = arith.index_cast %add3A_176 : i32 to index
        %get3A_186 = arith.constant 0 : index
        %get3A_187 = tpu.vector_load %arg15[%get3A_185, %get3A_186] {strides = array<i32>} : memref<40x128xf32, #tpu.memory_space<vmem>>, vector<1x16xf32>,
        %get3A_188 = vector.shape_cast %get3A_187 : vector<1x16xf32> to vector<16xf32>
        %mul3A_189 = arith.mulf %get3A_188, %get3A_1 : vector<16xf32>
        %add3A_190 = arith.addf %get3A_184, %mul3A_189 : vector<16xf32>
        %max3A = arith.constant 0.000000e+00 : f32
        %max3A_191 = vector.broadcast %max3A : f32 to vector<16xf32>
        %max3A_192 = arith.maximumf %add3A_190, %max3A_191 : vector<16xf32>
        %swap3A = arith.index_cast %add3A_180 : i32 to index
        %swap3A_193 = arith.constant 0 : index
        %swap3A_194 = tpu.vector_load %arg13[%swap3A, %swap3A_193] {strides = array<i32>} : memref<80x128xf32, #tpu.memory_space<vmem>>, vector<1x16xf32>,
        %swap3A_195 = vector.shape_cast %swap3A_194 : vector<1x16xf32> to vector<16xf32>
        %swap3A_196 = vector.shape_cast %max3A_192 : vector<16xf32> to vector<1x16xf32>
        tpu.vector_store %arg13[%swap3A, %swap3A_193], %swap3A_196 {strides = array<i32>} : memref<80x128xf32, #tpu.memory_space<vmem>>, vector<1x16xf32>,
        %get3A_197 = arith.index_cast %add3A_180 : i32 to index
        %get3A_198 = arith.constant 16 : index
        %get3A_199 = tpu.vector_load %arg13[%get3A_197, %get3A_198] {strides = array<i32>} : memref<80x128xf32, #tpu.memory_space<vmem>>, vector<1x16xf32>,
        %get3A_200 = vector.shape_cast %get3A_199 : vector<1x16xf32> to vector<16xf32>
        %get3A_201 = arith.index_cast %add3A_176 : i32 to index
        %get3A_202 = arith.constant 16 : index
        %get3A_203 = tpu.vector_load %arg15[%get3A_201, %get3A_202] {strides = array<i32>} : memref<40x128xf32, #tpu.memory_space<vmem>>, vector<1x16xf32>,
        %get3A_204 = vector.shape_cast %get3A_203 : vector<1x16xf32> to vector<16xf32>
        %mul3A_205 = arith.mulf %get3A_204, %get3A_4 : vector<16xf32>
        %add3A_206 = arith.addf %get3A_200, %mul3A_205 : vector<16xf32>
        %max3A_207 = arith.constant 0.000000e+00 : f32
        %max3A_208 = vector.broadcast %max3A_207 : f32 to vector<16xf32>
        %max3A_209 = arith.maximumf %add3A_206, %max3A_208 : vector<16xf32>
        %swap3A_210 = arith.index_cast %add3A_180 : i32 to index
        %swap3A_211 = arith.constant 16 : index
        %swap3A_212 = tpu.vector_load %arg13[%swap3A_210, %swap3A_211] {strides = array<i32>} : memref<80x128xf32, #tpu.memory_space<vmem>>, vector<1x16xf32>,
        %swap3A_213 = vector.shape_cast %swap3A_212 : vector<1x16xf32> to vector<16xf32>
        %swap3A_214 = vector.shape_cast %max3A_209 : vector<16xf32> to vector<1x16xf32>
        tpu.vector_store %arg13[%swap3A_210, %swap3A_211], %swap3A_214 {strides = array<i32>} : memref<80x128xf32, #tpu.memory_space<vmem>>, vector<1x16xf32>,
        %get3A_215 = arith.index_cast %add3A_180 : i32 to index
        %get3A_216 = arith.constant 32 : index
        %get3A_217 = tpu.vector_load %arg13[%get3A_215, %get3A_216] {strides = array<i32>} : memref<80x128xf32, #tpu.memory_space<vmem>>, vector<1x16xf32>,
        %get3A_218 = vector.shape_cast %get3A_217 : vector<1x16xf32> to vector<16xf32>
        %get3A_219 = arith.index_cast %add3A_176 : i32 to index
        %get3A_220 = arith.constant 32 : index
        %get3A_221 = tpu.vector_load %arg15[%get3A_219, %get3A_220] {strides = array<i32>} : memref<40x128xf32, #tpu.memory_space<vmem>>, vector<1x16xf32>,
        %get3A_222 = vector.shape_cast %get3A_221 : vector<1x16xf32> to vector<16xf32>
        %mul3A_223 = arith.mulf %get3A_222, %get3A_7 : vector<16xf32>
        %add3A_224 = arith.addf %get3A_218, %mul3A_223 : vector<16xf32>
        %max3A_225 = arith.constant 0.000000e+00 : f32
        %max3A_226 = vector.broadcast %max3A_225 : f32 to vector<16xf32>
        %max3A_227 = arith.maximumf %add3A_224, %max3A_226 : vector<16xf32>
        %swap3A_228 = arith.index_cast %add3A_180 : i32 to index
        %swap3A_229 = arith.constant 32 : index
        %swap3A_230 = tpu.vector_load %arg13[%swap3A_228, %swap3A_229] {strides = array<i32>} : memref<80x128xf32, #tpu.memory_space<vmem>>, vector<1x16xf32>,
        %swap3A_231 = vector.shape_cast %swap3A_230 : vector<1x16xf32> to vector<16xf32>
        %swap3A_232 = vector.shape_cast %max3A_227 : vector<16xf32> to vector<1x16xf32>
        tpu.vector_store %arg13[%swap3A_228, %swap3A_229], %swap3A_232 {strides = array<i32>} : memref<80x128xf32, #tpu.memory_space<vmem>>, vector<1x16xf32>,
        %get3A_233 = arith.index_cast %add3A_180 : i32 to index
        %get3A_234 = arith.constant 48 : index
        %get3A_235 = tpu.vector_load %arg13[%get3A_233, %get3A_234] {strides = array<i32>} : memref<80x128xf32, #tpu.memory_space<vmem>>, vector<1x16xf32>,
        %get3A_236 = vector.shape_cast %get3A_235 : vector<1x16xf32> to vector<16xf32>
        %get3A_237 = arith.index_cast %add3A_176 : i32 to index
        %get3A_238 = arith.constant 48 : index
        %get3A_239 = tpu.vector_load %arg15[%get3A_237, %get3A_238] {strides = array<i32>} : memref<40x128xf32, #tpu.memory_space<vmem>>, vector<1x16xf32>,
        %get3A_240 = vector.shape_cast %get3A_239 : vector<1x16xf32> to vector<16xf32>
        %mul3A_241 = arith.mulf %get3A_240, %get3A_10 : vector<16xf32>
        %add3A_242 = arith.addf %get3A_236, %mul3A_241 : vector<16xf32>
        %max3A_243 = arith.constant 0.000000e+00 : f32
        %max3A_244 = vector.broadcast %max3A_243 : f32 to vector<16xf32>
        %max3A_245 = arith.maximumf %add3A_242, %max3A_244 : vector<16xf32>
        %swap3A_246 = arith.index_cast %add3A_180 : i32 to index
        %swap3A_247 = arith.constant 48 : index
        %swap3A_248 = tpu.vector_load %arg13[%swap3A_246, %swap3A_247] {strides = array<i32>} : memref<80x128xf32, #tpu.memory_space<vmem>>, vector<1x16xf32>,
        %swap3A_249 = vector.shape_cast %swap3A_248 : vector<1x16xf32> to vector<16xf32>
        %swap3A_250 = vector.shape_cast %max3A_245 : vector<16xf32> to vector<1x16xf32>
        tpu.vector_store %arg13[%swap3A_246, %swap3A_247], %swap3A_250 {strides = array<i32>} : memref<80x128xf32, #tpu.memory_space<vmem>>, vector<1x16xf32>,
        %mul3A_251 = arith.constant 2 : i32
        %mul3A_252 = arith.muli %mul3A_251, %add3A_176 : i32
        %add3A_253 = arith.constant 1 : i32
        %add3A_254 = arith.addi %mul3A_252, %add3A_253 : i32
        %get3A_255 = arith.index_cast %add3A_254 : i32 to index
        %get3A_256 = arith.constant 0 : index
        %get3A_257 = tpu.vector_load %arg13[%get3A_255, %get3A_256] {strides = array<i32>} : memref<80x128xf32, #tpu.memory_space<vmem>>, vector<1x16xf32>,
        %get3A_258 = vector.shape_cast %get3A_257 : vector<1x16xf32> to vector<16xf32>
        %get3A_259 = arith.index_cast %add3A_176 : i32 to index
        %get3A_260 = arith.constant 64 : index
        %get3A_261 = tpu.vector_load %arg15[%get3A_259, %get3A_260] {strides = array<i32>} : memref<40x128xf32, #tpu.memory_space<vmem>>, vector<1x16xf32>,
        %get3A_262 = vector.shape_cast %get3A_261 : vector<1x16xf32> to vector<16xf32>
        %mul3A_263 = arith.mulf %get3A_262, %get3A_1 : vector<16xf32>
        %add3A_264 = arith.addf %get3A_258, %mul3A_263 : vector<16xf32>
        %max3A_265 = arith.constant 0.000000e+00 : f32
        %max3A_266 = vector.broadcast %max3A_265 : f32 to vector<16xf32>
        %max3A_267 = arith.maximumf %add3A_264, %max3A_266 : vector<16xf32>
        %swap3A_268 = arith.index_cast %add3A_254 : i32 to index
        %swap3A_269 = arith.constant 0 : index
        %swap3A_270 = tpu.vector_load %arg13[%swap3A_268, %swap3A_269] {strides = array<i32>} : memref<80x128xf32, #tpu.memory_space<vmem>>, vector<1x16xf32>,
        %swap3A_271 = vector.shape_cast %swap3A_270 : vector<1x16xf32> to vector<16xf32>
        %swap3A_272 = vector.shape_cast %max3A_267 : vector<16xf32> to vector<1x16xf32>
        tpu.vector_store %arg13[%swap3A_268, %swap3A_269], %swap3A_272 {strides = array<i32>} : memref<80x128xf32, #tpu.memory_space<vmem>>, vector<1x16xf32>,
        %get3A_273 = arith.index_cast %add3A_254 : i32 to index
        %get3A_274 = arith.constant 16 : index
        %get3A_275 = tpu.vector_load %arg13[%get3A_273, %get3A_274] {strides = array<i32>} : memref<80x128xf32, #tpu.memory_space<vmem>>, vector<1x16xf32>,
        %get3A_276 = vector.shape_cast %get3A_275 : vector<1x16xf32> to vector<16xf32>
        %get3A_277 = arith.index_cast %add3A_176 : i32 to index
        %get3A_278 = arith.constant 80 : index
        %get3A_279 = tpu.vector_load %arg15[%get3A_277, %get3A_278] {strides = array<i32>} : memref<40x128xf32, #tpu.memory_space<vmem>>, vector<1x16xf32>,
        %get3A_280 = vector.shape_cast %get3A_279 : vector<1x16xf32> to vector<16xf32>
        %mul3A_281 = arith.mulf %get3A_280, %get3A_4 : vector<16xf32>
        %add3A_282 = arith.addf %get3A_276, %mul3A_281 : vector<16xf32>
        %max3A_283 = arith.constant 0.000000e+00 : f32
        %max3A_284 = vector.broadcast %max3A_283 : f32 to vector<16xf32>
        %max3A_285 = arith.maximumf %add3A_282, %max3A_284 : vector<16xf32>
        %swap3A_286 = arith.index_cast %add3A_254 : i32 to index
        %swap3A_287 = arith.constant 16 : index
        %swap3A_288 = tpu.vector_load %arg13[%swap3A_286, %swap3A_287] {strides = array<i32>} : memref<80x128xf32, #tpu.memory_space<vmem>>, vector<1x16xf32>,
        %swap3A_289 = vector.shape_cast %swap3A_288 : vector<1x16xf32> to vector<16xf32>
        %swap3A_290 = vector.shape_cast %max3A_285 : vector<16xf32> to vector<1x16xf32>
        tpu.vector_store %arg13[%swap3A_286, %swap3A_287], %swap3A_290 {strides = array<i32>} : memref<80x128xf32, #tpu.memory_space<vmem>>, vector<1x16xf32>,
        %get3A_291 = arith.index_cast %add3A_254 : i32 to index
        %get3A_292 = arith.constant 32 : index
        %get3A_293 = tpu.vector_load %arg13[%get3A_291, %get3A_292] {strides = array<i32>} : memref<80x128xf32, #tpu.memory_space<vmem>>, vector<1x16xf32>,
        %get3A_294 = vector.shape_cast %get3A_293 : vector<1x16xf32> to vector<16xf32>
        %get3A_295 = arith.index_cast %add3A_176 : i32 to index
        %get3A_296 = arith.constant 96 : index
        %get3A_297 = tpu.vector_load %arg15[%get3A_295, %get3A_296] {strides = array<i32>} : memref<40x128xf32, #tpu.memory_space<vmem>>, vector<1x16xf32>,
        %get3A_298 = vector.shape_cast %get3A_297 : vector<1x16xf32> to vector<16xf32>
        %mul3A_299 = arith.mulf %get3A_298, %get3A_7 : vector<16xf32>
        %add3A_300 = arith.addf %get3A_294, %mul3A_299 : vector<16xf32>
        %max3A_301 = arith.constant 0.000000e+00 : f32
        %max3A_302 = vector.broadcast %max3A_301 : f32 to vector<16xf32>
        %max3A_303 = arith.maximumf %add3A_300, %max3A_302 : vector<16xf32>
        %swap3A_304 = arith.index_cast %add3A_254 : i32 to index
        %swap3A_305 = arith.constant 32 : index
        %swap3A_306 = tpu.vector_load %arg13[%swap3A_304, %swap3A_305] {strides = array<i32>} : memref<80x128xf32, #tpu.memory_space<vmem>>, vector<1x16xf32>,
        %swap3A_307 = vector.shape_cast %swap3A_306 : vector<1x16xf32> to vector<16xf32>
        %swap3A_308 = vector.shape_cast %max3A_303 : vector<16xf32> to vector<1x16xf32>
        tpu.vector_store %arg13[%swap3A_304, %swap3A_305], %swap3A_308 {strides = array<i32>} : memref<80x128xf32, #tpu.memory_space<vmem>>, vector<1x16xf32>,
        %get3A_309 = arith.index_cast %add3A_254 : i32 to index
        %get3A_310 = arith.constant 48 : index
        %get3A_311 = tpu.vector_load %arg13[%get3A_309, %get3A_310] {strides = array<i32>} : memref<80x128xf32, #tpu.memory_space<vmem>>, vector<1x16xf32>,
        %get3A_312 = vector.shape_cast %get3A_311 : vector<1x16xf32> to vector<16xf32>
        %get3A_313 = arith.index_cast %add3A_176 : i32 to index
        %get3A_314 = arith.constant 112 : index
        %get3A_315 = tpu.vector_load %arg15[%get3A_313, %get3A_314] {strides = array<i32>} : memref<40x128xf32, #tpu.memory_space<vmem>>, vector<1x16xf32>,
        %get3A_316 = vector.shape_cast %get3A_315 : vector<1x16xf32> to vector<16xf32>
        %mul3A_317 = arith.mulf %get3A_316, %get3A_10 : vector<16xf32>
        %add3A_318 = arith.addf %get3A_312, %mul3A_317 : vector<16xf32>
        %max3A_319 = arith.constant 0.000000e+00 : f32
        %max3A_320 = vector.broadcast %max3A_319 : f32 to vector<16xf32>
        %max3A_321 = arith.maximumf %add3A_318, %max3A_320 : vector<16xf32>
        %swap3A_322 = arith.index_cast %add3A_254 : i32 to index
        %swap3A_323 = arith.constant 48 : index
        %swap3A_324 = tpu.vector_load %arg13[%swap3A_322, %swap3A_323] {strides = array<i32>} : memref<80x128xf32, #tpu.memory_space<vmem>>, vector<1x16xf32>,
        %swap3A_325 = vector.shape_cast %swap3A_324 : vector<1x16xf32> to vector<16xf32>
        %swap3A_326 = vector.shape_cast %max3A_321 : vector<16xf32> to vector<1x16xf32>
        tpu.vector_store %arg13[%swap3A_322, %swap3A_323], %swap3A_326 {strides = array<i32>} : memref<80x128xf32, #tpu.memory_space<vmem>>, vector<1x16xf32>,
      }
      %scan3A_160 = arith.constant 40 : i32
      %dma_wait3A_161 = tpu.memref_slice %arg5[%multiple_of3A_93] : memref<320000xi32, #tpu.memory_space<hbm>> -> memref<80xi32, #tpu.memory_space<hbm>>
      %dma_wait3A_162 = tpu.memref_slice %arg5[%multiple_of3A_93] : memref<320000xi32, #tpu.memory_space<hbm>> -> memref<80xi32, #tpu.memory_space<hbm>>
      tpu.wait_dma2 semaphore(%arg24 : memref<!tpu.dma_semaphore, #tpu.memory_space<semaphore_mem>>) src(%dma_wait3A_162 : memref<80xi32, #tpu.memory_space<hbm>>) dst(%arg11 : memref<80xi32, #tpu.memory_space<vmem>>)
      %dma_start3A_163 = arith.constant 0 : i32
      %dma_start3A_164 = arith.constant 0 : i32
      %dma_start3A_165 = tpu.memref_slice %arg8[%dma_start3A_163, %dma_start3A_164] : memref<10000x128xf32, #tpu.memory_space<vmem_shared>> -> memref<10000x128xf32, #tpu.memory_space<vmem_shared>>
      tpu.enqueue_indirect_dma source(%arg13 : memref<80x128xf32, #tpu.memory_space<vmem>>) target(%dma_start3A_165 : memref<10000x128xf32, #tpu.memory_space<vmem_shared>>) offsets(%arg11 : memref<80xi32, #tpu.memory_space<vmem>>) semaphore(%arg22 : memref<!tpu.dma_semaphore, #tpu.memory_space<semaphore_mem>>) {add = true}
      %dma_wait3A_166 = arith.constant 0 : i32
      %dma_wait3A_167 = arith.constant 0 : i32
      %dma_wait3A_168 = tpu.memref_slice %arg8[%dma_wait3A_166, %dma_wait3A_167] : memref<10000x128xf32, #tpu.memory_space<vmem_shared>> -> memref<10000x128xf32, #tpu.memory_space<vmem_shared>>
      tpu.wait_indirect_dma semaphore(%arg21 : memref<!tpu.dma_semaphore, #tpu.memory_space<semaphore_mem>>) src(%arg12 : memref<80x128xf32, #tpu.memory_space<vmem>>) dst(%dma_wait3A_168 : memref<10000x128xf32, #tpu.memory_space<vmem_shared>>)
      %dma_wait3A_169 = arith.constant 0 : i32
      %dma_wait3A_170 = arith.constant 0 : i32
      %dma_wait3A_171 = tpu.memref_slice %arg8[%dma_wait3A_169, %dma_wait3A_170] : memref<10000x128xf32, #tpu.memory_space<vmem_shared>> -> memref<10000x128xf32, #tpu.memory_space<vmem_shared>>
      tpu.wait_indirect_dma semaphore(%arg22 : memref<!tpu.dma_semaphore, #tpu.memory_space<semaphore_mem>>) src(%arg13 : memref<80x128xf32, #tpu.memory_space<vmem>>) dst(%dma_wait3A_171 : memref<10000x128xf32, #tpu.memory_space<vmem_shared>>)
    }
    %scan3A_31 = arith.constant 62 : i32
    %add3A_32 = arith.constant 9920 : i32
    %add3A_33 = arith.addi %multiple_of3A, %add3A_32 : i32
    %multiple_of3A_34 = tpu.assume_multiple %add3A_33, 80 : i32
    %dma_start3A = tpu.memref_slice %arg5[%multiple_of3A_34] : memref<320000xi32, #tpu.memory_space<hbm>> -> memref<80xi32, #tpu.memory_space<hbm>>
    %dma_start3A_35 = tpu.memref_slice %arg5[%multiple_of3A_34] : memref<320000xi32, #tpu.memory_space<hbm>> -> memref<80xi32, #tpu.memory_space<hbm>>
    tpu.enqueue_dma source(%dma_start3A_35 : memref<80xi32, #tpu.memory_space<hbm>>) target(%arg10 : memref<80xi32, #tpu.memory_space<vmem>>) target_semaphore(%arg23 : memref<!tpu.dma_semaphore, #tpu.memory_space<semaphore_mem>>)
    %multiple_of3A_36 = arith.constant 9920 : i32
    %multiple_of3A_37 = tpu.assume_multiple %multiple_of3A_36, 80 : i32
    %dma_start3A_38 = tpu.memref_slice %arg9[%multiple_of3A_37] : memref<10000xi32, #tpu.memory_space<vmem>> -> memref<80xi32, #tpu.memory_space<vmem>>
    %dma_start3A_39 = arith.constant 0 : i32
    %dma_start3A_40 = arith.constant 0 : i32
    %dma_start3A_41 = tpu.memref_slice %arg2[%dma_start3A_39, %dma_start3A_40] : memref<10000x128xf32, #tpu.memory_space<hbm>> -> memref<10000x128xf32, #tpu.memory_space<hbm>>
    tpu.enqueue_indirect_dma source(%dma_start3A_41 : memref<10000x128xf32, #tpu.memory_space<hbm>>) target(%arg12 : memref<80x128xf32, #tpu.memory_space<vmem>>) offsets(%dma_start3A_38 : memref<80xi32, #tpu.memory_space<vmem>>) semaphore(%arg17 : memref<!tpu.dma_semaphore, #tpu.memory_space<semaphore_mem>>)
    %add3A_42 = arith.constant 4960 : i32
    %add3A_43 = arith.addi %multiple_of3A_20, %add3A_42 : i32
    %multiple_of3A_44 = tpu.assume_multiple %add3A_43, 40 : i32
    %dma_start3A_45 = arith.constant 0 : i32
    %dma_start3A_46 = tpu.memref_slice %arg3[%multiple_of3A_44, %dma_start3A_45] : memref<160000x128xf32, #tpu.memory_space<hbm>> -> memref<40x128xf32, #tpu.memory_space<hbm>>
    %dma_start3A_47 = arith.constant 0 : i32
    %dma_start3A_48 = tpu.memref_slice %arg3[%multiple_of3A_44, %dma_start3A_47] : memref<160000x128xf32, #tpu.memory_space<hbm>> -> memref<40x128xf32, #tpu.memory_space<hbm>>
    tpu.enqueue_dma source(%dma_start3A_48 : memref<40x128xf32, #tpu.memory_space<hbm>>) target(%arg14 : memref<40x128xf32, #tpu.memory_space<vmem>>) target_semaphore(%arg19 : memref<!tpu.dma_semaphore, #tpu.memory_space<semaphore_mem>>)
    %dma_wait3A = tpu.memref_slice %arg9[%multiple_of3A_37] : memref<10000xi32, #tpu.memory_space<vmem>> -> memref<80xi32, #tpu.memory_space<vmem>>
    %dma_wait3A_49 = arith.constant 0 : i32
    %dma_wait3A_50 = arith.constant 0 : i32
    %dma_wait3A_51 = tpu.memref_slice %arg2[%dma_wait3A_49, %dma_wait3A_50] : memref<10000x128xf32, #tpu.memory_space<hbm>> -> memref<10000x128xf32, #tpu.memory_space<hbm>>
    tpu.wait_indirect_dma semaphore(%arg17 : memref<!tpu.dma_semaphore, #tpu.memory_space<semaphore_mem>>) src(%dma_wait3A_51 : memref<10000x128xf32, #tpu.memory_space<hbm>>) dst(%arg12 : memref<80x128xf32, #tpu.memory_space<vmem>>)
    %dma_wait3A_52 = arith.constant 0 : i32
    %dma_wait3A_53 = tpu.memref_slice %arg3[%multiple_of3A_44, %dma_wait3A_52] : memref<160000x128xf32, #tpu.memory_space<hbm>> -> memref<40x128xf32, #tpu.memory_space<hbm>>
    %dma_wait3A_54 = arith.constant 0 : i32
    %dma_wait3A_55 = tpu.memref_slice %arg3[%multiple_of3A_44, %dma_wait3A_54] : memref<160000x128xf32, #tpu.memory_space<hbm>> -> memref<40x128xf32, #tpu.memory_space<hbm>>
    tpu.wait_dma2 semaphore(%arg19 : memref<!tpu.dma_semaphore, #tpu.memory_space<semaphore_mem>>) src(%dma_wait3A_55 : memref<40x128xf32, #tpu.memory_space<hbm>>) dst(%arg14 : memref<40x128xf32, #tpu.memory_space<vmem>>)
    %scan3A_56 = arith.constant 0 : i32
    %scan3A_57 = arith.constant 40 : i32
    %scan3A_58 = arith.addi %scan3A_56, %scan3A_57 : i32
    %scan3A_59 = arith.constant 1 : i32
    scf.for %scan3A_75 = %scan3A_56 to %scan3A_58 step %scan3A_59  : i32 {
      %mul3A_76 = arith.constant 1 : i32
      %mul3A_77 = arith.muli %scan3A_75, %mul3A_76 : i32
      %add3A_78 = arith.constant 0 : i32
      %add3A_79 = arith.addi %add3A_78, %mul3A_77 : i32
      %mul3A_80 = arith.constant 2 : i32
      %mul3A_81 = arith.muli %mul3A_80, %add3A_79 : i32
      %add3A_82 = arith.constant 0 : i32
      %add3A_83 = arith.addi %mul3A_81, %add3A_82 : i32
      %get3A_84 = arith.index_cast %add3A_83 : i32 to index
      %get3A_85 = arith.constant 0 : index
      %get3A_86 = tpu.vector_load %arg12[%get3A_84, %get3A_85] {strides = array<i32>} : memref<80x128xf32, #tpu.memory_space<vmem>>, vector<1x16xf32>,
      %get3A_87 = vector.shape_cast %get3A_86 : vector<1x16xf32> to vector<16xf32>
      %get3A_88 = arith.index_cast %add3A_79 : i32 to index
      %get3A_89 = arith.constant 0 : index
      %get3A_90 = tpu.vector_load %arg14[%get3A_88, %get3A_89] {strides = array<i32>} : memref<40x128xf32, #tpu.memory_space<vmem>>, vector<1x16xf32>,
      %get3A_91 = vector.shape_cast %get3A_90 : vector<1x16xf32> to vector<16xf32>
      %mul3A_92 = arith.mulf %get3A_91, %get3A_1 : vector<16xf32>
      %add3A_93 = arith.addf %get3A_87, %mul3A_92 : vector<16xf32>
      %max3A = arith.constant 0.000000e+00 : f32
      %max3A_94 = vector.broadcast %max3A : f32 to vector<16xf32>
      %max3A_95 = arith.maximumf %add3A_93, %max3A_94 : vector<16xf32>
      %swap3A = arith.index_cast %add3A_83 : i32 to index
      %swap3A_96 = arith.constant 0 : index
      %swap3A_97 = tpu.vector_load %arg12[%swap3A, %swap3A_96] {strides = array<i32>} : memref<80x128xf32, #tpu.memory_space<vmem>>, vector<1x16xf32>,
      %swap3A_98 = vector.shape_cast %swap3A_97 : vector<1x16xf32> to vector<16xf32>
      %swap3A_99 = vector.shape_cast %max3A_95 : vector<16xf32> to vector<1x16xf32>
      tpu.vector_store %arg12[%swap3A, %swap3A_96], %swap3A_99 {strides = array<i32>} : memref<80x128xf32, #tpu.memory_space<vmem>>, vector<1x16xf32>,
      %get3A_100 = arith.index_cast %add3A_83 : i32 to index
      %get3A_101 = arith.constant 16 : index
      %get3A_102 = tpu.vector_load %arg12[%get3A_100, %get3A_101] {strides = array<i32>} : memref<80x128xf32, #tpu.memory_space<vmem>>, vector<1x16xf32>,
      %get3A_103 = vector.shape_cast %get3A_102 : vector<1x16xf32> to vector<16xf32>
      %get3A_104 = arith.index_cast %add3A_79 : i32 to index
      %get3A_105 = arith.constant 16 : index
      %get3A_106 = tpu.vector_load %arg14[%get3A_104, %get3A_105] {strides = array<i32>} : memref<40x128xf32, #tpu.memory_space<vmem>>, vector<1x16xf32>,
      %get3A_107 = vector.shape_cast %get3A_106 : vector<1x16xf32> to vector<16xf32>
      %mul3A_108 = arith.mulf %get3A_107, %get3A_4 : vector<16xf32>
      %add3A_109 = arith.addf %get3A_103, %mul3A_108 : vector<16xf32>
      %max3A_110 = arith.constant 0.000000e+00 : f32
      %max3A_111 = vector.broadcast %max3A_110 : f32 to vector<16xf32>
      %max3A_112 = arith.maximumf %add3A_109, %max3A_111 : vector<16xf32>
      %swap3A_113 = arith.index_cast %add3A_83 : i32 to index
      %swap3A_114 = arith.constant 16 : index
      %swap3A_115 = tpu.vector_load %arg12[%swap3A_113, %swap3A_114] {strides = array<i32>} : memref<80x128xf32, #tpu.memory_space<vmem>>, vector<1x16xf32>,
      %swap3A_116 = vector.shape_cast %swap3A_115 : vector<1x16xf32> to vector<16xf32>
      %swap3A_117 = vector.shape_cast %max3A_112 : vector<16xf32> to vector<1x16xf32>
      tpu.vector_store %arg12[%swap3A_113, %swap3A_114], %swap3A_117 {strides = array<i32>} : memref<80x128xf32, #tpu.memory_space<vmem>>, vector<1x16xf32>,
      %get3A_118 = arith.index_cast %add3A_83 : i32 to index
      %get3A_119 = arith.constant 32 : index
      %get3A_120 = tpu.vector_load %arg12[%get3A_118, %get3A_119] {strides = array<i32>} : memref<80x128xf32, #tpu.memory_space<vmem>>, vector<1x16xf32>,
      %get3A_121 = vector.shape_cast %get3A_120 : vector<1x16xf32> to vector<16xf32>
      %get3A_122 = arith.index_cast %add3A_79 : i32 to index
      %get3A_123 = arith.constant 32 : index
      %get3A_124 = tpu.vector_load %arg14[%get3A_122, %get3A_123] {strides = array<i32>} : memref<40x128xf32, #tpu.memory_space<vmem>>, vector<1x16xf32>,
      %get3A_125 = vector.shape_cast %get3A_124 : vector<1x16xf32> to vector<16xf32>
      %mul3A_126 = arith.mulf %get3A_125, %get3A_7 : vector<16xf32>
      %add3A_127 = arith.addf %get3A_121, %mul3A_126 : vector<16xf32>
      %max3A_128 = arith.constant 0.000000e+00 : f32
      %max3A_129 = vector.broadcast %max3A_128 : f32 to vector<16xf32>
      %max3A_130 = arith.maximumf %add3A_127, %max3A_129 : vector<16xf32>
      %swap3A_131 = arith.index_cast %add3A_83 : i32 to index
      %swap3A_132 = arith.constant 32 : index
      %swap3A_133 = tpu.vector_load %arg12[%swap3A_131, %swap3A_132] {strides = array<i32>} : memref<80x128xf32, #tpu.memory_space<vmem>>, vector<1x16xf32>,
      %swap3A_134 = vector.shape_cast %swap3A_133 : vector<1x16xf32> to vector<16xf32>
      %swap3A_135 = vector.shape_cast %max3A_130 : vector<16xf32> to vector<1x16xf32>
      tpu.vector_store %arg12[%swap3A_131, %swap3A_132], %swap3A_135 {strides = array<i32>} : memref<80x128xf32, #tpu.memory_space<vmem>>, vector<1x16xf32>,
      %get3A_136 = arith.index_cast %add3A_83 : i32 to index
      %get3A_137 = arith.constant 48 : index
      %get3A_138 = tpu.vector_load %arg12[%get3A_136, %get3A_137] {strides = array<i32>} : memref<80x128xf32, #tpu.memory_space<vmem>>, vector<1x16xf32>,
      %get3A_139 = vector.shape_cast %get3A_138 : vector<1x16xf32> to vector<16xf32>
      %get3A_140 = arith.index_cast %add3A_79 : i32 to index
      %get3A_141 = arith.constant 48 : index
      %get3A_142 = tpu.vector_load %arg14[%get3A_140, %get3A_141] {strides = array<i32>} : memref<40x128xf32, #tpu.memory_space<vmem>>, vector<1x16xf32>,
      %get3A_143 = vector.shape_cast %get3A_142 : vector<1x16xf32> to vector<16xf32>
      %mul3A_144 = arith.mulf %get3A_143, %get3A_10 : vector<16xf32>
      %add3A_145 = arith.addf %get3A_139, %mul3A_144 : vector<16xf32>
      %max3A_146 = arith.constant 0.000000e+00 : f32
      %max3A_147 = vector.broadcast %max3A_146 : f32 to vector<16xf32>
      %max3A_148 = arith.maximumf %add3A_145, %max3A_147 : vector<16xf32>
      %swap3A_149 = arith.index_cast %add3A_83 : i32 to index
      %swap3A_150 = arith.constant 48 : index
      %swap3A_151 = tpu.vector_load %arg12[%swap3A_149, %swap3A_150] {strides = array<i32>} : memref<80x128xf32, #tpu.memory_space<vmem>>, vector<1x16xf32>,
      %swap3A_152 = vector.shape_cast %swap3A_151 : vector<1x16xf32> to vector<16xf32>
      %swap3A_153 = vector.shape_cast %max3A_148 : vector<16xf32> to vector<1x16xf32>
      tpu.vector_store %arg12[%swap3A_149, %swap3A_150], %swap3A_153 {strides = array<i32>} : memref<80x128xf32, #tpu.memory_space<vmem>>, vector<1x16xf32>,
      %mul3A_154 = arith.constant 2 : i32
      %mul3A_155 = arith.muli %mul3A_154, %add3A_79 : i32
      %add3A_156 = arith.constant 1 : i32
      %add3A_157 = arith.addi %mul3A_155, %add3A_156 : i32
      %get3A_158 = arith.index_cast %add3A_157 : i32 to index
      %get3A_159 = arith.constant 0 : index
      %get3A_160 = tpu.vector_load %arg12[%get3A_158, %get3A_159] {strides = array<i32>} : memref<80x128xf32, #tpu.memory_space<vmem>>, vector<1x16xf32>,
      %get3A_161 = vector.shape_cast %get3A_160 : vector<1x16xf32> to vector<16xf32>
      %get3A_162 = arith.index_cast %add3A_79 : i32 to index
      %get3A_163 = arith.constant 64 : index
      %get3A_164 = tpu.vector_load %arg14[%get3A_162, %get3A_163] {strides = array<i32>} : memref<40x128xf32, #tpu.memory_space<vmem>>, vector<1x16xf32>,
      %get3A_165 = vector.shape_cast %get3A_164 : vector<1x16xf32> to vector<16xf32>
      %mul3A_166 = arith.mulf %get3A_165, %get3A_1 : vector<16xf32>
      %add3A_167 = arith.addf %get3A_161, %mul3A_166 : vector<16xf32>
      %max3A_168 = arith.constant 0.000000e+00 : f32
      %max3A_169 = vector.broadcast %max3A_168 : f32 to vector<16xf32>
      %max3A_170 = arith.maximumf %add3A_167, %max3A_169 : vector<16xf32>
      %swap3A_171 = arith.index_cast %add3A_157 : i32 to index
      %swap3A_172 = arith.constant 0 : index
      %swap3A_173 = tpu.vector_load %arg12[%swap3A_171, %swap3A_172] {strides = array<i32>} : memref<80x128xf32, #tpu.memory_space<vmem>>, vector<1x16xf32>,
      %swap3A_174 = vector.shape_cast %swap3A_173 : vector<1x16xf32> to vector<16xf32>
      %swap3A_175 = vector.shape_cast %max3A_170 : vector<16xf32> to vector<1x16xf32>
      tpu.vector_store %arg12[%swap3A_171, %swap3A_172], %swap3A_175 {strides = array<i32>} : memref<80x128xf32, #tpu.memory_space<vmem>>, vector<1x16xf32>,
      %get3A_176 = arith.index_cast %add3A_157 : i32 to index
      %get3A_177 = arith.constant 16 : index
      %get3A_178 = tpu.vector_load %arg12[%get3A_176, %get3A_177] {strides = array<i32>} : memref<80x128xf32, #tpu.memory_space<vmem>>, vector<1x16xf32>,
      %get3A_179 = vector.shape_cast %get3A_178 : vector<1x16xf32> to vector<16xf32>
      %get3A_180 = arith.index_cast %add3A_79 : i32 to index
      %get3A_181 = arith.constant 80 : index
      %get3A_182 = tpu.vector_load %arg14[%get3A_180, %get3A_181] {strides = array<i32>} : memref<40x128xf32, #tpu.memory_space<vmem>>, vector<1x16xf32>,
      %get3A_183 = vector.shape_cast %get3A_182 : vector<1x16xf32> to vector<16xf32>
      %mul3A_184 = arith.mulf %get3A_183, %get3A_4 : vector<16xf32>
      %add3A_185 = arith.addf %get3A_179, %mul3A_184 : vector<16xf32>
      %max3A_186 = arith.constant 0.000000e+00 : f32
      %max3A_187 = vector.broadcast %max3A_186 : f32 to vector<16xf32>
      %max3A_188 = arith.maximumf %add3A_185, %max3A_187 : vector<16xf32>
      %swap3A_189 = arith.index_cast %add3A_157 : i32 to index
      %swap3A_190 = arith.constant 16 : index
      %swap3A_191 = tpu.vector_load %arg12[%swap3A_189, %swap3A_190] {strides = array<i32>} : memref<80x128xf32, #tpu.memory_space<vmem>>, vector<1x16xf32>,
      %swap3A_192 = vector.shape_cast %swap3A_191 : vector<1x16xf32> to vector<16xf32>
      %swap3A_193 = vector.shape_cast %max3A_188 : vector<16xf32> to vector<1x16xf32>
      tpu.vector_store %arg12[%swap3A_189, %swap3A_190], %swap3A_193 {strides = array<i32>} : memref<80x128xf32, #tpu.memory_space<vmem>>, vector<1x16xf32>,
      %get3A_194 = arith.index_cast %add3A_157 : i32 to index
      %get3A_195 = arith.constant 32 : index
      %get3A_196 = tpu.vector_load %arg12[%get3A_194, %get3A_195] {strides = array<i32>} : memref<80x128xf32, #tpu.memory_space<vmem>>, vector<1x16xf32>,
      %get3A_197 = vector.shape_cast %get3A_196 : vector<1x16xf32> to vector<16xf32>
      %get3A_198 = arith.index_cast %add3A_79 : i32 to index
      %get3A_199 = arith.constant 96 : index
      %get3A_200 = tpu.vector_load %arg14[%get3A_198, %get3A_199] {strides = array<i32>} : memref<40x128xf32, #tpu.memory_space<vmem>>, vector<1x16xf32>,
      %get3A_201 = vector.shape_cast %get3A_200 : vector<1x16xf32> to vector<16xf32>
      %mul3A_202 = arith.mulf %get3A_201, %get3A_7 : vector<16xf32>
      %add3A_203 = arith.addf %get3A_197, %mul3A_202 : vector<16xf32>
      %max3A_204 = arith.constant 0.000000e+00 : f32
      %max3A_205 = vector.broadcast %max3A_204 : f32 to vector<16xf32>
      %max3A_206 = arith.maximumf %add3A_203, %max3A_205 : vector<16xf32>
      %swap3A_207 = arith.index_cast %add3A_157 : i32 to index
      %swap3A_208 = arith.constant 32 : index
      %swap3A_209 = tpu.vector_load %arg12[%swap3A_207, %swap3A_208] {strides = array<i32>} : memref<80x128xf32, #tpu.memory_space<vmem>>, vector<1x16xf32>,
      %swap3A_210 = vector.shape_cast %swap3A_209 : vector<1x16xf32> to vector<16xf32>
      %swap3A_211 = vector.shape_cast %max3A_206 : vector<16xf32> to vector<1x16xf32>
      tpu.vector_store %arg12[%swap3A_207, %swap3A_208], %swap3A_211 {strides = array<i32>} : memref<80x128xf32, #tpu.memory_space<vmem>>, vector<1x16xf32>,
      %get3A_212 = arith.index_cast %add3A_157 : i32 to index
      %get3A_213 = arith.constant 48 : index
      %get3A_214 = tpu.vector_load %arg12[%get3A_212, %get3A_213] {strides = array<i32>} : memref<80x128xf32, #tpu.memory_space<vmem>>, vector<1x16xf32>,
      %get3A_215 = vector.shape_cast %get3A_214 : vector<1x16xf32> to vector<16xf32>
      %get3A_216 = arith.index_cast %add3A_79 : i32 to index
      %get3A_217 = arith.constant 112 : index
      %get3A_218 = tpu.vector_load %arg14[%get3A_216, %get3A_217] {strides = array<i32>} : memref<40x128xf32, #tpu.memory_space<vmem>>, vector<1x16xf32>,
      %get3A_219 = vector.shape_cast %get3A_218 : vector<1x16xf32> to vector<16xf32>
      %mul3A_220 = arith.mulf %get3A_219, %get3A_10 : vector<16xf32>
      %add3A_221 = arith.addf %get3A_215, %mul3A_220 : vector<16xf32>
      %max3A_222 = arith.constant 0.000000e+00 : f32
      %max3A_223 = vector.broadcast %max3A_222 : f32 to vector<16xf32>
      %max3A_224 = arith.maximumf %add3A_221, %max3A_223 : vector<16xf32>
      %swap3A_225 = arith.index_cast %add3A_157 : i32 to index
      %swap3A_226 = arith.constant 48 : index
      %swap3A_227 = tpu.vector_load %arg12[%swap3A_225, %swap3A_226] {strides = array<i32>} : memref<80x128xf32, #tpu.memory_space<vmem>>, vector<1x16xf32>,
      %swap3A_228 = vector.shape_cast %swap3A_227 : vector<1x16xf32> to vector<16xf32>
      %swap3A_229 = vector.shape_cast %max3A_224 : vector<16xf32> to vector<1x16xf32>
      tpu.vector_store %arg12[%swap3A_225, %swap3A_226], %swap3A_229 {strides = array<i32>} : memref<80x128xf32, #tpu.memory_space<vmem>>, vector<1x16xf32>,
    }
    %scan3A_60 = arith.constant 40 : i32
    %dma_wait3A_61 = tpu.memref_slice %arg5[%multiple_of3A_34] : memref<320000xi32, #tpu.memory_space<hbm>> -> memref<80xi32, #tpu.memory_space<hbm>>
    %dma_wait3A_62 = tpu.memref_slice %arg5[%multiple_of3A_34] : memref<320000xi32, #tpu.memory_space<hbm>> -> memref<80xi32, #tpu.memory_space<hbm>>
    tpu.wait_dma2 semaphore(%arg23 : memref<!tpu.dma_semaphore, #tpu.memory_space<semaphore_mem>>) src(%dma_wait3A_62 : memref<80xi32, #tpu.memory_space<hbm>>) dst(%arg10 : memref<80xi32, #tpu.memory_space<vmem>>)
    %dma_start3A_63 = arith.constant 0 : i32
    %dma_start3A_64 = arith.constant 0 : i32
    %dma_start3A_65 = tpu.memref_slice %arg8[%dma_start3A_63, %dma_start3A_64] : memref<10000x128xf32, #tpu.memory_space<vmem_shared>> -> memref<10000x128xf32, #tpu.memory_space<vmem_shared>>
    tpu.enqueue_indirect_dma source(%arg12 : memref<80x128xf32, #tpu.memory_space<vmem>>) target(%dma_start3A_65 : memref<10000x128xf32, #tpu.memory_space<vmem_shared>>) offsets(%arg10 : memref<80xi32, #tpu.memory_space<vmem>>) semaphore(%arg21 : memref<!tpu.dma_semaphore, #tpu.memory_space<semaphore_mem>>) {add = true}
    %dma_wait3A_66 = arith.constant 0 : i32
    %dma_wait3A_67 = arith.constant 0 : i32
    %dma_wait3A_68 = tpu.memref_slice %arg8[%dma_wait3A_66, %dma_wait3A_67] : memref<10000x128xf32, #tpu.memory_space<vmem_shared>> -> memref<10000x128xf32, #tpu.memory_space<vmem_shared>>
    tpu.wait_indirect_dma semaphore(%arg21 : memref<!tpu.dma_semaphore, #tpu.memory_space<semaphore_mem>>) src(%arg12 : memref<80x128xf32, #tpu.memory_space<vmem>>) dst(%dma_wait3A_68 : memref<10000x128xf32, #tpu.memory_space<vmem_shared>>)
    %barrier3A_69 = arith.constant 0 : index
    tpu.barrier barrier_id(%barrier3A_69)
    %lt3A_70 = arith.constant 5 : i32
    %lt3A_71 = arith.cmpi slt, %arg1, %lt3A_70 : i32
    %convert_element_type3A_72 = arith.extui %lt3A_71 : i1 to i32
    %cond3A_73 = arith.constant 0 : i32
    %cond3A_74 = arith.cmpi ne, %convert_element_type3A_72, %cond3A_73 : i32
    scf.if %cond3A_74 {
      %scan3A_75 = arith.constant 0 : i32
      %scan3A_76 = arith.constant 25 : i32
      %scan3A_77 = arith.addi %scan3A_75, %scan3A_76 : i32
      %scan3A_78 = arith.constant 1 : i32
      scf.for %scan3A_80 = %scan3A_75 to %scan3A_77 step %scan3A_78  : i32 {
        %mul3A_81 = arith.constant 1 : i32
        %mul3A_82 = arith.muli %scan3A_80, %mul3A_81 : i32
        %add3A_83 = arith.constant 0 : i32
        %add3A_84 = arith.addi %add3A_83, %mul3A_82 : i32
        %mul3A_85 = arith.constant 2000 : i32
        %mul3A_86 = arith.muli %arg1, %mul3A_85 : i32
        %mul3A_87 = arith.constant 80 : i32
        %mul3A_88 = arith.muli %add3A_84, %mul3A_87 : i32
        %add3A_89 = arith.addi %mul3A_86, %mul3A_88 : i32
        %multiple_of3A_90 = tpu.assume_multiple %add3A_89, 80 : i32
        "tpu.region"() ({
          %run_scoped3A = tpu.sem_alloc : memref<!tpu.dma_semaphore, #tpu.memory_space<semaphore_mem>>
          %dma_start3A_91 = arith.constant 0 : i32
          %dma_start3A_92 = tpu.memref_slice %arg8[%multiple_of3A_90, %dma_start3A_91] : memref<10000x128xf32, #tpu.memory_space<vmem_shared>> -> memref<80x128xf32, #tpu.memory_space<vmem_shared>>
          %dma_start3A_93 = arith.constant 0 : i32
          %dma_start3A_94 = tpu.memref_slice %arg8[%multiple_of3A_90, %dma_start3A_93] : memref<10000x128xf32, #tpu.memory_space<vmem_shared>> -> memref<80x128xf32, #tpu.memory_space<vmem_shared>>
          tpu.enqueue_dma source(%dma_start3A_94 : memref<80x128xf32, #tpu.memory_space<vmem_shared>>) target(%arg12 : memref<80x128xf32, #tpu.memory_space<vmem>>) target_semaphore(%run_scoped3A : memref<!tpu.dma_semaphore, #tpu.memory_space<semaphore_mem>>)
          %dma_wait3A_95 = arith.constant 0 : i32
          %dma_wait3A_96 = tpu.memref_slice %arg8[%multiple_of3A_90, %dma_wait3A_95] : memref<10000x128xf32, #tpu.memory_space<vmem_shared>> -> memref<80x128xf32, #tpu.memory_space<vmem_shared>>
          %dma_wait3A_97 = arith.constant 0 : i32
          %dma_wait3A_98 = tpu.memref_slice %arg8[%multiple_of3A_90, %dma_wait3A_97] : memref<10000x128xf32, #tpu.memory_space<vmem_shared>> -> memref<80x128xf32, #tpu.memory_space<vmem_shared>>
          tpu.wait_dma2 semaphore(%run_scoped3A : memref<!tpu.dma_semaphore, #tpu.memory_space<semaphore_mem>>) src(%dma_wait3A_98 : memref<80x128xf32, #tpu.memory_space<vmem_shared>>) dst(%arg12 : memref<80x128xf32, #tpu.memory_space<vmem>>)
          tpu.yield
        }) : () -> ()
        "tpu.region"() ({
          %run_scoped3A = tpu.sem_alloc : memref<!tpu.dma_semaphore, #tpu.memory_space<semaphore_mem>>
          %dma_start3A_91 = arith.constant 0 : i32
          %dma_start3A_92 = arith.constant 0 : i32
          %dma_start3A_93 = tpu.memref_slice %arg7[%arg0, %dma_start3A_91, %dma_start3A_92] : memref<2x10000x128xf32, #tpu.memory_space<hbm>> -> memref<1x10000x128xf32, #tpu.memory_space<hbm>>
          %dma_start3A_94 = tpu.memref_squeeze %dma_start3A_93 : memref<1x10000x128xf32, #tpu.memory_space<hbm>> -> memref<10000x128xf32, #tpu.memory_space<hbm>>
          %dma_start3A_95 = arith.constant 0 : i32
          %dma_start3A_96 = tpu.memref_slice %dma_start3A_94[%multiple_of3A_90, %dma_start3A_95] : memref<10000x128xf32, #tpu.memory_space<hbm>> -> memref<80x128xf32, #tpu.memory_space<hbm>>
          %dma_start3A_97 = arith.constant 0 : i32
          %dma_start3A_98 = arith.constant 0 : i32
          %dma_start3A_99 = tpu.memref_slice %arg7[%arg0, %dma_start3A_97, %dma_start3A_98] : memref<2x10000x128xf32, #tpu.memory_space<hbm>> -> memref<1x10000x128xf32, #tpu.memory_space<hbm>>
          %dma_start3A_100 = tpu.memref_squeeze %dma_start3A_99 : memref<1x10000x128xf32, #tpu.memory_space<hbm>> -> memref<10000x128xf32, #tpu.memory_space<hbm>>
          %dma_start3A_101 = arith.constant 0 : i32
          %dma_start3A_102 = tpu.memref_slice %dma_start3A_100[%multiple_of3A_90, %dma_start3A_101] : memref<10000x128xf32, #tpu.memory_space<hbm>> -> memref<80x128xf32, #tpu.memory_space<hbm>>
          tpu.enqueue_dma source(%arg12 : memref<80x128xf32, #tpu.memory_space<vmem>>) target(%dma_start3A_102 : memref<80x128xf32, #tpu.memory_space<hbm>>) target_semaphore(%run_scoped3A : memref<!tpu.dma_semaphore, #tpu.memory_space<semaphore_mem>>)
          %dma_wait3A_103 = arith.constant 0 : i32
          %dma_wait3A_104 = arith.constant 0 : i32
          %dma_wait3A_105 = tpu.memref_slice %arg7[%arg0, %dma_wait3A_103, %dma_wait3A_104] : memref<2x10000x128xf32, #tpu.memory_space<hbm>> -> memref<1x10000x128xf32, #tpu.memory_space<hbm>>
          %dma_wait3A_106 = tpu.memref_squeeze %dma_wait3A_105 : memref<1x10000x128xf32, #tpu.memory_space<hbm>> -> memref<10000x128xf32, #tpu.memory_space<hbm>>
          %dma_wait3A_107 = arith.constant 0 : i32
          %dma_wait3A_108 = tpu.memref_slice %dma_wait3A_106[%multiple_of3A_90, %dma_wait3A_107] : memref<10000x128xf32, #tpu.memory_space<hbm>> -> memref<80x128xf32, #tpu.memory_space<hbm>>
          %dma_wait3A_109 = arith.constant 0 : i32
          %dma_wait3A_110 = arith.constant 0 : i32
          %dma_wait3A_111 = tpu.memref_slice %arg7[%arg0, %dma_wait3A_109, %dma_wait3A_110] : memref<2x10000x128xf32, #tpu.memory_space<hbm>> -> memref<1x10000x128xf32, #tpu.memory_space<hbm>>
          %dma_wait3A_112 = tpu.memref_squeeze %dma_wait3A_111 : memref<1x10000x128xf32, #tpu.memory_space<hbm>> -> memref<10000x128xf32, #tpu.memory_space<hbm>>
          %dma_wait3A_113 = arith.constant 0 : i32
          %dma_wait3A_114 = tpu.memref_slice %dma_wait3A_112[%multiple_of3A_90, %dma_wait3A_113] : memref<10000x128xf32, #tpu.memory_space<hbm>> -> memref<80x128xf32, #tpu.memory_space<hbm>>
          tpu.wait_dma2 semaphore(%run_scoped3A : memref<!tpu.dma_semaphore, #tpu.memory_space<semaphore_mem>>) src(%arg12 : memref<80x128xf32, #tpu.memory_space<vmem>>) dst(%dma_wait3A_114 : memref<80x128xf32, #tpu.memory_space<hbm>>)
          tpu.yield
        }) : () -> ()
      }
      %scan3A_79 = arith.constant 25 : i32
    } else {
    }
    return
  }
}

#map = affine_map<(d0, d1) -> (0, 0)>
#map1 = affine_map<(d0, d1) -> (0)>
#map2 = affine_map<(d0, d1) -> (0, 0, 0)>
module attributes {stable_mosaic.version = 14 : i64} {
  func.func @k(%arg0: i32, %arg1: i32, %arg2: memref<10000x128xf32, #tpu.memory_space<hbm>>, %arg3: memref<160000x128xf32, #tpu.memory_space<hbm>>, %arg4: memref<320000xi32, #tpu.memory_space<hbm>>, %arg5: memref<320000xi32, #tpu.memory_space<hbm>>, %arg6: memref<64xf32, #tpu.memory_space<hbm>>, %arg7: memref<2x10000x128xf32, #tpu.memory_space<hbm>>, %arg8: memref<10000x128xf32, #tpu.memory_space<vmem_shared>>, %arg9: memref<10000xi32, #tpu.memory_space<vmem>>, %arg10: memref<80xi32, #tpu.memory_space<vmem>>, %arg11: memref<80xi32, #tpu.memory_space<vmem>>, %arg12: memref<80x128xf32, #tpu.memory_space<vmem>>, %arg13: memref<80x128xf32, #tpu.memory_space<vmem>>, %arg14: memref<40x128xf32, #tpu.memory_space<vmem>>, %arg15: memref<40x128xf32, #tpu.memory_space<vmem>>, %arg16: memref<64xf32, #tpu.memory_space<vmem>>, %arg17: memref<!tpu.dma_semaphore, #tpu.memory_space<semaphore_mem>>, %arg18: memref<!tpu.dma_semaphore, #tpu.memory_space<semaphore_mem>>, %arg19: memref<!tpu.dma_semaphore, #tpu.memory_space<semaphore_mem>>, %arg20: memref<!tpu.dma_semaphore, #tpu.memory_space<semaphore_mem>>, %arg21: memref<!tpu.dma_semaphore, #tpu.memory_space<semaphore_mem>>, %arg22: memref<!tpu.dma_semaphore, #tpu.memory_space<semaphore_mem>>, %arg23: memref<!tpu.dma_semaphore, #tpu.memory_space<semaphore_mem>>, %arg24: memref<!tpu.dma_semaphore, #tpu.memory_space<semaphore_mem>>) attributes {dimension_semantics = [#tpu.dimension_semantics<core_parallel>, #tpu.dimension_semantics<subcore_parallel>], iteration_bounds = array<i64: 2, 16>, scalar_prefetch = 0 : i64, scratch_operands = 17 : i64, tpu.core_type = #tpu.core_type<sc_vector_subcore>, window_params = [{transform_indices = #map}, {transform_indices = #map}, {transform_indices = #map1}, {transform_indices = #map1}, {transform_indices = #map1}, {transform_indices = #map2}]} {
    "tpu.region"() ({
      %run_scoped3A = tpu.sem_alloc : memref<!tpu.dma_semaphore, #tpu.memory_space<semaphore_mem>>
      tpu.enqueue_dma source(%arg6 : memref<64xf32, #tpu.memory_space<hbm>>) target(%arg16 : memref<64xf32, #tpu.memory_space<vmem>>) target_semaphore(%run_scoped3A : memref<!tpu.dma_semaphore, #tpu.memory_space<semaphore_mem>>)
      tpu.wait_dma2 semaphore(%run_scoped3A : memref<!tpu.dma_semaphore, #tpu.memory_space<semaphore_mem>>) src(%arg6 : memref<64xf32, #tpu.memory_space<hbm>>) dst(%arg16 : memref<64xf32, #tpu.memory_space<vmem>>)
      tpu.yield
    }) : () -> ()
    %get3A = arith.constant 0 : index
    %get3A_0 = tpu.vector_load %arg16[%get3A] {strides = array<i32>} : memref<64xf32, #tpu.memory_space<vmem>>, vector<16xf32>,
    %get3A_1 = vector.shape_cast %get3A_0 : vector<16xf32> to vector<16xf32>
    %get3A_2 = arith.constant 16 : index
    %get3A_3 = tpu.vector_load %arg16[%get3A_2] {strides = array<i32>} : memref<64xf32, #tpu.memory_space<vmem>>, vector<16xf32>,
    %get3A_4 = vector.shape_cast %get3A_3 : vector<16xf32> to vector<16xf32>
    %get3A_5 = arith.constant 32 : index
    %get3A_6 = tpu.vector_load %arg16[%get3A_5] {strides = array<i32>} : memref<64xf32, #tpu.memory_space<vmem>>, vector<16xf32>,
    %get3A_7 = vector.shape_cast %get3A_6 : vector<16xf32> to vector<16xf32>
    %get3A_8 = arith.constant 48 : index
    %get3A_9 = tpu.vector_load %arg16[%get3A_8] {strides = array<i32>} : memref<64xf32, #tpu.memory_space<vmem>>, vector<16xf32>,
    %get3A_10 = vector.shape_cast %get3A_9 : vector<16xf32> to vector<16xf32>
    %broadcast_in_dim3A = arith.constant 0.000000e+00 : f32
    %broadcast_in_dim3A_11 = vector.broadcast %broadcast_in_dim3A : f32 to vector<16xf32>
    %mul3A = arith.constant 16 : i32
    %mul3A_12 = arith.muli %arg0, %mul3A : i32
    %add3A = arith.addi %mul3A_12, %arg1 : i32
    %mul3A_13 = arith.constant 10000 : i32
    %mul3A_14 = arith.muli %add3A, %mul3A_13 : i32
    %multiple_of3A = tpu.assume_multiple %mul3A_14, 80 : i32
    %mul3A_15 = arith.constant 16 : i32
    %mul3A_16 = arith.muli %arg0, %mul3A_15 : i32
    %add3A_17 = arith.addi %mul3A_16, %arg1 : i32
    %mul3A_18 = arith.constant 5000 : i32
    %mul3A_19 = arith.muli %add3A_17, %mul3A_18 : i32
    %multiple_of3A_20 = tpu.assume_multiple %mul3A_19, 40 : i32
    "tpu.region"() ({
      %run_scoped3A = tpu.sem_alloc : memref<!tpu.dma_semaphore, #tpu.memory_space<semaphore_mem>>
      %dma_start3A_75 = tpu.memref_slice %arg4[%multiple_of3A] : memref<320000xi32, #tpu.memory_space<hbm>> -> memref<10000xi32, #tpu.memory_space<hbm>>
      %dma_start3A_76 = tpu.memref_slice %arg4[%multiple_of3A] : memref<320000xi32, #tpu.memory_space<hbm>> -> memref<10000xi32, #tpu.memory_space<hbm>>
      tpu.enqueue_dma source(%dma_start3A_76 : memref<10000xi32, #tpu.memory_space<hbm>>) target(%arg9 : memref<10000xi32, #tpu.memory_space<vmem>>) target_semaphore(%run_scoped3A : memref<!tpu.dma_semaphore, #tpu.memory_space<semaphore_mem>>)
      %dma_wait3A_77 = tpu.memref_slice %arg4[%multiple_of3A] : memref<320000xi32, #tpu.memory_space<hbm>> -> memref<10000xi32, #tpu.memory_space<hbm>>
      %dma_wait3A_78 = tpu.memref_slice %arg4[%multiple_of3A] : memref<320000xi32, #tpu.memory_space<hbm>> -> memref<10000xi32, #tpu.memory_space<hbm>>
      tpu.wait_dma2 semaphore(%run_scoped3A : memref<!tpu.dma_semaphore, #tpu.memory_space<semaphore_mem>>) src(%dma_wait3A_78 : memref<10000xi32, #tpu.memory_space<hbm>>) dst(%arg9 : memref<10000xi32, #tpu.memory_space<vmem>>)
      tpu.yield
    }) : () -> ()
    %scan3A = arith.constant 0 : i32
    %scan3A_21 = arith.constant 80 : i32
    %scan3A_22 = arith.addi %scan3A, %scan3A_21 : i32
    %scan3A_23 = arith.constant 1 : i32
    scf.for %scan3A_75 = %scan3A to %scan3A_22 step %scan3A_23  : i32 {
      %mul3A_76 = arith.constant 1 : i32
      %mul3A_77 = arith.muli %scan3A_75, %mul3A_76 : i32
      %add3A_78 = arith.constant 0 : i32
      %add3A_79 = arith.addi %add3A_78, %mul3A_77 : i32
      %swap3A = arith.index_cast %add3A_79 : i32 to index
      %swap3A_80 = arith.constant 0 : index
      %swap3A_81 = tpu.vector_load %arg12[%swap3A, %swap3A_80] {strides = array<i32>} : memref<80x128xf32, #tpu.memory_space<vmem>>, vector<1x16xf32>,
      %swap3A_82 = vector.shape_cast %swap3A_81 : vector<1x16xf32> to vector<16xf32>
      %swap3A_83 = vector.shape_cast %broadcast_in_dim3A_11 : vector<16xf32> to vector<1x16xf32>
      tpu.vector_store %arg12[%swap3A, %swap3A_80], %swap3A_83 {strides = array<i32>} : memref<80x128xf32, #tpu.memory_space<vmem>>, vector<1x16xf32>,
      %swap3A_84 = arith.index_cast %add3A_79 : i32 to index
      %swap3A_85 = arith.constant 16 : index
      %swap3A_86 = tpu.vector_load %arg12[%swap3A_84, %swap3A_85] {strides = array<i32>} : memref<80x128xf32, #tpu.memory_space<vmem>>, vector<1x16xf32>,
      %swap3A_87 = vector.shape_cast %swap3A_86 : vector<1x16xf32> to vector<16xf32>
      %swap3A_88 = vector.shape_cast %broadcast_in_dim3A_11 : vector<16xf32> to vector<1x16xf32>
      tpu.vector_store %arg12[%swap3A_84, %swap3A_85], %swap3A_88 {strides = array<i32>} : memref<80x128xf32, #tpu.memory_space<vmem>>, vector<1x16xf32>,
      %swap3A_89 = arith.index_cast %add3A_79 : i32 to index
      %swap3A_90 = arith.constant 32 : index
      %swap3A_91 = tpu.vector_load %arg12[%swap3A_89, %swap3A_90] {strides = array<i32>} : memref<80x128xf32, #tpu.memory_space<vmem>>, vector<1x16xf32>,
      %swap3A_92 = vector.shape_cast %swap3A_91 : vector<1x16xf32> to vector<16xf32>
      %swap3A_93 = vector.shape_cast %broadcast_in_dim3A_11 : vector<16xf32> to vector<1x16xf32>
      tpu.vector_store %arg12[%swap3A_89, %swap3A_90], %swap3A_93 {strides = array<i32>} : memref<80x128xf32, #tpu.memory_space<vmem>>, vector<1x16xf32>,
      %swap3A_94 = arith.index_cast %add3A_79 : i32 to index
      %swap3A_95 = arith.constant 48 : index
      %swap3A_96 = tpu.vector_load %arg12[%swap3A_94, %swap3A_95] {strides = array<i32>} : memref<80x128xf32, #tpu.memory_space<vmem>>, vector<1x16xf32>,
      %swap3A_97 = vector.shape_cast %swap3A_96 : vector<1x16xf32> to vector<16xf32>
      %swap3A_98 = vector.shape_cast %broadcast_in_dim3A_11 : vector<16xf32> to vector<1x16xf32>
      tpu.vector_store %arg12[%swap3A_94, %swap3A_95], %swap3A_98 {strides = array<i32>} : memref<80x128xf32, #tpu.memory_space<vmem>>, vector<1x16xf32>,
      %swap3A_99 = arith.index_cast %add3A_79 : i32 to index
      %swap3A_100 = arith.constant 64 : index
      %swap3A_101 = tpu.vector_load %arg12[%swap3A_99, %swap3A_100] {strides = array<i32>} : memref<80x128xf32, #tpu.memory_space<vmem>>, vector<1x16xf32>,
      %swap3A_102 = vector.shape_cast %swap3A_101 : vector<1x16xf32> to vector<16xf32>
      %swap3A_103 = vector.shape_cast %broadcast_in_dim3A_11 : vector<16xf32> to vector<1x16xf32>
      tpu.vector_store %arg12[%swap3A_99, %swap3A_100], %swap3A_103 {strides = array<i32>} : memref<80x128xf32, #tpu.memory_space<vmem>>, vector<1x16xf32>,
      %swap3A_104 = arith.index_cast %add3A_79 : i32 to index
      %swap3A_105 = arith.constant 80 : index
      %swap3A_106 = tpu.vector_load %arg12[%swap3A_104, %swap3A_105] {strides = array<i32>} : memref<80x128xf32, #tpu.memory_space<vmem>>, vector<1x16xf32>,
      %swap3A_107 = vector.shape_cast %swap3A_106 : vector<1x16xf32> to vector<16xf32>
      %swap3A_108 = vector.shape_cast %broadcast_in_dim3A_11 : vector<16xf32> to vector<1x16xf32>
      tpu.vector_store %arg12[%swap3A_104, %swap3A_105], %swap3A_108 {strides = array<i32>} : memref<80x128xf32, #tpu.memory_space<vmem>>, vector<1x16xf32>,
      %swap3A_109 = arith.index_cast %add3A_79 : i32 to index
      %swap3A_110 = arith.constant 96 : index
      %swap3A_111 = tpu.vector_load %arg12[%swap3A_109, %swap3A_110] {strides = array<i32>} : memref<80x128xf32, #tpu.memory_space<vmem>>, vector<1x16xf32>,
      %swap3A_112 = vector.shape_cast %swap3A_111 : vector<1x16xf32> to vector<16xf32>
      %swap3A_113 = vector.shape_cast %broadcast_in_dim3A_11 : vector<16xf32> to vector<1x16xf32>
      tpu.vector_store %arg12[%swap3A_109, %swap3A_110], %swap3A_113 {strides = array<i32>} : memref<80x128xf32, #tpu.memory_space<vmem>>, vector<1x16xf32>,
      %swap3A_114 = arith.index_cast %add3A_79 : i32 to index
      %swap3A_115 = arith.constant 112 : index
      %swap3A_116 = tpu.vector_load %arg12[%swap3A_114, %swap3A_115] {strides = array<i32>} : memref<80x128xf32, #tpu.memory_space<vmem>>, vector<1x16xf32>,
      %swap3A_117 = vector.shape_cast %swap3A_116 : vector<1x16xf32> to vector<16xf32>
      %swap3A_118 = vector.shape_cast %broadcast_in_dim3A_11 : vector<16xf32> to vector<1x16xf32>
      tpu.vector_store %arg12[%swap3A_114, %swap3A_115], %swap3A_118 {strides = array<i32>} : memref<80x128xf32, #tpu.memory_space<vmem>>, vector<1x16xf32>,
    }
    %scan3A_24 = arith.constant 80 : i32
    %lt3A = arith.constant 5 : i32
    %lt3A_25 = arith.cmpi slt, %arg1, %lt3A : i32
    %convert_element_type3A = arith.extui %lt3A_25 : i1 to i32
    %cond3A = arith.constant 0 : i32
    %cond3A_26 = arith.cmpi ne, %convert_element_type3A, %cond3A : i32
    scf.if %cond3A_26 {
      %scan3A_75 = arith.constant 0 : i32
      %scan3A_76 = arith.constant 25 : i32
      %scan3A_77 = arith.addi %scan3A_75, %scan3A_76 : i32
      %scan3A_78 = arith.constant 1 : i32
      scf.for %scan3A_80 = %scan3A_75 to %scan3A_77 step %scan3A_78  : i32 {
        %mul3A_81 = arith.constant 1 : i32
        %mul3A_82 = arith.muli %scan3A_80, %mul3A_81 : i32
        %add3A_83 = arith.constant 0 : i32
        %add3A_84 = arith.addi %add3A_83, %mul3A_82 : i32
        %mul3A_85 = arith.constant 2000 : i32
        %mul3A_86 = arith.muli %arg1, %mul3A_85 : i32
        %mul3A_87 = arith.constant 80 : i32
        %mul3A_88 = arith.muli %add3A_84, %mul3A_87 : i32
        %add3A_89 = arith.addi %mul3A_86, %mul3A_88 : i32
        %multiple_of3A_90 = tpu.assume_multiple %add3A_89, 80 : i32
        "tpu.region"() ({
          %run_scoped3A = tpu.sem_alloc : memref<!tpu.dma_semaphore, #tpu.memory_space<semaphore_mem>>
          %dma_start3A_91 = arith.constant 0 : i32
          %dma_start3A_92 = tpu.memref_slice %arg8[%multiple_of3A_90, %dma_start3A_91] : memref<10000x128xf32, #tpu.memory_space<vmem_shared>> -> memref<80x128xf32, #tpu.memory_space<vmem_shared>>
          %dma_start3A_93 = arith.constant 0 : i32
          %dma_start3A_94 = tpu.memref_slice %arg8[%multiple_of3A_90, %dma_start3A_93] : memref<10000x128xf32, #tpu.memory_space<vmem_shared>> -> memref<80x128xf32, #tpu.memory_space<vmem_shared>>
          tpu.enqueue_dma source(%arg12 : memref<80x128xf32, #tpu.memory_space<vmem>>) target(%dma_start3A_94 : memref<80x128xf32, #tpu.memory_space<vmem_shared>>) target_semaphore(%run_scoped3A : memref<!tpu.dma_semaphore, #tpu.memory_space<semaphore_mem>>)
          %dma_wait3A_95 = arith.constant 0 : i32
          %dma_wait3A_96 = tpu.memref_slice %arg8[%multiple_of3A_90, %dma_wait3A_95] : memref<10000x128xf32, #tpu.memory_space<vmem_shared>> -> memref<80x128xf32, #tpu.memory_space<vmem_shared>>
          %dma_wait3A_97 = arith.constant 0 : i32
          %dma_wait3A_98 = tpu.memref_slice %arg8[%multiple_of3A_90, %dma_wait3A_97] : memref<10000x128xf32, #tpu.memory_space<vmem_shared>> -> memref<80x128xf32, #tpu.memory_space<vmem_shared>>
          tpu.wait_dma2 semaphore(%run_scoped3A : memref<!tpu.dma_semaphore, #tpu.memory_space<semaphore_mem>>) src(%arg12 : memref<80x128xf32, #tpu.memory_space<vmem>>) dst(%dma_wait3A_98 : memref<80x128xf32, #tpu.memory_space<vmem_shared>>)
          tpu.yield
        }) : () -> ()
      }
      %scan3A_79 = arith.constant 25 : i32
    } else {
    }
    %barrier3A = arith.constant 0 : index
    tpu.barrier barrier_id(%barrier3A)
    %scan3A_27 = arith.constant 0 : i32
    %scan3A_28 = arith.constant 62 : i32
    %scan3A_29 = arith.addi %scan3A_27, %scan3A_28 : i32
    %scan3A_30 = arith.constant 1 : i32
    scf.for %scan3A_75 = %scan3A_27 to %scan3A_29 step %scan3A_30  : i32 {
      %mul3A_76 = arith.constant 2 : i32
      %mul3A_77 = arith.muli %scan3A_75, %mul3A_76 : i32
      %add3A_78 = arith.constant 0 : i32
      %add3A_79 = arith.addi %add3A_78, %mul3A_77 : i32
      %add3A_80 = arith.constant 0 : i32
      %add3A_81 = arith.addi %add3A_79, %add3A_80 : i32
      %mul3A_82 = arith.constant 80 : i32
      %mul3A_83 = arith.muli %add3A_81, %mul3A_82 : i32
      %add3A_84 = arith.addi %multiple_of3A, %mul3A_83 : i32
      %multiple_of3A_85 = tpu.assume_multiple %add3A_84, 80 : i32
      %dma_start3A_86 = tpu.memref_slice %arg5[%multiple_of3A_85] : memref<320000xi32, #tpu.memory_space<hbm>> -> memref<80xi32, #tpu.memory_space<hbm>>
      %dma_start3A_87 = tpu.memref_slice %arg5[%multiple_of3A_85] : memref<320000xi32, #tpu.memory_space<hbm>> -> memref<80xi32, #tpu.memory_space<hbm>>
      tpu.enqueue_dma source(%dma_start3A_87 : memref<80xi32, #tpu.memory_space<hbm>>) target(%arg10 : memref<80xi32, #tpu.memory_space<vmem>>) target_semaphore(%arg23 : memref<!tpu.dma_semaphore, #tpu.memory_space<semaphore_mem>>)
      %add3A_88 = arith.constant 1 : i32
      %add3A_89 = arith.addi %add3A_79, %add3A_88 : i32
      %mul3A_90 = arith.constant 80 : i32
      %mul3A_91 = arith.muli %add3A_89, %mul3A_90 : i32
      %add3A_92 = arith.addi %multiple_of3A, %mul3A_91 : i32
      %multiple_of3A_93 = tpu.assume_multiple %add3A_92, 80 : i32
      %dma_start3A_94 = tpu.memref_slice %arg5[%multiple_of3A_93] : memref<320000xi32, #tpu.memory_space<hbm>> -> memref<80xi32, #tpu.memory_space<hbm>>
      %dma_start3A_95 = tpu.memref_slice %arg5[%multiple_of3A_93] : memref<320000xi32, #tpu.memory_space<hbm>> -> memref<80xi32, #tpu.memory_space<hbm>>
      tpu.enqueue_dma source(%dma_start3A_95 : memref<80xi32, #tpu.memory_space<hbm>>) target(%arg11 : memref<80xi32, #tpu.memory_space<vmem>>) target_semaphore(%arg24 : memref<!tpu.dma_semaphore, #tpu.memory_space<semaphore_mem>>)
      %add3A_96 = arith.constant 0 : i32
      %add3A_97 = arith.addi %add3A_79, %add3A_96 : i32
      %mul3A_98 = arith.constant 80 : i32
      %mul3A_99 = arith.muli %add3A_97, %mul3A_98 : i32
      %multiple_of3A_100 = tpu.assume_multiple %mul3A_99, 80 : i32
      %dma_start3A_101 = tpu.memref_slice %arg9[%multiple_of3A_100] : memref<10000xi32, #tpu.memory_space<vmem>> -> memref<80xi32, #tpu.memory_space<vmem>>
      %dma_start3A_102 = arith.constant 0 : i32
      %dma_start3A_103 = arith.constant 0 : i32
      %dma_start3A_104 = tpu.memref_slice %arg2[%dma_start3A_102, %dma_start3A_103] : memref<10000x128xf32, #tpu.memory_space<hbm>> -> memref<10000x128xf32, #tpu.memory_space<hbm>>
      tpu.enqueue_indirect_dma source(%dma_start3A_104 : memref<10000x128xf32, #tpu.memory_space<hbm>>) target(%arg12 : memref<80x128xf32, #tpu.memory_space<vmem>>) offsets(%dma_start3A_101 : memref<80xi32, #tpu.memory_space<vmem>>) semaphore(%arg17 : memref<!tpu.dma_semaphore, #tpu.memory_space<semaphore_mem>>)
      %mul3A_105 = arith.constant 40 : i32
      %mul3A_106 = arith.muli %add3A_97, %mul3A_105 : i32
      %add3A_107 = arith.addi %multiple_of3A_20, %mul3A_106 : i32
      %multiple_of3A_108 = tpu.assume_multiple %add3A_107, 40 : i32
      %dma_start3A_109 = arith.constant 0 : i32
      %dma_start3A_110 = tpu.memref_slice %arg3[%multiple_of3A_108, %dma_start3A_109] : memref<160000x128xf32, #tpu.memory_space<hbm>> -> memref<40x128xf32, #tpu.memory_space<hbm>>
      %dma_start3A_111 = arith.constant 0 : i32
      %dma_start3A_112 = tpu.memref_slice %arg3[%multiple_of3A_108, %dma_start3A_111] : memref<160000x128xf32, #tpu.memory_space<hbm>> -> memref<40x128xf32, #tpu.memory_space<hbm>>
      tpu.enqueue_dma source(%dma_start3A_112 : memref<40x128xf32, #tpu.memory_space<hbm>>) target(%arg14 : memref<40x128xf32, #tpu.memory_space<vmem>>) target_semaphore(%arg19 : memref<!tpu.dma_semaphore, #tpu.memory_space<semaphore_mem>>)
      %add3A_113 = arith.constant 1 : i32
      %add3A_114 = arith.addi %add3A_79, %add3A_113 : i32
      %mul3A_115 = arith.constant 80 : i32
      %mul3A_116 = arith.muli %add3A_114, %mul3A_115 : i32
      %multiple_of3A_117 = tpu.assume_multiple %mul3A_116, 80 : i32
      %dma_start3A_118 = tpu.memref_slice %arg9[%multiple_of3A_117] : memref<10000xi32, #tpu.memory_space<vmem>> -> memref<80xi32, #tpu.memory_space<vmem>>
      %dma_start3A_119 = arith.constant 0 : i32
      %dma_start3A_120 = arith.constant 0 : i32
      %dma_start3A_121 = tpu.memref_slice %arg2[%dma_start3A_119, %dma_start3A_120] : memref<10000x128xf32, #tpu.memory_space<hbm>> -> memref<10000x128xf32, #tpu.memory_space<hbm>>
      tpu.enqueue_indirect_dma source(%dma_start3A_121 : memref<10000x128xf32, #tpu.memory_space<hbm>>) target(%arg13 : memref<80x128xf32, #tpu.memory_space<vmem>>) offsets(%dma_start3A_118 : memref<80xi32, #tpu.memory_space<vmem>>) semaphore(%arg18 : memref<!tpu.dma_semaphore, #tpu.memory_space<semaphore_mem>>)
      %mul3A_122 = arith.constant 40 : i32
      %mul3A_123 = arith.muli %add3A_114, %mul3A_122 : i32
      %add3A_124 = arith.addi %multiple_of3A_20, %mul3A_123 : i32
      %multiple_of3A_125 = tpu.assume_multiple %add3A_124, 40 : i32
      %dma_start3A_126 = arith.constant 0 : i32
      %dma_start3A_127 = tpu.memref_slice %arg3[%multiple_of3A_125, %dma_start3A_126] : memref<160000x128xf32, #tpu.memory_space<hbm>> -> memref<40x128xf32, #tpu.memory_space<hbm>>
      %dma_start3A_128 = arith.constant 0 : i32
      %dma_start3A_129 = tpu.memref_slice %arg3[%multiple_of3A_125, %dma_start3A_128] : memref<160000x128xf32, #tpu.memory_space<hbm>> -> memref<40x128xf32, #tpu.memory_space<hbm>>
      tpu.enqueue_dma source(%dma_start3A_129 : memref<40x128xf32, #tpu.memory_space<hbm>>) target(%arg15 : memref<40x128xf32, #tpu.memory_space<vmem>>) target_semaphore(%arg20 : memref<!tpu.dma_semaphore, #tpu.memory_space<semaphore_mem>>)
      %dma_wait3A_130 = tpu.memref_slice %arg9[%multiple_of3A_100] : memref<10000xi32, #tpu.memory_space<vmem>> -> memref<80xi32, #tpu.memory_space<vmem>>
      %dma_wait3A_131 = arith.constant 0 : i32
      %dma_wait3A_132 = arith.constant 0 : i32
      %dma_wait3A_133 = tpu.memref_slice %arg2[%dma_wait3A_131, %dma_wait3A_132] : memref<10000x128xf32, #tpu.memory_space<hbm>> -> memref<10000x128xf32, #tpu.memory_space<hbm>>
      tpu.wait_indirect_dma semaphore(%arg17 : memref<!tpu.dma_semaphore, #tpu.memory_space<semaphore_mem>>) src(%dma_wait3A_133 : memref<10000x128xf32, #tpu.memory_space<hbm>>) dst(%arg12 : memref<80x128xf32, #tpu.memory_space<vmem>>)
      %dma_wait3A_134 = arith.constant 0 : i32
      %dma_wait3A_135 = tpu.memref_slice %arg3[%multiple_of3A_108, %dma_wait3A_134] : memref<160000x128xf32, #tpu.memory_space<hbm>> -> memref<40x128xf32, #tpu.memory_space<hbm>>
      %dma_wait3A_136 = arith.constant 0 : i32
      %dma_wait3A_137 = tpu.memref_slice %arg3[%multiple_of3A_108, %dma_wait3A_136] : memref<160000x128xf32, #tpu.memory_space<hbm>> -> memref<40x128xf32, #tpu.memory_space<hbm>>
      tpu.wait_dma2 semaphore(%arg19 : memref<!tpu.dma_semaphore, #tpu.memory_space<semaphore_mem>>) src(%dma_wait3A_137 : memref<40x128xf32, #tpu.memory_space<hbm>>) dst(%arg14 : memref<40x128xf32, #tpu.memory_space<vmem>>)
      %scan3A_138 = arith.constant 0 : i32
      %scan3A_139 = arith.constant 40 : i32
      %scan3A_140 = arith.addi %scan3A_138, %scan3A_139 : i32
      %scan3A_141 = arith.constant 1 : i32
      scf.for %scan3A_172 = %scan3A_138 to %scan3A_140 step %scan3A_141  : i32 {
        %mul3A_173 = arith.constant 1 : i32
        %mul3A_174 = arith.muli %scan3A_172, %mul3A_173 : i32
        %add3A_175 = arith.constant 0 : i32
        %add3A_176 = arith.addi %add3A_175, %mul3A_174 : i32
        %mul3A_177 = arith.constant 2 : i32
        %mul3A_178 = arith.muli %mul3A_177, %add3A_176 : i32
        %add3A_179 = arith.constant 0 : i32
        %add3A_180 = arith.addi %mul3A_178, %add3A_179 : i32
        %get3A_181 = arith.index_cast %add3A_180 : i32 to index
        %get3A_182 = arith.constant 0 : index
        %get3A_183 = tpu.vector_load %arg12[%get3A_181, %get3A_182] {strides = array<i32>} : memref<80x128xf32, #tpu.memory_space<vmem>>, vector<1x16xf32>,
        %get3A_184 = vector.shape_cast %get3A_183 : vector<1x16xf32> to vector<16xf32>
        %get3A_185 = arith.index_cast %add3A_176 : i32 to index
        %get3A_186 = arith.constant 0 : index
        %get3A_187 = tpu.vector_load %arg14[%get3A_185, %get3A_186] {strides = array<i32>} : memref<40x128xf32, #tpu.memory_space<vmem>>, vector<1x16xf32>,
        %get3A_188 = vector.shape_cast %get3A_187 : vector<1x16xf32> to vector<16xf32>
        %mul3A_189 = arith.mulf %get3A_188, %get3A_1 : vector<16xf32>
        %add3A_190 = arith.addf %get3A_184, %mul3A_189 : vector<16xf32>
        %max3A = arith.constant 0.000000e+00 : f32
        %max3A_191 = vector.broadcast %max3A : f32 to vector<16xf32>
        %max3A_192 = arith.maximumf %add3A_190, %max3A_191 : vector<16xf32>
        %swap3A = arith.index_cast %add3A_180 : i32 to index
        %swap3A_193 = arith.constant 0 : index
        %swap3A_194 = tpu.vector_load %arg12[%swap3A, %swap3A_193] {strides = array<i32>} : memref<80x128xf32, #tpu.memory_space<vmem>>, vector<1x16xf32>,
        %swap3A_195 = vector.shape_cast %swap3A_194 : vector<1x16xf32> to vector<16xf32>
        %swap3A_196 = vector.shape_cast %max3A_192 : vector<16xf32> to vector<1x16xf32>
        tpu.vector_store %arg12[%swap3A, %swap3A_193], %swap3A_196 {strides = array<i32>} : memref<80x128xf32, #tpu.memory_space<vmem>>, vector<1x16xf32>,
        %get3A_197 = arith.index_cast %add3A_180 : i32 to index
        %get3A_198 = arith.constant 16 : index
        %get3A_199 = tpu.vector_load %arg12[%get3A_197, %get3A_198] {strides = array<i32>} : memref<80x128xf32, #tpu.memory_space<vmem>>, vector<1x16xf32>,
        %get3A_200 = vector.shape_cast %get3A_199 : vector<1x16xf32> to vector<16xf32>
        %get3A_201 = arith.index_cast %add3A_176 : i32 to index
        %get3A_202 = arith.constant 16 : index
        %get3A_203 = tpu.vector_load %arg14[%get3A_201, %get3A_202] {strides = array<i32>} : memref<40x128xf32, #tpu.memory_space<vmem>>, vector<1x16xf32>,
        %get3A_204 = vector.shape_cast %get3A_203 : vector<1x16xf32> to vector<16xf32>
        %mul3A_205 = arith.mulf %get3A_204, %get3A_4 : vector<16xf32>
        %add3A_206 = arith.addf %get3A_200, %mul3A_205 : vector<16xf32>
        %max3A_207 = arith.constant 0.000000e+00 : f32
        %max3A_208 = vector.broadcast %max3A_207 : f32 to vector<16xf32>
        %max3A_209 = arith.maximumf %add3A_206, %max3A_208 : vector<16xf32>
        %swap3A_210 = arith.index_cast %add3A_180 : i32 to index
        %swap3A_211 = arith.constant 16 : index
        %swap3A_212 = tpu.vector_load %arg12[%swap3A_210, %swap3A_211] {strides = array<i32>} : memref<80x128xf32, #tpu.memory_space<vmem>>, vector<1x16xf32>,
        %swap3A_213 = vector.shape_cast %swap3A_212 : vector<1x16xf32> to vector<16xf32>
        %swap3A_214 = vector.shape_cast %max3A_209 : vector<16xf32> to vector<1x16xf32>
        tpu.vector_store %arg12[%swap3A_210, %swap3A_211], %swap3A_214 {strides = array<i32>} : memref<80x128xf32, #tpu.memory_space<vmem>>, vector<1x16xf32>,
        %get3A_215 = arith.index_cast %add3A_180 : i32 to index
        %get3A_216 = arith.constant 32 : index
        %get3A_217 = tpu.vector_load %arg12[%get3A_215, %get3A_216] {strides = array<i32>} : memref<80x128xf32, #tpu.memory_space<vmem>>, vector<1x16xf32>,
        %get3A_218 = vector.shape_cast %get3A_217 : vector<1x16xf32> to vector<16xf32>
        %get3A_219 = arith.index_cast %add3A_176 : i32 to index
        %get3A_220 = arith.constant 32 : index
        %get3A_221 = tpu.vector_load %arg14[%get3A_219, %get3A_220] {strides = array<i32>} : memref<40x128xf32, #tpu.memory_space<vmem>>, vector<1x16xf32>,
        %get3A_222 = vector.shape_cast %get3A_221 : vector<1x16xf32> to vector<16xf32>
        %mul3A_223 = arith.mulf %get3A_222, %get3A_7 : vector<16xf32>
        %add3A_224 = arith.addf %get3A_218, %mul3A_223 : vector<16xf32>
        %max3A_225 = arith.constant 0.000000e+00 : f32
        %max3A_226 = vector.broadcast %max3A_225 : f32 to vector<16xf32>
        %max3A_227 = arith.maximumf %add3A_224, %max3A_226 : vector<16xf32>
        %swap3A_228 = arith.index_cast %add3A_180 : i32 to index
        %swap3A_229 = arith.constant 32 : index
        %swap3A_230 = tpu.vector_load %arg12[%swap3A_228, %swap3A_229] {strides = array<i32>} : memref<80x128xf32, #tpu.memory_space<vmem>>, vector<1x16xf32>,
        %swap3A_231 = vector.shape_cast %swap3A_230 : vector<1x16xf32> to vector<16xf32>
        %swap3A_232 = vector.shape_cast %max3A_227 : vector<16xf32> to vector<1x16xf32>
        tpu.vector_store %arg12[%swap3A_228, %swap3A_229], %swap3A_232 {strides = array<i32>} : memref<80x128xf32, #tpu.memory_space<vmem>>, vector<1x16xf32>,
        %get3A_233 = arith.index_cast %add3A_180 : i32 to index
        %get3A_234 = arith.constant 48 : index
        %get3A_235 = tpu.vector_load %arg12[%get3A_233, %get3A_234] {strides = array<i32>} : memref<80x128xf32, #tpu.memory_space<vmem>>, vector<1x16xf32>,
        %get3A_236 = vector.shape_cast %get3A_235 : vector<1x16xf32> to vector<16xf32>
        %get3A_237 = arith.index_cast %add3A_176 : i32 to index
        %get3A_238 = arith.constant 48 : index
        %get3A_239 = tpu.vector_load %arg14[%get3A_237, %get3A_238] {strides = array<i32>} : memref<40x128xf32, #tpu.memory_space<vmem>>, vector<1x16xf32>,
        %get3A_240 = vector.shape_cast %get3A_239 : vector<1x16xf32> to vector<16xf32>
        %mul3A_241 = arith.mulf %get3A_240, %get3A_10 : vector<16xf32>
        %add3A_242 = arith.addf %get3A_236, %mul3A_241 : vector<16xf32>
        %max3A_243 = arith.constant 0.000000e+00 : f32
        %max3A_244 = vector.broadcast %max3A_243 : f32 to vector<16xf32>
        %max3A_245 = arith.maximumf %add3A_242, %max3A_244 : vector<16xf32>
        %swap3A_246 = arith.index_cast %add3A_180 : i32 to index
        %swap3A_247 = arith.constant 48 : index
        %swap3A_248 = tpu.vector_load %arg12[%swap3A_246, %swap3A_247] {strides = array<i32>} : memref<80x128xf32, #tpu.memory_space<vmem>>, vector<1x16xf32>,
        %swap3A_249 = vector.shape_cast %swap3A_248 : vector<1x16xf32> to vector<16xf32>
        %swap3A_250 = vector.shape_cast %max3A_245 : vector<16xf32> to vector<1x16xf32>
        tpu.vector_store %arg12[%swap3A_246, %swap3A_247], %swap3A_250 {strides = array<i32>} : memref<80x128xf32, #tpu.memory_space<vmem>>, vector<1x16xf32>,
        %mul3A_251 = arith.constant 2 : i32
        %mul3A_252 = arith.muli %mul3A_251, %add3A_176 : i32
        %add3A_253 = arith.constant 1 : i32
        %add3A_254 = arith.addi %mul3A_252, %add3A_253 : i32
        %get3A_255 = arith.index_cast %add3A_254 : i32 to index
        %get3A_256 = arith.constant 0 : index
        %get3A_257 = tpu.vector_load %arg12[%get3A_255, %get3A_256] {strides = array<i32>} : memref<80x128xf32, #tpu.memory_space<vmem>>, vector<1x16xf32>,
        %get3A_258 = vector.shape_cast %get3A_257 : vector<1x16xf32> to vector<16xf32>
        %get3A_259 = arith.index_cast %add3A_176 : i32 to index
        %get3A_260 = arith.constant 64 : index
        %get3A_261 = tpu.vector_load %arg14[%get3A_259, %get3A_260] {strides = array<i32>} : memref<40x128xf32, #tpu.memory_space<vmem>>, vector<1x16xf32>,
        %get3A_262 = vector.shape_cast %get3A_261 : vector<1x16xf32> to vector<16xf32>
        %mul3A_263 = arith.mulf %get3A_262, %get3A_1 : vector<16xf32>
        %add3A_264 = arith.addf %get3A_258, %mul3A_263 : vector<16xf32>
        %max3A_265 = arith.constant 0.000000e+00 : f32
        %max3A_266 = vector.broadcast %max3A_265 : f32 to vector<16xf32>
        %max3A_267 = arith.maximumf %add3A_264, %max3A_266 : vector<16xf32>
        %swap3A_268 = arith.index_cast %add3A_254 : i32 to index
        %swap3A_269 = arith.constant 0 : index
        %swap3A_270 = tpu.vector_load %arg12[%swap3A_268, %swap3A_269] {strides = array<i32>} : memref<80x128xf32, #tpu.memory_space<vmem>>, vector<1x16xf32>,
        %swap3A_271 = vector.shape_cast %swap3A_270 : vector<1x16xf32> to vector<16xf32>
        %swap3A_272 = vector.shape_cast %max3A_267 : vector<16xf32> to vector<1x16xf32>
        tpu.vector_store %arg12[%swap3A_268, %swap3A_269], %swap3A_272 {strides = array<i32>} : memref<80x128xf32, #tpu.memory_space<vmem>>, vector<1x16xf32>,
        %get3A_273 = arith.index_cast %add3A_254 : i32 to index
        %get3A_274 = arith.constant 16 : index
        %get3A_275 = tpu.vector_load %arg12[%get3A_273, %get3A_274] {strides = array<i32>} : memref<80x128xf32, #tpu.memory_space<vmem>>, vector<1x16xf32>,
        %get3A_276 = vector.shape_cast %get3A_275 : vector<1x16xf32> to vector<16xf32>
        %get3A_277 = arith.index_cast %add3A_176 : i32 to index
        %get3A_278 = arith.constant 80 : index
        %get3A_279 = tpu.vector_load %arg14[%get3A_277, %get3A_278] {strides = array<i32>} : memref<40x128xf32, #tpu.memory_space<vmem>>, vector<1x16xf32>,
        %get3A_280 = vector.shape_cast %get3A_279 : vector<1x16xf32> to vector<16xf32>
        %mul3A_281 = arith.mulf %get3A_280, %get3A_4 : vector<16xf32>
        %add3A_282 = arith.addf %get3A_276, %mul3A_281 : vector<16xf32>
        %max3A_283 = arith.constant 0.000000e+00 : f32
        %max3A_284 = vector.broadcast %max3A_283 : f32 to vector<16xf32>
        %max3A_285 = arith.maximumf %add3A_282, %max3A_284 : vector<16xf32>
        %swap3A_286 = arith.index_cast %add3A_254 : i32 to index
        %swap3A_287 = arith.constant 16 : index
        %swap3A_288 = tpu.vector_load %arg12[%swap3A_286, %swap3A_287] {strides = array<i32>} : memref<80x128xf32, #tpu.memory_space<vmem>>, vector<1x16xf32>,
        %swap3A_289 = vector.shape_cast %swap3A_288 : vector<1x16xf32> to vector<16xf32>
        %swap3A_290 = vector.shape_cast %max3A_285 : vector<16xf32> to vector<1x16xf32>
        tpu.vector_store %arg12[%swap3A_286, %swap3A_287], %swap3A_290 {strides = array<i32>} : memref<80x128xf32, #tpu.memory_space<vmem>>, vector<1x16xf32>,
        %get3A_291 = arith.index_cast %add3A_254 : i32 to index
        %get3A_292 = arith.constant 32 : index
        %get3A_293 = tpu.vector_load %arg12[%get3A_291, %get3A_292] {strides = array<i32>} : memref<80x128xf32, #tpu.memory_space<vmem>>, vector<1x16xf32>,
        %get3A_294 = vector.shape_cast %get3A_293 : vector<1x16xf32> to vector<16xf32>
        %get3A_295 = arith.index_cast %add3A_176 : i32 to index
        %get3A_296 = arith.constant 96 : index
        %get3A_297 = tpu.vector_load %arg14[%get3A_295, %get3A_296] {strides = array<i32>} : memref<40x128xf32, #tpu.memory_space<vmem>>, vector<1x16xf32>,
        %get3A_298 = vector.shape_cast %get3A_297 : vector<1x16xf32> to vector<16xf32>
        %mul3A_299 = arith.mulf %get3A_298, %get3A_7 : vector<16xf32>
        %add3A_300 = arith.addf %get3A_294, %mul3A_299 : vector<16xf32>
        %max3A_301 = arith.constant 0.000000e+00 : f32
        %max3A_302 = vector.broadcast %max3A_301 : f32 to vector<16xf32>
        %max3A_303 = arith.maximumf %add3A_300, %max3A_302 : vector<16xf32>
        %swap3A_304 = arith.index_cast %add3A_254 : i32 to index
        %swap3A_305 = arith.constant 32 : index
        %swap3A_306 = tpu.vector_load %arg12[%swap3A_304, %swap3A_305] {strides = array<i32>} : memref<80x128xf32, #tpu.memory_space<vmem>>, vector<1x16xf32>,
        %swap3A_307 = vector.shape_cast %swap3A_306 : vector<1x16xf32> to vector<16xf32>
        %swap3A_308 = vector.shape_cast %max3A_303 : vector<16xf32> to vector<1x16xf32>
        tpu.vector_store %arg12[%swap3A_304, %swap3A_305], %swap3A_308 {strides = array<i32>} : memref<80x128xf32, #tpu.memory_space<vmem>>, vector<1x16xf32>,
        %get3A_309 = arith.index_cast %add3A_254 : i32 to index
        %get3A_310 = arith.constant 48 : index
        %get3A_311 = tpu.vector_load %arg12[%get3A_309, %get3A_310] {strides = array<i32>} : memref<80x128xf32, #tpu.memory_space<vmem>>, vector<1x16xf32>,
        %get3A_312 = vector.shape_cast %get3A_311 : vector<1x16xf32> to vector<16xf32>
        %get3A_313 = arith.index_cast %add3A_176 : i32 to index
        %get3A_314 = arith.constant 112 : index
        %get3A_315 = tpu.vector_load %arg14[%get3A_313, %get3A_314] {strides = array<i32>} : memref<40x128xf32, #tpu.memory_space<vmem>>, vector<1x16xf32>,
        %get3A_316 = vector.shape_cast %get3A_315 : vector<1x16xf32> to vector<16xf32>
        %mul3A_317 = arith.mulf %get3A_316, %get3A_10 : vector<16xf32>
        %add3A_318 = arith.addf %get3A_312, %mul3A_317 : vector<16xf32>
        %max3A_319 = arith.constant 0.000000e+00 : f32
        %max3A_320 = vector.broadcast %max3A_319 : f32 to vector<16xf32>
        %max3A_321 = arith.maximumf %add3A_318, %max3A_320 : vector<16xf32>
        %swap3A_322 = arith.index_cast %add3A_254 : i32 to index
        %swap3A_323 = arith.constant 48 : index
        %swap3A_324 = tpu.vector_load %arg12[%swap3A_322, %swap3A_323] {strides = array<i32>} : memref<80x128xf32, #tpu.memory_space<vmem>>, vector<1x16xf32>,
        %swap3A_325 = vector.shape_cast %swap3A_324 : vector<1x16xf32> to vector<16xf32>
        %swap3A_326 = vector.shape_cast %max3A_321 : vector<16xf32> to vector<1x16xf32>
        tpu.vector_store %arg12[%swap3A_322, %swap3A_323], %swap3A_326 {strides = array<i32>} : memref<80x128xf32, #tpu.memory_space<vmem>>, vector<1x16xf32>,
      }
      %scan3A_142 = arith.constant 40 : i32
      %dma_wait3A_143 = tpu.memref_slice %arg5[%multiple_of3A_85] : memref<320000xi32, #tpu.memory_space<hbm>> -> memref<80xi32, #tpu.memory_space<hbm>>
      %dma_wait3A_144 = tpu.memref_slice %arg5[%multiple_of3A_85] : memref<320000xi32, #tpu.memory_space<hbm>> -> memref<80xi32, #tpu.memory_space<hbm>>
      tpu.wait_dma2 semaphore(%arg23 : memref<!tpu.dma_semaphore, #tpu.memory_space<semaphore_mem>>) src(%dma_wait3A_144 : memref<80xi32, #tpu.memory_space<hbm>>) dst(%arg10 : memref<80xi32, #tpu.memory_space<vmem>>)
      %dma_start3A_145 = arith.constant 0 : i32
      %dma_start3A_146 = arith.constant 0 : i32
      %dma_start3A_147 = tpu.memref_slice %arg8[%dma_start3A_145, %dma_start3A_146] : memref<10000x128xf32, #tpu.memory_space<vmem_shared>> -> memref<10000x128xf32, #tpu.memory_space<vmem_shared>>
      tpu.enqueue_indirect_dma source(%arg12 : memref<80x128xf32, #tpu.memory_space<vmem>>) target(%dma_start3A_147 : memref<10000x128xf32, #tpu.memory_space<vmem_shared>>) offsets(%arg10 : memref<80xi32, #tpu.memory_space<vmem>>) semaphore(%arg21 : memref<!tpu.dma_semaphore, #tpu.memory_space<semaphore_mem>>) {add = true}
      %dma_wait3A_148 = tpu.memref_slice %arg9[%multiple_of3A_117] : memref<10000xi32, #tpu.memory_space<vmem>> -> memref<80xi32, #tpu.memory_space<vmem>>
      %dma_wait3A_149 = arith.constant 0 : i32
      %dma_wait3A_150 = arith.constant 0 : i32
      %dma_wait3A_151 = tpu.memref_slice %arg2[%dma_wait3A_149, %dma_wait3A_150] : memref<10000x128xf32, #tpu.memory_space<hbm>> -> memref<10000x128xf32, #tpu.memory_space<hbm>>
      tpu.wait_indirect_dma semaphore(%arg18 : memref<!tpu.dma_semaphore, #tpu.memory_space<semaphore_mem>>) src(%dma_wait3A_151 : memref<10000x128xf32, #tpu.memory_space<hbm>>) dst(%arg13 : memref<80x128xf32, #tpu.memory_space<vmem>>)
      %dma_wait3A_152 = arith.constant 0 : i32
      %dma_wait3A_153 = tpu.memref_slice %arg3[%multiple_of3A_125, %dma_wait3A_152] : memref<160000x128xf32, #tpu.memory_space<hbm>> -> memref<40x128xf32, #tpu.memory_space<hbm>>
      %dma_wait3A_154 = arith.constant 0 : i32
      %dma_wait3A_155 = tpu.memref_slice %arg3[%multiple_of3A_125, %dma_wait3A_154] : memref<160000x128xf32, #tpu.memory_space<hbm>> -> memref<40x128xf32, #tpu.memory_space<hbm>>
      tpu.wait_dma2 semaphore(%arg20 : memref<!tpu.dma_semaphore, #tpu.memory_space<semaphore_mem>>) src(%dma_wait3A_155 : memref<40x128xf32, #tpu.memory_space<hbm>>) dst(%arg15 : memref<40x128xf32, #tpu.memory_space<vmem>>)
      %scan3A_156 = arith.constant 0 : i32
      %scan3A_157 = arith.constant 40 : i32
      %scan3A_158 = arith.addi %scan3A_156, %scan3A_157 : i32
      %scan3A_159 = arith.constant 1 : i32
      scf.for %scan3A_172 = %scan3A_156 to %scan3A_158 step %scan3A_159  : i32 {
        %mul3A_173 = arith.constant 1 : i32
        %mul3A_174 = arith.muli %scan3A_172, %mul3A_173 : i32
        %add3A_175 = arith.constant 0 : i32
        %add3A_176 = arith.addi %add3A_175, %mul3A_174 : i32
        %mul3A_177 = arith.constant 2 : i32
        %mul3A_178 = arith.muli %mul3A_177, %add3A_176 : i32
        %add3A_179 = arith.constant 0 : i32
        %add3A_180 = arith.addi %mul3A_178, %add3A_179 : i32
        %get3A_181 = arith.index_cast %add3A_180 : i32 to index
        %get3A_182 = arith.constant 0 : index
        %get3A_183 = tpu.vector_load %arg13[%get3A_181, %get3A_182] {strides = array<i32>} : memref<80x128xf32, #tpu.memory_space<vmem>>, vector<1x16xf32>,
        %get3A_184 = vector.shape_cast %get3A_183 : vector<1x16xf32> to vector<16xf32>
        %get3A_185 = arith.index_cast %add3A_176 : i32 to index
        %get3A_186 = arith.constant 0 : index
        %get3A_187 = tpu.vector_load %arg15[%get3A_185, %get3A_186] {strides = array<i32>} : memref<40x128xf32, #tpu.memory_space<vmem>>, vector<1x16xf32>,
        %get3A_188 = vector.shape_cast %get3A_187 : vector<1x16xf32> to vector<16xf32>
        %mul3A_189 = arith.mulf %get3A_188, %get3A_1 : vector<16xf32>
        %add3A_190 = arith.addf %get3A_184, %mul3A_189 : vector<16xf32>
        %max3A = arith.constant 0.000000e+00 : f32
        %max3A_191 = vector.broadcast %max3A : f32 to vector<16xf32>
        %max3A_192 = arith.maximumf %add3A_190, %max3A_191 : vector<16xf32>
        %swap3A = arith.index_cast %add3A_180 : i32 to index
        %swap3A_193 = arith.constant 0 : index
        %swap3A_194 = tpu.vector_load %arg13[%swap3A, %swap3A_193] {strides = array<i32>} : memref<80x128xf32, #tpu.memory_space<vmem>>, vector<1x16xf32>,
        %swap3A_195 = vector.shape_cast %swap3A_194 : vector<1x16xf32> to vector<16xf32>
        %swap3A_196 = vector.shape_cast %max3A_192 : vector<16xf32> to vector<1x16xf32>
        tpu.vector_store %arg13[%swap3A, %swap3A_193], %swap3A_196 {strides = array<i32>} : memref<80x128xf32, #tpu.memory_space<vmem>>, vector<1x16xf32>,
        %get3A_197 = arith.index_cast %add3A_180 : i32 to index
        %get3A_198 = arith.constant 16 : index
        %get3A_199 = tpu.vector_load %arg13[%get3A_197, %get3A_198] {strides = array<i32>} : memref<80x128xf32, #tpu.memory_space<vmem>>, vector<1x16xf32>,
        %get3A_200 = vector.shape_cast %get3A_199 : vector<1x16xf32> to vector<16xf32>
        %get3A_201 = arith.index_cast %add3A_176 : i32 to index
        %get3A_202 = arith.constant 16 : index
        %get3A_203 = tpu.vector_load %arg15[%get3A_201, %get3A_202] {strides = array<i32>} : memref<40x128xf32, #tpu.memory_space<vmem>>, vector<1x16xf32>,
        %get3A_204 = vector.shape_cast %get3A_203 : vector<1x16xf32> to vector<16xf32>
        %mul3A_205 = arith.mulf %get3A_204, %get3A_4 : vector<16xf32>
        %add3A_206 = arith.addf %get3A_200, %mul3A_205 : vector<16xf32>
        %max3A_207 = arith.constant 0.000000e+00 : f32
        %max3A_208 = vector.broadcast %max3A_207 : f32 to vector<16xf32>
        %max3A_209 = arith.maximumf %add3A_206, %max3A_208 : vector<16xf32>
        %swap3A_210 = arith.index_cast %add3A_180 : i32 to index
        %swap3A_211 = arith.constant 16 : index
        %swap3A_212 = tpu.vector_load %arg13[%swap3A_210, %swap3A_211] {strides = array<i32>} : memref<80x128xf32, #tpu.memory_space<vmem>>, vector<1x16xf32>,
        %swap3A_213 = vector.shape_cast %swap3A_212 : vector<1x16xf32> to vector<16xf32>
        %swap3A_214 = vector.shape_cast %max3A_209 : vector<16xf32> to vector<1x16xf32>
        tpu.vector_store %arg13[%swap3A_210, %swap3A_211], %swap3A_214 {strides = array<i32>} : memref<80x128xf32, #tpu.memory_space<vmem>>, vector<1x16xf32>,
        %get3A_215 = arith.index_cast %add3A_180 : i32 to index
        %get3A_216 = arith.constant 32 : index
        %get3A_217 = tpu.vector_load %arg13[%get3A_215, %get3A_216] {strides = array<i32>} : memref<80x128xf32, #tpu.memory_space<vmem>>, vector<1x16xf32>,
        %get3A_218 = vector.shape_cast %get3A_217 : vector<1x16xf32> to vector<16xf32>
        %get3A_219 = arith.index_cast %add3A_176 : i32 to index
        %get3A_220 = arith.constant 32 : index
        %get3A_221 = tpu.vector_load %arg15[%get3A_219, %get3A_220] {strides = array<i32>} : memref<40x128xf32, #tpu.memory_space<vmem>>, vector<1x16xf32>,
        %get3A_222 = vector.shape_cast %get3A_221 : vector<1x16xf32> to vector<16xf32>
        %mul3A_223 = arith.mulf %get3A_222, %get3A_7 : vector<16xf32>
        %add3A_224 = arith.addf %get3A_218, %mul3A_223 : vector<16xf32>
        %max3A_225 = arith.constant 0.000000e+00 : f32
        %max3A_226 = vector.broadcast %max3A_225 : f32 to vector<16xf32>
        %max3A_227 = arith.maximumf %add3A_224, %max3A_226 : vector<16xf32>
        %swap3A_228 = arith.index_cast %add3A_180 : i32 to index
        %swap3A_229 = arith.constant 32 : index
        %swap3A_230 = tpu.vector_load %arg13[%swap3A_228, %swap3A_229] {strides = array<i32>} : memref<80x128xf32, #tpu.memory_space<vmem>>, vector<1x16xf32>,
        %swap3A_231 = vector.shape_cast %swap3A_230 : vector<1x16xf32> to vector<16xf32>
        %swap3A_232 = vector.shape_cast %max3A_227 : vector<16xf32> to vector<1x16xf32>
        tpu.vector_store %arg13[%swap3A_228, %swap3A_229], %swap3A_232 {strides = array<i32>} : memref<80x128xf32, #tpu.memory_space<vmem>>, vector<1x16xf32>,
        %get3A_233 = arith.index_cast %add3A_180 : i32 to index
        %get3A_234 = arith.constant 48 : index
        %get3A_235 = tpu.vector_load %arg13[%get3A_233, %get3A_234] {strides = array<i32>} : memref<80x128xf32, #tpu.memory_space<vmem>>, vector<1x16xf32>,
        %get3A_236 = vector.shape_cast %get3A_235 : vector<1x16xf32> to vector<16xf32>
        %get3A_237 = arith.index_cast %add3A_176 : i32 to index
        %get3A_238 = arith.constant 48 : index
        %get3A_239 = tpu.vector_load %arg15[%get3A_237, %get3A_238] {strides = array<i32>} : memref<40x128xf32, #tpu.memory_space<vmem>>, vector<1x16xf32>,
        %get3A_240 = vector.shape_cast %get3A_239 : vector<1x16xf32> to vector<16xf32>
        %mul3A_241 = arith.mulf %get3A_240, %get3A_10 : vector<16xf32>
        %add3A_242 = arith.addf %get3A_236, %mul3A_241 : vector<16xf32>
        %max3A_243 = arith.constant 0.000000e+00 : f32
        %max3A_244 = vector.broadcast %max3A_243 : f32 to vector<16xf32>
        %max3A_245 = arith.maximumf %add3A_242, %max3A_244 : vector<16xf32>
        %swap3A_246 = arith.index_cast %add3A_180 : i32 to index
        %swap3A_247 = arith.constant 48 : index
        %swap3A_248 = tpu.vector_load %arg13[%swap3A_246, %swap3A_247] {strides = array<i32>} : memref<80x128xf32, #tpu.memory_space<vmem>>, vector<1x16xf32>,
        %swap3A_249 = vector.shape_cast %swap3A_248 : vector<1x16xf32> to vector<16xf32>
        %swap3A_250 = vector.shape_cast %max3A_245 : vector<16xf32> to vector<1x16xf32>
        tpu.vector_store %arg13[%swap3A_246, %swap3A_247], %swap3A_250 {strides = array<i32>} : memref<80x128xf32, #tpu.memory_space<vmem>>, vector<1x16xf32>,
        %mul3A_251 = arith.constant 2 : i32
        %mul3A_252 = arith.muli %mul3A_251, %add3A_176 : i32
        %add3A_253 = arith.constant 1 : i32
        %add3A_254 = arith.addi %mul3A_252, %add3A_253 : i32
        %get3A_255 = arith.index_cast %add3A_254 : i32 to index
        %get3A_256 = arith.constant 0 : index
        %get3A_257 = tpu.vector_load %arg13[%get3A_255, %get3A_256] {strides = array<i32>} : memref<80x128xf32, #tpu.memory_space<vmem>>, vector<1x16xf32>,
        %get3A_258 = vector.shape_cast %get3A_257 : vector<1x16xf32> to vector<16xf32>
        %get3A_259 = arith.index_cast %add3A_176 : i32 to index
        %get3A_260 = arith.constant 64 : index
        %get3A_261 = tpu.vector_load %arg15[%get3A_259, %get3A_260] {strides = array<i32>} : memref<40x128xf32, #tpu.memory_space<vmem>>, vector<1x16xf32>,
        %get3A_262 = vector.shape_cast %get3A_261 : vector<1x16xf32> to vector<16xf32>
        %mul3A_263 = arith.mulf %get3A_262, %get3A_1 : vector<16xf32>
        %add3A_264 = arith.addf %get3A_258, %mul3A_263 : vector<16xf32>
        %max3A_265 = arith.constant 0.000000e+00 : f32
        %max3A_266 = vector.broadcast %max3A_265 : f32 to vector<16xf32>
        %max3A_267 = arith.maximumf %add3A_264, %max3A_266 : vector<16xf32>
        %swap3A_268 = arith.index_cast %add3A_254 : i32 to index
        %swap3A_269 = arith.constant 0 : index
        %swap3A_270 = tpu.vector_load %arg13[%swap3A_268, %swap3A_269] {strides = array<i32>} : memref<80x128xf32, #tpu.memory_space<vmem>>, vector<1x16xf32>,
        %swap3A_271 = vector.shape_cast %swap3A_270 : vector<1x16xf32> to vector<16xf32>
        %swap3A_272 = vector.shape_cast %max3A_267 : vector<16xf32> to vector<1x16xf32>
        tpu.vector_store %arg13[%swap3A_268, %swap3A_269], %swap3A_272 {strides = array<i32>} : memref<80x128xf32, #tpu.memory_space<vmem>>, vector<1x16xf32>,
        %get3A_273 = arith.index_cast %add3A_254 : i32 to index
        %get3A_274 = arith.constant 16 : index
        %get3A_275 = tpu.vector_load %arg13[%get3A_273, %get3A_274] {strides = array<i32>} : memref<80x128xf32, #tpu.memory_space<vmem>>, vector<1x16xf32>,
        %get3A_276 = vector.shape_cast %get3A_275 : vector<1x16xf32> to vector<16xf32>
        %get3A_277 = arith.index_cast %add3A_176 : i32 to index
        %get3A_278 = arith.constant 80 : index
        %get3A_279 = tpu.vector_load %arg15[%get3A_277, %get3A_278] {strides = array<i32>} : memref<40x128xf32, #tpu.memory_space<vmem>>, vector<1x16xf32>,
        %get3A_280 = vector.shape_cast %get3A_279 : vector<1x16xf32> to vector<16xf32>
        %mul3A_281 = arith.mulf %get3A_280, %get3A_4 : vector<16xf32>
        %add3A_282 = arith.addf %get3A_276, %mul3A_281 : vector<16xf32>
        %max3A_283 = arith.constant 0.000000e+00 : f32
        %max3A_284 = vector.broadcast %max3A_283 : f32 to vector<16xf32>
        %max3A_285 = arith.maximumf %add3A_282, %max3A_284 : vector<16xf32>
        %swap3A_286 = arith.index_cast %add3A_254 : i32 to index
        %swap3A_287 = arith.constant 16 : index
        %swap3A_288 = tpu.vector_load %arg13[%swap3A_286, %swap3A_287] {strides = array<i32>} : memref<80x128xf32, #tpu.memory_space<vmem>>, vector<1x16xf32>,
        %swap3A_289 = vector.shape_cast %swap3A_288 : vector<1x16xf32> to vector<16xf32>
        %swap3A_290 = vector.shape_cast %max3A_285 : vector<16xf32> to vector<1x16xf32>
        tpu.vector_store %arg13[%swap3A_286, %swap3A_287], %swap3A_290 {strides = array<i32>} : memref<80x128xf32, #tpu.memory_space<vmem>>, vector<1x16xf32>,
        %get3A_291 = arith.index_cast %add3A_254 : i32 to index
        %get3A_292 = arith.constant 32 : index
        %get3A_293 = tpu.vector_load %arg13[%get3A_291, %get3A_292] {strides = array<i32>} : memref<80x128xf32, #tpu.memory_space<vmem>>, vector<1x16xf32>,
        %get3A_294 = vector.shape_cast %get3A_293 : vector<1x16xf32> to vector<16xf32>
        %get3A_295 = arith.index_cast %add3A_176 : i32 to index
        %get3A_296 = arith.constant 96 : index
        %get3A_297 = tpu.vector_load %arg15[%get3A_295, %get3A_296] {strides = array<i32>} : memref<40x128xf32, #tpu.memory_space<vmem>>, vector<1x16xf32>,
        %get3A_298 = vector.shape_cast %get3A_297 : vector<1x16xf32> to vector<16xf32>
        %mul3A_299 = arith.mulf %get3A_298, %get3A_7 : vector<16xf32>
        %add3A_300 = arith.addf %get3A_294, %mul3A_299 : vector<16xf32>
        %max3A_301 = arith.constant 0.000000e+00 : f32
        %max3A_302 = vector.broadcast %max3A_301 : f32 to vector<16xf32>
        %max3A_303 = arith.maximumf %add3A_300, %max3A_302 : vector<16xf32>
        %swap3A_304 = arith.index_cast %add3A_254 : i32 to index
        %swap3A_305 = arith.constant 32 : index
        %swap3A_306 = tpu.vector_load %arg13[%swap3A_304, %swap3A_305] {strides = array<i32>} : memref<80x128xf32, #tpu.memory_space<vmem>>, vector<1x16xf32>,
        %swap3A_307 = vector.shape_cast %swap3A_306 : vector<1x16xf32> to vector<16xf32>
        %swap3A_308 = vector.shape_cast %max3A_303 : vector<16xf32> to vector<1x16xf32>
        tpu.vector_store %arg13[%swap3A_304, %swap3A_305], %swap3A_308 {strides = array<i32>} : memref<80x128xf32, #tpu.memory_space<vmem>>, vector<1x16xf32>,
        %get3A_309 = arith.index_cast %add3A_254 : i32 to index
        %get3A_310 = arith.constant 48 : index
        %get3A_311 = tpu.vector_load %arg13[%get3A_309, %get3A_310] {strides = array<i32>} : memref<80x128xf32, #tpu.memory_space<vmem>>, vector<1x16xf32>,
        %get3A_312 = vector.shape_cast %get3A_311 : vector<1x16xf32> to vector<16xf32>
        %get3A_313 = arith.index_cast %add3A_176 : i32 to index
        %get3A_314 = arith.constant 112 : index
        %get3A_315 = tpu.vector_load %arg15[%get3A_313, %get3A_314] {strides = array<i32>} : memref<40x128xf32, #tpu.memory_space<vmem>>, vector<1x16xf32>,
        %get3A_316 = vector.shape_cast %get3A_315 : vector<1x16xf32> to vector<16xf32>
        %mul3A_317 = arith.mulf %get3A_316, %get3A_10 : vector<16xf32>
        %add3A_318 = arith.addf %get3A_312, %mul3A_317 : vector<16xf32>
        %max3A_319 = arith.constant 0.000000e+00 : f32
        %max3A_320 = vector.broadcast %max3A_319 : f32 to vector<16xf32>
        %max3A_321 = arith.maximumf %add3A_318, %max3A_320 : vector<16xf32>
        %swap3A_322 = arith.index_cast %add3A_254 : i32 to index
        %swap3A_323 = arith.constant 48 : index
        %swap3A_324 = tpu.vector_load %arg13[%swap3A_322, %swap3A_323] {strides = array<i32>} : memref<80x128xf32, #tpu.memory_space<vmem>>, vector<1x16xf32>,
        %swap3A_325 = vector.shape_cast %swap3A_324 : vector<1x16xf32> to vector<16xf32>
        %swap3A_326 = vector.shape_cast %max3A_321 : vector<16xf32> to vector<1x16xf32>
        tpu.vector_store %arg13[%swap3A_322, %swap3A_323], %swap3A_326 {strides = array<i32>} : memref<80x128xf32, #tpu.memory_space<vmem>>, vector<1x16xf32>,
      }
      %scan3A_160 = arith.constant 40 : i32
      %dma_wait3A_161 = tpu.memref_slice %arg5[%multiple_of3A_93] : memref<320000xi32, #tpu.memory_space<hbm>> -> memref<80xi32, #tpu.memory_space<hbm>>
      %dma_wait3A_162 = tpu.memref_slice %arg5[%multiple_of3A_93] : memref<320000xi32, #tpu.memory_space<hbm>> -> memref<80xi32, #tpu.memory_space<hbm>>
      tpu.wait_dma2 semaphore(%arg24 : memref<!tpu.dma_semaphore, #tpu.memory_space<semaphore_mem>>) src(%dma_wait3A_162 : memref<80xi32, #tpu.memory_space<hbm>>) dst(%arg11 : memref<80xi32, #tpu.memory_space<vmem>>)
      %dma_start3A_163 = arith.constant 0 : i32
      %dma_start3A_164 = arith.constant 0 : i32
      %dma_start3A_165 = tpu.memref_slice %arg8[%dma_start3A_163, %dma_start3A_164] : memref<10000x128xf32, #tpu.memory_space<vmem_shared>> -> memref<10000x128xf32, #tpu.memory_space<vmem_shared>>
      tpu.enqueue_indirect_dma source(%arg13 : memref<80x128xf32, #tpu.memory_space<vmem>>) target(%dma_start3A_165 : memref<10000x128xf32, #tpu.memory_space<vmem_shared>>) offsets(%arg11 : memref<80xi32, #tpu.memory_space<vmem>>) semaphore(%arg22 : memref<!tpu.dma_semaphore, #tpu.memory_space<semaphore_mem>>) {add = true}
      %dma_wait3A_166 = arith.constant 0 : i32
      %dma_wait3A_167 = arith.constant 0 : i32
      %dma_wait3A_168 = tpu.memref_slice %arg8[%dma_wait3A_166, %dma_wait3A_167] : memref<10000x128xf32, #tpu.memory_space<vmem_shared>> -> memref<10000x128xf32, #tpu.memory_space<vmem_shared>>
      tpu.wait_indirect_dma semaphore(%arg21 : memref<!tpu.dma_semaphore, #tpu.memory_space<semaphore_mem>>) src(%arg12 : memref<80x128xf32, #tpu.memory_space<vmem>>) dst(%dma_wait3A_168 : memref<10000x128xf32, #tpu.memory_space<vmem_shared>>)
      %dma_wait3A_169 = arith.constant 0 : i32
      %dma_wait3A_170 = arith.constant 0 : i32
      %dma_wait3A_171 = tpu.memref_slice %arg8[%dma_wait3A_169, %dma_wait3A_170] : memref<10000x128xf32, #tpu.memory_space<vmem_shared>> -> memref<10000x128xf32, #tpu.memory_space<vmem_shared>>
      tpu.wait_indirect_dma semaphore(%arg22 : memref<!tpu.dma_semaphore, #tpu.memory_space<semaphore_mem>>) src(%arg13 : memref<80x128xf32, #tpu.memory_space<vmem>>) dst(%dma_wait3A_171 : memref<10000x128xf32, #tpu.memory_space<vmem_shared>>)
    }
    %scan3A_31 = arith.constant 62 : i32
    %add3A_32 = arith.constant 9920 : i32
    %add3A_33 = arith.addi %multiple_of3A, %add3A_32 : i32
    %multiple_of3A_34 = tpu.assume_multiple %add3A_33, 80 : i32
    %dma_start3A = tpu.memref_slice %arg5[%multiple_of3A_34] : memref<320000xi32, #tpu.memory_space<hbm>> -> memref<80xi32, #tpu.memory_space<hbm>>
    %dma_start3A_35 = tpu.memref_slice %arg5[%multiple_of3A_34] : memref<320000xi32, #tpu.memory_space<hbm>> -> memref<80xi32, #tpu.memory_space<hbm>>
    tpu.enqueue_dma source(%dma_start3A_35 : memref<80xi32, #tpu.memory_space<hbm>>) target(%arg10 : memref<80xi32, #tpu.memory_space<vmem>>) target_semaphore(%arg23 : memref<!tpu.dma_semaphore, #tpu.memory_space<semaphore_mem>>)
    %multiple_of3A_36 = arith.constant 9920 : i32
    %multiple_of3A_37 = tpu.assume_multiple %multiple_of3A_36, 80 : i32
    %dma_start3A_38 = tpu.memref_slice %arg9[%multiple_of3A_37] : memref<10000xi32, #tpu.memory_space<vmem>> -> memref<80xi32, #tpu.memory_space<vmem>>
    %dma_start3A_39 = arith.constant 0 : i32
    %dma_start3A_40 = arith.constant 0 : i32
    %dma_start3A_41 = tpu.memref_slice %arg2[%dma_start3A_39, %dma_start3A_40] : memref<10000x128xf32, #tpu.memory_space<hbm>> -> memref<10000x128xf32, #tpu.memory_space<hbm>>
    tpu.enqueue_indirect_dma source(%dma_start3A_41 : memref<10000x128xf32, #tpu.memory_space<hbm>>) target(%arg12 : memref<80x128xf32, #tpu.memory_space<vmem>>) offsets(%dma_start3A_38 : memref<80xi32, #tpu.memory_space<vmem>>) semaphore(%arg17 : memref<!tpu.dma_semaphore, #tpu.memory_space<semaphore_mem>>)
    %add3A_42 = arith.constant 4960 : i32
    %add3A_43 = arith.addi %multiple_of3A_20, %add3A_42 : i32
    %multiple_of3A_44 = tpu.assume_multiple %add3A_43, 40 : i32
    %dma_start3A_45 = arith.constant 0 : i32
    %dma_start3A_46 = tpu.memref_slice %arg3[%multiple_of3A_44, %dma_start3A_45] : memref<160000x128xf32, #tpu.memory_space<hbm>> -> memref<40x128xf32, #tpu.memory_space<hbm>>
    %dma_start3A_47 = arith.constant 0 : i32
    %dma_start3A_48 = tpu.memref_slice %arg3[%multiple_of3A_44, %dma_start3A_47] : memref<160000x128xf32, #tpu.memory_space<hbm>> -> memref<40x128xf32, #tpu.memory_space<hbm>>
    tpu.enqueue_dma source(%dma_start3A_48 : memref<40x128xf32, #tpu.memory_space<hbm>>) target(%arg14 : memref<40x128xf32, #tpu.memory_space<vmem>>) target_semaphore(%arg19 : memref<!tpu.dma_semaphore, #tpu.memory_space<semaphore_mem>>)
    %dma_wait3A = tpu.memref_slice %arg9[%multiple_of3A_37] : memref<10000xi32, #tpu.memory_space<vmem>> -> memref<80xi32, #tpu.memory_space<vmem>>
    %dma_wait3A_49 = arith.constant 0 : i32
    %dma_wait3A_50 = arith.constant 0 : i32
    %dma_wait3A_51 = tpu.memref_slice %arg2[%dma_wait3A_49, %dma_wait3A_50] : memref<10000x128xf32, #tpu.memory_space<hbm>> -> memref<10000x128xf32, #tpu.memory_space<hbm>>
    tpu.wait_indirect_dma semaphore(%arg17 : memref<!tpu.dma_semaphore, #tpu.memory_space<semaphore_mem>>) src(%dma_wait3A_51 : memref<10000x128xf32, #tpu.memory_space<hbm>>) dst(%arg12 : memref<80x128xf32, #tpu.memory_space<vmem>>)
    %dma_wait3A_52 = arith.constant 0 : i32
    %dma_wait3A_53 = tpu.memref_slice %arg3[%multiple_of3A_44, %dma_wait3A_52] : memref<160000x128xf32, #tpu.memory_space<hbm>> -> memref<40x128xf32, #tpu.memory_space<hbm>>
    %dma_wait3A_54 = arith.constant 0 : i32
    %dma_wait3A_55 = tpu.memref_slice %arg3[%multiple_of3A_44, %dma_wait3A_54] : memref<160000x128xf32, #tpu.memory_space<hbm>> -> memref<40x128xf32, #tpu.memory_space<hbm>>
    tpu.wait_dma2 semaphore(%arg19 : memref<!tpu.dma_semaphore, #tpu.memory_space<semaphore_mem>>) src(%dma_wait3A_55 : memref<40x128xf32, #tpu.memory_space<hbm>>) dst(%arg14 : memref<40x128xf32, #tpu.memory_space<vmem>>)
    %scan3A_56 = arith.constant 0 : i32
    %scan3A_57 = arith.constant 40 : i32
    %scan3A_58 = arith.addi %scan3A_56, %scan3A_57 : i32
    %scan3A_59 = arith.constant 1 : i32
    scf.for %scan3A_75 = %scan3A_56 to %scan3A_58 step %scan3A_59  : i32 {
      %mul3A_76 = arith.constant 1 : i32
      %mul3A_77 = arith.muli %scan3A_75, %mul3A_76 : i32
      %add3A_78 = arith.constant 0 : i32
      %add3A_79 = arith.addi %add3A_78, %mul3A_77 : i32
      %mul3A_80 = arith.constant 2 : i32
      %mul3A_81 = arith.muli %mul3A_80, %add3A_79 : i32
      %add3A_82 = arith.constant 0 : i32
      %add3A_83 = arith.addi %mul3A_81, %add3A_82 : i32
      %get3A_84 = arith.index_cast %add3A_83 : i32 to index
      %get3A_85 = arith.constant 0 : index
      %get3A_86 = tpu.vector_load %arg12[%get3A_84, %get3A_85] {strides = array<i32>} : memref<80x128xf32, #tpu.memory_space<vmem>>, vector<1x16xf32>,
      %get3A_87 = vector.shape_cast %get3A_86 : vector<1x16xf32> to vector<16xf32>
      %get3A_88 = arith.index_cast %add3A_79 : i32 to index
      %get3A_89 = arith.constant 0 : index
      %get3A_90 = tpu.vector_load %arg14[%get3A_88, %get3A_89] {strides = array<i32>} : memref<40x128xf32, #tpu.memory_space<vmem>>, vector<1x16xf32>,
      %get3A_91 = vector.shape_cast %get3A_90 : vector<1x16xf32> to vector<16xf32>
      %mul3A_92 = arith.mulf %get3A_91, %get3A_1 : vector<16xf32>
      %add3A_93 = arith.addf %get3A_87, %mul3A_92 : vector<16xf32>
      %max3A = arith.constant 0.000000e+00 : f32
      %max3A_94 = vector.broadcast %max3A : f32 to vector<16xf32>
      %max3A_95 = arith.maximumf %add3A_93, %max3A_94 : vector<16xf32>
      %swap3A = arith.index_cast %add3A_83 : i32 to index
      %swap3A_96 = arith.constant 0 : index
      %swap3A_97 = tpu.vector_load %arg12[%swap3A, %swap3A_96] {strides = array<i32>} : memref<80x128xf32, #tpu.memory_space<vmem>>, vector<1x16xf32>,
      %swap3A_98 = vector.shape_cast %swap3A_97 : vector<1x16xf32> to vector<16xf32>
      %swap3A_99 = vector.shape_cast %max3A_95 : vector<16xf32> to vector<1x16xf32>
      tpu.vector_store %arg12[%swap3A, %swap3A_96], %swap3A_99 {strides = array<i32>} : memref<80x128xf32, #tpu.memory_space<vmem>>, vector<1x16xf32>,
      %get3A_100 = arith.index_cast %add3A_83 : i32 to index
      %get3A_101 = arith.constant 16 : index
      %get3A_102 = tpu.vector_load %arg12[%get3A_100, %get3A_101] {strides = array<i32>} : memref<80x128xf32, #tpu.memory_space<vmem>>, vector<1x16xf32>,
      %get3A_103 = vector.shape_cast %get3A_102 : vector<1x16xf32> to vector<16xf32>
      %get3A_104 = arith.index_cast %add3A_79 : i32 to index
      %get3A_105 = arith.constant 16 : index
      %get3A_106 = tpu.vector_load %arg14[%get3A_104, %get3A_105] {strides = array<i32>} : memref<40x128xf32, #tpu.memory_space<vmem>>, vector<1x16xf32>,
      %get3A_107 = vector.shape_cast %get3A_106 : vector<1x16xf32> to vector<16xf32>
      %mul3A_108 = arith.mulf %get3A_107, %get3A_4 : vector<16xf32>
      %add3A_109 = arith.addf %get3A_103, %mul3A_108 : vector<16xf32>
      %max3A_110 = arith.constant 0.000000e+00 : f32
      %max3A_111 = vector.broadcast %max3A_110 : f32 to vector<16xf32>
      %max3A_112 = arith.maximumf %add3A_109, %max3A_111 : vector<16xf32>
      %swap3A_113 = arith.index_cast %add3A_83 : i32 to index
      %swap3A_114 = arith.constant 16 : index
      %swap3A_115 = tpu.vector_load %arg12[%swap3A_113, %swap3A_114] {strides = array<i32>} : memref<80x128xf32, #tpu.memory_space<vmem>>, vector<1x16xf32>,
      %swap3A_116 = vector.shape_cast %swap3A_115 : vector<1x16xf32> to vector<16xf32>
      %swap3A_117 = vector.shape_cast %max3A_112 : vector<16xf32> to vector<1x16xf32>
      tpu.vector_store %arg12[%swap3A_113, %swap3A_114], %swap3A_117 {strides = array<i32>} : memref<80x128xf32, #tpu.memory_space<vmem>>, vector<1x16xf32>,
      %get3A_118 = arith.index_cast %add3A_83 : i32 to index
      %get3A_119 = arith.constant 32 : index
      %get3A_120 = tpu.vector_load %arg12[%get3A_118, %get3A_119] {strides = array<i32>} : memref<80x128xf32, #tpu.memory_space<vmem>>, vector<1x16xf32>,
      %get3A_121 = vector.shape_cast %get3A_120 : vector<1x16xf32> to vector<16xf32>
      %get3A_122 = arith.index_cast %add3A_79 : i32 to index
      %get3A_123 = arith.constant 32 : index
      %get3A_124 = tpu.vector_load %arg14[%get3A_122, %get3A_123] {strides = array<i32>} : memref<40x128xf32, #tpu.memory_space<vmem>>, vector<1x16xf32>,
      %get3A_125 = vector.shape_cast %get3A_124 : vector<1x16xf32> to vector<16xf32>
      %mul3A_126 = arith.mulf %get3A_125, %get3A_7 : vector<16xf32>
      %add3A_127 = arith.addf %get3A_121, %mul3A_126 : vector<16xf32>
      %max3A_128 = arith.constant 0.000000e+00 : f32
      %max3A_129 = vector.broadcast %max3A_128 : f32 to vector<16xf32>
      %max3A_130 = arith.maximumf %add3A_127, %max3A_129 : vector<16xf32>
      %swap3A_131 = arith.index_cast %add3A_83 : i32 to index
      %swap3A_132 = arith.constant 32 : index
      %swap3A_133 = tpu.vector_load %arg12[%swap3A_131, %swap3A_132] {strides = array<i32>} : memref<80x128xf32, #tpu.memory_space<vmem>>, vector<1x16xf32>,
      %swap3A_134 = vector.shape_cast %swap3A_133 : vector<1x16xf32> to vector<16xf32>
      %swap3A_135 = vector.shape_cast %max3A_130 : vector<16xf32> to vector<1x16xf32>
      tpu.vector_store %arg12[%swap3A_131, %swap3A_132], %swap3A_135 {strides = array<i32>} : memref<80x128xf32, #tpu.memory_space<vmem>>, vector<1x16xf32>,
      %get3A_136 = arith.index_cast %add3A_83 : i32 to index
      %get3A_137 = arith.constant 48 : index
      %get3A_138 = tpu.vector_load %arg12[%get3A_136, %get3A_137] {strides = array<i32>} : memref<80x128xf32, #tpu.memory_space<vmem>>, vector<1x16xf32>,
      %get3A_139 = vector.shape_cast %get3A_138 : vector<1x16xf32> to vector<16xf32>
      %get3A_140 = arith.index_cast %add3A_79 : i32 to index
      %get3A_141 = arith.constant 48 : index
      %get3A_142 = tpu.vector_load %arg14[%get3A_140, %get3A_141] {strides = array<i32>} : memref<40x128xf32, #tpu.memory_space<vmem>>, vector<1x16xf32>,
      %get3A_143 = vector.shape_cast %get3A_142 : vector<1x16xf32> to vector<16xf32>
      %mul3A_144 = arith.mulf %get3A_143, %get3A_10 : vector<16xf32>
      %add3A_145 = arith.addf %get3A_139, %mul3A_144 : vector<16xf32>
      %max3A_146 = arith.constant 0.000000e+00 : f32
      %max3A_147 = vector.broadcast %max3A_146 : f32 to vector<16xf32>
      %max3A_148 = arith.maximumf %add3A_145, %max3A_147 : vector<16xf32>
      %swap3A_149 = arith.index_cast %add3A_83 : i32 to index
      %swap3A_150 = arith.constant 48 : index
      %swap3A_151 = tpu.vector_load %arg12[%swap3A_149, %swap3A_150] {strides = array<i32>} : memref<80x128xf32, #tpu.memory_space<vmem>>, vector<1x16xf32>,
      %swap3A_152 = vector.shape_cast %swap3A_151 : vector<1x16xf32> to vector<16xf32>
      %swap3A_153 = vector.shape_cast %max3A_148 : vector<16xf32> to vector<1x16xf32>
      tpu.vector_store %arg12[%swap3A_149, %swap3A_150], %swap3A_153 {strides = array<i32>} : memref<80x128xf32, #tpu.memory_space<vmem>>, vector<1x16xf32>,
      %mul3A_154 = arith.constant 2 : i32
      %mul3A_155 = arith.muli %mul3A_154, %add3A_79 : i32
      %add3A_156 = arith.constant 1 : i32
      %add3A_157 = arith.addi %mul3A_155, %add3A_156 : i32
      %get3A_158 = arith.index_cast %add3A_157 : i32 to index
      %get3A_159 = arith.constant 0 : index
      %get3A_160 = tpu.vector_load %arg12[%get3A_158, %get3A_159] {strides = array<i32>} : memref<80x128xf32, #tpu.memory_space<vmem>>, vector<1x16xf32>,
      %get3A_161 = vector.shape_cast %get3A_160 : vector<1x16xf32> to vector<16xf32>
      %get3A_162 = arith.index_cast %add3A_79 : i32 to index
      %get3A_163 = arith.constant 64 : index
      %get3A_164 = tpu.vector_load %arg14[%get3A_162, %get3A_163] {strides = array<i32>} : memref<40x128xf32, #tpu.memory_space<vmem>>, vector<1x16xf32>,
      %get3A_165 = vector.shape_cast %get3A_164 : vector<1x16xf32> to vector<16xf32>
      %mul3A_166 = arith.mulf %get3A_165, %get3A_1 : vector<16xf32>
      %add3A_167 = arith.addf %get3A_161, %mul3A_166 : vector<16xf32>
      %max3A_168 = arith.constant 0.000000e+00 : f32
      %max3A_169 = vector.broadcast %max3A_168 : f32 to vector<16xf32>
      %max3A_170 = arith.maximumf %add3A_167, %max3A_169 : vector<16xf32>
      %swap3A_171 = arith.index_cast %add3A_157 : i32 to index
      %swap3A_172 = arith.constant 0 : index
      %swap3A_173 = tpu.vector_load %arg12[%swap3A_171, %swap3A_172] {strides = array<i32>} : memref<80x128xf32, #tpu.memory_space<vmem>>, vector<1x16xf32>,
      %swap3A_174 = vector.shape_cast %swap3A_173 : vector<1x16xf32> to vector<16xf32>
      %swap3A_175 = vector.shape_cast %max3A_170 : vector<16xf32> to vector<1x16xf32>
      tpu.vector_store %arg12[%swap3A_171, %swap3A_172], %swap3A_175 {strides = array<i32>} : memref<80x128xf32, #tpu.memory_space<vmem>>, vector<1x16xf32>,
      %get3A_176 = arith.index_cast %add3A_157 : i32 to index
      %get3A_177 = arith.constant 16 : index
      %get3A_178 = tpu.vector_load %arg12[%get3A_176, %get3A_177] {strides = array<i32>} : memref<80x128xf32, #tpu.memory_space<vmem>>, vector<1x16xf32>,
      %get3A_179 = vector.shape_cast %get3A_178 : vector<1x16xf32> to vector<16xf32>
      %get3A_180 = arith.index_cast %add3A_79 : i32 to index
      %get3A_181 = arith.constant 80 : index
      %get3A_182 = tpu.vector_load %arg14[%get3A_180, %get3A_181] {strides = array<i32>} : memref<40x128xf32, #tpu.memory_space<vmem>>, vector<1x16xf32>,
      %get3A_183 = vector.shape_cast %get3A_182 : vector<1x16xf32> to vector<16xf32>
      %mul3A_184 = arith.mulf %get3A_183, %get3A_4 : vector<16xf32>
      %add3A_185 = arith.addf %get3A_179, %mul3A_184 : vector<16xf32>
      %max3A_186 = arith.constant 0.000000e+00 : f32
      %max3A_187 = vector.broadcast %max3A_186 : f32 to vector<16xf32>
      %max3A_188 = arith.maximumf %add3A_185, %max3A_187 : vector<16xf32>
      %swap3A_189 = arith.index_cast %add3A_157 : i32 to index
      %swap3A_190 = arith.constant 16 : index
      %swap3A_191 = tpu.vector_load %arg12[%swap3A_189, %swap3A_190] {strides = array<i32>} : memref<80x128xf32, #tpu.memory_space<vmem>>, vector<1x16xf32>,
      %swap3A_192 = vector.shape_cast %swap3A_191 : vector<1x16xf32> to vector<16xf32>
      %swap3A_193 = vector.shape_cast %max3A_188 : vector<16xf32> to vector<1x16xf32>
      tpu.vector_store %arg12[%swap3A_189, %swap3A_190], %swap3A_193 {strides = array<i32>} : memref<80x128xf32, #tpu.memory_space<vmem>>, vector<1x16xf32>,
      %get3A_194 = arith.index_cast %add3A_157 : i32 to index
      %get3A_195 = arith.constant 32 : index
      %get3A_196 = tpu.vector_load %arg12[%get3A_194, %get3A_195] {strides = array<i32>} : memref<80x128xf32, #tpu.memory_space<vmem>>, vector<1x16xf32>,
      %get3A_197 = vector.shape_cast %get3A_196 : vector<1x16xf32> to vector<16xf32>
      %get3A_198 = arith.index_cast %add3A_79 : i32 to index
      %get3A_199 = arith.constant 96 : index
      %get3A_200 = tpu.vector_load %arg14[%get3A_198, %get3A_199] {strides = array<i32>} : memref<40x128xf32, #tpu.memory_space<vmem>>, vector<1x16xf32>,
      %get3A_201 = vector.shape_cast %get3A_200 : vector<1x16xf32> to vector<16xf32>
      %mul3A_202 = arith.mulf %get3A_201, %get3A_7 : vector<16xf32>
      %add3A_203 = arith.addf %get3A_197, %mul3A_202 : vector<16xf32>
      %max3A_204 = arith.constant 0.000000e+00 : f32
      %max3A_205 = vector.broadcast %max3A_204 : f32 to vector<16xf32>
      %max3A_206 = arith.maximumf %add3A_203, %max3A_205 : vector<16xf32>
      %swap3A_207 = arith.index_cast %add3A_157 : i32 to index
      %swap3A_208 = arith.constant 32 : index
      %swap3A_209 = tpu.vector_load %arg12[%swap3A_207, %swap3A_208] {strides = array<i32>} : memref<80x128xf32, #tpu.memory_space<vmem>>, vector<1x16xf32>,
      %swap3A_210 = vector.shape_cast %swap3A_209 : vector<1x16xf32> to vector<16xf32>
      %swap3A_211 = vector.shape_cast %max3A_206 : vector<16xf32> to vector<1x16xf32>
      tpu.vector_store %arg12[%swap3A_207, %swap3A_208], %swap3A_211 {strides = array<i32>} : memref<80x128xf32, #tpu.memory_space<vmem>>, vector<1x16xf32>,
      %get3A_212 = arith.index_cast %add3A_157 : i32 to index
      %get3A_213 = arith.constant 48 : index
      %get3A_214 = tpu.vector_load %arg12[%get3A_212, %get3A_213] {strides = array<i32>} : memref<80x128xf32, #tpu.memory_space<vmem>>, vector<1x16xf32>,
      %get3A_215 = vector.shape_cast %get3A_214 : vector<1x16xf32> to vector<16xf32>
      %get3A_216 = arith.index_cast %add3A_79 : i32 to index
      %get3A_217 = arith.constant 112 : index
      %get3A_218 = tpu.vector_load %arg14[%get3A_216, %get3A_217] {strides = array<i32>} : memref<40x128xf32, #tpu.memory_space<vmem>>, vector<1x16xf32>,
      %get3A_219 = vector.shape_cast %get3A_218 : vector<1x16xf32> to vector<16xf32>
      %mul3A_220 = arith.mulf %get3A_219, %get3A_10 : vector<16xf32>
      %add3A_221 = arith.addf %get3A_215, %mul3A_220 : vector<16xf32>
      %max3A_222 = arith.constant 0.000000e+00 : f32
      %max3A_223 = vector.broadcast %max3A_222 : f32 to vector<16xf32>
      %max3A_224 = arith.maximumf %add3A_221, %max3A_223 : vector<16xf32>
      %swap3A_225 = arith.index_cast %add3A_157 : i32 to index
      %swap3A_226 = arith.constant 48 : index
      %swap3A_227 = tpu.vector_load %arg12[%swap3A_225, %swap3A_226] {strides = array<i32>} : memref<80x128xf32, #tpu.memory_space<vmem>>, vector<1x16xf32>,
      %swap3A_228 = vector.shape_cast %swap3A_227 : vector<1x16xf32> to vector<16xf32>
      %swap3A_229 = vector.shape_cast %max3A_224 : vector<16xf32> to vector<1x16xf32>
      tpu.vector_store %arg12[%swap3A_225, %swap3A_226], %swap3A_229 {strides = array<i32>} : memref<80x128xf32, #tpu.memory_space<vmem>>, vector<1x16xf32>,
    }
    %scan3A_60 = arith.constant 40 : i32
    %dma_wait3A_61 = tpu.memref_slice %arg5[%multiple_of3A_34] : memref<320000xi32, #tpu.memory_space<hbm>> -> memref<80xi32, #tpu.memory_space<hbm>>
    %dma_wait3A_62 = tpu.memref_slice %arg5[%multiple_of3A_34] : memref<320000xi32, #tpu.memory_space<hbm>> -> memref<80xi32, #tpu.memory_space<hbm>>
    tpu.wait_dma2 semaphore(%arg23 : memref<!tpu.dma_semaphore, #tpu.memory_space<semaphore_mem>>) src(%dma_wait3A_62 : memref<80xi32, #tpu.memory_space<hbm>>) dst(%arg10 : memref<80xi32, #tpu.memory_space<vmem>>)
    %dma_start3A_63 = arith.constant 0 : i32
    %dma_start3A_64 = arith.constant 0 : i32
    %dma_start3A_65 = tpu.memref_slice %arg8[%dma_start3A_63, %dma_start3A_64] : memref<10000x128xf32, #tpu.memory_space<vmem_shared>> -> memref<10000x128xf32, #tpu.memory_space<vmem_shared>>
    tpu.enqueue_indirect_dma source(%arg12 : memref<80x128xf32, #tpu.memory_space<vmem>>) target(%dma_start3A_65 : memref<10000x128xf32, #tpu.memory_space<vmem_shared>>) offsets(%arg10 : memref<80xi32, #tpu.memory_space<vmem>>) semaphore(%arg21 : memref<!tpu.dma_semaphore, #tpu.memory_space<semaphore_mem>>) {add = true}
    %dma_wait3A_66 = arith.constant 0 : i32
    %dma_wait3A_67 = arith.constant 0 : i32
    %dma_wait3A_68 = tpu.memref_slice %arg8[%dma_wait3A_66, %dma_wait3A_67] : memref<10000x128xf32, #tpu.memory_space<vmem_shared>> -> memref<10000x128xf32, #tpu.memory_space<vmem_shared>>
    tpu.wait_indirect_dma semaphore(%arg21 : memref<!tpu.dma_semaphore, #tpu.memory_space<semaphore_mem>>) src(%arg12 : memref<80x128xf32, #tpu.memory_space<vmem>>) dst(%dma_wait3A_68 : memref<10000x128xf32, #tpu.memory_space<vmem_shared>>)
    %barrier3A_69 = arith.constant 0 : index
    tpu.barrier barrier_id(%barrier3A_69)
    %lt3A_70 = arith.constant 5 : i32
    %lt3A_71 = arith.cmpi slt, %arg1, %lt3A_70 : i32
    %convert_element_type3A_72 = arith.extui %lt3A_71 : i1 to i32
    %cond3A_73 = arith.constant 0 : i32
    %cond3A_74 = arith.cmpi ne, %convert_element_type3A_72, %cond3A_73 : i32
    scf.if %cond3A_74 {
      %scan3A_75 = arith.constant 0 : i32
      %scan3A_76 = arith.constant 25 : i32
      %scan3A_77 = arith.addi %scan3A_75, %scan3A_76 : i32
      %scan3A_78 = arith.constant 1 : i32
      scf.for %scan3A_80 = %scan3A_75 to %scan3A_77 step %scan3A_78  : i32 {
        %mul3A_81 = arith.constant 1 : i32
        %mul3A_82 = arith.muli %scan3A_80, %mul3A_81 : i32
        %add3A_83 = arith.constant 0 : i32
        %add3A_84 = arith.addi %add3A_83, %mul3A_82 : i32
        %mul3A_85 = arith.constant 2000 : i32
        %mul3A_86 = arith.muli %arg1, %mul3A_85 : i32
        %mul3A_87 = arith.constant 80 : i32
        %mul3A_88 = arith.muli %add3A_84, %mul3A_87 : i32
        %add3A_89 = arith.addi %mul3A_86, %mul3A_88 : i32
        %multiple_of3A_90 = tpu.assume_multiple %add3A_89, 80 : i32
        "tpu.region"() ({
          %run_scoped3A = tpu.sem_alloc : memref<!tpu.dma_semaphore, #tpu.memory_space<semaphore_mem>>
          %dma_start3A_91 = arith.constant 0 : i32
          %dma_start3A_92 = tpu.memref_slice %arg8[%multiple_of3A_90, %dma_start3A_91] : memref<10000x128xf32, #tpu.memory_space<vmem_shared>> -> memref<80x128xf32, #tpu.memory_space<vmem_shared>>
          %dma_start3A_93 = arith.constant 0 : i32
          %dma_start3A_94 = tpu.memref_slice %arg8[%multiple_of3A_90, %dma_start3A_93] : memref<10000x128xf32, #tpu.memory_space<vmem_shared>> -> memref<80x128xf32, #tpu.memory_space<vmem_shared>>
          tpu.enqueue_dma source(%dma_start3A_94 : memref<80x128xf32, #tpu.memory_space<vmem_shared>>) target(%arg12 : memref<80x128xf32, #tpu.memory_space<vmem>>) target_semaphore(%run_scoped3A : memref<!tpu.dma_semaphore, #tpu.memory_space<semaphore_mem>>)
          %dma_wait3A_95 = arith.constant 0 : i32
          %dma_wait3A_96 = tpu.memref_slice %arg8[%multiple_of3A_90, %dma_wait3A_95] : memref<10000x128xf32, #tpu.memory_space<vmem_shared>> -> memref<80x128xf32, #tpu.memory_space<vmem_shared>>
          %dma_wait3A_97 = arith.constant 0 : i32
          %dma_wait3A_98 = tpu.memref_slice %arg8[%multiple_of3A_90, %dma_wait3A_97] : memref<10000x128xf32, #tpu.memory_space<vmem_shared>> -> memref<80x128xf32, #tpu.memory_space<vmem_shared>>
          tpu.wait_dma2 semaphore(%run_scoped3A : memref<!tpu.dma_semaphore, #tpu.memory_space<semaphore_mem>>) src(%dma_wait3A_98 : memref<80x128xf32, #tpu.memory_space<vmem_shared>>) dst(%arg12 : memref<80x128xf32, #tpu.memory_space<vmem>>)
          tpu.yield
        }) : () -> ()
        "tpu.region"() ({
          %run_scoped3A = tpu.sem_alloc : memref<!tpu.dma_semaphore, #tpu.memory_space<semaphore_mem>>
          %dma_start3A_91 = arith.constant 0 : i32
          %dma_start3A_92 = arith.constant 0 : i32
          %dma_start3A_93 = tpu.memref_slice %arg7[%arg0, %dma_start3A_91, %dma_start3A_92] : memref<2x10000x128xf32, #tpu.memory_space<hbm>> -> memref<1x10000x128xf32, #tpu.memory_space<hbm>>
          %dma_start3A_94 = tpu.memref_squeeze %dma_start3A_93 : memref<1x10000x128xf32, #tpu.memory_space<hbm>> -> memref<10000x128xf32, #tpu.memory_space<hbm>>
          %dma_start3A_95 = arith.constant 0 : i32
          %dma_start3A_96 = tpu.memref_slice %dma_start3A_94[%multiple_of3A_90, %dma_start3A_95] : memref<10000x128xf32, #tpu.memory_space<hbm>> -> memref<80x128xf32, #tpu.memory_space<hbm>>
          %dma_start3A_97 = arith.constant 0 : i32
          %dma_start3A_98 = arith.constant 0 : i32
          %dma_start3A_99 = tpu.memref_slice %arg7[%arg0, %dma_start3A_97, %dma_start3A_98] : memref<2x10000x128xf32, #tpu.memory_space<hbm>> -> memref<1x10000x128xf32, #tpu.memory_space<hbm>>
          %dma_start3A_100 = tpu.memref_squeeze %dma_start3A_99 : memref<1x10000x128xf32, #tpu.memory_space<hbm>> -> memref<10000x128xf32, #tpu.memory_space<hbm>>
          %dma_start3A_101 = arith.constant 0 : i32
          %dma_start3A_102 = tpu.memref_slice %dma_start3A_100[%multiple_of3A_90, %dma_start3A_101] : memref<10000x128xf32, #tpu.memory_space<hbm>> -> memref<80x128xf32, #tpu.memory_space<hbm>>
          tpu.enqueue_dma source(%arg12 : memref<80x128xf32, #tpu.memory_space<vmem>>) target(%dma_start3A_102 : memref<80x128xf32, #tpu.memory_space<hbm>>) target_semaphore(%run_scoped3A : memref<!tpu.dma_semaphore, #tpu.memory_space<semaphore_mem>>)
          %dma_wait3A_103 = arith.constant 0 : i32
          %dma_wait3A_104 = arith.constant 0 : i32
          %dma_wait3A_105 = tpu.memref_slice %arg7[%arg0, %dma_wait3A_103, %dma_wait3A_104] : memref<2x10000x128xf32, #tpu.memory_space<hbm>> -> memref<1x10000x128xf32, #tpu.memory_space<hbm>>
          %dma_wait3A_106 = tpu.memref_squeeze %dma_wait3A_105 : memref<1x10000x128xf32, #tpu.memory_space<hbm>> -> memref<10000x128xf32, #tpu.memory_space<hbm>>
          %dma_wait3A_107 = arith.constant 0 : i32
          %dma_wait3A_108 = tpu.memref_slice %dma_wait3A_106[%multiple_of3A_90, %dma_wait3A_107] : memref<10000x128xf32, #tpu.memory_space<hbm>> -> memref<80x128xf32, #tpu.memory_space<hbm>>
          %dma_wait3A_109 = arith.constant 0 : i32
          %dma_wait3A_110 = arith.constant 0 : i32
          %dma_wait3A_111 = tpu.memref_slice %arg7[%arg0, %dma_wait3A_109, %dma_wait3A_110] : memref<2x10000x128xf32, #tpu.memory_space<hbm>> -> memref<1x10000x128xf32, #tpu.memory_space<hbm>>
          %dma_wait3A_112 = tpu.memref_squeeze %dma_wait3A_111 : memref<1x10000x128xf32, #tpu.memory_space<hbm>> -> memref<10000x128xf32, #tpu.memory_space<hbm>>
          %dma_wait3A_113 = arith.constant 0 : i32
          %dma_wait3A_114 = tpu.memref_slice %dma_wait3A_112[%multiple_of3A_90, %dma_wait3A_113] : memref<10000x128xf32, #tpu.memory_space<hbm>> -> memref<80x128xf32, #tpu.memory_space<hbm>>
          tpu.wait_dma2 semaphore(%run_scoped3A : memref<!tpu.dma_semaphore, #tpu.memory_space<semaphore_mem>>) src(%arg12 : memref<80x128xf32, #tpu.memory_space<vmem>>) dst(%dma_wait3A_114 : memref<80x128xf32, #tpu.memory_space<hbm>>)
          tpu.yield
        }) : () -> ()
      }
      %scan3A_79 = arith.constant 25 : i32
    } else {
    }
    return
  }
}

module attributes {stable_mosaic.version = 14 : i64} {
  func.func @_edge_prep_body(%arg0: i32, %arg1: memref<8000x40xf32, #tpu.memory_space<vmem>>, %arg2: memref<20x32xf32, #tpu.memory_space<vmem>>, %arg3: memref<1x32xf32, #tpu.memory_space<vmem>>, %arg4: memref<32x64xf32, #tpu.memory_space<vmem>>, %arg5: memref<1x64xf32, #tpu.memory_space<vmem>>, %arg6: memref<20x64xf32, #tpu.memory_space<vmem>>, %arg7: memref<1x64xf32, #tpu.memory_space<vmem>>, %arg8: memref<8000x128xf32, #tpu.memory_space<vmem>>) attributes {dimension_semantics = [#tpu.dimension_semantics<arbitrary>], iteration_bounds = array<i64: 20>, scalar_prefetch = 0 : i64, scratch_operands = 0 : i64, tpu.core_type = #tpu.core_type<tc>, window_params = [{transform_indices = @transform_0, window_bounds = array<i64: 8000, 40>}, {pipeline_mode = #tpu.pipeline_mode<synchronous>, transform_indices = @transform_1, window_bounds = array<i64: 20, 32>}, {pipeline_mode = #tpu.pipeline_mode<synchronous>, transform_indices = @transform_2, window_bounds = array<i64: 1, 32>}, {pipeline_mode = #tpu.pipeline_mode<synchronous>, transform_indices = @transform_3, window_bounds = array<i64: 32, 64>}, {pipeline_mode = #tpu.pipeline_mode<synchronous>, transform_indices = @transform_4, window_bounds = array<i64: 1, 64>}, {pipeline_mode = #tpu.pipeline_mode<synchronous>, transform_indices = @transform_5, window_bounds = array<i64: 20, 64>}, {pipeline_mode = #tpu.pipeline_mode<synchronous>, transform_indices = @transform_6, window_bounds = array<i64: 1, 64>}, {transform_indices = @transform_7, window_bounds = array<i64: 8000, 128>}]} {
    %get3A = arith.constant 0 : index
    %get3A_0 = arith.constant 0 : index
    %get3A_1 = vector.load %arg1[%get3A, %get3A_0] : memref<8000x40xf32, #tpu.memory_space<vmem>>, vector<8000x40xf32>
    %slice3A = vector.extract_strided_slice %get3A_1 {offsets = [0, 0], sizes = [8000, 20], strides = [1, 1]} : vector<8000x40xf32> to vector<8000x20xf32>
    %get3A_2 = arith.constant 0 : index
    %get3A_3 = arith.constant 0 : index
    %get3A_4 = vector.load %arg2[%get3A_2, %get3A_3] : memref<20x32xf32, #tpu.memory_space<vmem>>, vector<20x32xf32>
    %dot_general3A = arith.constant dense<0.000000e+00> : vector<8000x32xf32>
    %dot_general3A_5 = tpu.matmul %slice3A, %get3A_4, %dot_general3A {dimension_numbers = #tpu.dot_dimension_numbers<[1], [0], [0], [1], [0, 0, 1, 1], [], []>, transpose_lhs_hint = false} : vector<8000x20xf32>, vector<20x32xf32>, vector<8000x32xf32> -> vector<8000x32xf32>
    %get3A_6 = arith.constant 0 : index
    %get3A_7 = arith.constant 0 : index
    %get3A_8 = vector.load %arg3[%get3A_6, %get3A_7] : memref<1x32xf32, #tpu.memory_space<vmem>>, vector<1x32xf32>
    %add3A = vector.broadcast %get3A_8 : vector<1x32xf32> to vector<8000x32xf32>
    %add3A_9 = arith.addf %dot_general3A_5, %add3A : vector<8000x32xf32>
    %max3A = arith.constant 0.000000e+00 : f32
    %max3A_10 = vector.broadcast %max3A : f32 to vector<8000x32xf32>
    %max3A_11 = arith.maximumf %add3A_9, %max3A_10 : vector<8000x32xf32>
    %get3A_12 = arith.constant 0 : index
    %get3A_13 = arith.constant 0 : index
    %get3A_14 = vector.load %arg4[%get3A_12, %get3A_13] : memref<32x64xf32, #tpu.memory_space<vmem>>, vector<32x64xf32>
    %dot_general3A_15 = arith.constant dense<0.000000e+00> : vector<8000x64xf32>
    %dot_general3A_16 = tpu.matmul %max3A_11, %get3A_14, %dot_general3A_15 {dimension_numbers = #tpu.dot_dimension_numbers<[1], [0], [0], [1], [0, 0, 1, 1], [], []>, transpose_lhs_hint = false} : vector<8000x32xf32>, vector<32x64xf32>, vector<8000x64xf32> -> vector<8000x64xf32>
    %get3A_17 = arith.constant 0 : index
    %get3A_18 = arith.constant 0 : index
    %get3A_19 = vector.load %arg5[%get3A_17, %get3A_18] : memref<1x64xf32, #tpu.memory_space<vmem>>, vector<1x64xf32>
    %add3A_20 = vector.broadcast %get3A_19 : vector<1x64xf32> to vector<8000x64xf32>
    %add3A_21 = arith.addf %dot_general3A_16, %add3A_20 : vector<8000x64xf32>
    %get3A_22 = arith.constant 0 : index
    %get3A_23 = arith.constant 0 : index
    %get3A_24 = vector.load %arg6[%get3A_22, %get3A_23] : memref<20x64xf32, #tpu.memory_space<vmem>>, vector<20x64xf32>
    %dot_general3A_25 = arith.constant dense<0.000000e+00> : vector<8000x64xf32>
    %dot_general3A_26 = tpu.matmul %slice3A, %get3A_24, %dot_general3A_25 {dimension_numbers = #tpu.dot_dimension_numbers<[1], [0], [0], [1], [0, 0, 1, 1], [], []>, transpose_lhs_hint = false} : vector<8000x20xf32>, vector<20x64xf32>, vector<8000x64xf32> -> vector<8000x64xf32>
    %add3A_27 = arith.addf %add3A_21, %dot_general3A_26 : vector<8000x64xf32>
    %get3A_28 = arith.constant 0 : index
    %get3A_29 = arith.constant 0 : index
    %get3A_30 = vector.load %arg7[%get3A_28, %get3A_29] : memref<1x64xf32, #tpu.memory_space<vmem>>, vector<1x64xf32>
    %add3A_31 = vector.broadcast %get3A_30 : vector<1x64xf32> to vector<8000x64xf32>
    %add3A_32 = arith.addf %add3A_27, %add3A_31 : vector<8000x64xf32>
    %slice3A_33 = vector.extract_strided_slice %get3A_1 {offsets = [0, 20], sizes = [8000, 20], strides = [1, 1]} : vector<8000x40xf32> to vector<8000x20xf32>
    %get3A_34 = arith.constant 0 : index
    %get3A_35 = arith.constant 0 : index
    %get3A_36 = vector.load %arg2[%get3A_34, %get3A_35] : memref<20x32xf32, #tpu.memory_space<vmem>>, vector<20x32xf32>
    %dot_general3A_37 = arith.constant dense<0.000000e+00> : vector<8000x32xf32>
    %dot_general3A_38 = tpu.matmul %slice3A_33, %get3A_36, %dot_general3A_37 {dimension_numbers = #tpu.dot_dimension_numbers<[1], [0], [0], [1], [0, 0, 1, 1], [], []>, transpose_lhs_hint = false} : vector<8000x20xf32>, vector<20x32xf32>, vector<8000x32xf32> -> vector<8000x32xf32>
    %get3A_39 = arith.constant 0 : index
    %get3A_40 = arith.constant 0 : index
    %get3A_41 = vector.load %arg3[%get3A_39, %get3A_40] : memref<1x32xf32, #tpu.memory_space<vmem>>, vector<1x32xf32>
    %add3A_42 = vector.broadcast %get3A_41 : vector<1x32xf32> to vector<8000x32xf32>
    %add3A_43 = arith.addf %dot_general3A_38, %add3A_42 : vector<8000x32xf32>
    %max3A_44 = arith.constant 0.000000e+00 : f32
    %max3A_45 = vector.broadcast %max3A_44 : f32 to vector<8000x32xf32>
    %max3A_46 = arith.maximumf %add3A_43, %max3A_45 : vector<8000x32xf32>
    %get3A_47 = arith.constant 0 : index
    %get3A_48 = arith.constant 0 : index
    %get3A_49 = vector.load %arg4[%get3A_47, %get3A_48] : memref<32x64xf32, #tpu.memory_space<vmem>>, vector<32x64xf32>
    %dot_general3A_50 = arith.constant dense<0.000000e+00> : vector<8000x64xf32>
    %dot_general3A_51 = tpu.matmul %max3A_46, %get3A_49, %dot_general3A_50 {dimension_numbers = #tpu.dot_dimension_numbers<[1], [0], [0], [1], [0, 0, 1, 1], [], []>, transpose_lhs_hint = false} : vector<8000x32xf32>, vector<32x64xf32>, vector<8000x64xf32> -> vector<8000x64xf32>
    %get3A_52 = arith.constant 0 : index
    %get3A_53 = arith.constant 0 : index
    %get3A_54 = vector.load %arg5[%get3A_52, %get3A_53] : memref<1x64xf32, #tpu.memory_space<vmem>>, vector<1x64xf32>
    %add3A_55 = vector.broadcast %get3A_54 : vector<1x64xf32> to vector<8000x64xf32>
    %add3A_56 = arith.addf %dot_general3A_51, %add3A_55 : vector<8000x64xf32>
    %get3A_57 = arith.constant 0 : index
    %get3A_58 = arith.constant 0 : index
    %get3A_59 = vector.load %arg6[%get3A_57, %get3A_58] : memref<20x64xf32, #tpu.memory_space<vmem>>, vector<20x64xf32>
    %dot_general3A_60 = arith.constant dense<0.000000e+00> : vector<8000x64xf32>
    %dot_general3A_61 = tpu.matmul %slice3A_33, %get3A_59, %dot_general3A_60 {dimension_numbers = #tpu.dot_dimension_numbers<[1], [0], [0], [1], [0, 0, 1, 1], [], []>, transpose_lhs_hint = false} : vector<8000x20xf32>, vector<20x64xf32>, vector<8000x64xf32> -> vector<8000x64xf32>
    %add3A_62 = arith.addf %add3A_56, %dot_general3A_61 : vector<8000x64xf32>
    %get3A_63 = arith.constant 0 : index
    %get3A_64 = arith.constant 0 : index
    %get3A_65 = vector.load %arg7[%get3A_63, %get3A_64] : memref<1x64xf32, #tpu.memory_space<vmem>>, vector<1x64xf32>
    %add3A_66 = vector.broadcast %get3A_65 : vector<1x64xf32> to vector<8000x64xf32>
    %add3A_67 = arith.addf %add3A_62, %add3A_66 : vector<8000x64xf32>
    %concatenate3A = tpu.concatenate %add3A_32, %add3A_67 in 1 : vector<8000x64xf32>, vector<8000x64xf32> -> vector<8000x128xf32>
    %swap3A = arith.constant 0 : index
    %swap3A_68 = arith.constant 0 : index
    %swap3A_69 = vector.load %arg8[%swap3A, %swap3A_68] : memref<8000x128xf32, #tpu.memory_space<vmem>>, vector<8000x128xf32>
    tpu.vector_store %arg8[%swap3A, %swap3A_68], %concatenate3A {strides = array<i32>} : memref<8000x128xf32, #tpu.memory_space<vmem>>, vector<8000x128xf32>,
    return
  }
  func.func @transform_0(%arg0: i32) -> (i32, i32) {
    %c0_i32 = arith.constant 0 : i32
    %c0_i32_0 = arith.constant 0 : i32
    return %arg0, %c0_i32 : i32, i32
  }
  func.func @transform_1(%arg0: i32) -> (i32, i32) {
    %c0_i32 = arith.constant 0 : i32
    %c0_i32_0 = arith.constant 0 : i32
    %c0_i32_1 = arith.constant 0 : i32
    return %c0_i32, %c0_i32_0 : i32, i32
  }
  func.func @transform_2(%arg0: i32) -> (i32, i32) {
    %c0_i32 = arith.constant 0 : i32
    %c0_i32_0 = arith.constant 0 : i32
    %c0_i32_1 = arith.constant 0 : i32
    return %c0_i32, %c0_i32_0 : i32, i32
  }
  func.func @transform_3(%arg0: i32) -> (i32, i32) {
    %c0_i32 = arith.constant 0 : i32
    %c0_i32_0 = arith.constant 0 : i32
    %c0_i32_1 = arith.constant 0 : i32
    return %c0_i32, %c0_i32_0 : i32, i32
  }
  func.func @transform_4(%arg0: i32) -> (i32, i32) {
    %c0_i32 = arith.constant 0 : i32
    %c0_i32_0 = arith.constant 0 : i32
    %c0_i32_1 = arith.constant 0 : i32
    return %c0_i32, %c0_i32_0 : i32, i32
  }
  func.func @transform_5(%arg0: i32) -> (i32, i32) {
    %c0_i32 = arith.constant 0 : i32
    %c0_i32_0 = arith.constant 0 : i32
    %c0_i32_1 = arith.constant 0 : i32
    return %c0_i32, %c0_i32_0 : i32, i32
  }
  func.func @transform_6(%arg0: i32) -> (i32, i32) {
    %c0_i32 = arith.constant 0 : i32
    %c0_i32_0 = arith.constant 0 : i32
    %c0_i32_1 = arith.constant 0 : i32
    return %c0_i32, %c0_i32_0 : i32, i32
  }
  func.func @transform_7(%arg0: i32) -> (i32, i32) {
    %c0_i32 = arith.constant 0 : i32
    %c0_i32_0 = arith.constant 0 : i32
    return %arg0, %c0_i32 : i32, i32
  }
}

module attributes {stable_mosaic.version = 14 : i64} {
  func.func @_node_prep_body(%arg0: i32, %arg1: memref<2000x128xf32, #tpu.memory_space<vmem>>, %arg2: memref<128x32xf32, #tpu.memory_space<vmem>>, %arg3: memref<1x32xf32, #tpu.memory_space<vmem>>, %arg4: memref<32x64xf32, #tpu.memory_space<vmem>>, %arg5: memref<1x64xf32, #tpu.memory_space<vmem>>, %arg6: memref<128x64xf32, #tpu.memory_space<vmem>>, %arg7: memref<1x64xf32, #tpu.memory_space<vmem>>, %arg8: memref<64x64xf32, #tpu.memory_space<vmem>>, %arg9: memref<1x64xf32, #tpu.memory_space<vmem>>, %arg10: memref<2000x64xf32, #tpu.memory_space<vmem>>, %arg11: memref<2000x64xf32, #tpu.memory_space<vmem>>, %arg12: memref<2000x128xf32, #tpu.memory_space<vmem>>) attributes {dimension_semantics = [#tpu.dimension_semantics<arbitrary>], iteration_bounds = array<i64: 5>, scalar_prefetch = 0 : i64, scratch_operands = 0 : i64, tpu.core_type = #tpu.core_type<tc>, window_params = [{transform_indices = @transform_0, window_bounds = array<i64: 2000, 128>}, {pipeline_mode = #tpu.pipeline_mode<synchronous>, transform_indices = @transform_1, window_bounds = array<i64: 128, 32>}, {pipeline_mode = #tpu.pipeline_mode<synchronous>, transform_indices = @transform_2, window_bounds = array<i64: 1, 32>}, {pipeline_mode = #tpu.pipeline_mode<synchronous>, transform_indices = @transform_3, window_bounds = array<i64: 32, 64>}, {pipeline_mode = #tpu.pipeline_mode<synchronous>, transform_indices = @transform_4, window_bounds = array<i64: 1, 64>}, {pipeline_mode = #tpu.pipeline_mode<synchronous>, transform_indices = @transform_5, window_bounds = array<i64: 128, 64>}, {pipeline_mode = #tpu.pipeline_mode<synchronous>, transform_indices = @transform_6, window_bounds = array<i64: 1, 64>}, {pipeline_mode = #tpu.pipeline_mode<synchronous>, transform_indices = @transform_7, window_bounds = array<i64: 64, 64>}, {pipeline_mode = #tpu.pipeline_mode<synchronous>, transform_indices = @transform_8, window_bounds = array<i64: 1, 64>}, {transform_indices = @transform_9, window_bounds = array<i64: 2000, 64>}, {transform_indices = @transform_10, window_bounds = array<i64: 2000, 64>}, {transform_indices = @transform_11, window_bounds = array<i64: 2000, 128>}]} {
    %get3A = arith.constant 0 : index
    %get3A_0 = arith.constant 0 : index
    %get3A_1 = vector.load %arg1[%get3A, %get3A_0] : memref<2000x128xf32, #tpu.memory_space<vmem>>, vector<2000x128xf32>
    %get3A_2 = arith.constant 0 : index
    %get3A_3 = arith.constant 0 : index
    %get3A_4 = vector.load %arg2[%get3A_2, %get3A_3] : memref<128x32xf32, #tpu.memory_space<vmem>>, vector<128x32xf32>
    %dot_general3A = arith.constant dense<0.000000e+00> : vector<2000x32xf32>
    %dot_general3A_5 = tpu.matmul %get3A_1, %get3A_4, %dot_general3A {dimension_numbers = #tpu.dot_dimension_numbers<[1], [0], [0], [1], [0, 0, 1, 1], [], []>, transpose_lhs_hint = false} : vector<2000x128xf32>, vector<128x32xf32>, vector<2000x32xf32> -> vector<2000x32xf32>
    %get3A_6 = arith.constant 0 : index
    %get3A_7 = arith.constant 0 : index
    %get3A_8 = vector.load %arg3[%get3A_6, %get3A_7] : memref<1x32xf32, #tpu.memory_space<vmem>>, vector<1x32xf32>
    %add3A = vector.broadcast %get3A_8 : vector<1x32xf32> to vector<2000x32xf32>
    %add3A_9 = arith.addf %dot_general3A_5, %add3A : vector<2000x32xf32>
    %max3A = arith.constant 0.000000e+00 : f32
    %max3A_10 = vector.broadcast %max3A : f32 to vector<2000x32xf32>
    %max3A_11 = arith.maximumf %add3A_9, %max3A_10 : vector<2000x32xf32>
    %get3A_12 = arith.constant 0 : index
    %get3A_13 = arith.constant 0 : index
    %get3A_14 = vector.load %arg4[%get3A_12, %get3A_13] : memref<32x64xf32, #tpu.memory_space<vmem>>, vector<32x64xf32>
    %dot_general3A_15 = arith.constant dense<0.000000e+00> : vector<2000x64xf32>
    %dot_general3A_16 = tpu.matmul %max3A_11, %get3A_14, %dot_general3A_15 {dimension_numbers = #tpu.dot_dimension_numbers<[1], [0], [0], [1], [0, 0, 1, 1], [], []>, transpose_lhs_hint = false} : vector<2000x32xf32>, vector<32x64xf32>, vector<2000x64xf32> -> vector<2000x64xf32>
    %get3A_17 = arith.constant 0 : index
    %get3A_18 = arith.constant 0 : index
    %get3A_19 = vector.load %arg5[%get3A_17, %get3A_18] : memref<1x64xf32, #tpu.memory_space<vmem>>, vector<1x64xf32>
    %add3A_20 = vector.broadcast %get3A_19 : vector<1x64xf32> to vector<2000x64xf32>
    %add3A_21 = arith.addf %dot_general3A_16, %add3A_20 : vector<2000x64xf32>
    %get3A_22 = arith.constant 0 : index
    %get3A_23 = arith.constant 0 : index
    %get3A_24 = vector.load %arg6[%get3A_22, %get3A_23] : memref<128x64xf32, #tpu.memory_space<vmem>>, vector<128x64xf32>
    %dot_general3A_25 = arith.constant dense<0.000000e+00> : vector<2000x64xf32>
    %dot_general3A_26 = tpu.matmul %get3A_1, %get3A_24, %dot_general3A_25 {dimension_numbers = #tpu.dot_dimension_numbers<[1], [0], [0], [1], [0, 0, 1, 1], [], []>, transpose_lhs_hint = false} : vector<2000x128xf32>, vector<128x64xf32>, vector<2000x64xf32> -> vector<2000x64xf32>
    %add3A_27 = arith.addf %add3A_21, %dot_general3A_26 : vector<2000x64xf32>
    %get3A_28 = arith.constant 0 : index
    %get3A_29 = arith.constant 0 : index
    %get3A_30 = vector.load %arg7[%get3A_28, %get3A_29] : memref<1x64xf32, #tpu.memory_space<vmem>>, vector<1x64xf32>
    %add3A_31 = vector.broadcast %get3A_30 : vector<1x64xf32> to vector<2000x64xf32>
    %add3A_32 = arith.addf %add3A_27, %add3A_31 : vector<2000x64xf32>
    %swap3A = arith.constant 0 : index
    %swap3A_33 = arith.constant 0 : index
    %swap3A_34 = vector.load %arg10[%swap3A, %swap3A_33] : memref<2000x64xf32, #tpu.memory_space<vmem>>, vector<2000x64xf32>
    tpu.vector_store %arg10[%swap3A, %swap3A_33], %add3A_21 {strides = array<i32>} : memref<2000x64xf32, #tpu.memory_space<vmem>>, vector<2000x64xf32>,
    %swap3A_35 = arith.constant 0 : index
    %swap3A_36 = arith.constant 0 : index
    %swap3A_37 = vector.load %arg11[%swap3A_35, %swap3A_36] : memref<2000x64xf32, #tpu.memory_space<vmem>>, vector<2000x64xf32>
    tpu.vector_store %arg11[%swap3A_35, %swap3A_36], %add3A_32 {strides = array<i32>} : memref<2000x64xf32, #tpu.memory_space<vmem>>, vector<2000x64xf32>,
    %get3A_38 = arith.constant 0 : index
    %get3A_39 = arith.constant 0 : index
    %get3A_40 = vector.load %arg8[%get3A_38, %get3A_39] : memref<64x64xf32, #tpu.memory_space<vmem>>, vector<64x64xf32>
    %dot_general3A_41 = arith.constant dense<0.000000e+00> : vector<2000x64xf32>
    %dot_general3A_42 = tpu.matmul %add3A_32, %get3A_40, %dot_general3A_41 {dimension_numbers = #tpu.dot_dimension_numbers<[1], [0], [0], [1], [0, 0, 1, 1], [], []>, transpose_lhs_hint = false} : vector<2000x64xf32>, vector<64x64xf32>, vector<2000x64xf32> -> vector<2000x64xf32>
    %get3A_43 = arith.constant 0 : index
    %get3A_44 = arith.constant 0 : index
    %get3A_45 = vector.load %arg9[%get3A_43, %get3A_44] : memref<1x64xf32, #tpu.memory_space<vmem>>, vector<1x64xf32>
    %add3A_46 = vector.broadcast %get3A_45 : vector<1x64xf32> to vector<2000x64xf32>
    %add3A_47 = arith.addf %dot_general3A_42, %add3A_46 : vector<2000x64xf32>
    %broadcast_in_dim3A = arith.constant 0.000000e+00 : f32
    %broadcast_in_dim3A_48 = vector.broadcast %broadcast_in_dim3A : f32 to vector<2000x64xf32>
    %concatenate3A = tpu.concatenate %add3A_47, %broadcast_in_dim3A_48 in 1 : vector<2000x64xf32>, vector<2000x64xf32> -> vector<2000x128xf32>
    %swap3A_49 = arith.constant 0 : index
    %swap3A_50 = arith.constant 0 : index
    %swap3A_51 = vector.load %arg12[%swap3A_49, %swap3A_50] : memref<2000x128xf32, #tpu.memory_space<vmem>>, vector<2000x128xf32>
    tpu.vector_store %arg12[%swap3A_49, %swap3A_50], %concatenate3A {strides = array<i32>} : memref<2000x128xf32, #tpu.memory_space<vmem>>, vector<2000x128xf32>,
    return
  }
  func.func @transform_0(%arg0: i32) -> (i32, i32) {
    %c0_i32 = arith.constant 0 : i32
    %c0_i32_0 = arith.constant 0 : i32
    return %arg0, %c0_i32 : i32, i32
  }
  func.func @transform_1(%arg0: i32) -> (i32, i32) {
    %c0_i32 = arith.constant 0 : i32
    %c0_i32_0 = arith.constant 0 : i32
    %c0_i32_1 = arith.constant 0 : i32
    return %c0_i32, %c0_i32_0 : i32, i32
  }
  func.func @transform_2(%arg0: i32) -> (i32, i32) {
    %c0_i32 = arith.constant 0 : i32
    %c0_i32_0 = arith.constant 0 : i32
    %c0_i32_1 = arith.constant 0 : i32
    return %c0_i32, %c0_i32_0 : i32, i32
  }
  func.func @transform_3(%arg0: i32) -> (i32, i32) {
    %c0_i32 = arith.constant 0 : i32
    %c0_i32_0 = arith.constant 0 : i32
    %c0_i32_1 = arith.constant 0 : i32
    return %c0_i32, %c0_i32_0 : i32, i32
  }
  func.func @transform_4(%arg0: i32) -> (i32, i32) {
    %c0_i32 = arith.constant 0 : i32
    %c0_i32_0 = arith.constant 0 : i32
    %c0_i32_1 = arith.constant 0 : i32
    return %c0_i32, %c0_i32_0 : i32, i32
  }
  func.func @transform_5(%arg0: i32) -> (i32, i32) {
    %c0_i32 = arith.constant 0 : i32
    %c0_i32_0 = arith.constant 0 : i32
    %c0_i32_1 = arith.constant 0 : i32
    return %c0_i32, %c0_i32_0 : i32, i32
  }
  func.func @transform_6(%arg0: i32) -> (i32, i32) {
    %c0_i32 = arith.constant 0 : i32
    %c0_i32_0 = arith.constant 0 : i32
    %c0_i32_1 = arith.constant 0 : i32
    return %c0_i32, %c0_i32_0 : i32, i32
  }
  func.func @transform_7(%arg0: i32) -> (i32, i32) {
    %c0_i32 = arith.constant 0 : i32
    %c0_i32_0 = arith.constant 0 : i32
    %c0_i32_1 = arith.constant 0 : i32
    return %c0_i32, %c0_i32_0 : i32, i32
  }
  func.func @transform_8(%arg0: i32) -> (i32, i32) {
    %c0_i32 = arith.constant 0 : i32
    %c0_i32_0 = arith.constant 0 : i32
    %c0_i32_1 = arith.constant 0 : i32
    return %c0_i32, %c0_i32_0 : i32, i32
  }
  func.func @transform_9(%arg0: i32) -> (i32, i32) {
    %c0_i32 = arith.constant 0 : i32
    %c0_i32_0 = arith.constant 0 : i32
    return %arg0, %c0_i32 : i32, i32
  }
  func.func @transform_10(%arg0: i32) -> (i32, i32) {
    %c0_i32 = arith.constant 0 : i32
    %c0_i32_0 = arith.constant 0 : i32
    return %arg0, %c0_i32 : i32, i32
  }
  func.func @transform_11(%arg0: i32) -> (i32, i32) {
    %c0_i32 = arith.constant 0 : i32
    %c0_i32_0 = arith.constant 0 : i32
    return %arg0, %c0_i32 : i32, i32
  }
}

module attributes {stable_mosaic.version = 14 : i64} {
  func.func @_state_prep_body(%arg0: memref<1x100xf32, #tpu.memory_space<vmem>>, %arg1: memref<100x32xf32, #tpu.memory_space<vmem>>, %arg2: memref<1x32xf32, #tpu.memory_space<vmem>>, %arg3: memref<32x100xf32, #tpu.memory_space<vmem>>, %arg4: memref<1x100xf32, #tpu.memory_space<vmem>>, %arg5: memref<100x100xf32, #tpu.memory_space<vmem>>, %arg6: memref<1x100xf32, #tpu.memory_space<vmem>>, %arg7: memref<1x100xf32, #tpu.memory_space<vmem>>) attributes {dimension_semantics = [], scalar_prefetch = 0 : i64, scratch_operands = 0 : i64, tpu.core_type = #tpu.core_type<tc>} {
    %get3A = arith.constant 0 : index
    %get3A_0 = arith.constant 0 : index
    %get3A_1 = vector.load %arg0[%get3A, %get3A_0] : memref<1x100xf32, #tpu.memory_space<vmem>>, vector<1x100xf32>
    %get3A_2 = arith.constant 0 : index
    %get3A_3 = arith.constant 0 : index
    %get3A_4 = vector.load %arg1[%get3A_2, %get3A_3] : memref<100x32xf32, #tpu.memory_space<vmem>>, vector<100x32xf32>
    %dot_general3A = arith.constant dense<0.000000e+00> : vector<1x32xf32>
    %dot_general3A_5 = tpu.matmul %get3A_1, %get3A_4, %dot_general3A {dimension_numbers = #tpu.dot_dimension_numbers<[1], [0], [0], [1], [0, 0, 1, 1], [], []>, transpose_lhs_hint = false} : vector<1x100xf32>, vector<100x32xf32>, vector<1x32xf32> -> vector<1x32xf32>
    %get3A_6 = arith.constant 0 : index
    %get3A_7 = arith.constant 0 : index
    %get3A_8 = vector.load %arg2[%get3A_6, %get3A_7] : memref<1x32xf32, #tpu.memory_space<vmem>>, vector<1x32xf32>
    %add3A = arith.addf %dot_general3A_5, %get3A_8 : vector<1x32xf32>
    %max3A = arith.constant 0.000000e+00 : f32
    %max3A_9 = vector.broadcast %max3A : f32 to vector<1x32xf32>
    %max3A_10 = arith.maximumf %add3A, %max3A_9 : vector<1x32xf32>
    %get3A_11 = arith.constant 0 : index
    %get3A_12 = arith.constant 0 : index
    %get3A_13 = vector.load %arg3[%get3A_11, %get3A_12] : memref<32x100xf32, #tpu.memory_space<vmem>>, vector<32x100xf32>
    %dot_general3A_14 = arith.constant dense<0.000000e+00> : vector<1x100xf32>
    %dot_general3A_15 = tpu.matmul %max3A_10, %get3A_13, %dot_general3A_14 {dimension_numbers = #tpu.dot_dimension_numbers<[1], [0], [0], [1], [0, 0, 1, 1], [], []>, transpose_lhs_hint = false} : vector<1x32xf32>, vector<32x100xf32>, vector<1x100xf32> -> vector<1x100xf32>
    %get3A_16 = arith.constant 0 : index
    %get3A_17 = arith.constant 0 : index
    %get3A_18 = vector.load %arg4[%get3A_16, %get3A_17] : memref<1x100xf32, #tpu.memory_space<vmem>>, vector<1x100xf32>
    %add3A_19 = arith.addf %dot_general3A_15, %get3A_18 : vector<1x100xf32>
    %get3A_20 = arith.constant 0 : index
    %get3A_21 = arith.constant 0 : index
    %get3A_22 = vector.load %arg5[%get3A_20, %get3A_21] : memref<100x100xf32, #tpu.memory_space<vmem>>, vector<100x100xf32>
    %dot_general3A_23 = arith.constant dense<0.000000e+00> : vector<1x100xf32>
    %dot_general3A_24 = tpu.matmul %get3A_1, %get3A_22, %dot_general3A_23 {dimension_numbers = #tpu.dot_dimension_numbers<[1], [0], [0], [1], [0, 0, 1, 1], [], []>, transpose_lhs_hint = false} : vector<1x100xf32>, vector<100x100xf32>, vector<1x100xf32> -> vector<1x100xf32>
    %add3A_25 = arith.addf %add3A_19, %dot_general3A_24 : vector<1x100xf32>
    %get3A_26 = arith.constant 0 : index
    %get3A_27 = arith.constant 0 : index
    %get3A_28 = vector.load %arg6[%get3A_26, %get3A_27] : memref<1x100xf32, #tpu.memory_space<vmem>>, vector<1x100xf32>
    %add3A_29 = arith.addf %add3A_25, %get3A_28 : vector<1x100xf32>
    %swap3A = arith.constant 0 : index
    %swap3A_30 = arith.constant 0 : index
    %swap3A_31 = vector.load %arg7[%swap3A, %swap3A_30] : memref<1x100xf32, #tpu.memory_space<vmem>>, vector<1x100xf32>
    tpu.vector_store %arg7[%swap3A, %swap3A_30], %add3A_29 {strides = array<i32>} : memref<1x100xf32, #tpu.memory_space<vmem>>, vector<1x100xf32>,
    return
  }
}

module attributes {stable_mosaic.version = 14 : i64} {
  func.func @_update_body(%arg0: i32, %arg1: memref<2000x64xf32, #tpu.memory_space<vmem>>, %arg2: memref<2000x128xf32, #tpu.memory_space<vmem>>, %arg3: memref<2000x128xf32, #tpu.memory_space<vmem>>, %arg4: memref<2000x64xf32, #tpu.memory_space<vmem>>, %arg5: memref<2000x1xf32, #tpu.memory_space<vmem>>, %arg6: memref<64x64xf32, #tpu.memory_space<vmem>>, %arg7: memref<64x64xf32, #tpu.memory_space<vmem>>, %arg8: memref<1x64xf32, #tpu.memory_space<vmem>>, %arg9: memref<1x64xf32, #tpu.memory_space<vmem>>, %arg10: memref<64x64xf32, #tpu.memory_space<vmem>>, %arg11: memref<1x64xf32, #tpu.memory_space<vmem>>, %arg12: memref<2000x64xf32, #tpu.memory_space<vmem>>, %arg13: memref<2000x128xf32, #tpu.memory_space<vmem>>) attributes {dimension_semantics = [#tpu.dimension_semantics<arbitrary>], iteration_bounds = array<i64: 5>, scalar_prefetch = 0 : i64, scratch_operands = 0 : i64, tpu.core_type = #tpu.core_type<tc>, window_params = [{transform_indices = @transform_0, window_bounds = array<i64: 2000, 64>}, {transform_indices = @transform_1, window_bounds = array<i64: 2000, 128>}, {transform_indices = @transform_2, window_bounds = array<i64: 2000, 128>}, {transform_indices = @transform_3, window_bounds = array<i64: 2000, 64>}, {transform_indices = @transform_4, window_bounds = array<i64: 2000, 1>}, {pipeline_mode = #tpu.pipeline_mode<synchronous>, transform_indices = @transform_5, window_bounds = array<i64: 64, 64>}, {pipeline_mode = #tpu.pipeline_mode<synchronous>, transform_indices = @transform_6, window_bounds = array<i64: 64, 64>}, {pipeline_mode = #tpu.pipeline_mode<synchronous>, transform_indices = @transform_7, window_bounds = array<i64: 1, 64>}, {pipeline_mode = #tpu.pipeline_mode<synchronous>, transform_indices = @transform_8, window_bounds = array<i64: 1, 64>}, {pipeline_mode = #tpu.pipeline_mode<synchronous>, transform_indices = @transform_9, window_bounds = array<i64: 64, 64>}, {pipeline_mode = #tpu.pipeline_mode<synchronous>, transform_indices = @transform_10, window_bounds = array<i64: 1, 64>}, {transform_indices = @transform_11, window_bounds = array<i64: 2000, 64>}, {transform_indices = @transform_12, window_bounds = array<i64: 2000, 128>}]} {
    %get3A = arith.constant 0 : index
    %get3A_0 = arith.constant 0 : index
    %get3A_1 = vector.load %arg1[%get3A, %get3A_0] : memref<2000x64xf32, #tpu.memory_space<vmem>>, vector<2000x64xf32>
    %get3A_2 = arith.constant 0 : index
    %get3A_3 = arith.constant 0 : index
    %get3A_4 = vector.load %arg2[%get3A_2, %get3A_3] : memref<2000x128xf32, #tpu.memory_space<vmem>>, vector<2000x64xf32>
    %get3A_5 = arith.constant 0 : index
    %get3A_6 = arith.constant 0 : index
    %get3A_7 = vector.load %arg3[%get3A_5, %get3A_6] : memref<2000x128xf32, #tpu.memory_space<vmem>>, vector<2000x64xf32>
    %add3A = arith.addf %get3A_4, %get3A_7 : vector<2000x64xf32>
    %get3A_8 = arith.constant 0 : index
    %get3A_9 = arith.constant 0 : index
    %get3A_10 = vector.load %arg6[%get3A_8, %get3A_9] : memref<64x64xf32, #tpu.memory_space<vmem>>, vector<64x64xf32>
    %dot_general3A = arith.constant dense<0.000000e+00> : vector<2000x64xf32>
    %dot_general3A_11 = tpu.matmul %get3A_1, %get3A_10, %dot_general3A {dimension_numbers = #tpu.dot_dimension_numbers<[1], [0], [0], [1], [0, 0, 1, 1], [], []>, transpose_lhs_hint = false} : vector<2000x64xf32>, vector<64x64xf32>, vector<2000x64xf32> -> vector<2000x64xf32>
    %get3A_12 = arith.constant 0 : index
    %get3A_13 = arith.constant 0 : index
    %get3A_14 = vector.load %arg7[%get3A_12, %get3A_13] : memref<64x64xf32, #tpu.memory_space<vmem>>, vector<64x64xf32>
    %dot_general3A_15 = arith.constant dense<0.000000e+00> : vector<2000x64xf32>
    %dot_general3A_16 = tpu.matmul %add3A, %get3A_14, %dot_general3A_15 {dimension_numbers = #tpu.dot_dimension_numbers<[1], [0], [0], [1], [0, 0, 1, 1], [], []>, transpose_lhs_hint = false} : vector<2000x64xf32>, vector<64x64xf32>, vector<2000x64xf32> -> vector<2000x64xf32>
    %add3A_17 = arith.addf %dot_general3A_11, %dot_general3A_16 : vector<2000x64xf32>
    %get3A_18 = arith.constant 0 : index
    %get3A_19 = arith.constant 0 : index
    %get3A_20 = vector.load %arg5[%get3A_18, %get3A_19] : memref<2000x1xf32, #tpu.memory_space<vmem>>, vector<2000x1xf32>
    %get3A_21 = arith.constant 0 : index
    %get3A_22 = arith.constant 0 : index
    %get3A_23 = vector.load %arg8[%get3A_21, %get3A_22] : memref<1x64xf32, #tpu.memory_space<vmem>>, vector<1x64xf32>
    %mul3A = vector.broadcast %get3A_20 : vector<2000x1xf32> to vector<2000x64xf32>
    %mul3A_24 = vector.broadcast %get3A_23 : vector<1x64xf32> to vector<2000x64xf32>
    %mul3A_25 = arith.mulf %mul3A, %mul3A_24 : vector<2000x64xf32>
    %add3A_26 = arith.addf %add3A_17, %mul3A_25 : vector<2000x64xf32>
    %get3A_27 = arith.constant 0 : index
    %get3A_28 = arith.constant 0 : index
    %get3A_29 = vector.load %arg9[%get3A_27, %get3A_28] : memref<1x64xf32, #tpu.memory_space<vmem>>, vector<1x64xf32>
    %add3A_30 = vector.broadcast %get3A_29 : vector<1x64xf32> to vector<2000x64xf32>
    %add3A_31 = arith.addf %add3A_26, %add3A_30 : vector<2000x64xf32>
    %get3A_32 = arith.constant 0 : index
    %get3A_33 = arith.constant 0 : index
    %get3A_34 = vector.load %arg4[%get3A_32, %get3A_33] : memref<2000x64xf32, #tpu.memory_space<vmem>>, vector<2000x64xf32>
    %max3A = arith.constant 0.000000e+00 : f32
    %max3A_35 = vector.broadcast %max3A : f32 to vector<2000x64xf32>
    %max3A_36 = arith.maximumf %add3A_31, %max3A_35 : vector<2000x64xf32>
    %add3A_37 = arith.addf %get3A_34, %max3A_36 : vector<2000x64xf32>
    %swap3A = arith.constant 0 : index
    %swap3A_38 = arith.constant 0 : index
    %swap3A_39 = vector.load %arg12[%swap3A, %swap3A_38] : memref<2000x64xf32, #tpu.memory_space<vmem>>, vector<2000x64xf32>
    tpu.vector_store %arg12[%swap3A, %swap3A_38], %add3A_37 {strides = array<i32>} : memref<2000x64xf32, #tpu.memory_space<vmem>>, vector<2000x64xf32>,
    %get3A_40 = arith.constant 0 : index
    %get3A_41 = arith.constant 0 : index
    %get3A_42 = vector.load %arg10[%get3A_40, %get3A_41] : memref<64x64xf32, #tpu.memory_space<vmem>>, vector<64x64xf32>
    %dot_general3A_43 = arith.constant dense<0.000000e+00> : vector<2000x64xf32>
    %dot_general3A_44 = tpu.matmul %add3A_37, %get3A_42, %dot_general3A_43 {dimension_numbers = #tpu.dot_dimension_numbers<[1], [0], [0], [1], [0, 0, 1, 1], [], []>, transpose_lhs_hint = false} : vector<2000x64xf32>, vector<64x64xf32>, vector<2000x64xf32> -> vector<2000x64xf32>
    %get3A_45 = arith.constant 0 : index
    %get3A_46 = arith.constant 0 : index
    %get3A_47 = vector.load %arg11[%get3A_45, %get3A_46] : memref<1x64xf32, #tpu.memory_space<vmem>>, vector<1x64xf32>
    %add3A_48 = vector.broadcast %get3A_47 : vector<1x64xf32> to vector<2000x64xf32>
    %add3A_49 = arith.addf %dot_general3A_44, %add3A_48 : vector<2000x64xf32>
    %broadcast_in_dim3A = arith.constant 0.000000e+00 : f32
    %broadcast_in_dim3A_50 = vector.broadcast %broadcast_in_dim3A : f32 to vector<2000x64xf32>
    %concatenate3A = tpu.concatenate %add3A_49, %broadcast_in_dim3A_50 in 1 : vector<2000x64xf32>, vector<2000x64xf32> -> vector<2000x128xf32>
    %swap3A_51 = arith.constant 0 : index
    %swap3A_52 = arith.constant 0 : index
    %swap3A_53 = vector.load %arg13[%swap3A_51, %swap3A_52] : memref<2000x128xf32, #tpu.memory_space<vmem>>, vector<2000x128xf32>
    tpu.vector_store %arg13[%swap3A_51, %swap3A_52], %concatenate3A {strides = array<i32>} : memref<2000x128xf32, #tpu.memory_space<vmem>>, vector<2000x128xf32>,
    return
  }
  func.func @transform_0(%arg0: i32) -> (i32, i32) {
    %c0_i32 = arith.constant 0 : i32
    %c0_i32_0 = arith.constant 0 : i32
    return %arg0, %c0_i32 : i32, i32
  }
  func.func @transform_1(%arg0: i32) -> (i32, i32) {
    %c0_i32 = arith.constant 0 : i32
    %c0_i32_0 = arith.constant 0 : i32
    return %arg0, %c0_i32 : i32, i32
  }
  func.func @transform_2(%arg0: i32) -> (i32, i32) {
    %c0_i32 = arith.constant 0 : i32
    %c0_i32_0 = arith.constant 0 : i32
    return %arg0, %c0_i32 : i32, i32
  }
  func.func @transform_3(%arg0: i32) -> (i32, i32) {
    %c0_i32 = arith.constant 0 : i32
    %c0_i32_0 = arith.constant 0 : i32
    return %arg0, %c0_i32 : i32, i32
  }
  func.func @transform_4(%arg0: i32) -> (i32, i32) {
    %c0_i32 = arith.constant 0 : i32
    %c0_i32_0 = arith.constant 0 : i32
    return %arg0, %c0_i32 : i32, i32
  }
  func.func @transform_5(%arg0: i32) -> (i32, i32) {
    %c0_i32 = arith.constant 0 : i32
    %c0_i32_0 = arith.constant 0 : i32
    %c0_i32_1 = arith.constant 0 : i32
    return %c0_i32, %c0_i32_0 : i32, i32
  }
  func.func @transform_6(%arg0: i32) -> (i32, i32) {
    %c0_i32 = arith.constant 0 : i32
    %c0_i32_0 = arith.constant 0 : i32
    %c0_i32_1 = arith.constant 0 : i32
    return %c0_i32, %c0_i32_0 : i32, i32
  }
  func.func @transform_7(%arg0: i32) -> (i32, i32) {
    %c0_i32 = arith.constant 0 : i32
    %c0_i32_0 = arith.constant 0 : i32
    %c0_i32_1 = arith.constant 0 : i32
    return %c0_i32, %c0_i32_0 : i32, i32
  }
  func.func @transform_8(%arg0: i32) -> (i32, i32) {
    %c0_i32 = arith.constant 0 : i32
    %c0_i32_0 = arith.constant 0 : i32
    %c0_i32_1 = arith.constant 0 : i32
    return %c0_i32, %c0_i32_0 : i32, i32
  }
  func.func @transform_9(%arg0: i32) -> (i32, i32) {
    %c0_i32 = arith.constant 0 : i32
    %c0_i32_0 = arith.constant 0 : i32
    %c0_i32_1 = arith.constant 0 : i32
    return %c0_i32, %c0_i32_0 : i32, i32
  }
  func.func @transform_10(%arg0: i32) -> (i32, i32) {
    %c0_i32 = arith.constant 0 : i32
    %c0_i32_0 = arith.constant 0 : i32
    %c0_i32_1 = arith.constant 0 : i32
    return %c0_i32, %c0_i32_0 : i32, i32
  }
  func.func @transform_11(%arg0: i32) -> (i32, i32) {
    %c0_i32 = arith.constant 0 : i32
    %c0_i32_0 = arith.constant 0 : i32
    return %arg0, %c0_i32 : i32, i32
  }
  func.func @transform_12(%arg0: i32) -> (i32, i32) {
    %c0_i32 = arith.constant 0 : i32
    %c0_i32_0 = arith.constant 0 : i32
    return %arg0, %c0_i32 : i32, i32
  }
}

module attributes {stable_mosaic.version = 14 : i64} {
  func.func @_update_body(%arg0: i32, %arg1: memref<2000x64xf32, #tpu.memory_space<vmem>>, %arg2: memref<2000x128xf32, #tpu.memory_space<vmem>>, %arg3: memref<2000x128xf32, #tpu.memory_space<vmem>>, %arg4: memref<2000x64xf32, #tpu.memory_space<vmem>>, %arg5: memref<2000x1xf32, #tpu.memory_space<vmem>>, %arg6: memref<64x64xf32, #tpu.memory_space<vmem>>, %arg7: memref<64x64xf32, #tpu.memory_space<vmem>>, %arg8: memref<1x64xf32, #tpu.memory_space<vmem>>, %arg9: memref<1x64xf32, #tpu.memory_space<vmem>>, %arg10: memref<64x64xf32, #tpu.memory_space<vmem>>, %arg11: memref<1x64xf32, #tpu.memory_space<vmem>>, %arg12: memref<2000x64xf32, #tpu.memory_space<vmem>>, %arg13: memref<2000x128xf32, #tpu.memory_space<vmem>>) attributes {dimension_semantics = [#tpu.dimension_semantics<arbitrary>], iteration_bounds = array<i64: 5>, scalar_prefetch = 0 : i64, scratch_operands = 0 : i64, tpu.core_type = #tpu.core_type<tc>, window_params = [{transform_indices = @transform_0, window_bounds = array<i64: 2000, 64>}, {transform_indices = @transform_1, window_bounds = array<i64: 2000, 128>}, {transform_indices = @transform_2, window_bounds = array<i64: 2000, 128>}, {transform_indices = @transform_3, window_bounds = array<i64: 2000, 64>}, {transform_indices = @transform_4, window_bounds = array<i64: 2000, 1>}, {pipeline_mode = #tpu.pipeline_mode<synchronous>, transform_indices = @transform_5, window_bounds = array<i64: 64, 64>}, {pipeline_mode = #tpu.pipeline_mode<synchronous>, transform_indices = @transform_6, window_bounds = array<i64: 64, 64>}, {pipeline_mode = #tpu.pipeline_mode<synchronous>, transform_indices = @transform_7, window_bounds = array<i64: 1, 64>}, {pipeline_mode = #tpu.pipeline_mode<synchronous>, transform_indices = @transform_8, window_bounds = array<i64: 1, 64>}, {pipeline_mode = #tpu.pipeline_mode<synchronous>, transform_indices = @transform_9, window_bounds = array<i64: 64, 64>}, {pipeline_mode = #tpu.pipeline_mode<synchronous>, transform_indices = @transform_10, window_bounds = array<i64: 1, 64>}, {transform_indices = @transform_11, window_bounds = array<i64: 2000, 64>}, {transform_indices = @transform_12, window_bounds = array<i64: 2000, 128>}]} {
    %get3A = arith.constant 0 : index
    %get3A_0 = arith.constant 0 : index
    %get3A_1 = vector.load %arg1[%get3A, %get3A_0] : memref<2000x64xf32, #tpu.memory_space<vmem>>, vector<2000x64xf32>
    %get3A_2 = arith.constant 0 : index
    %get3A_3 = arith.constant 0 : index
    %get3A_4 = vector.load %arg2[%get3A_2, %get3A_3] : memref<2000x128xf32, #tpu.memory_space<vmem>>, vector<2000x64xf32>
    %get3A_5 = arith.constant 0 : index
    %get3A_6 = arith.constant 0 : index
    %get3A_7 = vector.load %arg3[%get3A_5, %get3A_6] : memref<2000x128xf32, #tpu.memory_space<vmem>>, vector<2000x64xf32>
    %add3A = arith.addf %get3A_4, %get3A_7 : vector<2000x64xf32>
    %get3A_8 = arith.constant 0 : index
    %get3A_9 = arith.constant 0 : index
    %get3A_10 = vector.load %arg6[%get3A_8, %get3A_9] : memref<64x64xf32, #tpu.memory_space<vmem>>, vector<64x64xf32>
    %dot_general3A = arith.constant dense<0.000000e+00> : vector<2000x64xf32>
    %dot_general3A_11 = tpu.matmul %get3A_1, %get3A_10, %dot_general3A {dimension_numbers = #tpu.dot_dimension_numbers<[1], [0], [0], [1], [0, 0, 1, 1], [], []>, transpose_lhs_hint = false} : vector<2000x64xf32>, vector<64x64xf32>, vector<2000x64xf32> -> vector<2000x64xf32>
    %get3A_12 = arith.constant 0 : index
    %get3A_13 = arith.constant 0 : index
    %get3A_14 = vector.load %arg7[%get3A_12, %get3A_13] : memref<64x64xf32, #tpu.memory_space<vmem>>, vector<64x64xf32>
    %dot_general3A_15 = arith.constant dense<0.000000e+00> : vector<2000x64xf32>
    %dot_general3A_16 = tpu.matmul %add3A, %get3A_14, %dot_general3A_15 {dimension_numbers = #tpu.dot_dimension_numbers<[1], [0], [0], [1], [0, 0, 1, 1], [], []>, transpose_lhs_hint = false} : vector<2000x64xf32>, vector<64x64xf32>, vector<2000x64xf32> -> vector<2000x64xf32>
    %add3A_17 = arith.addf %dot_general3A_11, %dot_general3A_16 : vector<2000x64xf32>
    %get3A_18 = arith.constant 0 : index
    %get3A_19 = arith.constant 0 : index
    %get3A_20 = vector.load %arg5[%get3A_18, %get3A_19] : memref<2000x1xf32, #tpu.memory_space<vmem>>, vector<2000x1xf32>
    %get3A_21 = arith.constant 0 : index
    %get3A_22 = arith.constant 0 : index
    %get3A_23 = vector.load %arg8[%get3A_21, %get3A_22] : memref<1x64xf32, #tpu.memory_space<vmem>>, vector<1x64xf32>
    %mul3A = vector.broadcast %get3A_20 : vector<2000x1xf32> to vector<2000x64xf32>
    %mul3A_24 = vector.broadcast %get3A_23 : vector<1x64xf32> to vector<2000x64xf32>
    %mul3A_25 = arith.mulf %mul3A, %mul3A_24 : vector<2000x64xf32>
    %add3A_26 = arith.addf %add3A_17, %mul3A_25 : vector<2000x64xf32>
    %get3A_27 = arith.constant 0 : index
    %get3A_28 = arith.constant 0 : index
    %get3A_29 = vector.load %arg9[%get3A_27, %get3A_28] : memref<1x64xf32, #tpu.memory_space<vmem>>, vector<1x64xf32>
    %add3A_30 = vector.broadcast %get3A_29 : vector<1x64xf32> to vector<2000x64xf32>
    %add3A_31 = arith.addf %add3A_26, %add3A_30 : vector<2000x64xf32>
    %get3A_32 = arith.constant 0 : index
    %get3A_33 = arith.constant 0 : index
    %get3A_34 = vector.load %arg4[%get3A_32, %get3A_33] : memref<2000x64xf32, #tpu.memory_space<vmem>>, vector<2000x64xf32>
    %max3A = arith.constant 0.000000e+00 : f32
    %max3A_35 = vector.broadcast %max3A : f32 to vector<2000x64xf32>
    %max3A_36 = arith.maximumf %add3A_31, %max3A_35 : vector<2000x64xf32>
    %add3A_37 = arith.addf %get3A_34, %max3A_36 : vector<2000x64xf32>
    %swap3A = arith.constant 0 : index
    %swap3A_38 = arith.constant 0 : index
    %swap3A_39 = vector.load %arg12[%swap3A, %swap3A_38] : memref<2000x64xf32, #tpu.memory_space<vmem>>, vector<2000x64xf32>
    tpu.vector_store %arg12[%swap3A, %swap3A_38], %add3A_37 {strides = array<i32>} : memref<2000x64xf32, #tpu.memory_space<vmem>>, vector<2000x64xf32>,
    %get3A_40 = arith.constant 0 : index
    %get3A_41 = arith.constant 0 : index
    %get3A_42 = vector.load %arg10[%get3A_40, %get3A_41] : memref<64x64xf32, #tpu.memory_space<vmem>>, vector<64x64xf32>
    %dot_general3A_43 = arith.constant dense<0.000000e+00> : vector<2000x64xf32>
    %dot_general3A_44 = tpu.matmul %add3A_37, %get3A_42, %dot_general3A_43 {dimension_numbers = #tpu.dot_dimension_numbers<[1], [0], [0], [1], [0, 0, 1, 1], [], []>, transpose_lhs_hint = false} : vector<2000x64xf32>, vector<64x64xf32>, vector<2000x64xf32> -> vector<2000x64xf32>
    %get3A_45 = arith.constant 0 : index
    %get3A_46 = arith.constant 0 : index
    %get3A_47 = vector.load %arg11[%get3A_45, %get3A_46] : memref<1x64xf32, #tpu.memory_space<vmem>>, vector<1x64xf32>
    %add3A_48 = vector.broadcast %get3A_47 : vector<1x64xf32> to vector<2000x64xf32>
    %add3A_49 = arith.addf %dot_general3A_44, %add3A_48 : vector<2000x64xf32>
    %broadcast_in_dim3A = arith.constant 0.000000e+00 : f32
    %broadcast_in_dim3A_50 = vector.broadcast %broadcast_in_dim3A : f32 to vector<2000x64xf32>
    %concatenate3A = tpu.concatenate %add3A_49, %broadcast_in_dim3A_50 in 1 : vector<2000x64xf32>, vector<2000x64xf32> -> vector<2000x128xf32>
    %swap3A_51 = arith.constant 0 : index
    %swap3A_52 = arith.constant 0 : index
    %swap3A_53 = vector.load %arg13[%swap3A_51, %swap3A_52] : memref<2000x128xf32, #tpu.memory_space<vmem>>, vector<2000x128xf32>
    tpu.vector_store %arg13[%swap3A_51, %swap3A_52], %concatenate3A {strides = array<i32>} : memref<2000x128xf32, #tpu.memory_space<vmem>>, vector<2000x128xf32>,
    return
  }
  func.func @transform_0(%arg0: i32) -> (i32, i32) {
    %c0_i32 = arith.constant 0 : i32
    %c0_i32_0 = arith.constant 0 : i32
    return %arg0, %c0_i32 : i32, i32
  }
  func.func @transform_1(%arg0: i32) -> (i32, i32) {
    %c0_i32 = arith.constant 0 : i32
    %c0_i32_0 = arith.constant 0 : i32
    return %arg0, %c0_i32 : i32, i32
  }
  func.func @transform_2(%arg0: i32) -> (i32, i32) {
    %c0_i32 = arith.constant 0 : i32
    %c0_i32_0 = arith.constant 0 : i32
    return %arg0, %c0_i32 : i32, i32
  }
  func.func @transform_3(%arg0: i32) -> (i32, i32) {
    %c0_i32 = arith.constant 0 : i32
    %c0_i32_0 = arith.constant 0 : i32
    return %arg0, %c0_i32 : i32, i32
  }
  func.func @transform_4(%arg0: i32) -> (i32, i32) {
    %c0_i32 = arith.constant 0 : i32
    %c0_i32_0 = arith.constant 0 : i32
    return %arg0, %c0_i32 : i32, i32
  }
  func.func @transform_5(%arg0: i32) -> (i32, i32) {
    %c0_i32 = arith.constant 0 : i32
    %c0_i32_0 = arith.constant 0 : i32
    %c0_i32_1 = arith.constant 0 : i32
    return %c0_i32, %c0_i32_0 : i32, i32
  }
  func.func @transform_6(%arg0: i32) -> (i32, i32) {
    %c0_i32 = arith.constant 0 : i32
    %c0_i32_0 = arith.constant 0 : i32
    %c0_i32_1 = arith.constant 0 : i32
    return %c0_i32, %c0_i32_0 : i32, i32
  }
  func.func @transform_7(%arg0: i32) -> (i32, i32) {
    %c0_i32 = arith.constant 0 : i32
    %c0_i32_0 = arith.constant 0 : i32
    %c0_i32_1 = arith.constant 0 : i32
    return %c0_i32, %c0_i32_0 : i32, i32
  }
  func.func @transform_8(%arg0: i32) -> (i32, i32) {
    %c0_i32 = arith.constant 0 : i32
    %c0_i32_0 = arith.constant 0 : i32
    %c0_i32_1 = arith.constant 0 : i32
    return %c0_i32, %c0_i32_0 : i32, i32
  }
  func.func @transform_9(%arg0: i32) -> (i32, i32) {
    %c0_i32 = arith.constant 0 : i32
    %c0_i32_0 = arith.constant 0 : i32
    %c0_i32_1 = arith.constant 0 : i32
    return %c0_i32, %c0_i32_0 : i32, i32
  }
  func.func @transform_10(%arg0: i32) -> (i32, i32) {
    %c0_i32 = arith.constant 0 : i32
    %c0_i32_0 = arith.constant 0 : i32
    %c0_i32_1 = arith.constant 0 : i32
    return %c0_i32, %c0_i32_0 : i32, i32
  }
  func.func @transform_11(%arg0: i32) -> (i32, i32) {
    %c0_i32 = arith.constant 0 : i32
    %c0_i32_0 = arith.constant 0 : i32
    return %arg0, %c0_i32 : i32, i32
  }
  func.func @transform_12(%arg0: i32) -> (i32, i32) {
    %c0_i32 = arith.constant 0 : i32
    %c0_i32_0 = arith.constant 0 : i32
    return %arg0, %c0_i32 : i32, i32
  }
}

</mosaic_0001>

<sc_bundles>
// kernel: kernel.11.cloned.1.call-start
scs
__scs_entry_jumppad:
0x0: {  	(pc) =	sbr.rel $0x88, $3  }
0x1: {  	(tag) =	ssettag $0x0;
	lr =	simm.s32 $0x1  }
0x2: {  	[smem:$0x3F76] =	sst lr;
	_ =	strace $0xD0000000  }
0x3: {  	_ = 	snop  }
0x4: {  	_ = 	snop  }
0x5: {  	_ = 	snop  }
0x6: {  	_ = 	snop  }
0x7: {  	_ = 	snop  }
__scs_overlays_trampoline_lowered:
0x8: {  	[smem:$0x3F85] =	sst s0  }
0x9: {  	[smem:$0x3F86] =	sst s1  }
0xa: {  	[smem:$0x3F87] =	sst s2  }
0xb: {  	[smem:$0x3F88] =	sst s3  }
0xc: {  	[smem:$0x3F89] =	sst s4  }
0xd: {  	[smem:$0x3F8A] =	sst s5  }
0xe: {  	[smem:$0x3F8B] =	sst s6  }
0xf: {  	[smem:$0x3F8C] =	sst s7  }
0x10: {  	[smem:$0x3F8D] =	sst s8  }
0x11: {  	[smem:$0x3F8E] =	sst s9;
	s0 =	simm.s32 @!p0 $0x0  }
0x12: {  	s1 =	sld [smem:$0x3F74];
	s0 =	simm.s32 @p0 $0x1  }
0x13: {  	[smem:$0x3F8F] =	sst s0;
	s0 =	simm.s32 @!p1 $0x0  }
0x14: {  	s2 =	sld [smem:$0x3F73];
	s0 =	simm.s32 @p1 $0x1  }
0x15: {  	[smem:$0x3F90] =	sst s0;
	s0 =	simm.s32 @!p2 $0x0  }
0x16: {  	s3 =	sld [smem:$0x3FDB];
	s0 =	simm.s32 @p2 $0x1  }
0x17: {  	s4 =	simm.s32 $0x1BF5;
	[smem:$0x3F92] =	sst s0  }
0x18: {  	s0 =	sld [smem:$0x3F75];
	_ =	swait.ge [sflag:s4], $0x0  }
0x19: {  	s7 =	sld [smem:$0x3F76]  }
0x1a: {  	s8 =	sadd.s32 $0xFFFFE003, lr  }
0x1b: {  	s9 =	sadd.s32 $0xFFFFFEF7, lr;
	s5 =	simm.s32 $0xFFFFFFFF;
	p2 =	slt.u32 s8, $0xFFFFF086  }
0x1c: {  	p1 =	slt.u32 s9, $0xF7A;
	s5 =	simm.s32 @!p2 $0x0  }
0x1d: {  	s5 =	simm.s32 @p1 $0x1;
	p0 =	seq.s32 s7, s2  }
0x1e: {  	s7 =	smul.u32 @!p0 $0xF7A, s2;
	p2 =	seq.s32 @!p0 s5, $0x0  }
0x1f: {  	s9 =	smul.u32 $0xF7A, s1;
	s8 =	simm.s32 @!p0 $0x1BF5;
	p2 =	por !p2, p0  }
0x20: {  	[sflag:s8] =	ssyncset.s32 @!p0 $0xFFFFF086;
	s6 =	sadd.s32 @!p0 s3, s7;
	s7 =	simm.s32 @!p0 $0x108  }
0x21: {  	s3 =	sadd.s32 s3, s9;
	s6 =	sadd.s32 @!p0 $0x88, s6;
	s7 =	simm.s32 @p2 $0x1082  }
0x22: {  	[simem:s7], [sflag:s8] =	dma.local @!p0 [hbm:s6], $0xF7A  }
0x23: {  	s9 =	sor.u32 $0xD0000000, s2;
	s6 =	simm.s32 $0x108;
	_ =	swait.ge @!p0 [sflag:s8], $0x0  }
0x24: {  	s3 =	sadd.s32 $0x88, s3;
	s6 =	simm.s32 @!p1 $0x1082;
	[sflag:s4] =	ssyncset.s32 $0xFFFFF086  }
0x25: {  	[simem:s6], [sflag:s4] =	dma.local [hbm:s3], $0xF7A  }
0x26: {  	[smem:$0x3F76] =	sst s1;
	(tag) =	ssettag s2;
	_ =	strace s9  }
0x27: {  	s1 =	sld [smem:$0x3F86]  }
0x28: {  	s2 =	sld [smem:$0x3F87]  }
0x29: {  	s4 =	sld [smem:$0x3F89]  }
0x2a: {  	p0 =	seq.s32 s5, $0x0;
	s5 =	sld [smem:$0x3F8A]  }
0x2b: {  	s6 =	sld [smem:$0x3F8B]  }
0x2c: {  	s7 =	sld [smem:$0x3F8C]  }
0x2d: {  	s3 =	simm.s32 $0x108;
	s8 =	sld [smem:$0x3F8D]  }
0x2e: {  	s3 =	simm.s32 @!p0 $0x1082;
	s9 =	sld [smem:$0x3F8E]  }
0x2f: {  	lr =	sadd.s32 s0, s3;
	s0 =	sld [smem:$0x3F85]  }
0x30: {  	s3 =	sld [smem:$0x3F88]  }
0x31: {  	[smem:$0x3F91] =	sst s10  }
0x32: {  	s10 =	sld [smem:$0x3F8F];
	_ =	sdelay $0x3  }
0x33: {  	p0 =	seq.s32 s10, $0x1;
	s10 =	sld [smem:$0x3F91];
	_ =	sdelay $0x3  }
0x34: {  	[smem:$0x3F91] =	sst s10  }
0x35: {  	s10 =	sld [smem:$0x3F90];
	_ =	sdelay $0x3  }
0x36: {  	p1 =	seq.s32 s10, $0x1;
	s10 =	sld [smem:$0x3F91];
	_ =	sdelay $0x3  }
0x37: {  	[smem:$0x3F91] =	sst s10  }
0x38: {  	s10 =	sld [smem:$0x3F92]  }
0x39: {  	_ = 	snop;
	(pc) =	sbr.ind lr, $3  }
0x3a: {  	_ = 	snop  }
0x3b: {  	_ = 	snop  }
0x3c: {  	p2 =	seq.s32 s10, $0x1;
	s10 =	sld [smem:$0x3F91]  }
0x3d: {  	_ =	shalt  }
0x3e: {  	_ =	shalt  }
0x3f: {  	_ =	shalt  }
0x40: {  	_ =	shalt  }
0x41: {  	_ =	shalt  }
0x42: {  	_ =	shalt  }
0x43: {  	_ =	shalt  }
0x44: {  	_ =	shalt  }
0x45: {  	_ =	shalt  }
0x46: {  	_ =	shalt  }
0x47: {  	_ =	shalt  }
0x48: {  	_ =	shalt  }
0x49: {  	_ =	shalt  }
0x4a: {  	_ =	shalt  }
0x4b: {  	_ =	shalt  }
0x4c: {  	_ =	shalt  }
0x4d: {  	_ =	shalt  }
0x4e: {  	_ =	shalt  }
0x4f: {  	_ =	shalt  }
0x50: {  	_ =	shalt  }
0x51: {  	_ =	shalt  }
0x52: {  	_ =	shalt  }
0x53: {  	_ =	shalt  }
0x54: {  	_ =	shalt  }
0x55: {  	_ =	shalt  }
0x56: {  	_ =	shalt  }
0x57: {  	_ =	shalt  }
0x58: {  	_ =	shalt  }
0x59: {  	_ =	shalt  }
0x5a: {  	_ =	shalt  }
0x5b: {  	_ =	shalt  }
0x5c: {  	_ =	shalt  }
0x5d: {  	_ =	shalt  }
0x5e: {  	_ =	shalt  }
0x5f: {  	_ =	shalt  }
0x60: {  	_ =	shalt  }
0x61: {  	_ =	shalt  }
0x62: {  	_ =	shalt  }
0x63: {  	_ =	shalt  }
0x64: {  	_ =	shalt  }
0x65: {  	_ =	shalt  }
0x66: {  	_ =	shalt  }
0x67: {  	_ =	shalt  }
0x68: {  	_ =	shalt  }
0x69: {  	_ =	shalt  }
0x6a: {  	_ =	shalt  }
0x6b: {  	_ =	shalt  }
0x6c: {  	_ =	shalt  }
0x6d: {  	_ =	shalt  }
0x6e: {  	_ =	shalt  }
0x6f: {  	_ =	shalt  }
0x70: {  	_ =	shalt  }
0x71: {  	_ =	shalt  }
0x72: {  	_ =	shalt  }
0x73: {  	_ =	shalt  }
0x74: {  	_ =	shalt  }
0x75: {  	_ =	shalt  }
0x76: {  	_ =	shalt  }
0x77: {  	_ =	shalt  }
0x78: {  	_ =	shalt  }
0x79: {  	_ =	shalt  }
0x7a: {  	_ =	shalt  }
0x7b: {  	_ =	shalt  }
0x7c: {  	_ =	shalt  }
0x7d: {  	_ =	shalt  }
0x7e: {  	_ =	shalt  }
0x7f: {  	_ =	shalt  }
0x80: {  	_ =	shalt  }
0x81: {  	_ =	shalt  }
0x82: {  	_ =	shalt  }
0x83: {  	_ =	shalt  }
0x84: {  	_ =	shalt  }
0x85: {  	_ =	shalt  }
0x86: {  	_ =	shalt  }
0x87: {  	_ =	shalt  }
.Lfunc_end0:
.L_simem_size_0:
called_computation_lowered:
.L_overlay_start_0:
0x88: {  	s2 =	sld [smem:$0x3FD9]  }
0x89: {  	s3 =	sld [smem:$0x3FFE];
	_ =	sdelay $0x1  }
0x8a: {  	s1 =	srdreg.scid  }
0x8b: {  	s0 =	sand.u32 $0x1, s1  }
0x8c: {  	s17 =	sshll.u32 s0, $0xA;
	s2 =	sadd.s32 s3, s2  }
0x8d: {  	s2 =	sadd.s32 s2, s17  }
0x8e: {  	[smem:$0x3F9D] =	sst s2  }
0x8f: {  	_ = 	snop  }
0x90: {  	s2 =	sld [smem:$0x3FC0]  }
0x91: {  	s18 =	sld [smem:$0x3FD0];
	(tm) =	ssettm $0x1  }
0x92: {  	s4 =	sld [smem:$0x3FFB];
	_ =	sdelay $0x3  }
0x93: {  	_ =	strace s4  }
0x94: {  	s4 =	sld [smem:$0x3FFC];
	_ =	sdelay $0x3  }
0x95: {  	_ =	strace s4  }
0x96: {  	s4 =	sld [smem:$0x3FFD];
	_ =	sdelay $0x3  }
0x97: {  	_ =	strace s4  }
0x98: {  	_ =	strace $0x8FFFFFFF  }
0x99: {  	s19 =	sld [smem:$0x3FDB];
	_ =	sdelay $0x1  }
0x9a: {  	s5 =	simm.s32 $_scs_section_size  }
0x9b: {  	s6 =	simm.s32 $_size__tile_overlayer_lowered;
	s7 =	simm.s32 $_tile_overlayer_lowered  }
0x9c: {  	s22 =	simm.s32 $0x1BFF;
	s21 =	sshll.u32 s7, $0x1;
	s4 =	sadd.s32 s5, s19  }
0x9d: {  	s8 =	simm.s32 $0x0;
	s20 =	sshll.u32 s6, $0x1;
	s6 =	sadd.s32 s21, s4  }
0x9e: {  	[timem:s8], [sflag:s22] =	dma.local [hbm:s6], s20  }
0x9f: {  	_ =	swait.ge [sflag:s22], s20  }
0xa0: {  	s5 =	ssub.s32 $0x0, s20;
	[sflag:s22] =	ssyncset.done $0x0  }
0xa1: {  	[sflag:s22] =	ssyncadd.s32 s5;
	_ =	sdelay $0x1  }
0xa2: {  	s23 =	simm.s32 $0x1B8B  }
0xa3: {  	_ =	swait.ge [sflag:s23], $0x1  }
0xa4: {  	[sflag:s23] =	ssyncset.done $0x0  }
0xa5: {  	s25 =	simm.s32 $0x1B8E;
	s24 =	sld [smem:$0x3FFE];
	[sflag:s23] =	ssyncadd.s32 $0xFFFFFFFF  }
0xa6: {  	s26 =	simm.s32 $execute0_lowered;
	[smem:$0x3FD2] =	sst s25  }
0xa7: {  	s6 =	sshll.u32 s26, $0x1;
	_ =	strace $0x80000046;
	[dreg:$0x1] =	wrdreg $0xFFFFFFFF  }
0xa8: {  	s28 =	simm.s32 $_size_execute0_lowered;
	s4 =	sadd.s32 s4, s6;
	[dreg:$0x0] =	wrdreg $0x0  }
0xa9: {  	s6 =	sshll.u32 s28, $0x1;
	[dreg:$0x2] =	wrdreg s4  }
0xaa: {  	[dreg:$0x3] =	wrdreg s6  }
0xab: {  	[dreg:$0x4] =	wrdreg $0xC0  }
0xac: {  	_ =	task [dreg:s8], $0x5FFFF  }
0xad: {  	[dreg:$0x1] =	wrdreg $0xFFFFFFFF  }
0xae: {  	[dreg:$0x0] =	wrdreg $0x60  }
0xaf: {  	[dreg:$0x2] =	wrdreg s24  }
0xb0: {  	[dreg:$0x3] =	wrdreg s18  }
0xb1: {  	[dreg:$0x4] =	wrdreg s2  }
0xb2: {  	[dreg:$0x5] =	wrdreg $0x0  }
0xb3: {  	[dreg:$0x6] =	wrdreg $0x9  }
0xb4: {  	_ =	task.clear_ibuf [dreg:s8], $0x7FFFF;
	_ =	strace $0x90000046  }
0xb5: {  	s29 =	simm.s32 $0x9;
	_ =	strace $0x80000048  }
0xb6: {  	_ =	swait.ge [sflag:s29], $0x1  }
0xb7: {  	[sflag:s29] =	ssyncadd.s32 $0xFFFFFFFF  }
0xb8: {  	_ =	strace $0x90000048  }
0xb9: {  	_ =	sfence  }
0xba: {  	s30 =	sld [smem:$0x0];
	_ =	sdelay $0x2  }
0xbb: {  	s31 =	sshll.u32 s1, $0xD;
	s1 =	sshrl.u32 s1, $0x2  }
0xbc: {  	s3 =	sand.u32 $0x4000, s31;
	s1 =	sadd.s32 s1, s30  }
0xbd: {  	s0 =	sor.u32 s3, s0;
	s1 =	sshll.u32 s1, $0x11  }
0xbe: {  	s0 =	sor.u32 s1, s0  }
0xbf: {  	s0 =	sadd.s32 $0x8F2B, s0  }
0xc0: {  	[sflag:s0] =	ssyncadd.remote.s32 $0x1  }
0xc1: {  	_ =	sfence.sel $0xFFFF  }
0xc2: {  	[dreg:$0x0] =	wrdreg $0xFFFFFFFF;
	(pc) =	sbr.abs _section_cstart, $3  }
0xc3: {  	[dreg:$0x1] =	wrdreg $0xFFFFFFFF  }
0xc4: {  	_ =	task.clear_ibuf [dreg:s8], $0x2FFFF;
	_ =	strace $0x9FFFFFFF  }
0xc5: {  	(tm) =	ssettm $0x7FFFFFFF  }
tec
execute0_lowered:
.L_overlay_start_1:
0x0: {  	(tag) =	ssettag $0x1  }
0x1: {  	s1 =	rddreg [dreg:$0x0]  }
0x2: {  	s0 =	rddreg [dreg:$0x1];
	s2 =	srdreg.scid  }
0x3: {  	s4 =	rddreg [dreg:$0x3];
	s15 =	stileid.u32  }
0x4: {  	s5 =	simm.s32 $0x0;
	s16 =	simm.s32 $0x9;
	s18 =	simm.s32 $0x16100  }
0x5: {  	s19 =	simm.s32 $0x16000;
	s20 =	simm.s32 $0x16080;
	s28 =	simm.s32 $0x3  }
0x6: {  	s29 =	simm.s32 $0x7;
	s30 =	simm.s32 $0x2;
	s31 =	simm.s32 $0x4  }
0x7: {  	s2 =	sand.u32 $0x1, s2;
	[smem:$0x7FF] =	sst s5;
	s23 =	smul.u32 $0xFA000, s15  }
0x8: {  	s7 =	sadd.s32 $0x283000, s1;
	s8 =	sadd.s32 $0x12000, s1;
	s26 =	smul.u32 $0x7D00, s15  }
0x9: {  	p0 =	sgt.u32 s15, $0x4;
	s3 =	sshll.u32 s2, $0x4;
	_ =	strace $0x80000047  }
0xa: {  	s9 =	smul.u32 $0x27100, s2;
	s2 =	ssub.s32 $0x2, s2;
	s3 =	sor.u32 s15, s3  }
0xb: {  	s12 =	sshrl.u32 s2, $0x1;
	s25 =	sshrl.u32 s23, $0x2;
	s6 =	smul.u32 $0x2710, s3  }
0xc: {  	s23 =	simm.s32 $0x18900;
	s15 =	simm.s32 $0x0;
	s13 =	smul.u32 $0x13880, s3  }
0xd: {  	s2 =	ssub.s32 s2, s12;
	s14 =	sadd.s32 s25, s4;
	s25 =	simm.s32 $0x1C500  }
0xe: {  	s2 =	smax.u32 s2, $0x1;
	s10 =	sshrl.u32 s6, $0x3;
	s22 =	sadd.s32 s8, s13  }
0xf: {  	[dreg:$0x8] =	wrdreg s2;
	s2 =	simm.s32 $0x5;
	s11 =	sadd.s32 s10, s1  }
0x10: {  	s1 =	sadd.s32 s9, s1;
	s9 =	smul.u32 $0x1388, s3;
	s21 =	sadd.s32 s0, s10  }
.Ltmp0:
0x11: {  	s24 =	sadd.s32 $0x13600, s22;
	s22 =	simm.s32 $0x1B100;
	(pc) =	sbr.rel .LBB2_1-.Ltmp0, $4  }
0x12: {  	s11 =	sadd.s32 $0x8200, s11;
	s3 =	sadd.s32 $0x4D8, s21;
	[dreg:$0x7] =	wrdreg s24  }
0x13: {  	s1 =	sadd.s32 $0x2D1400, s1;
	s21 =	simm.s32 $0x50;
	[dreg:$0x5] =	wrdreg s11  }
0x14: {  	[dreg:$0x6] =	wrdreg s3;
	s24 =	sadd.s32 s1, s26;
	s26 =	simm.s32 $0x1  }
0x15: {  	v0 =	vimm.f32 $0.0e+00;
	s1 =	simm.s32 $0x8;
	s3 =	simm.s32 $0x6;
	s11 =	simm.s32 $0x0  }
.LBB2_19:
0x16: {  	s11 =	sadd.s32 $0x1, s11;
	s10 =	rddreg [dreg:$0x8]  }
0x17: {  	p1 =	sne.s32 s11, s10  }
.Ltmp1:
0x18: {  	_ = 	snop;
	(pc) =	sbr.rel @!p1 .LBB2_20-.Ltmp1, $1  }
0x19: {  	_ =	sdelay $0x3  }
.LBB2_1:
0x1a: {  	[dreg:$0x9] =	wrdreg s11  }
0x1b: {  	s10 =	rddreg [dreg:$0x2];
	s12 =	simm.s32 $0x1D900  }
0x1c: {  	[tilespmem:s12], [sflag:$0x9] =	stream.linear.gather [hbm4b:s10+s5], $0x80, $0x38;
	[tilespmem:$0x1D980] =	vst v63  }
0x1d: {  	_ =	swait.ge [sflag:s16], $0x80  }
0x1e: {  	[sflag:s16] =	ssyncset.done $0x0  }
0x1f: {  	[sflag:s16] =	ssyncadd.s32 $0xFFFFFF80  }
0x20: {  	v4 =	vld [tilespmem:$0x1D900]  }
0x21: {  	v3 =	vld [tilespmem:$0x1D910]  }
0x22: {  	s17 =	simm.s32 $0x13880;
	s13 =	rddreg [dreg:$0x5];
	v2 =	vld [tilespmem:$0x1D920]  }
0x23: {  	v1 =	vld [tilespmem:$0x1D930];
	[tilespmem:s17], [sflag:$0x9] =	stream.linear.gather [hbm4b:s13+s5], $0x2710, $0x38  }
0x24: {  	_ =	swait.ge [sflag:s16], $0x2710  }
0x25: {  	[sflag:s16] =	ssyncset.done $0x0  }
0x26: {  	s11 =	simm.s32 $0x200;
	s10 =	simm.s32 $0x0;
	[sflag:s16] =	ssyncadd.s32 $0xFFFFD8F0  }
.LBB2_2:
0x27: {  	p1 =	sne.s32 s11, $0x9E00;
	[tilespmem:s10+$0x16170] =	vst v0  }
0x28: {  	[tilespmem:s10+$0x16100] =	vst v0  }
0x29: {  	[tilespmem:s10+$0x16110] =	vst v0  }
.Ltmp2:
0x2a: {  	[tilespmem:s10+$0x16120] =	vst v0;
	(pc) =	sbr.rel @p1 .LBB2_2-.Ltmp2, $4  }
0x2b: {  	[tilespmem:s10+$0x16130] =	vst v0  }
0x2c: {  	[tilespmem:s10+$0x16140] =	vst v0  }
0x2d: {  	[tilespmem:s10+$0x16150] =	vst v0  }
0x2e: {  	[tilespmem:s10+$0x16160] =	vst v0;
	s10 =	sshra.s32 s11, $0x2;
	s11 =	sadd.s32 $0x200, s11  }
0x2f: {  	[tilespmem:s10+$0x16170] =	vst v0  }
0x30: {  	[tilespmem:s10+$0x16100] =	vst v0  }
0x31: {  	[tilespmem:s10+$0x16110] =	vst v0  }
.Ltmp3:
0x32: {  	[tilespmem:s10+$0x16120] =	vst v0;
	(pc) =	sbr.rel @p0 .LBB2_7-.Ltmp3, $4  }
0x33: {  	[tilespmem:s10+$0x16130] =	vst v0  }
0x34: {  	[tilespmem:s10+$0x16140] =	vst v0  }
0x35: {  	[tilespmem:s10+$0x16150] =	vst v0  }
0x36: {  	[tilespmem:s10+$0x16160] =	vst v0;
	s10 =	simm.s32 $0x0  }
0x37: {  	s11 =	sshra.s32 s10, $0x2  }
0x38: {  	s11 =	sadd.s32 s11, s14  }
0x39: {  	[spmem:s11] =	stream.linear.scatter [tilespmem:s18], [sflag:$0x9], $0x2800, $0x38;
	[tilespmem:$0x1D980] =	vst v63  }
0x3a: {  	s10 =	sadd.s32 $0xA000, s10;
	_ =	swait.ge [sflag:s16], $0x2800  }
.LBB2_5:
0x3b: {  	s11 =	sshra.s32 s10, $0x2;
	[sflag:s16] =	ssyncset.done $0x0;
	p1 =	sne.s32 s10, $0xF0000  }
.Ltmp4:
0x3c: {  	s11 =	sadd.s32 s11, s14;
	[sflag:s16] =	ssyncadd.s32 $0xFFFFD800;
	(pc) =	sbr.rel @p1 .LBB2_5-.Ltmp4, $3  }
0x3d: {  	[spmem:s11] =	stream.linear.scatter [tilespmem:s18], [sflag:$0x9], $0x2800, $0x38;
	[tilespmem:$0x1D980] =	vst v63  }
0x3e: {  	s10 =	sadd.s32 $0xA000, s10;
	_ =	sdelay $0x1  }
0x3f: {  	_ =	swait.ge [sflag:s16], $0x2800  }
0x40: {  	[sflag:s16] =	ssyncset.done $0x0  }
0x41: {  	[sflag:s16] =	ssyncadd.s32 $0xFFFFD800  }
.LBB2_7:
0x42: {  	[bflag:$0x0] =	sbarrier.arrive $0xFFFF;
	s10 =	simm.s32 $0x0  }
.LBB2_8:
0x43: {  	s11 =	smul.u32 $0xA0, s10;
	_ =	sdelay $0x1  }
0x44: {  	s12 =	sadd.s32 s6, s11  }
0x45: {  	s13 =	sshllo.u32 s10, $0x1;
	s12 =	sshrl.u32 s12, $0x3  }
0x46: {  	s17 =	smul.u32 $0x50, s13;
	s12 =	sadd.s32 s0, s12  }
0x47: {  	[tilespmem:s19], [sflag:$0x7] =	stream.linear.gather [hbm4b:s12+s15], $0x50, $0x38;
	[tilespmem:$0x1D980] =	vst v63  }
0x48: {  	s12 =	sadd.s32 s6, s17  }
0x49: {  	s12 =	sshrl.u32 s12, $0x3  }
0x4a: {  	s12 =	sadd.s32 s0, s12  }
0x4b: {  	[tilespmem:s20], [sflag:$0x8] =	stream.linear.gather [hbm4b:s12+s15], $0x50, $0x38;
	[tilespmem:$0x1D980] =	vst v63  }
0x4c: {  	s11 =	sadd.s32 $0x13880, s11;
	s12 =	smul.u32 $0x50, s10  }
0x4d: {  	[tilespmem:s18], [sflag:$0x1] =	stream.indirect.gather [hbm4b:s7+s21], $0x80, s11, s21, $0xb8;
	[tilespmem:$0x1D980] =	vst v63  }
0x4e: {  	s12 =	sadd.s32 s9, s12  }
0x4f: {  	s11 =	sshll.u32 s12, $0x4  }
0x50: {  	s12 =	sadd.s32 $0x13880, s17;
	s17 =	smul.u32 $0x28, s13;
	s11 =	sadd.s32 s8, s11  }
0x51: {  	[tilespmem:s22], [sflag:$0x3] =	stream.linear.gather [hbm4b:s11+s15], $0x1400, $0x38;
	[tilespmem:$0x1D980] =	vst v63  }
0x52: {  	s13 =	sadd.s32 s9, s17  }
0x53: {  	s11 =	sshll.u32 s13, $0x4  }
0x54: {  	[tilespmem:s23], [sflag:$0x2] =	stream.indirect.gather [hbm4b:s7+s21], $0x80, s12, s21, $0xb8;
	[tilespmem:$0x1D980] =	vst v63  }
0x55: {  	s11 =	sadd.s32 s8, s11  }
0x56: {  	[tilespmem:s25], [sflag:$0x4] =	stream.linear.gather [hbm4b:s11+s15], $0x1400, $0x38;
	[tilespmem:$0x1D980] =	vst v63  }
0x57: {  	_ =	swait.ge [sflag:s26], $0x2800  }
0x58: {  	[sflag:s26] =	ssyncset.done $0x0  }
0x59: {  	[sflag:s26] =	ssyncadd.s32 $0xFFFFD800  }
0x5a: {  	_ =	swait.ge [sflag:s28], $0x1400  }
0x5b: {  	[sflag:s28] =	ssyncset.done $0x0  }
0x5c: {  	s17 =	simm.s32 $0x0;
	[sflag:s28] =	ssyncadd.s32 $0xFFFFEC00  }
0x5d: {  	v5 =	vld [tilespmem:s17+$0x1B100]  }
0x5e: {  	s11 =	simm.s32 $0x16180  }
0x5f: {  	v6 =	vld [tilespmem:s11+$0xFFFFFF80];
	_ =	sdelay $0x2  }
0x60: {  	v5 =	vmul.f32 v5, v4;
	_ =	sdelay $0x1  }
0x61: {  	v5 =	vadd.f32 v5, v6;
	_ =	sdelay $0x1  }
0x62: {  	v5 =	vmax.f32 v5, $0.0e+00  }
0x63: {  	[tilespmem:s11+$0xFFFFFF80] =	vst v5  }
0x64: {  	v5 =	vld [tilespmem:s17+$0x1B110];
	_ =	sdelay $0x1  }
0x65: {  	v6 =	vld [tilespmem:s11+$0xFFFFFF90];
	_ =	sdelay $0x2  }
0x66: {  	v5 =	vmul.f32 v5, v3;
	_ =	sdelay $0x1  }
0x67: {  	v5 =	vadd.f32 v5, v6;
	_ =	sdelay $0x1  }
0x68: {  	v5 =	vmax.f32 v5, $0.0e+00  }
0x69: {  	[tilespmem:s11+$0xFFFFFF90] =	vst v5  }
0x6a: {  	v5 =	vld [tilespmem:s17+$0x1B120];
	_ =	sdelay $0x1  }
0x6b: {  	v6 =	vld [tilespmem:s11+$0xFFFFFFA0];
	_ =	sdelay $0x2  }
0x6c: {  	v5 =	vmul.f32 v5, v2;
	_ =	sdelay $0x1  }
0x6d: {  	v5 =	vadd.f32 v5, v6;
	_ =	sdelay $0x1  }
0x6e: {  	v5 =	vmax.f32 v5, $0.0e+00  }
0x6f: {  	[tilespmem:s11+$0xFFFFFFA0] =	vst v5  }
0x70: {  	v5 =	vld [tilespmem:s17+$0x1B130];
	_ =	sdelay $0x1  }
0x71: {  	v6 =	vld [tilespmem:s11+$0xFFFFFFB0];
	_ =	sdelay $0x2  }
0x72: {  	v5 =	vmul.f32 v5, v1;
	_ =	sdelay $0x1  }
0x73: {  	v5 =	vadd.f32 v5, v6;
	_ =	sdelay $0x1  }
0x74: {  	v5 =	vmax.f32 v5, $0.0e+00  }
0x75: {  	[tilespmem:s11+$0xFFFFFFB0] =	vst v5  }
0x76: {  	v5 =	vld [tilespmem:s17+$0x1B140];
	_ =	sdelay $0x1  }
0x77: {  	v6 =	vld [tilespmem:s11+$0x0];
	_ =	sdelay $0x2  }
0x78: {  	v5 =	vmul.f32 v5, v4;
	_ =	sdelay $0x1  }
0x79: {  	v5 =	vadd.f32 v5, v6;
	_ =	sdelay $0x1  }
0x7a: {  	v5 =	vmax.f32 v5, $0.0e+00  }
0x7b: {  	[tilespmem:s11+$0x0] =	vst v5  }
0x7c: {  	v5 =	vld [tilespmem:s17+$0x1B150];
	_ =	sdelay $0x1  }
0x7d: {  	v6 =	vld [tilespmem:s11+$0x10];
	_ =	sdelay $0x2  }
0x7e: {  	v5 =	vmul.f32 v5, v3;
	_ =	sdelay $0x1  }
0x7f: {  	v5 =	vadd.f32 v5, v6;
	_ =	sdelay $0x1  }
0x80: {  	v5 =	vmax.f32 v5, $0.0e+00  }
0x81: {  	[tilespmem:s11+$0x10] =	vst v5  }
0x82: {  	v5 =	vld [tilespmem:s17+$0x1B160];
	_ =	sdelay $0x1  }
0x83: {  	v6 =	vld [tilespmem:s11+$0x20];
	_ =	sdelay $0x2  }
0x84: {  	v5 =	vmul.f32 v5, v2;
	_ =	sdelay $0x1  }
0x85: {  	v5 =	vadd.f32 v5, v6;
	_ =	sdelay $0x1  }
0x86: {  	v5 =	vmax.f32 v5, $0.0e+00  }
0x87: {  	[tilespmem:s11+$0x20] =	vst v5  }
0x88: {  	v5 =	vld [tilespmem:s17+$0x1B170];
	_ =	sdelay $0x1  }
0x89: {  	v6 =	vld [tilespmem:s11+$0x30];
	_ =	sdelay $0x2  }
0x8a: {  	v5 =	vmul.f32 v5, v1;
	_ =	sdelay $0x1  }
0x8b: {  	v5 =	vadd.f32 v5, v6;
	_ =	sdelay $0x1  }
0x8c: {  	v5 =	vmax.f32 v5, $0.0e+00  }
0x8d: {  	s13 =	simm.s32 $0x400;
	s12 =	simm.s32 $0x80;
	[tilespmem:s11+$0x30] =	vst v5  }
.LBB2_9:
0x8e: {  	p1 =	sne.s32 s13, $0x4E00;
	v5 =	vld [tilespmem:s12+$0x1B100]  }
0x8f: {  	s11 =	sadd.s32 $0x100, s11  }
0x90: {  	v6 =	vld [tilespmem:s11+$0xFFFFFF80];
	_ =	sdelay $0x2  }
0x91: {  	v5 =	vmul.f32 v5, v4;
	_ =	sdelay $0x1  }
0x92: {  	v5 =	vadd.f32 v5, v6;
	_ =	sdelay $0x1  }
0x93: {  	v5 =	vmax.f32 v5, $0.0e+00  }
0x94: {  	[tilespmem:s11+$0xFFFFFF80] =	vst v5  }
0x95: {  	v5 =	vld [tilespmem:s12+$0x1B110];
	_ =	sdelay $0x1  }
0x96: {  	v6 =	vld [tilespmem:s11+$0xFFFFFF90];
	_ =	sdelay $0x2  }
0x97: {  	v5 =	vmul.f32 v5, v3;
	_ =	sdelay $0x1  }
0x98: {  	v5 =	vadd.f32 v5, v6;
	_ =	sdelay $0x1  }
0x99: {  	v5 =	vmax.f32 v5, $0.0e+00  }
0x9a: {  	[tilespmem:s11+$0xFFFFFF90] =	vst v5  }
0x9b: {  	v5 =	vld [tilespmem:s12+$0x1B120];
	_ =	sdelay $0x1  }
0x9c: {  	v6 =	vld [tilespmem:s11+$0xFFFFFFA0];
	_ =	sdelay $0x2  }
0x9d: {  	v5 =	vmul.f32 v5, v2;
	_ =	sdelay $0x1  }
0x9e: {  	v5 =	vadd.f32 v5, v6;
	_ =	sdelay $0x1  }
0x9f: {  	v5 =	vmax.f32 v5, $0.0e+00  }
0xa0: {  	[tilespmem:s11+$0xFFFFFFA0] =	vst v5  }
0xa1: {  	v5 =	vld [tilespmem:s12+$0x1B130];
	_ =	sdelay $0x1  }
0xa2: {  	v6 =	vld [tilespmem:s11+$0xFFFFFFB0];
	_ =	sdelay $0x2  }
0xa3: {  	v5 =	vmul.f32 v5, v1;
	_ =	sdelay $0x1  }
0xa4: {  	v5 =	vadd.f32 v5, v6;
	_ =	sdelay $0x1  }
0xa5: {  	v5 =	vmax.f32 v5, $0.0e+00  }
0xa6: {  	[tilespmem:s11+$0xFFFFFFB0] =	vst v5  }
0xa7: {  	v5 =	vld [tilespmem:s12+$0x1B140];
	_ =	sdelay $0x1  }
0xa8: {  	v6 =	vld [tilespmem:s11+$0x0];
	_ =	sdelay $0x2  }
0xa9: {  	v5 =	vmul.f32 v5, v4;
	_ =	sdelay $0x1  }
0xaa: {  	v5 =	vadd.f32 v5, v6;
	_ =	sdelay $0x1  }
0xab: {  	v5 =	vmax.f32 v5, $0.0e+00  }
0xac: {  	[tilespmem:s11+$0x0] =	vst v5  }
0xad: {  	v5 =	vld [tilespmem:s12+$0x1B150];
	_ =	sdelay $0x1  }
0xae: {  	v6 =	vld [tilespmem:s11+$0x10];
	_ =	sdelay $0x2  }
0xaf: {  	v5 =	vmul.f32 v5, v3;
	_ =	sdelay $0x1  }
0xb0: {  	v5 =	vadd.f32 v5, v6;
	_ =	sdelay $0x1  }
0xb1: {  	v5 =	vmax.f32 v5, $0.0e+00  }
0xb2: {  	[tilespmem:s11+$0x10] =	vst v5  }
0xb3: {  	v5 =	vld [tilespmem:s12+$0x1B160];
	_ =	sdelay $0x1  }
0xb4: {  	v6 =	vld [tilespmem:s11+$0x20];
	_ =	sdelay $0x2  }
0xb5: {  	v5 =	vmul.f32 v5, v2;
	_ =	sdelay $0x1  }
0xb6: {  	v5 =	vadd.f32 v5, v6;
	_ =	sdelay $0x1  }
0xb7: {  	v5 =	vmax.f32 v5, $0.0e+00  }
0xb8: {  	[tilespmem:s11+$0x20] =	vst v5  }
0xb9: {  	v5 =	vld [tilespmem:s12+$0x1B170];
	_ =	sdelay $0x1  }
0xba: {  	v6 =	vld [tilespmem:s11+$0x30];
	_ =	sdelay $0x2  }
0xbb: {  	v5 =	vmul.f32 v5, v1  }
.Ltmp5:
0xbc: {  	(pc) =	sbr.rel @p1 .LBB2_9-.Ltmp5, $3  }
0xbd: {  	v5 =	vadd.f32 v5, v6;
	_ =	sdelay $0x1  }
0xbe: {  	v5 =	vmax.f32 v5, $0.0e+00  }
0xbf: {  	s12 =	sshra.s32 s13, $0x2;
	s13 =	sadd.s32 $0x200, s13;
	[tilespmem:s11+$0x30] =	vst v5  }
0xc0: {  	v5 =	vld [tilespmem:s12+$0x1B100]  }
0xc1: {  	s11 =	sadd.s32 $0x100, s11  }
0xc2: {  	v6 =	vld [tilespmem:s11+$0xFFFFFF80];
	_ =	sdelay $0x2  }
0xc3: {  	v5 =	vmul.f32 v5, v4;
	_ =	sdelay $0x1  }
0xc4: {  	v5 =	vadd.f32 v5, v6;
	_ =	sdelay $0x1  }
0xc5: {  	v5 =	vmax.f32 v5, $0.0e+00  }
0xc6: {  	[tilespmem:s11+$0xFFFFFF80] =	vst v5  }
0xc7: {  	v5 =	vld [tilespmem:s12+$0x1B110];
	_ =	sdelay $0x1  }
0xc8: {  	v6 =	vld [tilespmem:s11+$0xFFFFFF90];
	_ =	sdelay $0x2  }
0xc9: {  	v5 =	vmul.f32 v5, v3;
	_ =	sdelay $0x1  }
0xca: {  	v5 =	vadd.f32 v5, v6;
	_ =	sdelay $0x1  }
0xcb: {  	v5 =	vmax.f32 v5, $0.0e+00  }
0xcc: {  	[tilespmem:s11+$0xFFFFFF90] =	vst v5  }
0xcd: {  	v5 =	vld [tilespmem:s12+$0x1B120];
	_ =	sdelay $0x1  }
0xce: {  	v6 =	vld [tilespmem:s11+$0xFFFFFFA0];
	_ =	sdelay $0x2  }
0xcf: {  	v5 =	vmul.f32 v5, v2;
	_ =	sdelay $0x1  }
0xd0: {  	v5 =	vadd.f32 v5, v6;
	_ =	sdelay $0x1  }
0xd1: {  	v5 =	vmax.f32 v5, $0.0e+00  }
0xd2: {  	[tilespmem:s11+$0xFFFFFFA0] =	vst v5  }
0xd3: {  	v5 =	vld [tilespmem:s12+$0x1B130];
	_ =	sdelay $0x1  }
0xd4: {  	v6 =	vld [tilespmem:s11+$0xFFFFFFB0];
	_ =	sdelay $0x2  }
0xd5: {  	v5 =	vmul.f32 v5, v1;
	_ =	sdelay $0x1  }
0xd6: {  	v5 =	vadd.f32 v5, v6;
	_ =	sdelay $0x1  }
0xd7: {  	v5 =	vmax.f32 v5, $0.0e+00  }
0xd8: {  	[tilespmem:s11+$0xFFFFFFB0] =	vst v5  }
0xd9: {  	v5 =	vld [tilespmem:s12+$0x1B140];
	_ =	sdelay $0x1  }
0xda: {  	v6 =	vld [tilespmem:s11+$0x0];
	_ =	sdelay $0x2  }
0xdb: {  	v5 =	vmul.f32 v5, v4;
	_ =	sdelay $0x1  }
0xdc: {  	v5 =	vadd.f32 v5, v6;
	_ =	sdelay $0x1  }
0xdd: {  	v5 =	vmax.f32 v5, $0.0e+00  }
0xde: {  	[tilespmem:s11+$0x0] =	vst v5  }
0xdf: {  	v5 =	vld [tilespmem:s12+$0x1B150];
	_ =	sdelay $0x1  }
0xe0: {  	v6 =	vld [tilespmem:s11+$0x10];
	_ =	sdelay $0x2  }
0xe1: {  	v5 =	vmul.f32 v5, v3;
	_ =	sdelay $0x1  }
0xe2: {  	v5 =	vadd.f32 v5, v6;
	_ =	sdelay $0x1  }
0xe3: {  	v5 =	vmax.f32 v5, $0.0e+00  }
0xe4: {  	[tilespmem:s11+$0x10] =	vst v5  }
0xe5: {  	v5 =	vld [tilespmem:s12+$0x1B160];
	_ =	sdelay $0x1  }
0xe6: {  	v6 =	vld [tilespmem:s11+$0x20];
	_ =	sdelay $0x2  }
0xe7: {  	v5 =	vmul.f32 v5, v2;
	_ =	sdelay $0x1  }
0xe8: {  	v5 =	vadd.f32 v5, v6;
	_ =	sdelay $0x1  }
0xe9: {  	v5 =	vmax.f32 v5, $0.0e+00  }
0xea: {  	[tilespmem:s11+$0x20] =	vst v5  }
0xeb: {  	v5 =	vld [tilespmem:s12+$0x1B170];
	_ =	sdelay $0x1  }
0xec: {  	v6 =	vld [tilespmem:s11+$0x30];
	_ =	sdelay $0x2  }
0xed: {  	v5 =	vmul.f32 v5, v1;
	_ =	sdelay $0x1  }
0xee: {  	v5 =	vadd.f32 v5, v6;
	_ =	sdelay $0x1  }
0xef: {  	v5 =	vmax.f32 v5, $0.0e+00  }
0xf0: {  	[tilespmem:s11+$0x30] =	vst v5  }
0xf1: {  	_ =	swait.ge [sflag:s29], $0x50  }
0xf2: {  	[sflag:s29] =	ssyncset.done $0x0  }
0xf3: {  	[sflag:s29] =	ssyncadd.s32 $0xFFFFFFB0  }
0xf4: {  	[spmem:s4] =	stream.indirect.scatter.add.f32 [tilespmem:s18], [sflag:$0x5], $0x80, s19, s21, $0xb8;
	[tilespmem:$0x1D980] =	vst v63  }
0xf5: {  	_ =	swait.ge [sflag:s30], $0x2800  }
0xf6: {  	[sflag:s30] =	ssyncset.done $0x0  }
0xf7: {  	[sflag:s30] =	ssyncadd.s32 $0xFFFFD800  }
0xf8: {  	_ =	swait.ge [sflag:s31], $0x1400  }
0xf9: {  	[sflag:s31] =	ssyncset.done $0x0  }
0xfa: {  	s17 =	simm.s32 $0x0;
	[sflag:s31] =	ssyncadd.s32 $0xFFFFEC00  }
0xfb: {  	v5 =	vld [tilespmem:s17+$0x1C500]  }
0xfc: {  	s11 =	simm.s32 $0x18980  }
0xfd: {  	v6 =	vld [tilespmem:s11+$0xFFFFFF80];
	_ =	sdelay $0x2  }
0xfe: {  	v5 =	vmul.f32 v5, v4;
	_ =	sdelay $0x1  }
0xff: {  	v5 =	vadd.f32 v5, v6;
	_ =	sdelay $0x1  }
0x100: {  	v5 =	vmax.f32 v5, $0.0e+00  }
0x101: {  	[tilespmem:s11+$0xFFFFFF80] =	vst v5  }
0x102: {  	v5 =	vld [tilespmem:s17+$0x1C510];
	_ =	sdelay $0x1  }
0x103: {  	v6 =	vld [tilespmem:s11+$0xFFFFFF90];
	_ =	sdelay $0x2  }
0x104: {  	v5 =	vmul.f32 v5, v3;
	_ =	sdelay $0x1  }
0x105: {  	v5 =	vadd.f32 v5, v6;
	_ =	sdelay $0x1  }
0x106: {  	v5 =	vmax.f32 v5, $0.0e+00  }
0x107: {  	[tilespmem:s11+$0xFFFFFF90] =	vst v5  }
0x108: {  	v5 =	vld [tilespmem:s17+$0x1C520];
	_ =	sdelay $0x1  }
0x109: {  	v6 =	vld [tilespmem:s11+$0xFFFFFFA0];
	_ =	sdelay $0x2  }
0x10a: {  	v5 =	vmul.f32 v5, v2;
	_ =	sdelay $0x1  }
0x10b: {  	v5 =	vadd.f32 v5, v6;
	_ =	sdelay $0x1  }
0x10c: {  	v5 =	vmax.f32 v5, $0.0e+00  }
0x10d: {  	[tilespmem:s11+$0xFFFFFFA0] =	vst v5  }
0x10e: {  	v5 =	vld [tilespmem:s17+$0x1C530];
	_ =	sdelay $0x1  }
0x10f: {  	v6 =	vld [tilespmem:s11+$0xFFFFFFB0];
	_ =	sdelay $0x2  }
0x110: {  	v5 =	vmul.f32 v5, v1;
	_ =	sdelay $0x1  }
0x111: {  	v5 =	vadd.f32 v5, v6;
	_ =	sdelay $0x1  }
0x112: {  	v5 =	vmax.f32 v5, $0.0e+00  }
0x113: {  	[tilespmem:s11+$0xFFFFFFB0] =	vst v5  }
0x114: {  	v5 =	vld [tilespmem:s17+$0x1C540];
	_ =	sdelay $0x1  }
0x115: {  	v6 =	vld [tilespmem:s11+$0x0];
	_ =	sdelay $0x2  }
0x116: {  	v5 =	vmul.f32 v5, v4;
	_ =	sdelay $0x1  }
0x117: {  	v5 =	vadd.f32 v5, v6;
	_ =	sdelay $0x1  }
0x118: {  	v5 =	vmax.f32 v5, $0.0e+00  }
0x119: {  	[tilespmem:s11+$0x0] =	vst v5  }
0x11a: {  	v5 =	vld [tilespmem:s17+$0x1C550];
	_ =	sdelay $0x1  }
0x11b: {  	v6 =	vld [tilespmem:s11+$0x10];
	_ =	sdelay $0x2  }
0x11c: {  	v5 =	vmul.f32 v5, v3;
	_ =	sdelay $0x1  }
0x11d: {  	v5 =	vadd.f32 v5, v6;
	_ =	sdelay $0x1  }
0x11e: {  	v5 =	vmax.f32 v5, $0.0e+00  }
0x11f: {  	[tilespmem:s11+$0x10] =	vst v5  }
0x120: {  	v5 =	vld [tilespmem:s17+$0x1C560];
	_ =	sdelay $0x1  }
0x121: {  	v6 =	vld [tilespmem:s11+$0x20];
	_ =	sdelay $0x2  }
0x122: {  	v5 =	vmul.f32 v5, v2;
	_ =	sdelay $0x1  }
0x123: {  	v5 =	vadd.f32 v5, v6;
	_ =	sdelay $0x1  }
0x124: {  	v5 =	vmax.f32 v5, $0.0e+00  }
0x125: {  	[tilespmem:s11+$0x20] =	vst v5  }
0x126: {  	v5 =	vld [tilespmem:s17+$0x1C570];
	_ =	sdelay $0x1  }
0x127: {  	v6 =	vld [tilespmem:s11+$0x30];
	_ =	sdelay $0x2  }
0x128: {  	v5 =	vmul.f32 v5, v1;
	_ =	sdelay $0x1  }
0x129: {  	v5 =	vadd.f32 v5, v6;
	_ =	sdelay $0x1  }
0x12a: {  	v5 =	vmax.f32 v5, $0.0e+00  }
0x12b: {  	s13 =	simm.s32 $0x400;
	s12 =	simm.s32 $0x80;
	[tilespmem:s11+$0x30] =	vst v5  }
.LBB2_11:
0x12c: {  	p1 =	sne.s32 s13, $0x4E00;
	v5 =	vld [tilespmem:s12+$0x1C500]  }
0x12d: {  	s11 =	sadd.s32 $0x100, s11  }
0x12e: {  	v6 =	vld [tilespmem:s11+$0xFFFFFF80];
	_ =	sdelay $0x2  }
0x12f: {  	v5 =	vmul.f32 v5, v4;
	_ =	sdelay $0x1  }
0x130: {  	v5 =	vadd.f32 v5, v6;
	_ =	sdelay $0x1  }
0x131: {  	v5 =	vmax.f32 v5, $0.0e+00  }
0x132: {  	[tilespmem:s11+$0xFFFFFF80] =	vst v5  }
0x133: {  	v5 =	vld [tilespmem:s12+$0x1C510];
	_ =	sdelay $0x1  }
0x134: {  	v6 =	vld [tilespmem:s11+$0xFFFFFF90];
	_ =	sdelay $0x2  }
0x135: {  	v5 =	vmul.f32 v5, v3;
	_ =	sdelay $0x1  }
0x136: {  	v5 =	vadd.f32 v5, v6;
	_ =	sdelay $0x1  }
0x137: {  	v5 =	vmax.f32 v5, $0.0e+00  }
0x138: {  	[tilespmem:s11+$0xFFFFFF90] =	vst v5  }
0x139: {  	v5 =	vld [tilespmem:s12+$0x1C520];
	_ =	sdelay $0x1  }
0x13a: {  	v6 =	vld [tilespmem:s11+$0xFFFFFFA0];
	_ =	sdelay $0x2  }
0x13b: {  	v5 =	vmul.f32 v5, v2;
	_ =	sdelay $0x1  }
0x13c: {  	v5 =	vadd.f32 v5, v6;
	_ =	sdelay $0x1  }
0x13d: {  	v5 =	vmax.f32 v5, $0.0e+00  }
0x13e: {  	[tilespmem:s11+$0xFFFFFFA0] =	vst v5  }
0x13f: {  	v5 =	vld [tilespmem:s12+$0x1C530];
	_ =	sdelay $0x1  }
0x140: {  	v6 =	vld [tilespmem:s11+$0xFFFFFFB0];
	_ =	sdelay $0x2  }
0x141: {  	v5 =	vmul.f32 v5, v1;
	_ =	sdelay $0x1  }
0x142: {  	v5 =	vadd.f32 v5, v6;
	_ =	sdelay $0x1  }
0x143: {  	v5 =	vmax.f32 v5, $0.0e+00  }
0x144: {  	[tilespmem:s11+$0xFFFFFFB0] =	vst v5  }
0x145: {  	v5 =	vld [tilespmem:s12+$0x1C540];
	_ =	sdelay $0x1  }
0x146: {  	v6 =	vld [tilespmem:s11+$0x0];
	_ =	sdelay $0x2  }
0x147: {  	v5 =	vmul.f32 v5, v4;
	_ =	sdelay $0x1  }
0x148: {  	v5 =	vadd.f32 v5, v6;
	_ =	sdelay $0x1  }
0x149: {  	v5 =	vmax.f32 v5, $0.0e+00  }
0x14a: {  	[tilespmem:s11+$0x0] =	vst v5  }
0x14b: {  	v5 =	vld [tilespmem:s12+$0x1C550];
	_ =	sdelay $0x1  }
0x14c: {  	v6 =	vld [tilespmem:s11+$0x10];
	_ =	sdelay $0x2  }
0x14d: {  	v5 =	vmul.f32 v5, v3;
	_ =	sdelay $0x1  }
0x14e: {  	v5 =	vadd.f32 v5, v6;
	_ =	sdelay $0x1  }
0x14f: {  	v5 =	vmax.f32 v5, $0.0e+00  }
0x150: {  	[tilespmem:s11+$0x10] =	vst v5  }
0x151: {  	v5 =	vld [tilespmem:s12+$0x1C560];
	_ =	sdelay $0x1  }
0x152: {  	v6 =	vld [tilespmem:s11+$0x20];
	_ =	sdelay $0x2  }
0x153: {  	v5 =	vmul.f32 v5, v2;
	_ =	sdelay $0x1  }
0x154: {  	v5 =	vadd.f32 v5, v6;
	_ =	sdelay $0x1  }
0x155: {  	v5 =	vmax.f32 v5, $0.0e+00  }
0x156: {  	[tilespmem:s11+$0x20] =	vst v5  }
0x157: {  	v5 =	vld [tilespmem:s12+$0x1C570];
	_ =	sdelay $0x1  }
0x158: {  	v6 =	vld [tilespmem:s11+$0x30];
	_ =	sdelay $0x2  }
0x159: {  	v5 =	vmul.f32 v5, v1  }
.Ltmp6:
0x15a: {  	(pc) =	sbr.rel @p1 .LBB2_11-.Ltmp6, $3  }
0x15b: {  	v5 =	vadd.f32 v5, v6;
	_ =	sdelay $0x1  }
0x15c: {  	v5 =	vmax.f32 v5, $0.0e+00  }
0x15d: {  	s12 =	sshra.s32 s13, $0x2;
	s13 =	sadd.s32 $0x200, s13;
	[tilespmem:s11+$0x30] =	vst v5  }
0x15e: {  	v5 =	vld [tilespmem:s12+$0x1C500]  }
0x15f: {  	s11 =	sadd.s32 $0x100, s11  }
0x160: {  	v6 =	vld [tilespmem:s11+$0xFFFFFF80];
	_ =	sdelay $0x2  }
0x161: {  	v5 =	vmul.f32 v5, v4;
	_ =	sdelay $0x1  }
0x162: {  	v5 =	vadd.f32 v5, v6;
	_ =	sdelay $0x1  }
0x163: {  	v5 =	vmax.f32 v5, $0.0e+00  }
0x164: {  	[tilespmem:s11+$0xFFFFFF80] =	vst v5  }
0x165: {  	v5 =	vld [tilespmem:s12+$0x1C510];
	_ =	sdelay $0x1  }
0x166: {  	v6 =	vld [tilespmem:s11+$0xFFFFFF90];
	_ =	sdelay $0x2  }
0x167: {  	v5 =	vmul.f32 v5, v3;
	_ =	sdelay $0x1  }
0x168: {  	v5 =	vadd.f32 v5, v6;
	_ =	sdelay $0x1  }
0x169: {  	v5 =	vmax.f32 v5, $0.0e+00  }
0x16a: {  	[tilespmem:s11+$0xFFFFFF90] =	vst v5  }
0x16b: {  	v5 =	vld [tilespmem:s12+$0x1C520];
	_ =	sdelay $0x1  }
0x16c: {  	v6 =	vld [tilespmem:s11+$0xFFFFFFA0];
	_ =	sdelay $0x2  }
0x16d: {  	v5 =	vmul.f32 v5, v2;
	_ =	sdelay $0x1  }
0x16e: {  	v5 =	vadd.f32 v5, v6;
	_ =	sdelay $0x1  }
0x16f: {  	v5 =	vmax.f32 v5, $0.0e+00  }
0x170: {  	[tilespmem:s11+$0xFFFFFFA0] =	vst v5  }
0x171: {  	v5 =	vld [tilespmem:s12+$0x1C530];
	_ =	sdelay $0x1  }
0x172: {  	v6 =	vld [tilespmem:s11+$0xFFFFFFB0];
	_ =	sdelay $0x2  }
0x173: {  	v5 =	vmul.f32 v5, v1;
	_ =	sdelay $0x1  }
0x174: {  	v5 =	vadd.f32 v5, v6;
	_ =	sdelay $0x1  }
0x175: {  	v5 =	vmax.f32 v5, $0.0e+00  }
0x176: {  	[tilespmem:s11+$0xFFFFFFB0] =	vst v5  }
0x177: {  	v5 =	vld [tilespmem:s12+$0x1C540];
	_ =	sdelay $0x1  }
0x178: {  	v6 =	vld [tilespmem:s11+$0x0];
	_ =	sdelay $0x2  }
0x179: {  	v5 =	vmul.f32 v5, v4;
	_ =	sdelay $0x1  }
0x17a: {  	v5 =	vadd.f32 v5, v6;
	_ =	sdelay $0x1  }
0x17b: {  	v5 =	vmax.f32 v5, $0.0e+00  }
0x17c: {  	[tilespmem:s11+$0x0] =	vst v5  }
0x17d: {  	v5 =	vld [tilespmem:s12+$0x1C550];
	_ =	sdelay $0x1  }
0x17e: {  	v6 =	vld [tilespmem:s11+$0x10];
	_ =	sdelay $0x2  }
0x17f: {  	v5 =	vmul.f32 v5, v3;
	_ =	sdelay $0x1  }
0x180: {  	v5 =	vadd.f32 v5, v6;
	_ =	sdelay $0x1  }
0x181: {  	v5 =	vmax.f32 v5, $0.0e+00  }
0x182: {  	[tilespmem:s11+$0x10] =	vst v5  }
0x183: {  	v5 =	vld [tilespmem:s12+$0x1C560];
	_ =	sdelay $0x1  }
0x184: {  	v6 =	vld [tilespmem:s11+$0x20];
	_ =	sdelay $0x2  }
0x185: {  	v5 =	vmul.f32 v5, v2;
	_ =	sdelay $0x1  }
0x186: {  	v5 =	vadd.f32 v5, v6;
	_ =	sdelay $0x1  }
0x187: {  	v5 =	vmax.f32 v5, $0.0e+00  }
0x188: {  	[tilespmem:s11+$0x20] =	vst v5  }
0x189: {  	v5 =	vld [tilespmem:s12+$0x1C570];
	_ =	sdelay $0x1  }
0x18a: {  	v6 =	vld [tilespmem:s11+$0x30];
	_ =	sdelay $0x2  }
0x18b: {  	v5 =	vmul.f32 v5, v1;
	_ =	sdelay $0x1  }
0x18c: {  	v5 =	vadd.f32 v5, v6;
	_ =	sdelay $0x1  }
0x18d: {  	v5 =	vmax.f32 v5, $0.0e+00  }
0x18e: {  	[tilespmem:s11+$0x30] =	vst v5  }
0x18f: {  	_ =	swait.ge [sflag:s1], $0x50  }
0x190: {  	[sflag:s1] =	ssyncset.done $0x0  }
0x191: {  	s10 =	sadd.s32 $0x1, s10;
	[sflag:s1] =	ssyncadd.s32 $0xFFFFFFB0  }
0x192: {  	[spmem:s4] =	stream.indirect.scatter.add.f32 [tilespmem:s23], [sflag:$0x6], $0x80, s20, s21, $0xb8;
	[tilespmem:$0x1D980] =	vst v63  }
0x193: {  	p1 =	sne.s32 s10, $0x3E;
	_ =	swait.ge [sflag:s2], $0x2800  }
.Ltmp7:
0x194: {  	[sflag:s2] =	ssyncset.done $0x0;
	(pc) =	sbr.rel @p1 .LBB2_8-.Ltmp7, $4  }
0x195: {  	[sflag:s2] =	ssyncadd.s32 $0xFFFFD800  }
0x196: {  	_ =	swait.ge [sflag:s3], $0x2800  }
0x197: {  	[sflag:s3] =	ssyncset.done $0x0  }
0x198: {  	[sflag:s3] =	ssyncadd.s32 $0xFFFFD800  }
0x199: {  	s10 =	simm.s32 $0x0;
	s11 =	rddreg [dreg:$0x6]  }
0x19a: {  	[tilespmem:s19], [sflag:$0x7] =	stream.linear.gather [hbm4b:s11+s10], $0x50, $0x38;
	[tilespmem:$0x1D980] =	vst v63  }
0x19b: {  	s12 =	simm.s32 $0x15F40  }
0x19c: {  	[tilespmem:s18], [sflag:$0x1] =	stream.indirect.gather [hbm4b:s7+s21], $0x80, s12, s21, $0xb8;
	[tilespmem:$0x1D980] =	vst v63  }
0x19d: {  	s13 =	rddreg [dreg:$0x7]  }
0x19e: {  	[tilespmem:s22], [sflag:$0x3] =	stream.linear.gather [hbm4b:s13+s10], $0x1400, $0x38;
	[tilespmem:$0x1D980] =	vst v63  }
0x19f: {  	_ =	swait.ge [sflag:s26], $0x2800  }
0x1a0: {  	[sflag:s26] =	ssyncset.done $0x0  }
0x1a1: {  	[sflag:s26] =	ssyncadd.s32 $0xFFFFD800  }
0x1a2: {  	_ =	swait.ge [sflag:s28], $0x1400  }
0x1a3: {  	[sflag:s28] =	ssyncset.done $0x0  }
0x1a4: {  	s17 =	simm.s32 $0x0;
	[sflag:s28] =	ssyncadd.s32 $0xFFFFEC00  }
0x1a5: {  	v5 =	vld [tilespmem:s17+$0x1B100]  }
0x1a6: {  	s10 =	simm.s32 $0x16180  }
0x1a7: {  	v6 =	vld [tilespmem:s10+$0xFFFFFF80];
	_ =	sdelay $0x2  }
0x1a8: {  	v5 =	vmul.f32 v5, v4;
	_ =	sdelay $0x1  }
0x1a9: {  	v5 =	vadd.f32 v5, v6;
	_ =	sdelay $0x1  }
0x1aa: {  	v5 =	vmax.f32 v5, $0.0e+00  }
0x1ab: {  	[tilespmem:s10+$0xFFFFFF80] =	vst v5  }
0x1ac: {  	v5 =	vld [tilespmem:s17+$0x1B110];
	_ =	sdelay $0x1  }
0x1ad: {  	v6 =	vld [tilespmem:s10+$0xFFFFFF90];
	_ =	sdelay $0x2  }
0x1ae: {  	v5 =	vmul.f32 v5, v3;
	_ =	sdelay $0x1  }
0x1af: {  	v5 =	vadd.f32 v5, v6;
	_ =	sdelay $0x1  }
0x1b0: {  	v5 =	vmax.f32 v5, $0.0e+00  }
0x1b1: {  	[tilespmem:s10+$0xFFFFFF90] =	vst v5  }
0x1b2: {  	v5 =	vld [tilespmem:s17+$0x1B120];
	_ =	sdelay $0x1  }
0x1b3: {  	v6 =	vld [tilespmem:s10+$0xFFFFFFA0];
	_ =	sdelay $0x2  }
0x1b4: {  	v5 =	vmul.f32 v5, v2;
	_ =	sdelay $0x1  }
0x1b5: {  	v5 =	vadd.f32 v5, v6;
	_ =	sdelay $0x1  }
0x1b6: {  	v5 =	vmax.f32 v5, $0.0e+00  }
0x1b7: {  	[tilespmem:s10+$0xFFFFFFA0] =	vst v5  }
0x1b8: {  	v5 =	vld [tilespmem:s17+$0x1B130];
	_ =	sdelay $0x1  }
0x1b9: {  	v6 =	vld [tilespmem:s10+$0xFFFFFFB0];
	_ =	sdelay $0x2  }
0x1ba: {  	v5 =	vmul.f32 v5, v1;
	_ =	sdelay $0x1  }
0x1bb: {  	v5 =	vadd.f32 v5, v6;
	_ =	sdelay $0x1  }
0x1bc: {  	v5 =	vmax.f32 v5, $0.0e+00  }
0x1bd: {  	[tilespmem:s10+$0xFFFFFFB0] =	vst v5  }
0x1be: {  	v5 =	vld [tilespmem:s17+$0x1B140];
	_ =	sdelay $0x1  }
0x1bf: {  	v6 =	vld [tilespmem:s10+$0x0];
	_ =	sdelay $0x2  }
0x1c0: {  	v5 =	vmul.f32 v5, v4;
	_ =	sdelay $0x1  }
0x1c1: {  	v5 =	vadd.f32 v5, v6;
	_ =	sdelay $0x1  }
0x1c2: {  	v5 =	vmax.f32 v5, $0.0e+00  }
0x1c3: {  	[tilespmem:s10+$0x0] =	vst v5  }
0x1c4: {  	v5 =	vld [tilespmem:s17+$0x1B150];
	_ =	sdelay $0x1  }
0x1c5: {  	v6 =	vld [tilespmem:s10+$0x10];
	_ =	sdelay $0x2  }
0x1c6: {  	v5 =	vmul.f32 v5, v3;
	_ =	sdelay $0x1  }
0x1c7: {  	v5 =	vadd.f32 v5, v6;
	_ =	sdelay $0x1  }
0x1c8: {  	v5 =	vmax.f32 v5, $0.0e+00  }
0x1c9: {  	[tilespmem:s10+$0x10] =	vst v5  }
0x1ca: {  	v5 =	vld [tilespmem:s17+$0x1B160];
	_ =	sdelay $0x1  }
0x1cb: {  	v6 =	vld [tilespmem:s10+$0x20];
	_ =	sdelay $0x2  }
0x1cc: {  	v5 =	vmul.f32 v5, v2;
	_ =	sdelay $0x1  }
0x1cd: {  	v5 =	vadd.f32 v5, v6;
	_ =	sdelay $0x1  }
0x1ce: {  	v5 =	vmax.f32 v5, $0.0e+00  }
0x1cf: {  	[tilespmem:s10+$0x20] =	vst v5  }
0x1d0: {  	v5 =	vld [tilespmem:s17+$0x1B170];
	_ =	sdelay $0x1  }
0x1d1: {  	v6 =	vld [tilespmem:s10+$0x30];
	_ =	sdelay $0x2  }
0x1d2: {  	v5 =	vmul.f32 v5, v1;
	_ =	sdelay $0x1  }
0x1d3: {  	v5 =	vadd.f32 v5, v6;
	_ =	sdelay $0x1  }
0x1d4: {  	v5 =	vmax.f32 v5, $0.0e+00  }
0x1d5: {  	s11 =	simm.s32 $0x80;
	s12 =	simm.s32 $0x400;
	[tilespmem:s10+$0x30] =	vst v5  }
.LBB2_14:
0x1d6: {  	p1 =	sne.s32 s12, $0x4E00;
	v5 =	vld [tilespmem:s11+$0x1B100]  }
0x1d7: {  	s10 =	sadd.s32 $0x100, s10  }
0x1d8: {  	v6 =	vld [tilespmem:s10+$0xFFFFFF80];
	_ =	sdelay $0x2  }
0x1d9: {  	v5 =	vmul.f32 v5, v4;
	_ =	sdelay $0x1  }
0x1da: {  	v5 =	vadd.f32 v5, v6;
	_ =	sdelay $0x1  }
0x1db: {  	v5 =	vmax.f32 v5, $0.0e+00  }
0x1dc: {  	[tilespmem:s10+$0xFFFFFF80] =	vst v5  }
0x1dd: {  	v5 =	vld [tilespmem:s11+$0x1B110];
	_ =	sdelay $0x1  }
0x1de: {  	v6 =	vld [tilespmem:s10+$0xFFFFFF90];
	_ =	sdelay $0x2  }
0x1df: {  	v5 =	vmul.f32 v5, v3;
	_ =	sdelay $0x1  }
0x1e0: {  	v5 =	vadd.f32 v5, v6;
	_ =	sdelay $0x1  }
0x1e1: {  	v5 =	vmax.f32 v5, $0.0e+00  }
0x1e2: {  	[tilespmem:s10+$0xFFFFFF90] =	vst v5  }
0x1e3: {  	v5 =	vld [tilespmem:s11+$0x1B120];
	_ =	sdelay $0x1  }
0x1e4: {  	v6 =	vld [tilespmem:s10+$0xFFFFFFA0];
	_ =	sdelay $0x2  }
0x1e5: {  	v5 =	vmul.f32 v5, v2;
	_ =	sdelay $0x1  }
0x1e6: {  	v5 =	vadd.f32 v5, v6;
	_ =	sdelay $0x1  }
0x1e7: {  	v5 =	vmax.f32 v5, $0.0e+00  }
0x1e8: {  	[tilespmem:s10+$0xFFFFFFA0] =	vst v5  }
0x1e9: {  	v5 =	vld [tilespmem:s11+$0x1B130];
	_ =	sdelay $0x1  }
0x1ea: {  	v6 =	vld [tilespmem:s10+$0xFFFFFFB0];
	_ =	sdelay $0x2  }
0x1eb: {  	v5 =	vmul.f32 v5, v1;
	_ =	sdelay $0x1  }
0x1ec: {  	v5 =	vadd.f32 v5, v6;
	_ =	sdelay $0x1  }
0x1ed: {  	v5 =	vmax.f32 v5, $0.0e+00  }
0x1ee: {  	[tilespmem:s10+$0xFFFFFFB0] =	vst v5  }
0x1ef: {  	v5 =	vld [tilespmem:s11+$0x1B140];
	_ =	sdelay $0x1  }
0x1f0: {  	v6 =	vld [tilespmem:s10+$0x0];
	_ =	sdelay $0x2  }
0x1f1: {  	v5 =	vmul.f32 v5, v4;
	_ =	sdelay $0x1  }
0x1f2: {  	v5 =	vadd.f32 v5, v6;
	_ =	sdelay $0x1  }
0x1f3: {  	v5 =	vmax.f32 v5, $0.0e+00  }
0x1f4: {  	[tilespmem:s10+$0x0] =	vst v5  }
0x1f5: {  	v5 =	vld [tilespmem:s11+$0x1B150];
	_ =	sdelay $0x1  }
0x1f6: {  	v6 =	vld [tilespmem:s10+$0x10];
	_ =	sdelay $0x2  }
0x1f7: {  	v5 =	vmul.f32 v5, v3;
	_ =	sdelay $0x1  }
0x1f8: {  	v5 =	vadd.f32 v5, v6;
	_ =	sdelay $0x1  }
0x1f9: {  	v5 =	vmax.f32 v5, $0.0e+00  }
0x1fa: {  	[tilespmem:s10+$0x10] =	vst v5  }
0x1fb: {  	v5 =	vld [tilespmem:s11+$0x1B160];
	_ =	sdelay $0x1  }
0x1fc: {  	v6 =	vld [tilespmem:s10+$0x20];
	_ =	sdelay $0x2  }
0x1fd: {  	v5 =	vmul.f32 v5, v2;
	_ =	sdelay $0x1  }
0x1fe: {  	v5 =	vadd.f32 v5, v6;
	_ =	sdelay $0x1  }
0x1ff: {  	v5 =	vmax.f32 v5, $0.0e+00  }
0x200: {  	[tilespmem:s10+$0x20] =	vst v5  }
0x201: {  	v5 =	vld [tilespmem:s11+$0x1B170];
	_ =	sdelay $0x1  }
0x202: {  	v6 =	vld [tilespmem:s10+$0x30];
	_ =	sdelay $0x2  }
0x203: {  	v5 =	vmul.f32 v5, v1  }
.Ltmp8:
0x204: {  	(pc) =	sbr.rel @p1 .LBB2_14-.Ltmp8, $3  }
0x205: {  	v5 =	vadd.f32 v5, v6;
	_ =	sdelay $0x1  }
0x206: {  	v5 =	vmax.f32 v5, $0.0e+00  }
0x207: {  	s11 =	sshra.s32 s12, $0x2;
	s12 =	sadd.s32 $0x200, s12;
	[tilespmem:s10+$0x30] =	vst v5  }
0x208: {  	v5 =	vld [tilespmem:s11+$0x1B100]  }
0x209: {  	s10 =	sadd.s32 $0x100, s10  }
0x20a: {  	v6 =	vld [tilespmem:s10+$0xFFFFFF80];
	_ =	sdelay $0x2  }
0x20b: {  	v5 =	vmul.f32 v5, v4;
	_ =	sdelay $0x1  }
0x20c: {  	v5 =	vadd.f32 v5, v6;
	_ =	sdelay $0x1  }
0x20d: {  	v5 =	vmax.f32 v5, $0.0e+00  }
0x20e: {  	[tilespmem:s10+$0xFFFFFF80] =	vst v5  }
0x20f: {  	v5 =	vld [tilespmem:s11+$0x1B110];
	_ =	sdelay $0x1  }
0x210: {  	v57 =	vld [tilespmem:s10+$0xFFFFFF90];
	_ =	sdelay $0x2  }
0x211: {  	v5 =	vmul.f32 v5, v3;
	_ =	sdelay $0x1  }
0x212: {  	v5 =	vadd.f32 v5, v57;
	_ =	sdelay $0x1  }
0x213: {  	v5 =	vmax.f32 v5, $0.0e+00  }
0x214: {  	[tilespmem:s10+$0xFFFFFF90] =	vst v5  }
0x215: {  	v5 =	vld [tilespmem:s11+$0x1B120];
	_ =	sdelay $0x1  }
0x216: {  	v58 =	vld [tilespmem:s10+$0xFFFFFFA0];
	_ =	sdelay $0x2  }
0x217: {  	v5 =	vmul.f32 v5, v2;
	_ =	sdelay $0x1  }
0x218: {  	v5 =	vadd.f32 v5, v58;
	_ =	sdelay $0x1  }
0x219: {  	v5 =	vmax.f32 v5, $0.0e+00  }
0x21a: {  	[tilespmem:s10+$0xFFFFFFA0] =	vst v5  }
0x21b: {  	v5 =	vld [tilespmem:s11+$0x1B130];
	_ =	sdelay $0x1  }
0x21c: {  	v59 =	vld [tilespmem:s10+$0xFFFFFFB0];
	_ =	sdelay $0x2  }
0x21d: {  	v5 =	vmul.f32 v5, v1;
	_ =	sdelay $0x1  }
0x21e: {  	v5 =	vadd.f32 v5, v59;
	_ =	sdelay $0x1  }
0x21f: {  	v5 =	vmax.f32 v5, $0.0e+00  }
0x220: {  	[tilespmem:s10+$0xFFFFFFB0] =	vst v5  }
0x221: {  	v5 =	vld [tilespmem:s11+$0x1B140];
	_ =	sdelay $0x1  }
0x222: {  	v60 =	vld [tilespmem:s10+$0x0];
	_ =	sdelay $0x2  }
0x223: {  	v61 =	vmul.f32 v5, v4;
	_ =	sdelay $0x1  }
0x224: {  	v4 =	vadd.f32 v61, v60;
	_ =	sdelay $0x1  }
0x225: {  	v4 =	vmax.f32 v4, $0.0e+00  }
0x226: {  	[tilespmem:s10+$0x0] =	vst v4  }
0x227: {  	v4 =	vld [tilespmem:s11+$0x1B150];
	_ =	sdelay $0x1  }
0x228: {  	v62 =	vld [tilespmem:s10+$0x10];
	_ =	sdelay $0x2  }
0x229: {  	v3 =	vmul.f32 v4, v3;
	_ =	sdelay $0x1  }
0x22a: {  	v3 =	vadd.f32 v3, v62;
	_ =	sdelay $0x1  }
0x22b: {  	v3 =	vmax.f32 v3, $0.0e+00  }
0x22c: {  	[tilespmem:s10+$0x10] =	vst v3  }
0x22d: {  	v3 =	vld [tilespmem:s11+$0x1B160];
	_ =	sdelay $0x1  }
0x22e: {  	v63 =	vld [tilespmem:s10+$0x20];
	_ =	sdelay $0x2  }
0x22f: {  	v2 =	vmul.f32 v3, v2;
	_ =	sdelay $0x1  }
0x230: {  	v2 =	vadd.f32 v2, v63;
	_ =	sdelay $0x1  }
0x231: {  	v2 =	vmax.f32 v2, $0.0e+00  }
0x232: {  	[tilespmem:s10+$0x20] =	vst v2  }
0x233: {  	v2 =	vld [tilespmem:s11+$0x1B170];
	_ =	sdelay $0x1  }
0x234: {  	v3 =	vld [tilespmem:s10+$0x30];
	_ =	sdelay $0x2  }
0x235: {  	v1 =	vmul.f32 v2, v1;
	_ =	sdelay $0x1  }
0x236: {  	v1 =	vadd.f32 v1, v3;
	_ =	sdelay $0x1  }
0x237: {  	v1 =	vmax.f32 v1, $0.0e+00  }
0x238: {  	[tilespmem:s10+$0x30] =	vst v1  }
0x239: {  	_ =	swait.ge [sflag:s29], $0x50  }
0x23a: {  	[sflag:s29] =	ssyncset.done $0x0  }
0x23b: {  	[sflag:s29] =	ssyncadd.s32 $0xFFFFFFB0  }
0x23c: {  	[spmem:s4] =	stream.indirect.scatter.add.f32 [tilespmem:s18], [sflag:$0x5], $0x80, s19, s21, $0xb8;
	[tilespmem:$0x1D980] =	vst v63  }
.Ltmp9:
0x23d: {  	_ =	swait.ge [sflag:s2], $0x2800;
	(pc) =	sbr.rel @p0 .LBB2_19-.Ltmp9, $4  }
0x23e: {  	[sflag:s2] =	ssyncset.done $0x0  }
0x23f: {  	[sflag:s2] =	ssyncadd.s32 $0xFFFFD800  }
0x240: {  	[bflag:$0x0] =	sbarrier.arrive $0xFFFF  }
0x241: {  	s11 =	rddreg [dreg:$0x9]  }
0x242: {  	[tilespmem:s18], [sflag:$0x9] =	stream.linear.gather [spmem:s14], $0x2800, $0x38;
	[tilespmem:$0x1D980] =	vst v63  }
0x243: {  	_ =	swait.ge [sflag:s16], $0x2800  }
0x244: {  	[sflag:s16] =	ssyncset.done $0x0  }
0x245: {  	s10 =	sadd.s32 $0x0, s24;
	[sflag:s16] =	ssyncadd.s32 $0xFFFFD800  }
0x246: {  	[hbm4b:s10+s5] =	stream.linear.scatter [tilespmem:s18], [sflag:$0x9], $0x2800, $0x38;
	[tilespmem:$0x1D980] =	vst v63  }
0x247: {  	_ =	swait.ge [sflag:s16], $0x2800  }
0x248: {  	s11 =	smov.u32 s14;
	s10 =	simm.s32 $0x500;
	[sflag:s16] =	ssyncset.done $0x0  }
.LBB2_17:
0x249: {  	p1 =	sne.s32 s10, $0x7800;
	[sflag:s16] =	ssyncadd.s32 $0xFFFFD800;
	s11 =	sadd.s32 $0x2800, s11  }
0x24a: {  	[tilespmem:s18], [sflag:$0x9] =	stream.linear.gather [spmem:s11], $0x2800, $0x38;
	[tilespmem:$0x1D980] =	vst v63  }
0x24b: {  	s12 =	smov.u32 s10;
	s10 =	sadd.s32 $0x500, s10;
	_ =	swait.ge [sflag:s16], $0x2800  }
.Ltmp10:
0x24c: {  	[sflag:s16] =	ssyncset.done $0x0;
	(pc) =	sbr.rel @p1 .LBB2_17-.Ltmp10, $4  }
0x24d: {  	s12 =	sadd.s32 s12, s24;
	[sflag:s16] =	ssyncadd.s32 $0xFFFFD800  }
0x24e: {  	[hbm4b:s12+s5] =	stream.linear.scatter [tilespmem:s18], [sflag:$0x9], $0x2800, $0x38;
	[tilespmem:$0x1D980] =	vst v63  }
0x24f: {  	_ =	swait.ge [sflag:s16], $0x2800  }
0x250: {  	[sflag:s16] =	ssyncset.done $0x0  }
.Ltmp11:
0x251: {  	(pc) =	sbr.rel .LBB2_19-.Ltmp11, $2  }
0x252: {  	_ =	sdelay $0x2  }
0x253: {  	[sflag:s16] =	ssyncadd.s32 $0xFFFFD800;
	s11 =	rddreg [dreg:$0x9]  }
.LBB2_20:
0x254: {  	_ =	sfence.sel $0x180000  }
0x255: {  	[bflag:$0x0] =	sbarrier.arrive $0xFFFF  }
0x256: {  	_ =	strace $0x90000047  }
0x257: {  	s0 =	stileid.u32;
	[bflag:$0x2] =	sbarrier.arrive $0xFFFF  }
0x258: {  	p0 =	sne.s32 s0, $0x0;
	s0 =	rddreg [dreg:$0x4]  }
0x259: {  	s0 =	sadd.s32 @!p0 $0x100000, s0  }
0x25a: {  	[sflag:s0] =	ssyncadd.tile.s32 @!p0 $0x1;
	_ =	shalt  }
.Lfunc_end2:
_tile_overlayer_lowered:
.L_overlay_start_2:
0x25b: {  	(tag) =	ssettag $0x2  }
0x25c: {  	s0 =	rddreg [dreg:$0x0];
	s2 =	stileid.u32  }
0x25d: {  	s1 =	rddreg [dreg:$0x1];
	p0 =	sne.s32 s2, $0x0  }
0x25e: {  	s3 =	rddreg [dreg:$0x2];
	[bflag:$0x3] =	sbarrier.arrive $0xFFFF;
	s2 =	simm.s32 @!p0 $0x1C09  }
0x25f: {  	[timem:s3], [sflag:s2] =	dma.local @!p0 [hbm:s0], s1  }
0x260: {  	s0 =	simm.s32 @!p0 $0x9  }
0x261: {  	_ =	swait.ge @!p0 [sflag:s0], s1  }
0x262: {  	s1 =	ssub.s32 @!p0 $0x0, s1;
	[sflag:s0] =	ssyncset.done @!p0 $0x0  }
0x263: {  	[sflag:s0] =	ssyncadd.s32 @!p0 s1  }
0x264: {  	[bflag:$0x3] =	sbarrier.arrive $0xFFFF  }
0x265: {  	_ =	shalt  }

// kernel: kernel.14.cloned.1.call-start
scs
__scs_entry_jumppad:
0x0: {  	(pc) =	sbr.rel $0x88, $3  }
0x1: {  	(tag) =	ssettag $0x0;
	lr =	simm.s32 $0x1  }
0x2: {  	[smem:$0x3F76] =	sst lr;
	_ =	strace $0xD0000000  }
0x3: {  	_ = 	snop  }
0x4: {  	_ = 	snop  }
0x5: {  	_ = 	snop  }
0x6: {  	_ = 	snop  }
0x7: {  	_ = 	snop  }
__scs_overlays_trampoline_lowered:
0x8: {  	[smem:$0x3F85] =	sst s0  }
0x9: {  	[smem:$0x3F86] =	sst s1  }
0xa: {  	[smem:$0x3F87] =	sst s2  }
0xb: {  	[smem:$0x3F88] =	sst s3  }
0xc: {  	[smem:$0x3F89] =	sst s4  }
0xd: {  	[smem:$0x3F8A] =	sst s5  }
0xe: {  	[smem:$0x3F8B] =	sst s6  }
0xf: {  	[smem:$0x3F8C] =	sst s7  }
0x10: {  	[smem:$0x3F8D] =	sst s8  }
0x11: {  	[smem:$0x3F8E] =	sst s9;
	s0 =	simm.s32 @!p0 $0x0  }
0x12: {  	s1 =	sld [smem:$0x3F74];
	s0 =	simm.s32 @p0 $0x1  }
0x13: {  	[smem:$0x3F8F] =	sst s0;
	s0 =	simm.s32 @!p1 $0x0  }
0x14: {  	s2 =	sld [smem:$0x3F73];
	s0 =	simm.s32 @p1 $0x1  }
0x15: {  	[smem:$0x3F90] =	sst s0;
	s0 =	simm.s32 @!p2 $0x0  }
0x16: {  	s3 =	sld [smem:$0x3FDB];
	s0 =	simm.s32 @p2 $0x1  }
0x17: {  	s4 =	simm.s32 $0x1BF5;
	[smem:$0x3F92] =	sst s0  }
0x18: {  	s0 =	sld [smem:$0x3F75];
	_ =	swait.ge [sflag:s4], $0x0  }
0x19: {  	s7 =	sld [smem:$0x3F76]  }
0x1a: {  	s8 =	sadd.s32 $0xFFFFE003, lr  }
0x1b: {  	s9 =	sadd.s32 $0xFFFFFEF7, lr;
	s5 =	simm.s32 $0xFFFFFFFF;
	p2 =	slt.u32 s8, $0xFFFFF086  }
0x1c: {  	p1 =	slt.u32 s9, $0xF7A;
	s5 =	simm.s32 @!p2 $0x0  }
0x1d: {  	s5 =	simm.s32 @p1 $0x1;
	p0 =	seq.s32 s7, s2  }
0x1e: {  	s7 =	smul.u32 @!p0 $0xF7A, s2;
	p2 =	seq.s32 @!p0 s5, $0x0  }
0x1f: {  	s9 =	smul.u32 $0xF7A, s1;
	s8 =	simm.s32 @!p0 $0x1BF5;
	p2 =	por !p2, p0  }
0x20: {  	[sflag:s8] =	ssyncset.s32 @!p0 $0xFFFFF086;
	s6 =	sadd.s32 @!p0 s3, s7;
	s7 =	simm.s32 @!p0 $0x108  }
0x21: {  	s3 =	sadd.s32 s3, s9;
	s6 =	sadd.s32 @!p0 $0x88, s6;
	s7 =	simm.s32 @p2 $0x1082  }
0x22: {  	[simem:s7], [sflag:s8] =	dma.local @!p0 [hbm:s6], $0xF7A  }
0x23: {  	s9 =	sor.u32 $0xD0000000, s2;
	s6 =	simm.s32 $0x108;
	_ =	swait.ge @!p0 [sflag:s8], $0x0  }
0x24: {  	s3 =	sadd.s32 $0x88, s3;
	s6 =	simm.s32 @!p1 $0x1082;
	[sflag:s4] =	ssyncset.s32 $0xFFFFF086  }
0x25: {  	[simem:s6], [sflag:s4] =	dma.local [hbm:s3], $0xF7A  }
0x26: {  	[smem:$0x3F76] =	sst s1;
	(tag) =	ssettag s2;
	_ =	strace s9  }
0x27: {  	s1 =	sld [smem:$0x3F86]  }
0x28: {  	s2 =	sld [smem:$0x3F87]  }
0x29: {  	s4 =	sld [smem:$0x3F89]  }
0x2a: {  	p0 =	seq.s32 s5, $0x0;
	s5 =	sld [smem:$0x3F8A]  }
0x2b: {  	s6 =	sld [smem:$0x3F8B]  }
0x2c: {  	s7 =	sld [smem:$0x3F8C]  }
0x2d: {  	s3 =	simm.s32 $0x108;
	s8 =	sld [smem:$0x3F8D]  }
0x2e: {  	s3 =	simm.s32 @!p0 $0x1082;
	s9 =	sld [smem:$0x3F8E]  }
0x2f: {  	lr =	sadd.s32 s0, s3;
	s0 =	sld [smem:$0x3F85]  }
0x30: {  	s3 =	sld [smem:$0x3F88]  }
0x31: {  	[smem:$0x3F91] =	sst s10  }
0x32: {  	s10 =	sld [smem:$0x3F8F];
	_ =	sdelay $0x3  }
0x33: {  	p0 =	seq.s32 s10, $0x1;
	s10 =	sld [smem:$0x3F91];
	_ =	sdelay $0x3  }
0x34: {  	[smem:$0x3F91] =	sst s10  }
0x35: {  	s10 =	sld [smem:$0x3F90];
	_ =	sdelay $0x3  }
0x36: {  	p1 =	seq.s32 s10, $0x1;
	s10 =	sld [smem:$0x3F91];
	_ =	sdelay $0x3  }
0x37: {  	[smem:$0x3F91] =	sst s10  }
0x38: {  	s10 =	sld [smem:$0x3F92]  }
0x39: {  	_ = 	snop;
	(pc) =	sbr.ind lr, $3  }
0x3a: {  	_ = 	snop  }
0x3b: {  	_ = 	snop  }
0x3c: {  	p2 =	seq.s32 s10, $0x1;
	s10 =	sld [smem:$0x3F91]  }
0x3d: {  	_ =	shalt  }
0x3e: {  	_ =	shalt  }
0x3f: {  	_ =	shalt  }
0x40: {  	_ =	shalt  }
0x41: {  	_ =	shalt  }
0x42: {  	_ =	shalt  }
0x43: {  	_ =	shalt  }
0x44: {  	_ =	shalt  }
0x45: {  	_ =	shalt  }
0x46: {  	_ =	shalt  }
0x47: {  	_ =	shalt  }
0x48: {  	_ =	shalt  }
0x49: {  	_ =	shalt  }
0x4a: {  	_ =	shalt  }
0x4b: {  	_ =	shalt  }
0x4c: {  	_ =	shalt  }
0x4d: {  	_ =	shalt  }
0x4e: {  	_ =	shalt  }
0x4f: {  	_ =	shalt  }
0x50: {  	_ =	shalt  }
0x51: {  	_ =	shalt  }
0x52: {  	_ =	shalt  }
0x53: {  	_ =	shalt  }
0x54: {  	_ =	shalt  }
0x55: {  	_ =	shalt  }
0x56: {  	_ =	shalt  }
0x57: {  	_ =	shalt  }
0x58: {  	_ =	shalt  }
0x59: {  	_ =	shalt  }
0x5a: {  	_ =	shalt  }
0x5b: {  	_ =	shalt  }
0x5c: {  	_ =	shalt  }
0x5d: {  	_ =	shalt  }
0x5e: {  	_ =	shalt  }
0x5f: {  	_ =	shalt  }
0x60: {  	_ =	shalt  }
0x61: {  	_ =	shalt  }
0x62: {  	_ =	shalt  }
0x63: {  	_ =	shalt  }
0x64: {  	_ =	shalt  }
0x65: {  	_ =	shalt  }
0x66: {  	_ =	shalt  }
0x67: {  	_ =	shalt  }
0x68: {  	_ =	shalt  }
0x69: {  	_ =	shalt  }
0x6a: {  	_ =	shalt  }
0x6b: {  	_ =	shalt  }
0x6c: {  	_ =	shalt  }
0x6d: {  	_ =	shalt  }
0x6e: {  	_ =	shalt  }
0x6f: {  	_ =	shalt  }
0x70: {  	_ =	shalt  }
0x71: {  	_ =	shalt  }
0x72: {  	_ =	shalt  }
0x73: {  	_ =	shalt  }
0x74: {  	_ =	shalt  }
0x75: {  	_ =	shalt  }
0x76: {  	_ =	shalt  }
0x77: {  	_ =	shalt  }
0x78: {  	_ =	shalt  }
0x79: {  	_ =	shalt  }
0x7a: {  	_ =	shalt  }
0x7b: {  	_ =	shalt  }
0x7c: {  	_ =	shalt  }
0x7d: {  	_ =	shalt  }
0x7e: {  	_ =	shalt  }
0x7f: {  	_ =	shalt  }
0x80: {  	_ =	shalt  }
0x81: {  	_ =	shalt  }
0x82: {  	_ =	shalt  }
0x83: {  	_ =	shalt  }
0x84: {  	_ =	shalt  }
0x85: {  	_ =	shalt  }
0x86: {  	_ =	shalt  }
0x87: {  	_ =	shalt  }
.Lfunc_end0:
.L_simem_size_0:
called_computation.1_lowered:
.L_overlay_start_0:
0x88: {  	s2 =	sld [smem:$0x3FD9]  }
0x89: {  	s3 =	sld [smem:$0x3FFE];
	_ =	sdelay $0x1  }
0x8a: {  	s1 =	srdreg.scid  }
0x8b: {  	s0 =	sand.u32 $0x1, s1  }
0x8c: {  	s17 =	sshll.u32 s0, $0xA;
	s2 =	sadd.s32 s3, s2  }
0x8d: {  	s2 =	sadd.s32 s2, s17  }
0x8e: {  	[smem:$0x3F9D] =	sst s2  }
0x8f: {  	_ = 	snop  }
0x90: {  	s2 =	sld [smem:$0x3FB9]  }
0x91: {  	s18 =	sld [smem:$0x3FD0];
	(tm) =	ssettm $0x1  }
0x92: {  	s4 =	sld [smem:$0x3FFB];
	_ =	sdelay $0x3  }
0x93: {  	_ =	strace s4  }
0x94: {  	s4 =	sld [smem:$0x3FFC];
	_ =	sdelay $0x3  }
0x95: {  	_ =	strace s4  }
0x96: {  	s4 =	sld [smem:$0x3FFD];
	_ =	sdelay $0x3  }
0x97: {  	_ =	strace s4  }
0x98: {  	_ =	strace $0x8FFFFFFF  }
0x99: {  	s19 =	sld [smem:$0x3FDB];
	_ =	sdelay $0x1  }
0x9a: {  	s5 =	simm.s32 $_scs_section_size  }
0x9b: {  	s6 =	simm.s32 $_size__tile_overlayer_lowered;
	s7 =	simm.s32 $_tile_overlayer_lowered  }
0x9c: {  	s22 =	simm.s32 $0x1BFF;
	s21 =	sshll.u32 s7, $0x1;
	s4 =	sadd.s32 s5, s19  }
0x9d: {  	s8 =	simm.s32 $0x0;
	s20 =	sshll.u32 s6, $0x1;
	s6 =	sadd.s32 s21, s4  }
0x9e: {  	[timem:s8], [sflag:s22] =	dma.local [hbm:s6], s20  }
0x9f: {  	_ =	swait.ge [sflag:s22], s20  }
0xa0: {  	s5 =	ssub.s32 $0x0, s20;
	[sflag:s22] =	ssyncset.done $0x0  }
0xa1: {  	[sflag:s22] =	ssyncadd.s32 s5;
	_ =	sdelay $0x1  }
0xa2: {  	s23 =	simm.s32 $0x1B8B  }
0xa3: {  	_ =	swait.ge [sflag:s23], $0x1  }
0xa4: {  	[sflag:s23] =	ssyncset.done $0x0  }
0xa5: {  	s25 =	simm.s32 $0x1B8E;
	s24 =	sld [smem:$0x3FFE];
	[sflag:s23] =	ssyncadd.s32 $0xFFFFFFFF  }
0xa6: {  	s26 =	simm.s32 $execute0_lowered;
	[smem:$0x3FD2] =	sst s25  }
0xa7: {  	s6 =	sshll.u32 s26, $0x1;
	_ =	strace $0x80000049;
	[dreg:$0x1] =	wrdreg $0xFFFFFFFF  }
0xa8: {  	s28 =	simm.s32 $_size_execute0_lowered;
	s4 =	sadd.s32 s4, s6;
	[dreg:$0x0] =	wrdreg $0x0  }
0xa9: {  	s6 =	sshll.u32 s28, $0x1;
	[dreg:$0x2] =	wrdreg s4  }
0xaa: {  	[dreg:$0x3] =	wrdreg s6  }
0xab: {  	[dreg:$0x4] =	wrdreg $0xC0  }
0xac: {  	_ =	task [dreg:s8], $0x5FFFF  }
0xad: {  	[dreg:$0x1] =	wrdreg $0xFFFFFFFF  }
0xae: {  	[dreg:$0x0] =	wrdreg $0x60  }
0xaf: {  	[dreg:$0x2] =	wrdreg s24  }
0xb0: {  	[dreg:$0x3] =	wrdreg s18  }
0xb1: {  	[dreg:$0x4] =	wrdreg s2  }
0xb2: {  	[dreg:$0x5] =	wrdreg $0x0  }
0xb3: {  	[dreg:$0x6] =	wrdreg $0x9  }
0xb4: {  	_ =	task.clear_ibuf [dreg:s8], $0x7FFFF;
	_ =	strace $0x90000049  }
0xb5: {  	s29 =	simm.s32 $0x9;
	_ =	strace $0x8000004B  }
0xb6: {  	_ =	swait.ge [sflag:s29], $0x1  }
0xb7: {  	[sflag:s29] =	ssyncadd.s32 $0xFFFFFFFF  }
0xb8: {  	_ =	strace $0x9000004B  }
0xb9: {  	_ =	sfence  }
0xba: {  	s30 =	sld [smem:$0x0];
	_ =	sdelay $0x2  }
0xbb: {  	s31 =	sshll.u32 s1, $0xD;
	s1 =	sshrl.u32 s1, $0x2  }
0xbc: {  	s3 =	sand.u32 $0x4000, s31;
	s1 =	sadd.s32 s1, s30  }
0xbd: {  	s0 =	sor.u32 s3, s0;
	s1 =	sshll.u32 s1, $0x11  }
0xbe: {  	s0 =	sor.u32 s1, s0  }
0xbf: {  	s0 =	sadd.s32 $0x8F2B, s0  }
0xc0: {  	[sflag:s0] =	ssyncadd.remote.s32 $0x1  }
0xc1: {  	_ =	sfence.sel $0xFFFF  }
0xc2: {  	[dreg:$0x0] =	wrdreg $0xFFFFFFFF;
	(pc) =	sbr.abs _section_cstart, $3  }
0xc3: {  	[dreg:$0x1] =	wrdreg $0xFFFFFFFF  }
0xc4: {  	_ =	task.clear_ibuf [dreg:s8], $0x2FFFF;
	_ =	strace $0x9FFFFFFF  }
0xc5: {  	(tm) =	ssettm $0x7FFFFFFF  }
tec
execute0_lowered:
.L_overlay_start_1:
0x0: {  	(tag) =	ssettag $0x1  }
0x1: {  	s1 =	rddreg [dreg:$0x0]  }
0x2: {  	s0 =	rddreg [dreg:$0x1];
	s2 =	srdreg.scid  }
0x3: {  	s4 =	rddreg [dreg:$0x3];
	s15 =	stileid.u32  }
0x4: {  	s5 =	simm.s32 $0x0;
	s16 =	simm.s32 $0x9;
	s18 =	simm.s32 $0x16100  }
0x5: {  	s19 =	simm.s32 $0x16000;
	s20 =	simm.s32 $0x16080;
	s28 =	simm.s32 $0x3  }
0x6: {  	s29 =	simm.s32 $0x7;
	s30 =	simm.s32 $0x2;
	s31 =	simm.s32 $0x4  }
0x7: {  	s2 =	sand.u32 $0x1, s2;
	[smem:$0x7FF] =	sst s5;
	s23 =	smul.u32 $0xFA000, s15  }
0x8: {  	s7 =	sadd.s32 $0x283000, s1;
	s8 =	sadd.s32 $0x12000, s1;
	s26 =	smul.u32 $0x7D00, s15  }
0x9: {  	p0 =	sgt.u32 s15, $0x4;
	s3 =	sshll.u32 s2, $0x4;
	_ =	strace $0x8000004A  }
0xa: {  	s9 =	smul.u32 $0x27100, s2;
	s2 =	ssub.s32 $0x2, s2;
	s3 =	sor.u32 s15, s3  }
0xb: {  	s12 =	sshrl.u32 s2, $0x1;
	s25 =	sshrl.u32 s23, $0x2;
	s6 =	smul.u32 $0x2710, s3  }
0xc: {  	s23 =	simm.s32 $0x18900;
	s15 =	simm.s32 $0x0;
	s13 =	smul.u32 $0x13880, s3  }
0xd: {  	s2 =	ssub.s32 s2, s12;
	s14 =	sadd.s32 s25, s4;
	s25 =	simm.s32 $0x1C500  }
0xe: {  	s2 =	smax.u32 s2, $0x1;
	s10 =	sshrl.u32 s6, $0x3;
	s22 =	sadd.s32 s8, s13  }
0xf: {  	[dreg:$0x8] =	wrdreg s2;
	s2 =	simm.s32 $0x5;
	s11 =	sadd.s32 s10, s1  }
0x10: {  	s1 =	sadd.s32 s9, s1;
	s9 =	smul.u32 $0x1388, s3;
	s21 =	sadd.s32 s0, s10  }
.Ltmp0:
0x11: {  	s24 =	sadd.s32 $0x13600, s22;
	s22 =	simm.s32 $0x1B100;
	(pc) =	sbr.rel .LBB2_1-.Ltmp0, $4  }
0x12: {  	s11 =	sadd.s32 $0x8200, s11;
	s3 =	sadd.s32 $0x4D8, s21;
	[dreg:$0x7] =	wrdreg s24  }
0x13: {  	s1 =	sadd.s32 $0x2D1400, s1;
	s21 =	simm.s32 $0x50;
	[dreg:$0x5] =	wrdreg s11  }
0x14: {  	[dreg:$0x6] =	wrdreg s3;
	s24 =	sadd.s32 s1, s26;
	s26 =	simm.s32 $0x1  }
0x15: {  	v0 =	vimm.f32 $0.0e+00;
	s1 =	simm.s32 $0x8;
	s3 =	simm.s32 $0x6;
	s11 =	simm.s32 $0x0  }
.LBB2_19:
0x16: {  	s11 =	sadd.s32 $0x1, s11;
	s10 =	rddreg [dreg:$0x8]  }
0x17: {  	p1 =	sne.s32 s11, s10  }
.Ltmp1:
0x18: {  	_ = 	snop;
	(pc) =	sbr.rel @!p1 .LBB2_20-.Ltmp1, $1  }
0x19: {  	_ =	sdelay $0x3  }
.LBB2_1:
0x1a: {  	[dreg:$0x9] =	wrdreg s11  }
0x1b: {  	s10 =	rddreg [dreg:$0x2];
	s12 =	simm.s32 $0x1D900  }
0x1c: {  	[tilespmem:s12], [sflag:$0x9] =	stream.linear.gather [hbm4b:s10+s5], $0x80, $0x38;
	[tilespmem:$0x1D980] =	vst v63  }
0x1d: {  	_ =	swait.ge [sflag:s16], $0x80  }
0x1e: {  	[sflag:s16] =	ssyncset.done $0x0  }
0x1f: {  	[sflag:s16] =	ssyncadd.s32 $0xFFFFFF80  }
0x20: {  	v4 =	vld [tilespmem:$0x1D900]  }
0x21: {  	v3 =	vld [tilespmem:$0x1D910]  }
0x22: {  	s17 =	simm.s32 $0x13880;
	s13 =	rddreg [dreg:$0x5];
	v2 =	vld [tilespmem:$0x1D920]  }
0x23: {  	v1 =	vld [tilespmem:$0x1D930];
	[tilespmem:s17], [sflag:$0x9] =	stream.linear.gather [hbm4b:s13+s5], $0x2710, $0x38  }
0x24: {  	_ =	swait.ge [sflag:s16], $0x2710  }
0x25: {  	[sflag:s16] =	ssyncset.done $0x0  }
0x26: {  	s11 =	simm.s32 $0x200;
	s10 =	simm.s32 $0x0;
	[sflag:s16] =	ssyncadd.s32 $0xFFFFD8F0  }
.LBB2_2:
0x27: {  	p1 =	sne.s32 s11, $0x9E00;
	[tilespmem:s10+$0x16170] =	vst v0  }
0x28: {  	[tilespmem:s10+$0x16100] =	vst v0  }
0x29: {  	[tilespmem:s10+$0x16110] =	vst v0  }
.Ltmp2:
0x2a: {  	[tilespmem:s10+$0x16120] =	vst v0;
	(pc) =	sbr.rel @p1 .LBB2_2-.Ltmp2, $4  }
0x2b: {  	[tilespmem:s10+$0x16130] =	vst v0  }
0x2c: {  	[tilespmem:s10+$0x16140] =	vst v0  }
0x2d: {  	[tilespmem:s10+$0x16150] =	vst v0  }
0x2e: {  	[tilespmem:s10+$0x16160] =	vst v0;
	s10 =	sshra.s32 s11, $0x2;
	s11 =	sadd.s32 $0x200, s11  }
0x2f: {  	[tilespmem:s10+$0x16170] =	vst v0  }
0x30: {  	[tilespmem:s10+$0x16100] =	vst v0  }
0x31: {  	[tilespmem:s10+$0x16110] =	vst v0  }
.Ltmp3:
0x32: {  	[tilespmem:s10+$0x16120] =	vst v0;
	(pc) =	sbr.rel @p0 .LBB2_7-.Ltmp3, $4  }
0x33: {  	[tilespmem:s10+$0x16130] =	vst v0  }
0x34: {  	[tilespmem:s10+$0x16140] =	vst v0  }
0x35: {  	[tilespmem:s10+$0x16150] =	vst v0  }
0x36: {  	[tilespmem:s10+$0x16160] =	vst v0;
	s10 =	simm.s32 $0x0  }
0x37: {  	s11 =	sshra.s32 s10, $0x2  }
0x38: {  	s11 =	sadd.s32 s11, s14  }
0x39: {  	[spmem:s11] =	stream.linear.scatter [tilespmem:s18], [sflag:$0x9], $0x2800, $0x38;
	[tilespmem:$0x1D980] =	vst v63  }
0x3a: {  	s10 =	sadd.s32 $0xA000, s10;
	_ =	swait.ge [sflag:s16], $0x2800  }
.LBB2_5:
0x3b: {  	s11 =	sshra.s32 s10, $0x2;
	[sflag:s16] =	ssyncset.done $0x0;
	p1 =	sne.s32 s10, $0xF0000  }
.Ltmp4:
0x3c: {  	s11 =	sadd.s32 s11, s14;
	[sflag:s16] =	ssyncadd.s32 $0xFFFFD800;
	(pc) =	sbr.rel @p1 .LBB2_5-.Ltmp4, $3  }
0x3d: {  	[spmem:s11] =	stream.linear.scatter [tilespmem:s18], [sflag:$0x9], $0x2800, $0x38;
	[tilespmem:$0x1D980] =	vst v63  }
0x3e: {  	s10 =	sadd.s32 $0xA000, s10;
	_ =	sdelay $0x1  }
0x3f: {  	_ =	swait.ge [sflag:s16], $0x2800  }
0x40: {  	[sflag:s16] =	ssyncset.done $0x0  }
0x41: {  	[sflag:s16] =	ssyncadd.s32 $0xFFFFD800  }
.LBB2_7:
0x42: {  	[bflag:$0x0] =	sbarrier.arrive $0xFFFF;
	s10 =	simm.s32 $0x0  }
.LBB2_8:
0x43: {  	s11 =	smul.u32 $0xA0, s10;
	_ =	sdelay $0x1  }
0x44: {  	s12 =	sadd.s32 s6, s11  }
0x45: {  	s13 =	sshllo.u32 s10, $0x1;
	s12 =	sshrl.u32 s12, $0x3  }
0x46: {  	s17 =	smul.u32 $0x50, s13;
	s12 =	sadd.s32 s0, s12  }
0x47: {  	[tilespmem:s19], [sflag:$0x7] =	stream.linear.gather [hbm4b:s12+s15], $0x50, $0x38;
	[tilespmem:$0x1D980] =	vst v63  }
0x48: {  	s12 =	sadd.s32 s6, s17  }
0x49: {  	s12 =	sshrl.u32 s12, $0x3  }
0x4a: {  	s12 =	sadd.s32 s0, s12  }
0x4b: {  	[tilespmem:s20], [sflag:$0x8] =	stream.linear.gather [hbm4b:s12+s15], $0x50, $0x38;
	[tilespmem:$0x1D980] =	vst v63  }
0x4c: {  	s11 =	sadd.s32 $0x13880, s11;
	s12 =	smul.u32 $0x50, s10  }
0x4d: {  	[tilespmem:s18], [sflag:$0x1] =	stream.indirect.gather [hbm4b:s7+s21], $0x80, s11, s21, $0xb8;
	[tilespmem:$0x1D980] =	vst v63  }
0x4e: {  	s12 =	sadd.s32 s9, s12  }
0x4f: {  	s11 =	sshll.u32 s12, $0x4  }
0x50: {  	s12 =	sadd.s32 $0x13880, s17;
	s17 =	smul.u32 $0x28, s13;
	s11 =	sadd.s32 s8, s11  }
0x51: {  	[tilespmem:s22], [sflag:$0x3] =	stream.linear.gather [hbm4b:s11+s15], $0x1400, $0x38;
	[tilespmem:$0x1D980] =	vst v63  }
0x52: {  	s13 =	sadd.s32 s9, s17  }
0x53: {  	s11 =	sshll.u32 s13, $0x4  }
0x54: {  	[tilespmem:s23], [sflag:$0x2] =	stream.indirect.gather [hbm4b:s7+s21], $0x80, s12, s21, $0xb8;
	[tilespmem:$0x1D980] =	vst v63  }
0x55: {  	s11 =	sadd.s32 s8, s11  }
0x56: {  	[tilespmem:s25], [sflag:$0x4] =	stream.linear.gather [hbm4b:s11+s15], $0x1400, $0x38;
	[tilespmem:$0x1D980] =	vst v63  }
0x57: {  	_ =	swait.ge [sflag:s26], $0x2800  }
0x58: {  	[sflag:s26] =	ssyncset.done $0x0  }
0x59: {  	[sflag:s26] =	ssyncadd.s32 $0xFFFFD800  }
0x5a: {  	_ =	swait.ge [sflag:s28], $0x1400  }
0x5b: {  	[sflag:s28] =	ssyncset.done $0x0  }
0x5c: {  	s17 =	simm.s32 $0x0;
	[sflag:s28] =	ssyncadd.s32 $0xFFFFEC00  }
0x5d: {  	v5 =	vld [tilespmem:s17+$0x1B100]  }
0x5e: {  	s11 =	simm.s32 $0x16180  }
0x5f: {  	v6 =	vld [tilespmem:s11+$0xFFFFFF80];
	_ =	sdelay $0x2  }
0x60: {  	v5 =	vmul.f32 v5, v4;
	_ =	sdelay $0x1  }
0x61: {  	v5 =	vadd.f32 v5, v6;
	_ =	sdelay $0x1  }
0x62: {  	v5 =	vmax.f32 v5, $0.0e+00  }
0x63: {  	[tilespmem:s11+$0xFFFFFF80] =	vst v5  }
0x64: {  	v5 =	vld [tilespmem:s17+$0x1B110];
	_ =	sdelay $0x1  }
0x65: {  	v6 =	vld [tilespmem:s11+$0xFFFFFF90];
	_ =	sdelay $0x2  }
0x66: {  	v5 =	vmul.f32 v5, v3;
	_ =	sdelay $0x1  }
0x67: {  	v5 =	vadd.f32 v5, v6;
	_ =	sdelay $0x1  }
0x68: {  	v5 =	vmax.f32 v5, $0.0e+00  }
0x69: {  	[tilespmem:s11+$0xFFFFFF90] =	vst v5  }
0x6a: {  	v5 =	vld [tilespmem:s17+$0x1B120];
	_ =	sdelay $0x1  }
0x6b: {  	v6 =	vld [tilespmem:s11+$0xFFFFFFA0];
	_ =	sdelay $0x2  }
0x6c: {  	v5 =	vmul.f32 v5, v2;
	_ =	sdelay $0x1  }
0x6d: {  	v5 =	vadd.f32 v5, v6;
	_ =	sdelay $0x1  }
0x6e: {  	v5 =	vmax.f32 v5, $0.0e+00  }
0x6f: {  	[tilespmem:s11+$0xFFFFFFA0] =	vst v5  }
0x70: {  	v5 =	vld [tilespmem:s17+$0x1B130];
	_ =	sdelay $0x1  }
0x71: {  	v6 =	vld [tilespmem:s11+$0xFFFFFFB0];
	_ =	sdelay $0x2  }
0x72: {  	v5 =	vmul.f32 v5, v1;
	_ =	sdelay $0x1  }
0x73: {  	v5 =	vadd.f32 v5, v6;
	_ =	sdelay $0x1  }
0x74: {  	v5 =	vmax.f32 v5, $0.0e+00  }
0x75: {  	[tilespmem:s11+$0xFFFFFFB0] =	vst v5  }
0x76: {  	v5 =	vld [tilespmem:s17+$0x1B140];
	_ =	sdelay $0x1  }
0x77: {  	v6 =	vld [tilespmem:s11+$0x0];
	_ =	sdelay $0x2  }
0x78: {  	v5 =	vmul.f32 v5, v4;
	_ =	sdelay $0x1  }
0x79: {  	v5 =	vadd.f32 v5, v6;
	_ =	sdelay $0x1  }
0x7a: {  	v5 =	vmax.f32 v5, $0.0e+00  }
0x7b: {  	[tilespmem:s11+$0x0] =	vst v5  }
0x7c: {  	v5 =	vld [tilespmem:s17+$0x1B150];
	_ =	sdelay $0x1  }
0x7d: {  	v6 =	vld [tilespmem:s11+$0x10];
	_ =	sdelay $0x2  }
0x7e: {  	v5 =	vmul.f32 v5, v3;
	_ =	sdelay $0x1  }
0x7f: {  	v5 =	vadd.f32 v5, v6;
	_ =	sdelay $0x1  }
0x80: {  	v5 =	vmax.f32 v5, $0.0e+00  }
0x81: {  	[tilespmem:s11+$0x10] =	vst v5  }
0x82: {  	v5 =	vld [tilespmem:s17+$0x1B160];
	_ =	sdelay $0x1  }
0x83: {  	v6 =	vld [tilespmem:s11+$0x20];
	_ =	sdelay $0x2  }
0x84: {  	v5 =	vmul.f32 v5, v2;
	_ =	sdelay $0x1  }
0x85: {  	v5 =	vadd.f32 v5, v6;
	_ =	sdelay $0x1  }
0x86: {  	v5 =	vmax.f32 v5, $0.0e+00  }
0x87: {  	[tilespmem:s11+$0x20] =	vst v5  }
0x88: {  	v5 =	vld [tilespmem:s17+$0x1B170];
	_ =	sdelay $0x1  }
0x89: {  	v6 =	vld [tilespmem:s11+$0x30];
	_ =	sdelay $0x2  }
0x8a: {  	v5 =	vmul.f32 v5, v1;
	_ =	sdelay $0x1  }
0x8b: {  	v5 =	vadd.f32 v5, v6;
	_ =	sdelay $0x1  }
0x8c: {  	v5 =	vmax.f32 v5, $0.0e+00  }
0x8d: {  	s13 =	simm.s32 $0x400;
	s12 =	simm.s32 $0x80;
	[tilespmem:s11+$0x30] =	vst v5  }
.LBB2_9:
0x8e: {  	p1 =	sne.s32 s13, $0x4E00;
	v5 =	vld [tilespmem:s12+$0x1B100]  }
0x8f: {  	s11 =	sadd.s32 $0x100, s11  }
0x90: {  	v6 =	vld [tilespmem:s11+$0xFFFFFF80];
	_ =	sdelay $0x2  }
0x91: {  	v5 =	vmul.f32 v5, v4;
	_ =	sdelay $0x1  }
0x92: {  	v5 =	vadd.f32 v5, v6;
	_ =	sdelay $0x1  }
0x93: {  	v5 =	vmax.f32 v5, $0.0e+00  }
0x94: {  	[tilespmem:s11+$0xFFFFFF80] =	vst v5  }
0x95: {  	v5 =	vld [tilespmem:s12+$0x1B110];
	_ =	sdelay $0x1  }
0x96: {  	v6 =	vld [tilespmem:s11+$0xFFFFFF90];
	_ =	sdelay $0x2  }
0x97: {  	v5 =	vmul.f32 v5, v3;
	_ =	sdelay $0x1  }
0x98: {  	v5 =	vadd.f32 v5, v6;
	_ =	sdelay $0x1  }
0x99: {  	v5 =	vmax.f32 v5, $0.0e+00  }
0x9a: {  	[tilespmem:s11+$0xFFFFFF90] =	vst v5  }
0x9b: {  	v5 =	vld [tilespmem:s12+$0x1B120];
	_ =	sdelay $0x1  }
0x9c: {  	v6 =	vld [tilespmem:s11+$0xFFFFFFA0];
	_ =	sdelay $0x2  }
0x9d: {  	v5 =	vmul.f32 v5, v2;
	_ =	sdelay $0x1  }
0x9e: {  	v5 =	vadd.f32 v5, v6;
	_ =	sdelay $0x1  }
0x9f: {  	v5 =	vmax.f32 v5, $0.0e+00  }
0xa0: {  	[tilespmem:s11+$0xFFFFFFA0] =	vst v5  }
0xa1: {  	v5 =	vld [tilespmem:s12+$0x1B130];
	_ =	sdelay $0x1  }
0xa2: {  	v6 =	vld [tilespmem:s11+$0xFFFFFFB0];
	_ =	sdelay $0x2  }
0xa3: {  	v5 =	vmul.f32 v5, v1;
	_ =	sdelay $0x1  }
0xa4: {  	v5 =	vadd.f32 v5, v6;
	_ =	sdelay $0x1  }
0xa5: {  	v5 =	vmax.f32 v5, $0.0e+00  }
0xa6: {  	[tilespmem:s11+$0xFFFFFFB0] =	vst v5  }
0xa7: {  	v5 =	vld [tilespmem:s12+$0x1B140];
	_ =	sdelay $0x1  }
0xa8: {  	v6 =	vld [tilespmem:s11+$0x0];
	_ =	sdelay $0x2  }
0xa9: {  	v5 =	vmul.f32 v5, v4;
	_ =	sdelay $0x1  }
0xaa: {  	v5 =	vadd.f32 v5, v6;
	_ =	sdelay $0x1  }
0xab: {  	v5 =	vmax.f32 v5, $0.0e+00  }
0xac: {  	[tilespmem:s11+$0x0] =	vst v5  }
0xad: {  	v5 =	vld [tilespmem:s12+$0x1B150];
	_ =	sdelay $0x1  }
0xae: {  	v6 =	vld [tilespmem:s11+$0x10];
	_ =	sdelay $0x2  }
0xaf: {  	v5 =	vmul.f32 v5, v3;
	_ =	sdelay $0x1  }
0xb0: {  	v5 =	vadd.f32 v5, v6;
	_ =	sdelay $0x1  }
0xb1: {  	v5 =	vmax.f32 v5, $0.0e+00  }
0xb2: {  	[tilespmem:s11+$0x10] =	vst v5  }
0xb3: {  	v5 =	vld [tilespmem:s12+$0x1B160];
	_ =	sdelay $0x1  }
0xb4: {  	v6 =	vld [tilespmem:s11+$0x20];
	_ =	sdelay $0x2  }
0xb5: {  	v5 =	vmul.f32 v5, v2;
	_ =	sdelay $0x1  }
0xb6: {  	v5 =	vadd.f32 v5, v6;
	_ =	sdelay $0x1  }
0xb7: {  	v5 =	vmax.f32 v5, $0.0e+00  }
0xb8: {  	[tilespmem:s11+$0x20] =	vst v5  }
0xb9: {  	v5 =	vld [tilespmem:s12+$0x1B170];
	_ =	sdelay $0x1  }
0xba: {  	v6 =	vld [tilespmem:s11+$0x30];
	_ =	sdelay $0x2  }
0xbb: {  	v5 =	vmul.f32 v5, v1  }
.Ltmp5:
0xbc: {  	(pc) =	sbr.rel @p1 .LBB2_9-.Ltmp5, $3  }
0xbd: {  	v5 =	vadd.f32 v5, v6;
	_ =	sdelay $0x1  }
0xbe: {  	v5 =	vmax.f32 v5, $0.0e+00  }
0xbf: {  	s12 =	sshra.s32 s13, $0x2;
	s13 =	sadd.s32 $0x200, s13;
	[tilespmem:s11+$0x30] =	vst v5  }
0xc0: {  	v5 =	vld [tilespmem:s12+$0x1B100]  }
0xc1: {  	s11 =	sadd.s32 $0x100, s11  }
0xc2: {  	v6 =	vld [tilespmem:s11+$0xFFFFFF80];
	_ =	sdelay $0x2  }
0xc3: {  	v5 =	vmul.f32 v5, v4;
	_ =	sdelay $0x1  }
0xc4: {  	v5 =	vadd.f32 v5, v6;
	_ =	sdelay $0x1  }
0xc5: {  	v5 =	vmax.f32 v5, $0.0e+00  }
0xc6: {  	[tilespmem:s11+$0xFFFFFF80] =	vst v5  }
0xc7: {  	v5 =	vld [tilespmem:s12+$0x1B110];
	_ =	sdelay $0x1  }
0xc8: {  	v6 =	vld [tilespmem:s11+$0xFFFFFF90];
	_ =	sdelay $0x2  }
0xc9: {  	v5 =	vmul.f32 v5, v3;
	_ =	sdelay $0x1  }
0xca: {  	v5 =	vadd.f32 v5, v6;
	_ =	sdelay $0x1  }
0xcb: {  	v5 =	vmax.f32 v5, $0.0e+00  }
0xcc: {  	[tilespmem:s11+$0xFFFFFF90] =	vst v5  }
0xcd: {  	v5 =	vld [tilespmem:s12+$0x1B120];
	_ =	sdelay $0x1  }
0xce: {  	v6 =	vld [tilespmem:s11+$0xFFFFFFA0];
	_ =	sdelay $0x2  }
0xcf: {  	v5 =	vmul.f32 v5, v2;
	_ =	sdelay $0x1  }
0xd0: {  	v5 =	vadd.f32 v5, v6;
	_ =	sdelay $0x1  }
0xd1: {  	v5 =	vmax.f32 v5, $0.0e+00  }
0xd2: {  	[tilespmem:s11+$0xFFFFFFA0] =	vst v5  }
0xd3: {  	v5 =	vld [tilespmem:s12+$0x1B130];
	_ =	sdelay $0x1  }
0xd4: {  	v6 =	vld [tilespmem:s11+$0xFFFFFFB0];
	_ =	sdelay $0x2  }
0xd5: {  	v5 =	vmul.f32 v5, v1;
	_ =	sdelay $0x1  }
0xd6: {  	v5 =	vadd.f32 v5, v6;
	_ =	sdelay $0x1  }
0xd7: {  	v5 =	vmax.f32 v5, $0.0e+00  }
0xd8: {  	[tilespmem:s11+$0xFFFFFFB0] =	vst v5  }
0xd9: {  	v5 =	vld [tilespmem:s12+$0x1B140];
	_ =	sdelay $0x1  }
0xda: {  	v6 =	vld [tilespmem:s11+$0x0];
	_ =	sdelay $0x2  }
0xdb: {  	v5 =	vmul.f32 v5, v4;
	_ =	sdelay $0x1  }
0xdc: {  	v5 =	vadd.f32 v5, v6;
	_ =	sdelay $0x1  }
0xdd: {  	v5 =	vmax.f32 v5, $0.0e+00  }
0xde: {  	[tilespmem:s11+$0x0] =	vst v5  }
0xdf: {  	v5 =	vld [tilespmem:s12+$0x1B150];
	_ =	sdelay $0x1  }
0xe0: {  	v6 =	vld [tilespmem:s11+$0x10];
	_ =	sdelay $0x2  }
0xe1: {  	v5 =	vmul.f32 v5, v3;
	_ =	sdelay $0x1  }
0xe2: {  	v5 =	vadd.f32 v5, v6;
	_ =	sdelay $0x1  }
0xe3: {  	v5 =	vmax.f32 v5, $0.0e+00  }
0xe4: {  	[tilespmem:s11+$0x10] =	vst v5  }
0xe5: {  	v5 =	vld [tilespmem:s12+$0x1B160];
	_ =	sdelay $0x1  }
0xe6: {  	v6 =	vld [tilespmem:s11+$0x20];
	_ =	sdelay $0x2  }
0xe7: {  	v5 =	vmul.f32 v5, v2;
	_ =	sdelay $0x1  }
0xe8: {  	v5 =	vadd.f32 v5, v6;
	_ =	sdelay $0x1  }
0xe9: {  	v5 =	vmax.f32 v5, $0.0e+00  }
0xea: {  	[tilespmem:s11+$0x20] =	vst v5  }
0xeb: {  	v5 =	vld [tilespmem:s12+$0x1B170];
	_ =	sdelay $0x1  }
0xec: {  	v6 =	vld [tilespmem:s11+$0x30];
	_ =	sdelay $0x2  }
0xed: {  	v5 =	vmul.f32 v5, v1;
	_ =	sdelay $0x1  }
0xee: {  	v5 =	vadd.f32 v5, v6;
	_ =	sdelay $0x1  }
0xef: {  	v5 =	vmax.f32 v5, $0.0e+00  }
0xf0: {  	[tilespmem:s11+$0x30] =	vst v5  }
0xf1: {  	_ =	swait.ge [sflag:s29], $0x50  }
0xf2: {  	[sflag:s29] =	ssyncset.done $0x0  }
0xf3: {  	[sflag:s29] =	ssyncadd.s32 $0xFFFFFFB0  }
0xf4: {  	[spmem:s4] =	stream.indirect.scatter.add.f32 [tilespmem:s18], [sflag:$0x5], $0x80, s19, s21, $0xb8;
	[tilespmem:$0x1D980] =	vst v63  }
0xf5: {  	_ =	swait.ge [sflag:s30], $0x2800  }
0xf6: {  	[sflag:s30] =	ssyncset.done $0x0  }
0xf7: {  	[sflag:s30] =	ssyncadd.s32 $0xFFFFD800  }
0xf8: {  	_ =	swait.ge [sflag:s31], $0x1400  }
0xf9: {  	[sflag:s31] =	ssyncset.done $0x0  }
0xfa: {  	s17 =	simm.s32 $0x0;
	[sflag:s31] =	ssyncadd.s32 $0xFFFFEC00  }
0xfb: {  	v5 =	vld [tilespmem:s17+$0x1C500]  }
0xfc: {  	s11 =	simm.s32 $0x18980  }
0xfd: {  	v6 =	vld [tilespmem:s11+$0xFFFFFF80];
	_ =	sdelay $0x2  }
0xfe: {  	v5 =	vmul.f32 v5, v4;
	_ =	sdelay $0x1  }
0xff: {  	v5 =	vadd.f32 v5, v6;
	_ =	sdelay $0x1  }
0x100: {  	v5 =	vmax.f32 v5, $0.0e+00  }
0x101: {  	[tilespmem:s11+$0xFFFFFF80] =	vst v5  }
0x102: {  	v5 =	vld [tilespmem:s17+$0x1C510];
	_ =	sdelay $0x1  }
0x103: {  	v6 =	vld [tilespmem:s11+$0xFFFFFF90];
	_ =	sdelay $0x2  }
0x104: {  	v5 =	vmul.f32 v5, v3;
	_ =	sdelay $0x1  }
0x105: {  	v5 =	vadd.f32 v5, v6;
	_ =	sdelay $0x1  }
0x106: {  	v5 =	vmax.f32 v5, $0.0e+00  }
0x107: {  	[tilespmem:s11+$0xFFFFFF90] =	vst v5  }
0x108: {  	v5 =	vld [tilespmem:s17+$0x1C520];
	_ =	sdelay $0x1  }
0x109: {  	v6 =	vld [tilespmem:s11+$0xFFFFFFA0];
	_ =	sdelay $0x2  }
0x10a: {  	v5 =	vmul.f32 v5, v2;
	_ =	sdelay $0x1  }
0x10b: {  	v5 =	vadd.f32 v5, v6;
	_ =	sdelay $0x1  }
0x10c: {  	v5 =	vmax.f32 v5, $0.0e+00  }
0x10d: {  	[tilespmem:s11+$0xFFFFFFA0] =	vst v5  }
0x10e: {  	v5 =	vld [tilespmem:s17+$0x1C530];
	_ =	sdelay $0x1  }
0x10f: {  	v6 =	vld [tilespmem:s11+$0xFFFFFFB0];
	_ =	sdelay $0x2  }
0x110: {  	v5 =	vmul.f32 v5, v1;
	_ =	sdelay $0x1  }
0x111: {  	v5 =	vadd.f32 v5, v6;
	_ =	sdelay $0x1  }
0x112: {  	v5 =	vmax.f32 v5, $0.0e+00  }
0x113: {  	[tilespmem:s11+$0xFFFFFFB0] =	vst v5  }
0x114: {  	v5 =	vld [tilespmem:s17+$0x1C540];
	_ =	sdelay $0x1  }
0x115: {  	v6 =	vld [tilespmem:s11+$0x0];
	_ =	sdelay $0x2  }
0x116: {  	v5 =	vmul.f32 v5, v4;
	_ =	sdelay $0x1  }
0x117: {  	v5 =	vadd.f32 v5, v6;
	_ =	sdelay $0x1  }
0x118: {  	v5 =	vmax.f32 v5, $0.0e+00  }
0x119: {  	[tilespmem:s11+$0x0] =	vst v5  }
0x11a: {  	v5 =	vld [tilespmem:s17+$0x1C550];
	_ =	sdelay $0x1  }
0x11b: {  	v6 =	vld [tilespmem:s11+$0x10];
	_ =	sdelay $0x2  }
0x11c: {  	v5 =	vmul.f32 v5, v3;
	_ =	sdelay $0x1  }
0x11d: {  	v5 =	vadd.f32 v5, v6;
	_ =	sdelay $0x1  }
0x11e: {  	v5 =	vmax.f32 v5, $0.0e+00  }
0x11f: {  	[tilespmem:s11+$0x10] =	vst v5  }
0x120: {  	v5 =	vld [tilespmem:s17+$0x1C560];
	_ =	sdelay $0x1  }
0x121: {  	v6 =	vld [tilespmem:s11+$0x20];
	_ =	sdelay $0x2  }
0x122: {  	v5 =	vmul.f32 v5, v2;
	_ =	sdelay $0x1  }
0x123: {  	v5 =	vadd.f32 v5, v6;
	_ =	sdelay $0x1  }
0x124: {  	v5 =	vmax.f32 v5, $0.0e+00  }
0x125: {  	[tilespmem:s11+$0x20] =	vst v5  }
0x126: {  	v5 =	vld [tilespmem:s17+$0x1C570];
	_ =	sdelay $0x1  }
0x127: {  	v6 =	vld [tilespmem:s11+$0x30];
	_ =	sdelay $0x2  }
0x128: {  	v5 =	vmul.f32 v5, v1;
	_ =	sdelay $0x1  }
0x129: {  	v5 =	vadd.f32 v5, v6;
	_ =	sdelay $0x1  }
0x12a: {  	v5 =	vmax.f32 v5, $0.0e+00  }
0x12b: {  	s13 =	simm.s32 $0x400;
	s12 =	simm.s32 $0x80;
	[tilespmem:s11+$0x30] =	vst v5  }
.LBB2_11:
0x12c: {  	p1 =	sne.s32 s13, $0x4E00;
	v5 =	vld [tilespmem:s12+$0x1C500]  }
0x12d: {  	s11 =	sadd.s32 $0x100, s11  }
0x12e: {  	v6 =	vld [tilespmem:s11+$0xFFFFFF80];
	_ =	sdelay $0x2  }
0x12f: {  	v5 =	vmul.f32 v5, v4;
	_ =	sdelay $0x1  }
0x130: {  	v5 =	vadd.f32 v5, v6;
	_ =	sdelay $0x1  }
0x131: {  	v5 =	vmax.f32 v5, $0.0e+00  }
0x132: {  	[tilespmem:s11+$0xFFFFFF80] =	vst v5  }
0x133: {  	v5 =	vld [tilespmem:s12+$0x1C510];
	_ =	sdelay $0x1  }
0x134: {  	v6 =	vld [tilespmem:s11+$0xFFFFFF90];
	_ =	sdelay $0x2  }
0x135: {  	v5 =	vmul.f32 v5, v3;
	_ =	sdelay $0x1  }
0x136: {  	v5 =	vadd.f32 v5, v6;
	_ =	sdelay $0x1  }
0x137: {  	v5 =	vmax.f32 v5, $0.0e+00  }
0x138: {  	[tilespmem:s11+$0xFFFFFF90] =	vst v5  }
0x139: {  	v5 =	vld [tilespmem:s12+$0x1C520];
	_ =	sdelay $0x1  }
0x13a: {  	v6 =	vld [tilespmem:s11+$0xFFFFFFA0];
	_ =	sdelay $0x2  }
0x13b: {  	v5 =	vmul.f32 v5, v2;
	_ =	sdelay $0x1  }
0x13c: {  	v5 =	vadd.f32 v5, v6;
	_ =	sdelay $0x1  }
0x13d: {  	v5 =	vmax.f32 v5, $0.0e+00  }
0x13e: {  	[tilespmem:s11+$0xFFFFFFA0] =	vst v5  }
0x13f: {  	v5 =	vld [tilespmem:s12+$0x1C530];
	_ =	sdelay $0x1  }
0x140: {  	v6 =	vld [tilespmem:s11+$0xFFFFFFB0];
	_ =	sdelay $0x2  }
0x141: {  	v5 =	vmul.f32 v5, v1;
	_ =	sdelay $0x1  }
0x142: {  	v5 =	vadd.f32 v5, v6;
	_ =	sdelay $0x1  }
0x143: {  	v5 =	vmax.f32 v5, $0.0e+00  }
0x144: {  	[tilespmem:s11+$0xFFFFFFB0] =	vst v5  }
0x145: {  	v5 =	vld [tilespmem:s12+$0x1C540];
	_ =	sdelay $0x1  }
0x146: {  	v6 =	vld [tilespmem:s11+$0x0];
	_ =	sdelay $0x2  }
0x147: {  	v5 =	vmul.f32 v5, v4;
	_ =	sdelay $0x1  }
0x148: {  	v5 =	vadd.f32 v5, v6;
	_ =	sdelay $0x1  }
0x149: {  	v5 =	vmax.f32 v5, $0.0e+00  }
0x14a: {  	[tilespmem:s11+$0x0] =	vst v5  }
0x14b: {  	v5 =	vld [tilespmem:s12+$0x1C550];
	_ =	sdelay $0x1  }
0x14c: {  	v6 =	vld [tilespmem:s11+$0x10];
	_ =	sdelay $0x2  }
0x14d: {  	v5 =	vmul.f32 v5, v3;
	_ =	sdelay $0x1  }
0x14e: {  	v5 =	vadd.f32 v5, v6;
	_ =	sdelay $0x1  }
0x14f: {  	v5 =	vmax.f32 v5, $0.0e+00  }
0x150: {  	[tilespmem:s11+$0x10] =	vst v5  }
0x151: {  	v5 =	vld [tilespmem:s12+$0x1C560];
	_ =	sdelay $0x1  }
0x152: {  	v6 =	vld [tilespmem:s11+$0x20];
	_ =	sdelay $0x2  }
0x153: {  	v5 =	vmul.f32 v5, v2;
	_ =	sdelay $0x1  }
0x154: {  	v5 =	vadd.f32 v5, v6;
	_ =	sdelay $0x1  }
0x155: {  	v5 =	vmax.f32 v5, $0.0e+00  }
0x156: {  	[tilespmem:s11+$0x20] =	vst v5  }
0x157: {  	v5 =	vld [tilespmem:s12+$0x1C570];
	_ =	sdelay $0x1  }
0x158: {  	v6 =	vld [tilespmem:s11+$0x30];
	_ =	sdelay $0x2  }
0x159: {  	v5 =	vmul.f32 v5, v1  }
.Ltmp6:
0x15a: {  	(pc) =	sbr.rel @p1 .LBB2_11-.Ltmp6, $3  }
0x15b: {  	v5 =	vadd.f32 v5, v6;
	_ =	sdelay $0x1  }
0x15c: {  	v5 =	vmax.f32 v5, $0.0e+00  }
0x15d: {  	s12 =	sshra.s32 s13, $0x2;
	s13 =	sadd.s32 $0x200, s13;
	[tilespmem:s11+$0x30] =	vst v5  }
0x15e: {  	v5 =	vld [tilespmem:s12+$0x1C500]  }
0x15f: {  	s11 =	sadd.s32 $0x100, s11  }
0x160: {  	v6 =	vld [tilespmem:s11+$0xFFFFFF80];
	_ =	sdelay $0x2  }
0x161: {  	v5 =	vmul.f32 v5, v4;
	_ =	sdelay $0x1  }
0x162: {  	v5 =	vadd.f32 v5, v6;
	_ =	sdelay $0x1  }
0x163: {  	v5 =	vmax.f32 v5, $0.0e+00  }
0x164: {  	[tilespmem:s11+$0xFFFFFF80] =	vst v5  }
0x165: {  	v5 =	vld [tilespmem:s12+$0x1C510];
	_ =	sdelay $0x1  }
0x166: {  	v6 =	vld [tilespmem:s11+$0xFFFFFF90];
	_ =	sdelay $0x2  }
0x167: {  	v5 =	vmul.f32 v5, v3;
	_ =	sdelay $0x1  }
0x168: {  	v5 =	vadd.f32 v5, v6;
	_ =	sdelay $0x1  }
0x169: {  	v5 =	vmax.f32 v5, $0.0e+00  }
0x16a: {  	[tilespmem:s11+$0xFFFFFF90] =	vst v5  }
0x16b: {  	v5 =	vld [tilespmem:s12+$0x1C520];
	_ =	sdelay $0x1  }
0x16c: {  	v6 =	vld [tilespmem:s11+$0xFFFFFFA0];
	_ =	sdelay $0x2  }
0x16d: {  	v5 =	vmul.f32 v5, v2;
	_ =	sdelay $0x1  }
0x16e: {  	v5 =	vadd.f32 v5, v6;
	_ =	sdelay $0x1  }
0x16f: {  	v5 =	vmax.f32 v5, $0.0e+00  }
0x170: {  	[tilespmem:s11+$0xFFFFFFA0] =	vst v5  }
0x171: {  	v5 =	vld [tilespmem:s12+$0x1C530];
	_ =	sdelay $0x1  }
0x172: {  	v6 =	vld [tilespmem:s11+$0xFFFFFFB0];
	_ =	sdelay $0x2  }
0x173: {  	v5 =	vmul.f32 v5, v1;
	_ =	sdelay $0x1  }
0x174: {  	v5 =	vadd.f32 v5, v6;
	_ =	sdelay $0x1  }
0x175: {  	v5 =	vmax.f32 v5, $0.0e+00  }
0x176: {  	[tilespmem:s11+$0xFFFFFFB0] =	vst v5  }
0x177: {  	v5 =	vld [tilespmem:s12+$0x1C540];
	_ =	sdelay $0x1  }
0x178: {  	v6 =	vld [tilespmem:s11+$0x0];
	_ =	sdelay $0x2  }
0x179: {  	v5 =	vmul.f32 v5, v4;
	_ =	sdelay $0x1  }
0x17a: {  	v5 =	vadd.f32 v5, v6;
	_ =	sdelay $0x1  }
0x17b: {  	v5 =	vmax.f32 v5, $0.0e+00  }
0x17c: {  	[tilespmem:s11+$0x0] =	vst v5  }
0x17d: {  	v5 =	vld [tilespmem:s12+$0x1C550];
	_ =	sdelay $0x1  }
0x17e: {  	v6 =	vld [tilespmem:s11+$0x10];
	_ =	sdelay $0x2  }
0x17f: {  	v5 =	vmul.f32 v5, v3;
	_ =	sdelay $0x1  }
0x180: {  	v5 =	vadd.f32 v5, v6;
	_ =	sdelay $0x1  }
0x181: {  	v5 =	vmax.f32 v5, $0.0e+00  }
0x182: {  	[tilespmem:s11+$0x10] =	vst v5  }
0x183: {  	v5 =	vld [tilespmem:s12+$0x1C560];
	_ =	sdelay $0x1  }
0x184: {  	v6 =	vld [tilespmem:s11+$0x20];
	_ =	sdelay $0x2  }
0x185: {  	v5 =	vmul.f32 v5, v2;
	_ =	sdelay $0x1  }
0x186: {  	v5 =	vadd.f32 v5, v6;
	_ =	sdelay $0x1  }
0x187: {  	v5 =	vmax.f32 v5, $0.0e+00  }
0x188: {  	[tilespmem:s11+$0x20] =	vst v5  }
0x189: {  	v5 =	vld [tilespmem:s12+$0x1C570];
	_ =	sdelay $0x1  }
0x18a: {  	v6 =	vld [tilespmem:s11+$0x30];
	_ =	sdelay $0x2  }
0x18b: {  	v5 =	vmul.f32 v5, v1;
	_ =	sdelay $0x1  }
0x18c: {  	v5 =	vadd.f32 v5, v6;
	_ =	sdelay $0x1  }
0x18d: {  	v5 =	vmax.f32 v5, $0.0e+00  }
0x18e: {  	[tilespmem:s11+$0x30] =	vst v5  }
0x18f: {  	_ =	swait.ge [sflag:s1], $0x50  }
0x190: {  	[sflag:s1] =	ssyncset.done $0x0  }
0x191: {  	s10 =	sadd.s32 $0x1, s10;
	[sflag:s1] =	ssyncadd.s32 $0xFFFFFFB0  }
0x192: {  	[spmem:s4] =	stream.indirect.scatter.add.f32 [tilespmem:s23], [sflag:$0x6], $0x80, s20, s21, $0xb8;
	[tilespmem:$0x1D980] =	vst v63  }
0x193: {  	p1 =	sne.s32 s10, $0x3E;
	_ =	swait.ge [sflag:s2], $0x2800  }
.Ltmp7:
0x194: {  	[sflag:s2] =	ssyncset.done $0x0;
	(pc) =	sbr.rel @p1 .LBB2_8-.Ltmp7, $4  }
0x195: {  	[sflag:s2] =	ssyncadd.s32 $0xFFFFD800  }
0x196: {  	_ =	swait.ge [sflag:s3], $0x2800  }
0x197: {  	[sflag:s3] =	ssyncset.done $0x0  }
0x198: {  	[sflag:s3] =	ssyncadd.s32 $0xFFFFD800  }
0x199: {  	s10 =	simm.s32 $0x0;
	s11 =	rddreg [dreg:$0x6]  }
0x19a: {  	[tilespmem:s19], [sflag:$0x7] =	stream.linear.gather [hbm4b:s11+s10], $0x50, $0x38;
	[tilespmem:$0x1D980] =	vst v63  }
0x19b: {  	s12 =	simm.s32 $0x15F40  }
0x19c: {  	[tilespmem:s18], [sflag:$0x1] =	stream.indirect.gather [hbm4b:s7+s21], $0x80, s12, s21, $0xb8;
	[tilespmem:$0x1D980] =	vst v63  }
0x19d: {  	s13 =	rddreg [dreg:$0x7]  }
0x19e: {  	[tilespmem:s22], [sflag:$0x3] =	stream.linear.gather [hbm4b:s13+s10], $0x1400, $0x38;
	[tilespmem:$0x1D980] =	vst v63  }
0x19f: {  	_ =	swait.ge [sflag:s26], $0x2800  }
0x1a0: {  	[sflag:s26] =	ssyncset.done $0x0  }
0x1a1: {  	[sflag:s26] =	ssyncadd.s32 $0xFFFFD800  }
0x1a2: {  	_ =	swait.ge [sflag:s28], $0x1400  }
0x1a3: {  	[sflag:s28] =	ssyncset.done $0x0  }
0x1a4: {  	s17 =	simm.s32 $0x0;
	[sflag:s28] =	ssyncadd.s32 $0xFFFFEC00  }
0x1a5: {  	v5 =	vld [tilespmem:s17+$0x1B100]  }
0x1a6: {  	s10 =	simm.s32 $0x16180  }
0x1a7: {  	v6 =	vld [tilespmem:s10+$0xFFFFFF80];
	_ =	sdelay $0x2  }
0x1a8: {  	v5 =	vmul.f32 v5, v4;
	_ =	sdelay $0x1  }
0x1a9: {  	v5 =	vadd.f32 v5, v6;
	_ =	sdelay $0x1  }
0x1aa: {  	v5 =	vmax.f32 v5, $0.0e+00  }
0x1ab: {  	[tilespmem:s10+$0xFFFFFF80] =	vst v5  }
0x1ac: {  	v5 =	vld [tilespmem:s17+$0x1B110];
	_ =	sdelay $0x1  }
0x1ad: {  	v6 =	vld [tilespmem:s10+$0xFFFFFF90];
	_ =	sdelay $0x2  }
0x1ae: {  	v5 =	vmul.f32 v5, v3;
	_ =	sdelay $0x1  }
0x1af: {  	v5 =	vadd.f32 v5, v6;
	_ =	sdelay $0x1  }
0x1b0: {  	v5 =	vmax.f32 v5, $0.0e+00  }
0x1b1: {  	[tilespmem:s10+$0xFFFFFF90] =	vst v5  }
0x1b2: {  	v5 =	vld [tilespmem:s17+$0x1B120];
	_ =	sdelay $0x1  }
0x1b3: {  	v6 =	vld [tilespmem:s10+$0xFFFFFFA0];
	_ =	sdelay $0x2  }
0x1b4: {  	v5 =	vmul.f32 v5, v2;
	_ =	sdelay $0x1  }
0x1b5: {  	v5 =	vadd.f32 v5, v6;
	_ =	sdelay $0x1  }
0x1b6: {  	v5 =	vmax.f32 v5, $0.0e+00  }
0x1b7: {  	[tilespmem:s10+$0xFFFFFFA0] =	vst v5  }
0x1b8: {  	v5 =	vld [tilespmem:s17+$0x1B130];
	_ =	sdelay $0x1  }
0x1b9: {  	v6 =	vld [tilespmem:s10+$0xFFFFFFB0];
	_ =	sdelay $0x2  }
0x1ba: {  	v5 =	vmul.f32 v5, v1;
	_ =	sdelay $0x1  }
0x1bb: {  	v5 =	vadd.f32 v5, v6;
	_ =	sdelay $0x1  }
0x1bc: {  	v5 =	vmax.f32 v5, $0.0e+00  }
0x1bd: {  	[tilespmem:s10+$0xFFFFFFB0] =	vst v5  }
0x1be: {  	v5 =	vld [tilespmem:s17+$0x1B140];
	_ =	sdelay $0x1  }
0x1bf: {  	v6 =	vld [tilespmem:s10+$0x0];
	_ =	sdelay $0x2  }
0x1c0: {  	v5 =	vmul.f32 v5, v4;
	_ =	sdelay $0x1  }
0x1c1: {  	v5 =	vadd.f32 v5, v6;
	_ =	sdelay $0x1  }
0x1c2: {  	v5 =	vmax.f32 v5, $0.0e+00  }
0x1c3: {  	[tilespmem:s10+$0x0] =	vst v5  }
0x1c4: {  	v5 =	vld [tilespmem:s17+$0x1B150];
	_ =	sdelay $0x1  }
0x1c5: {  	v6 =	vld [tilespmem:s10+$0x10];
	_ =	sdelay $0x2  }
0x1c6: {  	v5 =	vmul.f32 v5, v3;
	_ =	sdelay $0x1  }
0x1c7: {  	v5 =	vadd.f32 v5, v6;
	_ =	sdelay $0x1  }
0x1c8: {  	v5 =	vmax.f32 v5, $0.0e+00  }
0x1c9: {  	[tilespmem:s10+$0x10] =	vst v5  }
0x1ca: {  	v5 =	vld [tilespmem:s17+$0x1B160];
	_ =	sdelay $0x1  }
0x1cb: {  	v6 =	vld [tilespmem:s10+$0x20];
	_ =	sdelay $0x2  }
0x1cc: {  	v5 =	vmul.f32 v5, v2;
	_ =	sdelay $0x1  }
0x1cd: {  	v5 =	vadd.f32 v5, v6;
	_ =	sdelay $0x1  }
0x1ce: {  	v5 =	vmax.f32 v5, $0.0e+00  }
0x1cf: {  	[tilespmem:s10+$0x20] =	vst v5  }
0x1d0: {  	v5 =	vld [tilespmem:s17+$0x1B170];
	_ =	sdelay $0x1  }
0x1d1: {  	v6 =	vld [tilespmem:s10+$0x30];
	_ =	sdelay $0x2  }
0x1d2: {  	v5 =	vmul.f32 v5, v1;
	_ =	sdelay $0x1  }
0x1d3: {  	v5 =	vadd.f32 v5, v6;
	_ =	sdelay $0x1  }
0x1d4: {  	v5 =	vmax.f32 v5, $0.0e+00  }
0x1d5: {  	s11 =	simm.s32 $0x80;
	s12 =	simm.s32 $0x400;
	[tilespmem:s10+$0x30] =	vst v5  }
.LBB2_14:
0x1d6: {  	p1 =	sne.s32 s12, $0x4E00;
	v5 =	vld [tilespmem:s11+$0x1B100]  }
0x1d7: {  	s10 =	sadd.s32 $0x100, s10  }
0x1d8: {  	v6 =	vld [tilespmem:s10+$0xFFFFFF80];
	_ =	sdelay $0x2  }
0x1d9: {  	v5 =	vmul.f32 v5, v4;
	_ =	sdelay $0x1  }
0x1da: {  	v5 =	vadd.f32 v5, v6;
	_ =	sdelay $0x1  }
0x1db: {  	v5 =	vmax.f32 v5, $0.0e+00  }
0x1dc: {  	[tilespmem:s10+$0xFFFFFF80] =	vst v5  }
0x1dd: {  	v5 =	vld [tilespmem:s11+$0x1B110];
	_ =	sdelay $0x1  }
0x1de: {  	v6 =	vld [tilespmem:s10+$0xFFFFFF90];
	_ =	sdelay $0x2  }
0x1df: {  	v5 =	vmul.f32 v5, v3;
	_ =	sdelay $0x1  }
0x1e0: {  	v5 =	vadd.f32 v5, v6;
	_ =	sdelay $0x1  }
0x1e1: {  	v5 =	vmax.f32 v5, $0.0e+00  }
0x1e2: {  	[tilespmem:s10+$0xFFFFFF90] =	vst v5  }
0x1e3: {  	v5 =	vld [tilespmem:s11+$0x1B120];
	_ =	sdelay $0x1  }
0x1e4: {  	v6 =	vld [tilespmem:s10+$0xFFFFFFA0];
	_ =	sdelay $0x2  }
0x1e5: {  	v5 =	vmul.f32 v5, v2;
	_ =	sdelay $0x1  }
0x1e6: {  	v5 =	vadd.f32 v5, v6;
	_ =	sdelay $0x1  }
0x1e7: {  	v5 =	vmax.f32 v5, $0.0e+00  }
0x1e8: {  	[tilespmem:s10+$0xFFFFFFA0] =	vst v5  }
0x1e9: {  	v5 =	vld [tilespmem:s11+$0x1B130];
	_ =	sdelay $0x1  }
0x1ea: {  	v6 =	vld [tilespmem:s10+$0xFFFFFFB0];
	_ =	sdelay $0x2  }
0x1eb: {  	v5 =	vmul.f32 v5, v1;
	_ =	sdelay $0x1  }
0x1ec: {  	v5 =	vadd.f32 v5, v6;
	_ =	sdelay $0x1  }
0x1ed: {  	v5 =	vmax.f32 v5, $0.0e+00  }
0x1ee: {  	[tilespmem:s10+$0xFFFFFFB0] =	vst v5  }
0x1ef: {  	v5 =	vld [tilespmem:s11+$0x1B140];
	_ =	sdelay $0x1  }
0x1f0: {  	v6 =	vld [tilespmem:s10+$0x0];
	_ =	sdelay $0x2  }
0x1f1: {  	v5 =	vmul.f32 v5, v4;
	_ =	sdelay $0x1  }
0x1f2: {  	v5 =	vadd.f32 v5, v6;
	_ =	sdelay $0x1  }
0x1f3: {  	v5 =	vmax.f32 v5, $0.0e+00  }
0x1f4: {  	[tilespmem:s10+$0x0] =	vst v5  }
0x1f5: {  	v5 =	vld [tilespmem:s11+$0x1B150];
	_ =	sdelay $0x1  }
0x1f6: {  	v6 =	vld [tilespmem:s10+$0x10];
	_ =	sdelay $0x2  }
0x1f7: {  	v5 =	vmul.f32 v5, v3;
	_ =	sdelay $0x1  }
0x1f8: {  	v5 =	vadd.f32 v5, v6;
	_ =	sdelay $0x1  }
0x1f9: {  	v5 =	vmax.f32 v5, $0.0e+00  }
0x1fa: {  	[tilespmem:s10+$0x10] =	vst v5  }
0x1fb: {  	v5 =	vld [tilespmem:s11+$0x1B160];
	_ =	sdelay $0x1  }
0x1fc: {  	v6 =	vld [tilespmem:s10+$0x20];
	_ =	sdelay $0x2  }
0x1fd: {  	v5 =	vmul.f32 v5, v2;
	_ =	sdelay $0x1  }
0x1fe: {  	v5 =	vadd.f32 v5, v6;
	_ =	sdelay $0x1  }
0x1ff: {  	v5 =	vmax.f32 v5, $0.0e+00  }
0x200: {  	[tilespmem:s10+$0x20] =	vst v5  }
0x201: {  	v5 =	vld [tilespmem:s11+$0x1B170];
	_ =	sdelay $0x1  }
0x202: {  	v6 =	vld [tilespmem:s10+$0x30];
	_ =	sdelay $0x2  }
0x203: {  	v5 =	vmul.f32 v5, v1  }
.Ltmp8:
0x204: {  	(pc) =	sbr.rel @p1 .LBB2_14-.Ltmp8, $3  }
0x205: {  	v5 =	vadd.f32 v5, v6;
	_ =	sdelay $0x1  }
0x206: {  	v5 =	vmax.f32 v5, $0.0e+00  }
0x207: {  	s11 =	sshra.s32 s12, $0x2;
	s12 =	sadd.s32 $0x200, s12;
	[tilespmem:s10+$0x30] =	vst v5  }
0x208: {  	v5 =	vld [tilespmem:s11+$0x1B100]  }
0x209: {  	s10 =	sadd.s32 $0x100, s10  }
0x20a: {  	v6 =	vld [tilespmem:s10+$0xFFFFFF80];
	_ =	sdelay $0x2  }
0x20b: {  	v5 =	vmul.f32 v5, v4;
	_ =	sdelay $0x1  }
0x20c: {  	v5 =	vadd.f32 v5, v6;
	_ =	sdelay $0x1  }
0x20d: {  	v5 =	vmax.f32 v5, $0.0e+00  }
0x20e: {  	[tilespmem:s10+$0xFFFFFF80] =	vst v5  }
0x20f: {  	v5 =	vld [tilespmem:s11+$0x1B110];
	_ =	sdelay $0x1  }
0x210: {  	v57 =	vld [tilespmem:s10+$0xFFFFFF90];
	_ =	sdelay $0x2  }
0x211: {  	v5 =	vmul.f32 v5, v3;
	_ =	sdelay $0x1  }
0x212: {  	v5 =	vadd.f32 v5, v57;
	_ =	sdelay $0x1  }
0x213: {  	v5 =	vmax.f32 v5, $0.0e+00  }
0x214: {  	[tilespmem:s10+$0xFFFFFF90] =	vst v5  }
0x215: {  	v5 =	vld [tilespmem:s11+$0x1B120];
	_ =	sdelay $0x1  }
0x216: {  	v58 =	vld [tilespmem:s10+$0xFFFFFFA0];
	_ =	sdelay $0x2  }
0x217: {  	v5 =	vmul.f32 v5, v2;
	_ =	sdelay $0x1  }
0x218: {  	v5 =	vadd.f32 v5, v58;
	_ =	sdelay $0x1  }
0x219: {  	v5 =	vmax.f32 v5, $0.0e+00  }
0x21a: {  	[tilespmem:s10+$0xFFFFFFA0] =	vst v5  }
0x21b: {  	v5 =	vld [tilespmem:s11+$0x1B130];
	_ =	sdelay $0x1  }
0x21c: {  	v59 =	vld [tilespmem:s10+$0xFFFFFFB0];
	_ =	sdelay $0x2  }
0x21d: {  	v5 =	vmul.f32 v5, v1;
	_ =	sdelay $0x1  }
0x21e: {  	v5 =	vadd.f32 v5, v59;
	_ =	sdelay $0x1  }
0x21f: {  	v5 =	vmax.f32 v5, $0.0e+00  }
0x220: {  	[tilespmem:s10+$0xFFFFFFB0] =	vst v5  }
0x221: {  	v5 =	vld [tilespmem:s11+$0x1B140];
	_ =	sdelay $0x1  }
0x222: {  	v60 =	vld [tilespmem:s10+$0x0];
	_ =	sdelay $0x2  }
0x223: {  	v61 =	vmul.f32 v5, v4;
	_ =	sdelay $0x1  }
0x224: {  	v4 =	vadd.f32 v61, v60;
	_ =	sdelay $0x1  }
0x225: {  	v4 =	vmax.f32 v4, $0.0e+00  }
0x226: {  	[tilespmem:s10+$0x0] =	vst v4  }
0x227: {  	v4 =	vld [tilespmem:s11+$0x1B150];
	_ =	sdelay $0x1  }
0x228: {  	v62 =	vld [tilespmem:s10+$0x10];
	_ =	sdelay $0x2  }
0x229: {  	v3 =	vmul.f32 v4, v3;
	_ =	sdelay $0x1  }
0x22a: {  	v3 =	vadd.f32 v3, v62;
	_ =	sdelay $0x1  }
0x22b: {  	v3 =	vmax.f32 v3, $0.0e+00  }
0x22c: {  	[tilespmem:s10+$0x10] =	vst v3  }
0x22d: {  	v3 =	vld [tilespmem:s11+$0x1B160];
	_ =	sdelay $0x1  }
0x22e: {  	v63 =	vld [tilespmem:s10+$0x20];
	_ =	sdelay $0x2  }
0x22f: {  	v2 =	vmul.f32 v3, v2;
	_ =	sdelay $0x1  }
0x230: {  	v2 =	vadd.f32 v2, v63;
	_ =	sdelay $0x1  }
0x231: {  	v2 =	vmax.f32 v2, $0.0e+00  }
0x232: {  	[tilespmem:s10+$0x20] =	vst v2  }
0x233: {  	v2 =	vld [tilespmem:s11+$0x1B170];
	_ =	sdelay $0x1  }
0x234: {  	v3 =	vld [tilespmem:s10+$0x30];
	_ =	sdelay $0x2  }
0x235: {  	v1 =	vmul.f32 v2, v1;
	_ =	sdelay $0x1  }
0x236: {  	v1 =	vadd.f32 v1, v3;
	_ =	sdelay $0x1  }
0x237: {  	v1 =	vmax.f32 v1, $0.0e+00  }
0x238: {  	[tilespmem:s10+$0x30] =	vst v1  }
0x239: {  	_ =	swait.ge [sflag:s29], $0x50  }
0x23a: {  	[sflag:s29] =	ssyncset.done $0x0  }
0x23b: {  	[sflag:s29] =	ssyncadd.s32 $0xFFFFFFB0  }
0x23c: {  	[spmem:s4] =	stream.indirect.scatter.add.f32 [tilespmem:s18], [sflag:$0x5], $0x80, s19, s21, $0xb8;
	[tilespmem:$0x1D980] =	vst v63  }
.Ltmp9:
0x23d: {  	_ =	swait.ge [sflag:s2], $0x2800;
	(pc) =	sbr.rel @p0 .LBB2_19-.Ltmp9, $4  }
0x23e: {  	[sflag:s2] =	ssyncset.done $0x0  }
0x23f: {  	[sflag:s2] =	ssyncadd.s32 $0xFFFFD800  }
0x240: {  	[bflag:$0x0] =	sbarrier.arrive $0xFFFF  }
0x241: {  	s11 =	rddreg [dreg:$0x9]  }
0x242: {  	[tilespmem:s18], [sflag:$0x9] =	stream.linear.gather [spmem:s14], $0x2800, $0x38;
	[tilespmem:$0x1D980] =	vst v63  }
0x243: {  	_ =	swait.ge [sflag:s16], $0x2800  }
0x244: {  	[sflag:s16] =	ssyncset.done $0x0  }
0x245: {  	s10 =	sadd.s32 $0x0, s24;
	[sflag:s16] =	ssyncadd.s32 $0xFFFFD800  }
0x246: {  	[hbm4b:s10+s5] =	stream.linear.scatter [tilespmem:s18], [sflag:$0x9], $0x2800, $0x38;
	[tilespmem:$0x1D980] =	vst v63  }
0x247: {  	_ =	swait.ge [sflag:s16], $0x2800  }
0x248: {  	s11 =	smov.u32 s14;
	s10 =	simm.s32 $0x500;
	[sflag:s16] =	ssyncset.done $0x0  }
.LBB2_17:
0x249: {  	p1 =	sne.s32 s10, $0x7800;
	[sflag:s16] =	ssyncadd.s32 $0xFFFFD800;
	s11 =	sadd.s32 $0x2800, s11  }
0x24a: {  	[tilespmem:s18], [sflag:$0x9] =	stream.linear.gather [spmem:s11], $0x2800, $0x38;
	[tilespmem:$0x1D980] =	vst v63  }
0x24b: {  	s12 =	smov.u32 s10;
	s10 =	sadd.s32 $0x500, s10;
	_ =	swait.ge [sflag:s16], $0x2800  }
.Ltmp10:
0x24c: {  	[sflag:s16] =	ssyncset.done $0x0;
	(pc) =	sbr.rel @p1 .LBB2_17-.Ltmp10, $4  }
0x24d: {  	s12 =	sadd.s32 s12, s24;
	[sflag:s16] =	ssyncadd.s32 $0xFFFFD800  }
0x24e: {  	[hbm4b:s12+s5] =	stream.linear.scatter [tilespmem:s18], [sflag:$0x9], $0x2800, $0x38;
	[tilespmem:$0x1D980] =	vst v63  }
0x24f: {  	_ =	swait.ge [sflag:s16], $0x2800  }
0x250: {  	[sflag:s16] =	ssyncset.done $0x0  }
.Ltmp11:
0x251: {  	(pc) =	sbr.rel .LBB2_19-.Ltmp11, $2  }
0x252: {  	_ =	sdelay $0x2  }
0x253: {  	[sflag:s16] =	ssyncadd.s32 $0xFFFFD800;
	s11 =	rddreg [dreg:$0x9]  }
.LBB2_20:
0x254: {  	_ =	sfence.sel $0x180000  }
0x255: {  	[bflag:$0x0] =	sbarrier.arrive $0xFFFF  }
0x256: {  	_ =	strace $0x9000004A  }
0x257: {  	s0 =	stileid.u32;
	[bflag:$0x2] =	sbarrier.arrive $0xFFFF  }
0x258: {  	p0 =	sne.s32 s0, $0x0;
	s0 =	rddreg [dreg:$0x4]  }
0x259: {  	s0 =	sadd.s32 @!p0 $0x100000, s0  }
0x25a: {  	[sflag:s0] =	ssyncadd.tile.s32 @!p0 $0x1;
	_ =	shalt  }
.Lfunc_end2:
_tile_overlayer_lowered:
.L_overlay_start_2:
0x25b: {  	(tag) =	ssettag $0x2  }
0x25c: {  	s0 =	rddreg [dreg:$0x0];
	s2 =	stileid.u32  }
0x25d: {  	s1 =	rddreg [dreg:$0x1];
	p0 =	sne.s32 s2, $0x0  }
0x25e: {  	s3 =	rddreg [dreg:$0x2];
	[bflag:$0x3] =	sbarrier.arrive $0xFFFF;
	s2 =	simm.s32 @!p0 $0x1C09  }
0x25f: {  	[timem:s3], [sflag:s2] =	dma.local @!p0 [hbm:s0], s1  }
0x260: {  	s0 =	simm.s32 @!p0 $0x9  }
0x261: {  	_ =	swait.ge @!p0 [sflag:s0], s1  }
0x262: {  	s1 =	ssub.s32 @!p0 $0x0, s1;
	[sflag:s0] =	ssyncset.done @!p0 $0x0  }
0x263: {  	[sflag:s0] =	ssyncadd.s32 @!p0 s1  }
0x264: {  	[bflag:$0x3] =	sbarrier.arrive $0xFFFF  }
0x265: {  	_ =	shalt  }

// kernel: kernel.17.cloned.1.call-start
scs
__scs_entry_jumppad:
0x0: {  	(pc) =	sbr.rel $0x88, $3  }
0x1: {  	(tag) =	ssettag $0x0;
	lr =	simm.s32 $0x1  }
0x2: {  	[smem:$0x3F76] =	sst lr;
	_ =	strace $0xD0000000  }
0x3: {  	_ = 	snop  }
0x4: {  	_ = 	snop  }
0x5: {  	_ = 	snop  }
0x6: {  	_ = 	snop  }
0x7: {  	_ = 	snop  }
__scs_overlays_trampoline_lowered:
0x8: {  	[smem:$0x3F85] =	sst s0  }
0x9: {  	[smem:$0x3F86] =	sst s1  }
0xa: {  	[smem:$0x3F87] =	sst s2  }
0xb: {  	[smem:$0x3F88] =	sst s3  }
0xc: {  	[smem:$0x3F89] =	sst s4  }
0xd: {  	[smem:$0x3F8A] =	sst s5  }
0xe: {  	[smem:$0x3F8B] =	sst s6  }
0xf: {  	[smem:$0x3F8C] =	sst s7  }
0x10: {  	[smem:$0x3F8D] =	sst s8  }
0x11: {  	[smem:$0x3F8E] =	sst s9;
	s0 =	simm.s32 @!p0 $0x0  }
0x12: {  	s1 =	sld [smem:$0x3F74];
	s0 =	simm.s32 @p0 $0x1  }
0x13: {  	[smem:$0x3F8F] =	sst s0;
	s0 =	simm.s32 @!p1 $0x0  }
0x14: {  	s2 =	sld [smem:$0x3F73];
	s0 =	simm.s32 @p1 $0x1  }
0x15: {  	[smem:$0x3F90] =	sst s0;
	s0 =	simm.s32 @!p2 $0x0  }
0x16: {  	s3 =	sld [smem:$0x3FDB];
	s0 =	simm.s32 @p2 $0x1  }
0x17: {  	s4 =	simm.s32 $0x1BF5;
	[smem:$0x3F92] =	sst s0  }
0x18: {  	s0 =	sld [smem:$0x3F75];
	_ =	swait.ge [sflag:s4], $0x0  }
0x19: {  	s7 =	sld [smem:$0x3F76]  }
0x1a: {  	s8 =	sadd.s32 $0xFFFFE003, lr  }
0x1b: {  	s9 =	sadd.s32 $0xFFFFFEF7, lr;
	s5 =	simm.s32 $0xFFFFFFFF;
	p2 =	slt.u32 s8, $0xFFFFF086  }
0x1c: {  	p1 =	slt.u32 s9, $0xF7A;
	s5 =	simm.s32 @!p2 $0x0  }
0x1d: {  	s5 =	simm.s32 @p1 $0x1;
	p0 =	seq.s32 s7, s2  }
0x1e: {  	s7 =	smul.u32 @!p0 $0xF7A, s2;
	p2 =	seq.s32 @!p0 s5, $0x0  }
0x1f: {  	s9 =	smul.u32 $0xF7A, s1;
	s8 =	simm.s32 @!p0 $0x1BF5;
	p2 =	por !p2, p0  }
0x20: {  	[sflag:s8] =	ssyncset.s32 @!p0 $0xFFFFF086;
	s6 =	sadd.s32 @!p0 s3, s7;
	s7 =	simm.s32 @!p0 $0x108  }
0x21: {  	s3 =	sadd.s32 s3, s9;
	s6 =	sadd.s32 @!p0 $0x88, s6;
	s7 =	simm.s32 @p2 $0x1082  }
0x22: {  	[simem:s7], [sflag:s8] =	dma.local @!p0 [hbm:s6], $0xF7A  }
0x23: {  	s9 =	sor.u32 $0xD0000000, s2;
	s6 =	simm.s32 $0x108;
	_ =	swait.ge @!p0 [sflag:s8], $0x0  }
0x24: {  	s3 =	sadd.s32 $0x88, s3;
	s6 =	simm.s32 @!p1 $0x1082;
	[sflag:s4] =	ssyncset.s32 $0xFFFFF086  }
0x25: {  	[simem:s6], [sflag:s4] =	dma.local [hbm:s3], $0xF7A  }
0x26: {  	[smem:$0x3F76] =	sst s1;
	(tag) =	ssettag s2;
	_ =	strace s9  }
0x27: {  	s1 =	sld [smem:$0x3F86]  }
0x28: {  	s2 =	sld [smem:$0x3F87]  }
0x29: {  	s4 =	sld [smem:$0x3F89]  }
0x2a: {  	p0 =	seq.s32 s5, $0x0;
	s5 =	sld [smem:$0x3F8A]  }
0x2b: {  	s6 =	sld [smem:$0x3F8B]  }
0x2c: {  	s7 =	sld [smem:$0x3F8C]  }
0x2d: {  	s3 =	simm.s32 $0x108;
	s8 =	sld [smem:$0x3F8D]  }
0x2e: {  	s3 =	simm.s32 @!p0 $0x1082;
	s9 =	sld [smem:$0x3F8E]  }
0x2f: {  	lr =	sadd.s32 s0, s3;
	s0 =	sld [smem:$0x3F85]  }
0x30: {  	s3 =	sld [smem:$0x3F88]  }
0x31: {  	[smem:$0x3F91] =	sst s10  }
0x32: {  	s10 =	sld [smem:$0x3F8F];
	_ =	sdelay $0x3  }
0x33: {  	p0 =	seq.s32 s10, $0x1;
	s10 =	sld [smem:$0x3F91];
	_ =	sdelay $0x3  }
0x34: {  	[smem:$0x3F91] =	sst s10  }
0x35: {  	s10 =	sld [smem:$0x3F90];
	_ =	sdelay $0x3  }
0x36: {  	p1 =	seq.s32 s10, $0x1;
	s10 =	sld [smem:$0x3F91];
	_ =	sdelay $0x3  }
0x37: {  	[smem:$0x3F91] =	sst s10  }
0x38: {  	s10 =	sld [smem:$0x3F92]  }
0x39: {  	_ = 	snop;
	(pc) =	sbr.ind lr, $3  }
0x3a: {  	_ = 	snop  }
0x3b: {  	_ = 	snop  }
0x3c: {  	p2 =	seq.s32 s10, $0x1;
	s10 =	sld [smem:$0x3F91]  }
0x3d: {  	_ =	shalt  }
0x3e: {  	_ =	shalt  }
0x3f: {  	_ =	shalt  }
0x40: {  	_ =	shalt  }
0x41: {  	_ =	shalt  }
0x42: {  	_ =	shalt  }
0x43: {  	_ =	shalt  }
0x44: {  	_ =	shalt  }
0x45: {  	_ =	shalt  }
0x46: {  	_ =	shalt  }
0x47: {  	_ =	shalt  }
0x48: {  	_ =	shalt  }
0x49: {  	_ =	shalt  }
0x4a: {  	_ =	shalt  }
0x4b: {  	_ =	shalt  }
0x4c: {  	_ =	shalt  }
0x4d: {  	_ =	shalt  }
0x4e: {  	_ =	shalt  }
0x4f: {  	_ =	shalt  }
0x50: {  	_ =	shalt  }
0x51: {  	_ =	shalt  }
0x52: {  	_ =	shalt  }
0x53: {  	_ =	shalt  }
0x54: {  	_ =	shalt  }
0x55: {  	_ =	shalt  }
0x56: {  	_ =	shalt  }
0x57: {  	_ =	shalt  }
0x58: {  	_ =	shalt  }
0x59: {  	_ =	shalt  }
0x5a: {  	_ =	shalt  }
0x5b: {  	_ =	shalt  }
0x5c: {  	_ =	shalt  }
0x5d: {  	_ =	shalt  }
0x5e: {  	_ =	shalt  }
0x5f: {  	_ =	shalt  }
0x60: {  	_ =	shalt  }
0x61: {  	_ =	shalt  }
0x62: {  	_ =	shalt  }
0x63: {  	_ =	shalt  }
0x64: {  	_ =	shalt  }
0x65: {  	_ =	shalt  }
0x66: {  	_ =	shalt  }
0x67: {  	_ =	shalt  }
0x68: {  	_ =	shalt  }
0x69: {  	_ =	shalt  }
0x6a: {  	_ =	shalt  }
0x6b: {  	_ =	shalt  }
0x6c: {  	_ =	shalt  }
0x6d: {  	_ =	shalt  }
0x6e: {  	_ =	shalt  }
0x6f: {  	_ =	shalt  }
0x70: {  	_ =	shalt  }
0x71: {  	_ =	shalt  }
0x72: {  	_ =	shalt  }
0x73: {  	_ =	shalt  }
0x74: {  	_ =	shalt  }
0x75: {  	_ =	shalt  }
0x76: {  	_ =	shalt  }
0x77: {  	_ =	shalt  }
0x78: {  	_ =	shalt  }
0x79: {  	_ =	shalt  }
0x7a: {  	_ =	shalt  }
0x7b: {  	_ =	shalt  }
0x7c: {  	_ =	shalt  }
0x7d: {  	_ =	shalt  }
0x7e: {  	_ =	shalt  }
0x7f: {  	_ =	shalt  }
0x80: {  	_ =	shalt  }
0x81: {  	_ =	shalt  }
0x82: {  	_ =	shalt  }
0x83: {  	_ =	shalt  }
0x84: {  	_ =	shalt  }
0x85: {  	_ =	shalt  }
0x86: {  	_ =	shalt  }
0x87: {  	_ =	shalt  }
.Lfunc_end0:
.L_simem_size_0:
called_computation.2_lowered:
.L_overlay_start_0:
0x88: {  	s2 =	sld [smem:$0x3FD9]  }
0x89: {  	s3 =	sld [smem:$0x3FFE];
	_ =	sdelay $0x1  }
0x8a: {  	s1 =	srdreg.scid  }
0x8b: {  	s0 =	sand.u32 $0x1, s1  }
0x8c: {  	s17 =	sshll.u32 s0, $0xA;
	s2 =	sadd.s32 s3, s2  }
0x8d: {  	s2 =	sadd.s32 s2, s17  }
0x8e: {  	[smem:$0x3F9D] =	sst s2  }
0x8f: {  	_ = 	snop  }
0x90: {  	s2 =	sld [smem:$0x3FB2]  }
0x91: {  	s18 =	sld [smem:$0x3FD0];
	(tm) =	ssettm $0x1  }
0x92: {  	s4 =	sld [smem:$0x3FFB];
	_ =	sdelay $0x3  }
0x93: {  	_ =	strace s4  }
0x94: {  	s4 =	sld [smem:$0x3FFC];
	_ =	sdelay $0x3  }
0x95: {  	_ =	strace s4  }
0x96: {  	s4 =	sld [smem:$0x3FFD];
	_ =	sdelay $0x3  }
0x97: {  	_ =	strace s4  }
0x98: {  	_ =	strace $0x8FFFFFFF  }
0x99: {  	s19 =	sld [smem:$0x3FDB];
	_ =	sdelay $0x1  }
0x9a: {  	s5 =	simm.s32 $_scs_section_size  }
0x9b: {  	s6 =	simm.s32 $_size__tile_overlayer_lowered;
	s7 =	simm.s32 $_tile_overlayer_lowered  }
0x9c: {  	s22 =	simm.s32 $0x1BFF;
	s21 =	sshll.u32 s7, $0x1;
	s4 =	sadd.s32 s5, s19  }
0x9d: {  	s8 =	simm.s32 $0x0;
	s20 =	sshll.u32 s6, $0x1;
	s6 =	sadd.s32 s21, s4  }
0x9e: {  	[timem:s8], [sflag:s22] =	dma.local [hbm:s6], s20  }
0x9f: {  	_ =	swait.ge [sflag:s22], s20  }
0xa0: {  	s5 =	ssub.s32 $0x0, s20;
	[sflag:s22] =	ssyncset.done $0x0  }
0xa1: {  	[sflag:s22] =	ssyncadd.s32 s5;
	_ =	sdelay $0x1  }
0xa2: {  	s23 =	simm.s32 $0x1B8B  }
0xa3: {  	_ =	swait.ge [sflag:s23], $0x1  }
0xa4: {  	[sflag:s23] =	ssyncset.done $0x0  }
0xa5: {  	s25 =	simm.s32 $0x1B8E;
	s24 =	sld [smem:$0x3FFE];
	[sflag:s23] =	ssyncadd.s32 $0xFFFFFFFF  }
0xa6: {  	s26 =	simm.s32 $execute0_lowered;
	[smem:$0x3FD2] =	sst s25  }
0xa7: {  	s6 =	sshll.u32 s26, $0x1;
	_ =	strace $0x8000004C;
	[dreg:$0x1] =	wrdreg $0xFFFFFFFF  }
0xa8: {  	s28 =	simm.s32 $_size_execute0_lowered;
	s4 =	sadd.s32 s4, s6;
	[dreg:$0x0] =	wrdreg $0x0  }
0xa9: {  	s6 =	sshll.u32 s28, $0x1;
	[dreg:$0x2] =	wrdreg s4  }
0xaa: {  	[dreg:$0x3] =	wrdreg s6  }
0xab: {  	[dreg:$0x4] =	wrdreg $0xC0  }
0xac: {  	_ =	task [dreg:s8], $0x5FFFF  }
0xad: {  	[dreg:$0x1] =	wrdreg $0xFFFFFFFF  }
0xae: {  	[dreg:$0x0] =	wrdreg $0x60  }
0xaf: {  	[dreg:$0x2] =	wrdreg s24  }
0xb0: {  	[dreg:$0x3] =	wrdreg s18  }
0xb1: {  	[dreg:$0x4] =	wrdreg s2  }
0xb2: {  	[dreg:$0x5] =	wrdreg $0x0  }
0xb3: {  	[dreg:$0x6] =	wrdreg $0x9  }
0xb4: {  	_ =	task.clear_ibuf [dreg:s8], $0x7FFFF;
	_ =	strace $0x9000004C  }
0xb5: {  	s29 =	simm.s32 $0x9;
	_ =	strace $0x8000004E  }
0xb6: {  	_ =	swait.ge [sflag:s29], $0x1  }
0xb7: {  	[sflag:s29] =	ssyncadd.s32 $0xFFFFFFFF  }
0xb8: {  	_ =	strace $0x9000004E  }
0xb9: {  	_ =	sfence  }
0xba: {  	s30 =	sld [smem:$0x0];
	_ =	sdelay $0x2  }
0xbb: {  	s31 =	sshll.u32 s1, $0xD;
	s1 =	sshrl.u32 s1, $0x2  }
0xbc: {  	s3 =	sand.u32 $0x4000, s31;
	s1 =	sadd.s32 s1, s30  }
0xbd: {  	s0 =	sor.u32 s3, s0;
	s1 =	sshll.u32 s1, $0x11  }
0xbe: {  	s0 =	sor.u32 s1, s0  }
0xbf: {  	s0 =	sadd.s32 $0x8F2B, s0  }
0xc0: {  	[sflag:s0] =	ssyncadd.remote.s32 $0x1  }
0xc1: {  	_ =	sfence.sel $0xFFFF  }
0xc2: {  	[dreg:$0x0] =	wrdreg $0xFFFFFFFF;
	(pc) =	sbr.abs _section_cstart, $3  }
0xc3: {  	[dreg:$0x1] =	wrdreg $0xFFFFFFFF  }
0xc4: {  	_ =	task.clear_ibuf [dreg:s8], $0x2FFFF;
	_ =	strace $0x9FFFFFFF  }
0xc5: {  	(tm) =	ssettm $0x7FFFFFFF  }
tec
execute0_lowered:
.L_overlay_start_1:
0x0: {  	(tag) =	ssettag $0x1  }
0x1: {  	s1 =	rddreg [dreg:$0x0]  }
0x2: {  	s0 =	rddreg [dreg:$0x1];
	s2 =	srdreg.scid  }
0x3: {  	s4 =	rddreg [dreg:$0x3];
	s15 =	stileid.u32  }
0x4: {  	s5 =	simm.s32 $0x0;
	s16 =	simm.s32 $0x9;
	s18 =	simm.s32 $0x16100  }
0x5: {  	s19 =	simm.s32 $0x16000;
	s20 =	simm.s32 $0x16080;
	s28 =	simm.s32 $0x3  }
0x6: {  	s29 =	simm.s32 $0x7;
	s30 =	simm.s32 $0x2;
	s31 =	simm.s32 $0x4  }
0x7: {  	s2 =	sand.u32 $0x1, s2;
	[smem:$0x7FF] =	sst s5;
	s23 =	smul.u32 $0xFA000, s15  }
0x8: {  	s7 =	sadd.s32 $0x283000, s1;
	s8 =	sadd.s32 $0x12000, s1;
	s26 =	smul.u32 $0x7D00, s15  }
0x9: {  	p0 =	sgt.u32 s15, $0x4;
	s3 =	sshll.u32 s2, $0x4;
	_ =	strace $0x8000004D  }
0xa: {  	s9 =	smul.u32 $0x27100, s2;
	s2 =	ssub.s32 $0x2, s2;
	s3 =	sor.u32 s15, s3  }
0xb: {  	s12 =	sshrl.u32 s2, $0x1;
	s25 =	sshrl.u32 s23, $0x2;
	s6 =	smul.u32 $0x2710, s3  }
0xc: {  	s23 =	simm.s32 $0x18900;
	s15 =	simm.s32 $0x0;
	s13 =	smul.u32 $0x13880, s3  }
0xd: {  	s2 =	ssub.s32 s2, s12;
	s14 =	sadd.s32 s25, s4;
	s25 =	simm.s32 $0x1C500  }
0xe: {  	s2 =	smax.u32 s2, $0x1;
	s10 =	sshrl.u32 s6, $0x3;
	s22 =	sadd.s32 s8, s13  }
0xf: {  	[dreg:$0x8] =	wrdreg s2;
	s2 =	simm.s32 $0x5;
	s11 =	sadd.s32 s10, s1  }
0x10: {  	s1 =	sadd.s32 s9, s1;
	s9 =	smul.u32 $0x1388, s3;
	s21 =	sadd.s32 s0, s10  }
.Ltmp0:
0x11: {  	s24 =	sadd.s32 $0x13600, s22;
	s22 =	simm.s32 $0x1B100;
	(pc) =	sbr.rel .LBB2_1-.Ltmp0, $4  }
0x12: {  	s11 =	sadd.s32 $0x8200, s11;
	s3 =	sadd.s32 $0x4D8, s21;
	[dreg:$0x7] =	wrdreg s24  }
0x13: {  	s1 =	sadd.s32 $0x2D1400, s1;
	s21 =	simm.s32 $0x50;
	[dreg:$0x5] =	wrdreg s11  }
0x14: {  	[dreg:$0x6] =	wrdreg s3;
	s24 =	sadd.s32 s1, s26;
	s26 =	simm.s32 $0x1  }
0x15: {  	v0 =	vimm.f32 $0.0e+00;
	s1 =	simm.s32 $0x8;
	s3 =	simm.s32 $0x6;
	s11 =	simm.s32 $0x0  }
.LBB2_19:
0x16: {  	s11 =	sadd.s32 $0x1, s11;
	s10 =	rddreg [dreg:$0x8]  }
0x17: {  	p1 =	sne.s32 s11, s10  }
.Ltmp1:
0x18: {  	_ = 	snop;
	(pc) =	sbr.rel @!p1 .LBB2_20-.Ltmp1, $1  }
0x19: {  	_ =	sdelay $0x3  }
.LBB2_1:
0x1a: {  	[dreg:$0x9] =	wrdreg s11  }
0x1b: {  	s10 =	rddreg [dreg:$0x2];
	s12 =	simm.s32 $0x1D900  }
0x1c: {  	[tilespmem:s12], [sflag:$0x9] =	stream.linear.gather [hbm4b:s10+s5], $0x80, $0x38;
	[tilespmem:$0x1D980] =	vst v63  }
0x1d: {  	_ =	swait.ge [sflag:s16], $0x80  }
0x1e: {  	[sflag:s16] =	ssyncset.done $0x0  }
0x1f: {  	[sflag:s16] =	ssyncadd.s32 $0xFFFFFF80  }
0x20: {  	v4 =	vld [tilespmem:$0x1D900]  }
0x21: {  	v3 =	vld [tilespmem:$0x1D910]  }
0x22: {  	s17 =	simm.s32 $0x13880;
	s13 =	rddreg [dreg:$0x5];
	v2 =	vld [tilespmem:$0x1D920]  }
0x23: {  	v1 =	vld [tilespmem:$0x1D930];
	[tilespmem:s17], [sflag:$0x9] =	stream.linear.gather [hbm4b:s13+s5], $0x2710, $0x38  }
0x24: {  	_ =	swait.ge [sflag:s16], $0x2710  }
0x25: {  	[sflag:s16] =	ssyncset.done $0x0  }
0x26: {  	s11 =	simm.s32 $0x200;
	s10 =	simm.s32 $0x0;
	[sflag:s16] =	ssyncadd.s32 $0xFFFFD8F0  }
.LBB2_2:
0x27: {  	p1 =	sne.s32 s11, $0x9E00;
	[tilespmem:s10+$0x16170] =	vst v0  }
0x28: {  	[tilespmem:s10+$0x16100] =	vst v0  }
0x29: {  	[tilespmem:s10+$0x16110] =	vst v0  }
.Ltmp2:
0x2a: {  	[tilespmem:s10+$0x16120] =	vst v0;
	(pc) =	sbr.rel @p1 .LBB2_2-.Ltmp2, $4  }
0x2b: {  	[tilespmem:s10+$0x16130] =	vst v0  }
0x2c: {  	[tilespmem:s10+$0x16140] =	vst v0  }
0x2d: {  	[tilespmem:s10+$0x16150] =	vst v0  }
0x2e: {  	[tilespmem:s10+$0x16160] =	vst v0;
	s10 =	sshra.s32 s11, $0x2;
	s11 =	sadd.s32 $0x200, s11  }
0x2f: {  	[tilespmem:s10+$0x16170] =	vst v0  }
0x30: {  	[tilespmem:s10+$0x16100] =	vst v0  }
0x31: {  	[tilespmem:s10+$0x16110] =	vst v0  }
.Ltmp3:
0x32: {  	[tilespmem:s10+$0x16120] =	vst v0;
	(pc) =	sbr.rel @p0 .LBB2_7-.Ltmp3, $4  }
0x33: {  	[tilespmem:s10+$0x16130] =	vst v0  }
0x34: {  	[tilespmem:s10+$0x16140] =	vst v0  }
0x35: {  	[tilespmem:s10+$0x16150] =	vst v0  }
0x36: {  	[tilespmem:s10+$0x16160] =	vst v0;
	s10 =	simm.s32 $0x0  }
0x37: {  	s11 =	sshra.s32 s10, $0x2  }
0x38: {  	s11 =	sadd.s32 s11, s14  }
0x39: {  	[spmem:s11] =	stream.linear.scatter [tilespmem:s18], [sflag:$0x9], $0x2800, $0x38;
	[tilespmem:$0x1D980] =	vst v63  }
0x3a: {  	s10 =	sadd.s32 $0xA000, s10;
	_ =	swait.ge [sflag:s16], $0x2800  }
.LBB2_5:
0x3b: {  	s11 =	sshra.s32 s10, $0x2;
	[sflag:s16] =	ssyncset.done $0x0;
	p1 =	sne.s32 s10, $0xF0000  }
.Ltmp4:
0x3c: {  	s11 =	sadd.s32 s11, s14;
	[sflag:s16] =	ssyncadd.s32 $0xFFFFD800;
	(pc) =	sbr.rel @p1 .LBB2_5-.Ltmp4, $3  }
0x3d: {  	[spmem:s11] =	stream.linear.scatter [tilespmem:s18], [sflag:$0x9], $0x2800, $0x38;
	[tilespmem:$0x1D980] =	vst v63  }
0x3e: {  	s10 =	sadd.s32 $0xA000, s10;
	_ =	sdelay $0x1  }
0x3f: {  	_ =	swait.ge [sflag:s16], $0x2800  }
0x40: {  	[sflag:s16] =	ssyncset.done $0x0  }
0x41: {  	[sflag:s16] =	ssyncadd.s32 $0xFFFFD800  }
.LBB2_7:
0x42: {  	[bflag:$0x0] =	sbarrier.arrive $0xFFFF;
	s10 =	simm.s32 $0x0  }
.LBB2_8:
0x43: {  	s11 =	smul.u32 $0xA0, s10;
	_ =	sdelay $0x1  }
0x44: {  	s12 =	sadd.s32 s6, s11  }
0x45: {  	s13 =	sshllo.u32 s10, $0x1;
	s12 =	sshrl.u32 s12, $0x3  }
0x46: {  	s17 =	smul.u32 $0x50, s13;
	s12 =	sadd.s32 s0, s12  }
0x47: {  	[tilespmem:s19], [sflag:$0x7] =	stream.linear.gather [hbm4b:s12+s15], $0x50, $0x38;
	[tilespmem:$0x1D980] =	vst v63  }
0x48: {  	s12 =	sadd.s32 s6, s17  }
0x49: {  	s12 =	sshrl.u32 s12, $0x3  }
0x4a: {  	s12 =	sadd.s32 s0, s12  }
0x4b: {  	[tilespmem:s20], [sflag:$0x8] =	stream.linear.gather [hbm4b:s12+s15], $0x50, $0x38;
	[tilespmem:$0x1D980] =	vst v63  }
0x4c: {  	s11 =	sadd.s32 $0x13880, s11;
	s12 =	smul.u32 $0x50, s10  }
0x4d: {  	[tilespmem:s18], [sflag:$0x1] =	stream.indirect.gather [hbm4b:s7+s21], $0x80, s11, s21, $0xb8;
	[tilespmem:$0x1D980] =	vst v63  }
0x4e: {  	s12 =	sadd.s32 s9, s12  }
0x4f: {  	s11 =	sshll.u32 s12, $0x4  }
0x50: {  	s12 =	sadd.s32 $0x13880, s17;
	s17 =	smul.u32 $0x28, s13;
	s11 =	sadd.s32 s8, s11  }
0x51: {  	[tilespmem:s22], [sflag:$0x3] =	stream.linear.gather [hbm4b:s11+s15], $0x1400, $0x38;
	[tilespmem:$0x1D980] =	vst v63  }
0x52: {  	s13 =	sadd.s32 s9, s17  }
0x53: {  	s11 =	sshll.u32 s13, $0x4  }
0x54: {  	[tilespmem:s23], [sflag:$0x2] =	stream.indirect.gather [hbm4b:s7+s21], $0x80, s12, s21, $0xb8;
	[tilespmem:$0x1D980] =	vst v63  }
0x55: {  	s11 =	sadd.s32 s8, s11  }
0x56: {  	[tilespmem:s25], [sflag:$0x4] =	stream.linear.gather [hbm4b:s11+s15], $0x1400, $0x38;
	[tilespmem:$0x1D980] =	vst v63  }
0x57: {  	_ =	swait.ge [sflag:s26], $0x2800  }
0x58: {  	[sflag:s26] =	ssyncset.done $0x0  }
0x59: {  	[sflag:s26] =	ssyncadd.s32 $0xFFFFD800  }
0x5a: {  	_ =	swait.ge [sflag:s28], $0x1400  }
0x5b: {  	[sflag:s28] =	ssyncset.done $0x0  }
0x5c: {  	s17 =	simm.s32 $0x0;
	[sflag:s28] =	ssyncadd.s32 $0xFFFFEC00  }
0x5d: {  	v5 =	vld [tilespmem:s17+$0x1B100]  }
0x5e: {  	s11 =	simm.s32 $0x16180  }
0x5f: {  	v6 =	vld [tilespmem:s11+$0xFFFFFF80];
	_ =	sdelay $0x2  }
0x60: {  	v5 =	vmul.f32 v5, v4;
	_ =	sdelay $0x1  }
0x61: {  	v5 =	vadd.f32 v5, v6;
	_ =	sdelay $0x1  }
0x62: {  	v5 =	vmax.f32 v5, $0.0e+00  }
0x63: {  	[tilespmem:s11+$0xFFFFFF80] =	vst v5  }
0x64: {  	v5 =	vld [tilespmem:s17+$0x1B110];
	_ =	sdelay $0x1  }
0x65: {  	v6 =	vld [tilespmem:s11+$0xFFFFFF90];
	_ =	sdelay $0x2  }
0x66: {  	v5 =	vmul.f32 v5, v3;
	_ =	sdelay $0x1  }
0x67: {  	v5 =	vadd.f32 v5, v6;
	_ =	sdelay $0x1  }
0x68: {  	v5 =	vmax.f32 v5, $0.0e+00  }
0x69: {  	[tilespmem:s11+$0xFFFFFF90] =	vst v5  }
0x6a: {  	v5 =	vld [tilespmem:s17+$0x1B120];
	_ =	sdelay $0x1  }
0x6b: {  	v6 =	vld [tilespmem:s11+$0xFFFFFFA0];
	_ =	sdelay $0x2  }
0x6c: {  	v5 =	vmul.f32 v5, v2;
	_ =	sdelay $0x1  }
0x6d: {  	v5 =	vadd.f32 v5, v6;
	_ =	sdelay $0x1  }
0x6e: {  	v5 =	vmax.f32 v5, $0.0e+00  }
0x6f: {  	[tilespmem:s11+$0xFFFFFFA0] =	vst v5  }
0x70: {  	v5 =	vld [tilespmem:s17+$0x1B130];
	_ =	sdelay $0x1  }
0x71: {  	v6 =	vld [tilespmem:s11+$0xFFFFFFB0];
	_ =	sdelay $0x2  }
0x72: {  	v5 =	vmul.f32 v5, v1;
	_ =	sdelay $0x1  }
0x73: {  	v5 =	vadd.f32 v5, v6;
	_ =	sdelay $0x1  }
0x74: {  	v5 =	vmax.f32 v5, $0.0e+00  }
0x75: {  	[tilespmem:s11+$0xFFFFFFB0] =	vst v5  }
0x76: {  	v5 =	vld [tilespmem:s17+$0x1B140];
	_ =	sdelay $0x1  }
0x77: {  	v6 =	vld [tilespmem:s11+$0x0];
	_ =	sdelay $0x2  }
0x78: {  	v5 =	vmul.f32 v5, v4;
	_ =	sdelay $0x1  }
0x79: {  	v5 =	vadd.f32 v5, v6;
	_ =	sdelay $0x1  }
0x7a: {  	v5 =	vmax.f32 v5, $0.0e+00  }
0x7b: {  	[tilespmem:s11+$0x0] =	vst v5  }
0x7c: {  	v5 =	vld [tilespmem:s17+$0x1B150];
	_ =	sdelay $0x1  }
0x7d: {  	v6 =	vld [tilespmem:s11+$0x10];
	_ =	sdelay $0x2  }
0x7e: {  	v5 =	vmul.f32 v5, v3;
	_ =	sdelay $0x1  }
0x7f: {  	v5 =	vadd.f32 v5, v6;
	_ =	sdelay $0x1  }
0x80: {  	v5 =	vmax.f32 v5, $0.0e+00  }
0x81: {  	[tilespmem:s11+$0x10] =	vst v5  }
0x82: {  	v5 =	vld [tilespmem:s17+$0x1B160];
	_ =	sdelay $0x1  }
0x83: {  	v6 =	vld [tilespmem:s11+$0x20];
	_ =	sdelay $0x2  }
0x84: {  	v5 =	vmul.f32 v5, v2;
	_ =	sdelay $0x1  }
0x85: {  	v5 =	vadd.f32 v5, v6;
	_ =	sdelay $0x1  }
0x86: {  	v5 =	vmax.f32 v5, $0.0e+00  }
0x87: {  	[tilespmem:s11+$0x20] =	vst v5  }
0x88: {  	v5 =	vld [tilespmem:s17+$0x1B170];
	_ =	sdelay $0x1  }
0x89: {  	v6 =	vld [tilespmem:s11+$0x30];
	_ =	sdelay $0x2  }
0x8a: {  	v5 =	vmul.f32 v5, v1;
	_ =	sdelay $0x1  }
0x8b: {  	v5 =	vadd.f32 v5, v6;
	_ =	sdelay $0x1  }
0x8c: {  	v5 =	vmax.f32 v5, $0.0e+00  }
0x8d: {  	s13 =	simm.s32 $0x400;
	s12 =	simm.s32 $0x80;
	[tilespmem:s11+$0x30] =	vst v5  }
.LBB2_9:
0x8e: {  	p1 =	sne.s32 s13, $0x4E00;
	v5 =	vld [tilespmem:s12+$0x1B100]  }
0x8f: {  	s11 =	sadd.s32 $0x100, s11  }
0x90: {  	v6 =	vld [tilespmem:s11+$0xFFFFFF80];
	_ =	sdelay $0x2  }
0x91: {  	v5 =	vmul.f32 v5, v4;
	_ =	sdelay $0x1  }
0x92: {  	v5 =	vadd.f32 v5, v6;
	_ =	sdelay $0x1  }
0x93: {  	v5 =	vmax.f32 v5, $0.0e+00  }
0x94: {  	[tilespmem:s11+$0xFFFFFF80] =	vst v5  }
0x95: {  	v5 =	vld [tilespmem:s12+$0x1B110];
	_ =	sdelay $0x1  }
0x96: {  	v6 =	vld [tilespmem:s11+$0xFFFFFF90];
	_ =	sdelay $0x2  }
0x97: {  	v5 =	vmul.f32 v5, v3;
	_ =	sdelay $0x1  }
0x98: {  	v5 =	vadd.f32 v5, v6;
	_ =	sdelay $0x1  }
0x99: {  	v5 =	vmax.f32 v5, $0.0e+00  }
0x9a: {  	[tilespmem:s11+$0xFFFFFF90] =	vst v5  }
0x9b: {  	v5 =	vld [tilespmem:s12+$0x1B120];
	_ =	sdelay $0x1  }
0x9c: {  	v6 =	vld [tilespmem:s11+$0xFFFFFFA0];
	_ =	sdelay $0x2  }
0x9d: {  	v5 =	vmul.f32 v5, v2;
	_ =	sdelay $0x1  }
0x9e: {  	v5 =	vadd.f32 v5, v6;
	_ =	sdelay $0x1  }
0x9f: {  	v5 =	vmax.f32 v5, $0.0e+00  }
0xa0: {  	[tilespmem:s11+$0xFFFFFFA0] =	vst v5  }
0xa1: {  	v5 =	vld [tilespmem:s12+$0x1B130];
	_ =	sdelay $0x1  }
0xa2: {  	v6 =	vld [tilespmem:s11+$0xFFFFFFB0];
	_ =	sdelay $0x2  }
0xa3: {  	v5 =	vmul.f32 v5, v1;
	_ =	sdelay $0x1  }
0xa4: {  	v5 =	vadd.f32 v5, v6;
	_ =	sdelay $0x1  }
0xa5: {  	v5 =	vmax.f32 v5, $0.0e+00  }
0xa6: {  	[tilespmem:s11+$0xFFFFFFB0] =	vst v5  }
0xa7: {  	v5 =	vld [tilespmem:s12+$0x1B140];
	_ =	sdelay $0x1  }
0xa8: {  	v6 =	vld [tilespmem:s11+$0x0];
	_ =	sdelay $0x2  }
0xa9: {  	v5 =	vmul.f32 v5, v4;
	_ =	sdelay $0x1  }
0xaa: {  	v5 =	vadd.f32 v5, v6;
	_ =	sdelay $0x1  }
0xab: {  	v5 =	vmax.f32 v5, $0.0e+00  }
0xac: {  	[tilespmem:s11+$0x0] =	vst v5  }
0xad: {  	v5 =	vld [tilespmem:s12+$0x1B150];
	_ =	sdelay $0x1  }
0xae: {  	v6 =	vld [tilespmem:s11+$0x10];
	_ =	sdelay $0x2  }
0xaf: {  	v5 =	vmul.f32 v5, v3;
	_ =	sdelay $0x1  }
0xb0: {  	v5 =	vadd.f32 v5, v6;
	_ =	sdelay $0x1  }
0xb1: {  	v5 =	vmax.f32 v5, $0.0e+00  }
0xb2: {  	[tilespmem:s11+$0x10] =	vst v5  }
0xb3: {  	v5 =	vld [tilespmem:s12+$0x1B160];
	_ =	sdelay $0x1  }
0xb4: {  	v6 =	vld [tilespmem:s11+$0x20];
	_ =	sdelay $0x2  }
0xb5: {  	v5 =	vmul.f32 v5, v2;
	_ =	sdelay $0x1  }
0xb6: {  	v5 =	vadd.f32 v5, v6;
	_ =	sdelay $0x1  }
0xb7: {  	v5 =	vmax.f32 v5, $0.0e+00  }
0xb8: {  	[tilespmem:s11+$0x20] =	vst v5  }
0xb9: {  	v5 =	vld [tilespmem:s12+$0x1B170];
	_ =	sdelay $0x1  }
0xba: {  	v6 =	vld [tilespmem:s11+$0x30];
	_ =	sdelay $0x2  }
0xbb: {  	v5 =	vmul.f32 v5, v1  }
.Ltmp5:
0xbc: {  	(pc) =	sbr.rel @p1 .LBB2_9-.Ltmp5, $3  }
0xbd: {  	v5 =	vadd.f32 v5, v6;
	_ =	sdelay $0x1  }
0xbe: {  	v5 =	vmax.f32 v5, $0.0e+00  }
0xbf: {  	s12 =	sshra.s32 s13, $0x2;
	s13 =	sadd.s32 $0x200, s13;
	[tilespmem:s11+$0x30] =	vst v5  }
0xc0: {  	v5 =	vld [tilespmem:s12+$0x1B100]  }
0xc1: {  	s11 =	sadd.s32 $0x100, s11  }
0xc2: {  	v6 =	vld [tilespmem:s11+$0xFFFFFF80];
	_ =	sdelay $0x2  }
0xc3: {  	v5 =	vmul.f32 v5, v4;
	_ =	sdelay $0x1  }
0xc4: {  	v5 =	vadd.f32 v5, v6;
	_ =	sdelay $0x1  }
0xc5: {  	v5 =	vmax.f32 v5, $0.0e+00  }
0xc6: {  	[tilespmem:s11+$0xFFFFFF80] =	vst v5  }
0xc7: {  	v5 =	vld [tilespmem:s12+$0x1B110];
	_ =	sdelay $0x1  }
0xc8: {  	v6 =	vld [tilespmem:s11+$0xFFFFFF90];
	_ =	sdelay $0x2  }
0xc9: {  	v5 =	vmul.f32 v5, v3;
	_ =	sdelay $0x1  }
0xca: {  	v5 =	vadd.f32 v5, v6;
	_ =	sdelay $0x1  }
0xcb: {  	v5 =	vmax.f32 v5, $0.0e+00  }
0xcc: {  	[tilespmem:s11+$0xFFFFFF90] =	vst v5  }
0xcd: {  	v5 =	vld [tilespmem:s12+$0x1B120];
	_ =	sdelay $0x1  }
0xce: {  	v6 =	vld [tilespmem:s11+$0xFFFFFFA0];
	_ =	sdelay $0x2  }
0xcf: {  	v5 =	vmul.f32 v5, v2;
	_ =	sdelay $0x1  }
0xd0: {  	v5 =	vadd.f32 v5, v6;
	_ =	sdelay $0x1  }
0xd1: {  	v5 =	vmax.f32 v5, $0.0e+00  }
0xd2: {  	[tilespmem:s11+$0xFFFFFFA0] =	vst v5  }
0xd3: {  	v5 =	vld [tilespmem:s12+$0x1B130];
	_ =	sdelay $0x1  }
0xd4: {  	v6 =	vld [tilespmem:s11+$0xFFFFFFB0];
	_ =	sdelay $0x2  }
0xd5: {  	v5 =	vmul.f32 v5, v1;
	_ =	sdelay $0x1  }
0xd6: {  	v5 =	vadd.f32 v5, v6;
	_ =	sdelay $0x1  }
0xd7: {  	v5 =	vmax.f32 v5, $0.0e+00  }
0xd8: {  	[tilespmem:s11+$0xFFFFFFB0] =	vst v5  }
0xd9: {  	v5 =	vld [tilespmem:s12+$0x1B140];
	_ =	sdelay $0x1  }
0xda: {  	v6 =	vld [tilespmem:s11+$0x0];
	_ =	sdelay $0x2  }
0xdb: {  	v5 =	vmul.f32 v5, v4;
	_ =	sdelay $0x1  }
0xdc: {  	v5 =	vadd.f32 v5, v6;
	_ =	sdelay $0x1  }
0xdd: {  	v5 =	vmax.f32 v5, $0.0e+00  }
0xde: {  	[tilespmem:s11+$0x0] =	vst v5  }
0xdf: {  	v5 =	vld [tilespmem:s12+$0x1B150];
	_ =	sdelay $0x1  }
0xe0: {  	v6 =	vld [tilespmem:s11+$0x10];
	_ =	sdelay $0x2  }
0xe1: {  	v5 =	vmul.f32 v5, v3;
	_ =	sdelay $0x1  }
0xe2: {  	v5 =	vadd.f32 v5, v6;
	_ =	sdelay $0x1  }
0xe3: {  	v5 =	vmax.f32 v5, $0.0e+00  }
0xe4: {  	[tilespmem:s11+$0x10] =	vst v5  }
0xe5: {  	v5 =	vld [tilespmem:s12+$0x1B160];
	_ =	sdelay $0x1  }
0xe6: {  	v6 =	vld [tilespmem:s11+$0x20];
	_ =	sdelay $0x2  }
0xe7: {  	v5 =	vmul.f32 v5, v2;
	_ =	sdelay $0x1  }
0xe8: {  	v5 =	vadd.f32 v5, v6;
	_ =	sdelay $0x1  }
0xe9: {  	v5 =	vmax.f32 v5, $0.0e+00  }
0xea: {  	[tilespmem:s11+$0x20] =	vst v5  }
0xeb: {  	v5 =	vld [tilespmem:s12+$0x1B170];
	_ =	sdelay $0x1  }
0xec: {  	v6 =	vld [tilespmem:s11+$0x30];
	_ =	sdelay $0x2  }
0xed: {  	v5 =	vmul.f32 v5, v1;
	_ =	sdelay $0x1  }
0xee: {  	v5 =	vadd.f32 v5, v6;
	_ =	sdelay $0x1  }
0xef: {  	v5 =	vmax.f32 v5, $0.0e+00  }
0xf0: {  	[tilespmem:s11+$0x30] =	vst v5  }
0xf1: {  	_ =	swait.ge [sflag:s29], $0x50  }
0xf2: {  	[sflag:s29] =	ssyncset.done $0x0  }
0xf3: {  	[sflag:s29] =	ssyncadd.s32 $0xFFFFFFB0  }
0xf4: {  	[spmem:s4] =	stream.indirect.scatter.add.f32 [tilespmem:s18], [sflag:$0x5], $0x80, s19, s21, $0xb8;
	[tilespmem:$0x1D980] =	vst v63  }
0xf5: {  	_ =	swait.ge [sflag:s30], $0x2800  }
0xf6: {  	[sflag:s30] =	ssyncset.done $0x0  }
0xf7: {  	[sflag:s30] =	ssyncadd.s32 $0xFFFFD800  }
0xf8: {  	_ =	swait.ge [sflag:s31], $0x1400  }
0xf9: {  	[sflag:s31] =	ssyncset.done $0x0  }
0xfa: {  	s17 =	simm.s32 $0x0;
	[sflag:s31] =	ssyncadd.s32 $0xFFFFEC00  }
0xfb: {  	v5 =	vld [tilespmem:s17+$0x1C500]  }
0xfc: {  	s11 =	simm.s32 $0x18980  }
0xfd: {  	v6 =	vld [tilespmem:s11+$0xFFFFFF80];
	_ =	sdelay $0x2  }
0xfe: {  	v5 =	vmul.f32 v5, v4;
	_ =	sdelay $0x1  }
0xff: {  	v5 =	vadd.f32 v5, v6;
	_ =	sdelay $0x1  }
0x100: {  	v5 =	vmax.f32 v5, $0.0e+00  }
0x101: {  	[tilespmem:s11+$0xFFFFFF80] =	vst v5  }
0x102: {  	v5 =	vld [tilespmem:s17+$0x1C510];
	_ =	sdelay $0x1  }
0x103: {  	v6 =	vld [tilespmem:s11+$0xFFFFFF90];
	_ =	sdelay $0x2  }
0x104: {  	v5 =	vmul.f32 v5, v3;
	_ =	sdelay $0x1  }
0x105: {  	v5 =	vadd.f32 v5, v6;
	_ =	sdelay $0x1  }
0x106: {  	v5 =	vmax.f32 v5, $0.0e+00  }
0x107: {  	[tilespmem:s11+$0xFFFFFF90] =	vst v5  }
0x108: {  	v5 =	vld [tilespmem:s17+$0x1C520];
	_ =	sdelay $0x1  }
0x109: {  	v6 =	vld [tilespmem:s11+$0xFFFFFFA0];
	_ =	sdelay $0x2  }
0x10a: {  	v5 =	vmul.f32 v5, v2;
	_ =	sdelay $0x1  }
0x10b: {  	v5 =	vadd.f32 v5, v6;
	_ =	sdelay $0x1  }
0x10c: {  	v5 =	vmax.f32 v5, $0.0e+00  }
0x10d: {  	[tilespmem:s11+$0xFFFFFFA0] =	vst v5  }
0x10e: {  	v5 =	vld [tilespmem:s17+$0x1C530];
	_ =	sdelay $0x1  }
0x10f: {  	v6 =	vld [tilespmem:s11+$0xFFFFFFB0];
	_ =	sdelay $0x2  }
0x110: {  	v5 =	vmul.f32 v5, v1;
	_ =	sdelay $0x1  }
0x111: {  	v5 =	vadd.f32 v5, v6;
	_ =	sdelay $0x1  }
0x112: {  	v5 =	vmax.f32 v5, $0.0e+00  }
0x113: {  	[tilespmem:s11+$0xFFFFFFB0] =	vst v5  }
0x114: {  	v5 =	vld [tilespmem:s17+$0x1C540];
	_ =	sdelay $0x1  }
0x115: {  	v6 =	vld [tilespmem:s11+$0x0];
	_ =	sdelay $0x2  }
0x116: {  	v5 =	vmul.f32 v5, v4;
	_ =	sdelay $0x1  }
0x117: {  	v5 =	vadd.f32 v5, v6;
	_ =	sdelay $0x1  }
0x118: {  	v5 =	vmax.f32 v5, $0.0e+00  }
0x119: {  	[tilespmem:s11+$0x0] =	vst v5  }
0x11a: {  	v5 =	vld [tilespmem:s17+$0x1C550];
	_ =	sdelay $0x1  }
0x11b: {  	v6 =	vld [tilespmem:s11+$0x10];
	_ =	sdelay $0x2  }
0x11c: {  	v5 =	vmul.f32 v5, v3;
	_ =	sdelay $0x1  }
0x11d: {  	v5 =	vadd.f32 v5, v6;
	_ =	sdelay $0x1  }
0x11e: {  	v5 =	vmax.f32 v5, $0.0e+00  }
0x11f: {  	[tilespmem:s11+$0x10] =	vst v5  }
0x120: {  	v5 =	vld [tilespmem:s17+$0x1C560];
	_ =	sdelay $0x1  }
0x121: {  	v6 =	vld [tilespmem:s11+$0x20];
	_ =	sdelay $0x2  }
0x122: {  	v5 =	vmul.f32 v5, v2;
	_ =	sdelay $0x1  }
0x123: {  	v5 =	vadd.f32 v5, v6;
	_ =	sdelay $0x1  }
0x124: {  	v5 =	vmax.f32 v5, $0.0e+00  }
0x125: {  	[tilespmem:s11+$0x20] =	vst v5  }
0x126: {  	v5 =	vld [tilespmem:s17+$0x1C570];
	_ =	sdelay $0x1  }
0x127: {  	v6 =	vld [tilespmem:s11+$0x30];
	_ =	sdelay $0x2  }
0x128: {  	v5 =	vmul.f32 v5, v1;
	_ =	sdelay $0x1  }
0x129: {  	v5 =	vadd.f32 v5, v6;
	_ =	sdelay $0x1  }
0x12a: {  	v5 =	vmax.f32 v5, $0.0e+00  }
0x12b: {  	s13 =	simm.s32 $0x400;
	s12 =	simm.s32 $0x80;
	[tilespmem:s11+$0x30] =	vst v5  }
.LBB2_11:
0x12c: {  	p1 =	sne.s32 s13, $0x4E00;
	v5 =	vld [tilespmem:s12+$0x1C500]  }
0x12d: {  	s11 =	sadd.s32 $0x100, s11  }
0x12e: {  	v6 =	vld [tilespmem:s11+$0xFFFFFF80];
	_ =	sdelay $0x2  }
0x12f: {  	v5 =	vmul.f32 v5, v4;
	_ =	sdelay $0x1  }
0x130: {  	v5 =	vadd.f32 v5, v6;
	_ =	sdelay $0x1  }
0x131: {  	v5 =	vmax.f32 v5, $0.0e+00  }
0x132: {  	[tilespmem:s11+$0xFFFFFF80] =	vst v5  }
0x133: {  	v5 =	vld [tilespmem:s12+$0x1C510];
	_ =	sdelay $0x1  }
0x134: {  	v6 =	vld [tilespmem:s11+$0xFFFFFF90];
	_ =	sdelay $0x2  }
0x135: {  	v5 =	vmul.f32 v5, v3;
	_ =	sdelay $0x1  }
0x136: {  	v5 =	vadd.f32 v5, v6;
	_ =	sdelay $0x1  }
0x137: {  	v5 =	vmax.f32 v5, $0.0e+00  }
0x138: {  	[tilespmem:s11+$0xFFFFFF90] =	vst v5  }
0x139: {  	v5 =	vld [tilespmem:s12+$0x1C520];
	_ =	sdelay $0x1  }
0x13a: {  	v6 =	vld [tilespmem:s11+$0xFFFFFFA0];
	_ =	sdelay $0x2  }
0x13b: {  	v5 =	vmul.f32 v5, v2;
	_ =	sdelay $0x1  }
0x13c: {  	v5 =	vadd.f32 v5, v6;
	_ =	sdelay $0x1  }
0x13d: {  	v5 =	vmax.f32 v5, $0.0e+00  }
0x13e: {  	[tilespmem:s11+$0xFFFFFFA0] =	vst v5  }
0x13f: {  	v5 =	vld [tilespmem:s12+$0x1C530];
	_ =	sdelay $0x1  }
0x140: {  	v6 =	vld [tilespmem:s11+$0xFFFFFFB0];
	_ =	sdelay $0x2  }
0x141: {  	v5 =	vmul.f32 v5, v1;
	_ =	sdelay $0x1  }
0x142: {  	v5 =	vadd.f32 v5, v6;
	_ =	sdelay $0x1  }
0x143: {  	v5 =	vmax.f32 v5, $0.0e+00  }
0x144: {  	[tilespmem:s11+$0xFFFFFFB0] =	vst v5  }
0x145: {  	v5 =	vld [tilespmem:s12+$0x1C540];
	_ =	sdelay $0x1  }
0x146: {  	v6 =	vld [tilespmem:s11+$0x0];
	_ =	sdelay $0x2  }
0x147: {  	v5 =	vmul.f32 v5, v4;
	_ =	sdelay $0x1  }
0x148: {  	v5 =	vadd.f32 v5, v6;
	_ =	sdelay $0x1  }
0x149: {  	v5 =	vmax.f32 v5, $0.0e+00  }
0x14a: {  	[tilespmem:s11+$0x0] =	vst v5  }
0x14b: {  	v5 =	vld [tilespmem:s12+$0x1C550];
	_ =	sdelay $0x1  }
0x14c: {  	v6 =	vld [tilespmem:s11+$0x10];
	_ =	sdelay $0x2  }
0x14d: {  	v5 =	vmul.f32 v5, v3;
	_ =	sdelay $0x1  }
0x14e: {  	v5 =	vadd.f32 v5, v6;
	_ =	sdelay $0x1  }
0x14f: {  	v5 =	vmax.f32 v5, $0.0e+00  }
0x150: {  	[tilespmem:s11+$0x10] =	vst v5  }
0x151: {  	v5 =	vld [tilespmem:s12+$0x1C560];
	_ =	sdelay $0x1  }
0x152: {  	v6 =	vld [tilespmem:s11+$0x20];
	_ =	sdelay $0x2  }
0x153: {  	v5 =	vmul.f32 v5, v2;
	_ =	sdelay $0x1  }
0x154: {  	v5 =	vadd.f32 v5, v6;
	_ =	sdelay $0x1  }
0x155: {  	v5 =	vmax.f32 v5, $0.0e+00  }
0x156: {  	[tilespmem:s11+$0x20] =	vst v5  }
0x157: {  	v5 =	vld [tilespmem:s12+$0x1C570];
	_ =	sdelay $0x1  }
0x158: {  	v6 =	vld [tilespmem:s11+$0x30];
	_ =	sdelay $0x2  }
0x159: {  	v5 =	vmul.f32 v5, v1  }
.Ltmp6:
0x15a: {  	(pc) =	sbr.rel @p1 .LBB2_11-.Ltmp6, $3  }
0x15b: {  	v5 =	vadd.f32 v5, v6;
	_ =	sdelay $0x1  }
0x15c: {  	v5 =	vmax.f32 v5, $0.0e+00  }
0x15d: {  	s12 =	sshra.s32 s13, $0x2;
	s13 =	sadd.s32 $0x200, s13;
	[tilespmem:s11+$0x30] =	vst v5  }
0x15e: {  	v5 =	vld [tilespmem:s12+$0x1C500]  }
0x15f: {  	s11 =	sadd.s32 $0x100, s11  }
0x160: {  	v6 =	vld [tilespmem:s11+$0xFFFFFF80];
	_ =	sdelay $0x2  }
0x161: {  	v5 =	vmul.f32 v5, v4;
	_ =	sdelay $0x1  }
0x162: {  	v5 =	vadd.f32 v5, v6;
	_ =	sdelay $0x1  }
0x163: {  	v5 =	vmax.f32 v5, $0.0e+00  }
0x164: {  	[tilespmem:s11+$0xFFFFFF80] =	vst v5  }
0x165: {  	v5 =	vld [tilespmem:s12+$0x1C510];
	_ =	sdelay $0x1  }
0x166: {  	v6 =	vld [tilespmem:s11+$0xFFFFFF90];
	_ =	sdelay $0x2  }
0x167: {  	v5 =	vmul.f32 v5, v3;
	_ =	sdelay $0x1  }
0x168: {  	v5 =	vadd.f32 v5, v6;
	_ =	sdelay $0x1  }
0x169: {  	v5 =	vmax.f32 v5, $0.0e+00  }
0x16a: {  	[tilespmem:s11+$0xFFFFFF90] =	vst v5  }
0x16b: {  	v5 =	vld [tilespmem:s12+$0x1C520];
	_ =	sdelay $0x1  }
0x16c: {  	v6 =	vld [tilespmem:s11+$0xFFFFFFA0];
	_ =	sdelay $0x2  }
0x16d: {  	v5 =	vmul.f32 v5, v2;
	_ =	sdelay $0x1  }
0x16e: {  	v5 =	vadd.f32 v5, v6;
	_ =	sdelay $0x1  }
0x16f: {  	v5 =	vmax.f32 v5, $0.0e+00  }
0x170: {  	[tilespmem:s11+$0xFFFFFFA0] =	vst v5  }
0x171: {  	v5 =	vld [tilespmem:s12+$0x1C530];
	_ =	sdelay $0x1  }
0x172: {  	v6 =	vld [tilespmem:s11+$0xFFFFFFB0];
	_ =	sdelay $0x2  }
0x173: {  	v5 =	vmul.f32 v5, v1;
	_ =	sdelay $0x1  }
0x174: {  	v5 =	vadd.f32 v5, v6;
	_ =	sdelay $0x1  }
0x175: {  	v5 =	vmax.f32 v5, $0.0e+00  }
0x176: {  	[tilespmem:s11+$0xFFFFFFB0] =	vst v5  }
0x177: {  	v5 =	vld [tilespmem:s12+$0x1C540];
	_ =	sdelay $0x1  }
0x178: {  	v6 =	vld [tilespmem:s11+$0x0];
	_ =	sdelay $0x2  }
0x179: {  	v5 =	vmul.f32 v5, v4;
	_ =	sdelay $0x1  }
0x17a: {  	v5 =	vadd.f32 v5, v6;
	_ =	sdelay $0x1  }
0x17b: {  	v5 =	vmax.f32 v5, $0.0e+00  }
0x17c: {  	[tilespmem:s11+$0x0] =	vst v5  }
0x17d: {  	v5 =	vld [tilespmem:s12+$0x1C550];
	_ =	sdelay $0x1  }
0x17e: {  	v6 =	vld [tilespmem:s11+$0x10];
	_ =	sdelay $0x2  }
0x17f: {  	v5 =	vmul.f32 v5, v3;
	_ =	sdelay $0x1  }
0x180: {  	v5 =	vadd.f32 v5, v6;
	_ =	sdelay $0x1  }
0x181: {  	v5 =	vmax.f32 v5, $0.0e+00  }
0x182: {  	[tilespmem:s11+$0x10] =	vst v5  }
0x183: {  	v5 =	vld [tilespmem:s12+$0x1C560];
	_ =	sdelay $0x1  }
0x184: {  	v6 =	vld [tilespmem:s11+$0x20];
	_ =	sdelay $0x2  }
0x185: {  	v5 =	vmul.f32 v5, v2;
	_ =	sdelay $0x1  }
0x186: {  	v5 =	vadd.f32 v5, v6;
	_ =	sdelay $0x1  }
0x187: {  	v5 =	vmax.f32 v5, $0.0e+00  }
0x188: {  	[tilespmem:s11+$0x20] =	vst v5  }
0x189: {  	v5 =	vld [tilespmem:s12+$0x1C570];
	_ =	sdelay $0x1  }
0x18a: {  	v6 =	vld [tilespmem:s11+$0x30];
	_ =	sdelay $0x2  }
0x18b: {  	v5 =	vmul.f32 v5, v1;
	_ =	sdelay $0x1  }
0x18c: {  	v5 =	vadd.f32 v5, v6;
	_ =	sdelay $0x1  }
0x18d: {  	v5 =	vmax.f32 v5, $0.0e+00  }
0x18e: {  	[tilespmem:s11+$0x30] =	vst v5  }
0x18f: {  	_ =	swait.ge [sflag:s1], $0x50  }
0x190: {  	[sflag:s1] =	ssyncset.done $0x0  }
0x191: {  	s10 =	sadd.s32 $0x1, s10;
	[sflag:s1] =	ssyncadd.s32 $0xFFFFFFB0  }
0x192: {  	[spmem:s4] =	stream.indirect.scatter.add.f32 [tilespmem:s23], [sflag:$0x6], $0x80, s20, s21, $0xb8;
	[tilespmem:$0x1D980] =	vst v63  }
0x193: {  	p1 =	sne.s32 s10, $0x3E;
	_ =	swait.ge [sflag:s2], $0x2800  }
.Ltmp7:
0x194: {  	[sflag:s2] =	ssyncset.done $0x0;
	(pc) =	sbr.rel @p1 .LBB2_8-.Ltmp7, $4  }
0x195: {  	[sflag:s2] =	ssyncadd.s32 $0xFFFFD800  }
0x196: {  	_ =	swait.ge [sflag:s3], $0x2800  }
0x197: {  	[sflag:s3] =	ssyncset.done $0x0  }
0x198: {  	[sflag:s3] =	ssyncadd.s32 $0xFFFFD800  }
0x199: {  	s10 =	simm.s32 $0x0;
	s11 =	rddreg [dreg:$0x6]  }
0x19a: {  	[tilespmem:s19], [sflag:$0x7] =	stream.linear.gather [hbm4b:s11+s10], $0x50, $0x38;
	[tilespmem:$0x1D980] =	vst v63  }
0x19b: {  	s12 =	simm.s32 $0x15F40  }
0x19c: {  	[tilespmem:s18], [sflag:$0x1] =	stream.indirect.gather [hbm4b:s7+s21], $0x80, s12, s21, $0xb8;
	[tilespmem:$0x1D980] =	vst v63  }
0x19d: {  	s13 =	rddreg [dreg:$0x7]  }
0x19e: {  	[tilespmem:s22], [sflag:$0x3] =	stream.linear.gather [hbm4b:s13+s10], $0x1400, $0x38;
	[tilespmem:$0x1D980] =	vst v63  }
0x19f: {  	_ =	swait.ge [sflag:s26], $0x2800  }
0x1a0: {  	[sflag:s26] =	ssyncset.done $0x0  }
0x1a1: {  	[sflag:s26] =	ssyncadd.s32 $0xFFFFD800  }
0x1a2: {  	_ =	swait.ge [sflag:s28], $0x1400  }
0x1a3: {  	[sflag:s28] =	ssyncset.done $0x0  }
0x1a4: {  	s17 =	simm.s32 $0x0;
	[sflag:s28] =	ssyncadd.s32 $0xFFFFEC00  }
0x1a5: {  	v5 =	vld [tilespmem:s17+$0x1B100]  }
0x1a6: {  	s10 =	simm.s32 $0x16180  }
0x1a7: {  	v6 =	vld [tilespmem:s10+$0xFFFFFF80];
	_ =	sdelay $0x2  }
0x1a8: {  	v5 =	vmul.f32 v5, v4;
	_ =	sdelay $0x1  }
0x1a9: {  	v5 =	vadd.f32 v5, v6;
	_ =	sdelay $0x1  }
0x1aa: {  	v5 =	vmax.f32 v5, $0.0e+00  }
0x1ab: {  	[tilespmem:s10+$0xFFFFFF80] =	vst v5  }
0x1ac: {  	v5 =	vld [tilespmem:s17+$0x1B110];
	_ =	sdelay $0x1  }
0x1ad: {  	v6 =	vld [tilespmem:s10+$0xFFFFFF90];
	_ =	sdelay $0x2  }
0x1ae: {  	v5 =	vmul.f32 v5, v3;
	_ =	sdelay $0x1  }
0x1af: {  	v5 =	vadd.f32 v5, v6;
	_ =	sdelay $0x1  }
0x1b0: {  	v5 =	vmax.f32 v5, $0.0e+00  }
0x1b1: {  	[tilespmem:s10+$0xFFFFFF90] =	vst v5  }
0x1b2: {  	v5 =	vld [tilespmem:s17+$0x1B120];
	_ =	sdelay $0x1  }
0x1b3: {  	v6 =	vld [tilespmem:s10+$0xFFFFFFA0];
	_ =	sdelay $0x2  }
0x1b4: {  	v5 =	vmul.f32 v5, v2;
	_ =	sdelay $0x1  }
0x1b5: {  	v5 =	vadd.f32 v5, v6;
	_ =	sdelay $0x1  }
0x1b6: {  	v5 =	vmax.f32 v5, $0.0e+00  }
0x1b7: {  	[tilespmem:s10+$0xFFFFFFA0] =	vst v5  }
0x1b8: {  	v5 =	vld [tilespmem:s17+$0x1B130];
	_ =	sdelay $0x1  }
0x1b9: {  	v6 =	vld [tilespmem:s10+$0xFFFFFFB0];
	_ =	sdelay $0x2  }
0x1ba: {  	v5 =	vmul.f32 v5, v1;
	_ =	sdelay $0x1  }
0x1bb: {  	v5 =	vadd.f32 v5, v6;
	_ =	sdelay $0x1  }
0x1bc: {  	v5 =	vmax.f32 v5, $0.0e+00  }
0x1bd: {  	[tilespmem:s10+$0xFFFFFFB0] =	vst v5  }
0x1be: {  	v5 =	vld [tilespmem:s17+$0x1B140];
	_ =	sdelay $0x1  }
0x1bf: {  	v6 =	vld [tilespmem:s10+$0x0];
	_ =	sdelay $0x2  }
0x1c0: {  	v5 =	vmul.f32 v5, v4;
	_ =	sdelay $0x1  }
0x1c1: {  	v5 =	vadd.f32 v5, v6;
	_ =	sdelay $0x1  }
0x1c2: {  	v5 =	vmax.f32 v5, $0.0e+00  }
0x1c3: {  	[tilespmem:s10+$0x0] =	vst v5  }
0x1c4: {  	v5 =	vld [tilespmem:s17+$0x1B150];
	_ =	sdelay $0x1  }
0x1c5: {  	v6 =	vld [tilespmem:s10+$0x10];
	_ =	sdelay $0x2  }
0x1c6: {  	v5 =	vmul.f32 v5, v3;
	_ =	sdelay $0x1  }
0x1c7: {  	v5 =	vadd.f32 v5, v6;
	_ =	sdelay $0x1  }
0x1c8: {  	v5 =	vmax.f32 v5, $0.0e+00  }
0x1c9: {  	[tilespmem:s10+$0x10] =	vst v5  }
0x1ca: {  	v5 =	vld [tilespmem:s17+$0x1B160];
	_ =	sdelay $0x1  }
0x1cb: {  	v6 =	vld [tilespmem:s10+$0x20];
	_ =	sdelay $0x2  }
0x1cc: {  	v5 =	vmul.f32 v5, v2;
	_ =	sdelay $0x1  }
0x1cd: {  	v5 =	vadd.f32 v5, v6;
	_ =	sdelay $0x1  }
0x1ce: {  	v5 =	vmax.f32 v5, $0.0e+00  }
0x1cf: {  	[tilespmem:s10+$0x20] =	vst v5  }
0x1d0: {  	v5 =	vld [tilespmem:s17+$0x1B170];
	_ =	sdelay $0x1  }
0x1d1: {  	v6 =	vld [tilespmem:s10+$0x30];
	_ =	sdelay $0x2  }
0x1d2: {  	v5 =	vmul.f32 v5, v1;
	_ =	sdelay $0x1  }
0x1d3: {  	v5 =	vadd.f32 v5, v6;
	_ =	sdelay $0x1  }
0x1d4: {  	v5 =	vmax.f32 v5, $0.0e+00  }
0x1d5: {  	s11 =	simm.s32 $0x80;
	s12 =	simm.s32 $0x400;
	[tilespmem:s10+$0x30] =	vst v5  }
.LBB2_14:
0x1d6: {  	p1 =	sne.s32 s12, $0x4E00;
	v5 =	vld [tilespmem:s11+$0x1B100]  }
0x1d7: {  	s10 =	sadd.s32 $0x100, s10  }
0x1d8: {  	v6 =	vld [tilespmem:s10+$0xFFFFFF80];
	_ =	sdelay $0x2  }
0x1d9: {  	v5 =	vmul.f32 v5, v4;
	_ =	sdelay $0x1  }
0x1da: {  	v5 =	vadd.f32 v5, v6;
	_ =	sdelay $0x1  }
0x1db: {  	v5 =	vmax.f32 v5, $0.0e+00  }
0x1dc: {  	[tilespmem:s10+$0xFFFFFF80] =	vst v5  }
0x1dd: {  	v5 =	vld [tilespmem:s11+$0x1B110];
	_ =	sdelay $0x1  }
0x1de: {  	v6 =	vld [tilespmem:s10+$0xFFFFFF90];
	_ =	sdelay $0x2  }
0x1df: {  	v5 =	vmul.f32 v5, v3;
	_ =	sdelay $0x1  }
0x1e0: {  	v5 =	vadd.f32 v5, v6;
	_ =	sdelay $0x1  }
0x1e1: {  	v5 =	vmax.f32 v5, $0.0e+00  }
0x1e2: {  	[tilespmem:s10+$0xFFFFFF90] =	vst v5  }
0x1e3: {  	v5 =	vld [tilespmem:s11+$0x1B120];
	_ =	sdelay $0x1  }
0x1e4: {  	v6 =	vld [tilespmem:s10+$0xFFFFFFA0];
	_ =	sdelay $0x2  }
0x1e5: {  	v5 =	vmul.f32 v5, v2;
	_ =	sdelay $0x1  }
0x1e6: {  	v5 =	vadd.f32 v5, v6;
	_ =	sdelay $0x1  }
0x1e7: {  	v5 =	vmax.f32 v5, $0.0e+00  }
0x1e8: {  	[tilespmem:s10+$0xFFFFFFA0] =	vst v5  }
0x1e9: {  	v5 =	vld [tilespmem:s11+$0x1B130];
	_ =	sdelay $0x1  }
0x1ea: {  	v6 =	vld [tilespmem:s10+$0xFFFFFFB0];
	_ =	sdelay $0x2  }
0x1eb: {  	v5 =	vmul.f32 v5, v1;
	_ =	sdelay $0x1  }
0x1ec: {  	v5 =	vadd.f32 v5, v6;
	_ =	sdelay $0x1  }
0x1ed: {  	v5 =	vmax.f32 v5, $0.0e+00  }
0x1ee: {  	[tilespmem:s10+$0xFFFFFFB0] =	vst v5  }
0x1ef: {  	v5 =	vld [tilespmem:s11+$0x1B140];
	_ =	sdelay $0x1  }
0x1f0: {  	v6 =	vld [tilespmem:s10+$0x0];
	_ =	sdelay $0x2  }
0x1f1: {  	v5 =	vmul.f32 v5, v4;
	_ =	sdelay $0x1  }
0x1f2: {  	v5 =	vadd.f32 v5, v6;
	_ =	sdelay $0x1  }
0x1f3: {  	v5 =	vmax.f32 v5, $0.0e+00  }
0x1f4: {  	[tilespmem:s10+$0x0] =	vst v5  }
0x1f5: {  	v5 =	vld [tilespmem:s11+$0x1B150];
	_ =	sdelay $0x1  }
0x1f6: {  	v6 =	vld [tilespmem:s10+$0x10];
	_ =	sdelay $0x2  }
0x1f7: {  	v5 =	vmul.f32 v5, v3;
	_ =	sdelay $0x1  }
0x1f8: {  	v5 =	vadd.f32 v5, v6;
	_ =	sdelay $0x1  }
0x1f9: {  	v5 =	vmax.f32 v5, $0.0e+00  }
0x1fa: {  	[tilespmem:s10+$0x10] =	vst v5  }
0x1fb: {  	v5 =	vld [tilespmem:s11+$0x1B160];
	_ =	sdelay $0x1  }
0x1fc: {  	v6 =	vld [tilespmem:s10+$0x20];
	_ =	sdelay $0x2  }
0x1fd: {  	v5 =	vmul.f32 v5, v2;
	_ =	sdelay $0x1  }
0x1fe: {  	v5 =	vadd.f32 v5, v6;
	_ =	sdelay $0x1  }
0x1ff: {  	v5 =	vmax.f32 v5, $0.0e+00  }
0x200: {  	[tilespmem:s10+$0x20] =	vst v5  }
0x201: {  	v5 =	vld [tilespmem:s11+$0x1B170];
	_ =	sdelay $0x1  }
0x202: {  	v6 =	vld [tilespmem:s10+$0x30];
	_ =	sdelay $0x2  }
0x203: {  	v5 =	vmul.f32 v5, v1  }
.Ltmp8:
0x204: {  	(pc) =	sbr.rel @p1 .LBB2_14-.Ltmp8, $3  }
0x205: {  	v5 =	vadd.f32 v5, v6;
	_ =	sdelay $0x1  }
0x206: {  	v5 =	vmax.f32 v5, $0.0e+00  }
0x207: {  	s11 =	sshra.s32 s12, $0x2;
	s12 =	sadd.s32 $0x200, s12;
	[tilespmem:s10+$0x30] =	vst v5  }
0x208: {  	v5 =	vld [tilespmem:s11+$0x1B100]  }
0x209: {  	s10 =	sadd.s32 $0x100, s10  }
0x20a: {  	v6 =	vld [tilespmem:s10+$0xFFFFFF80];
	_ =	sdelay $0x2  }
0x20b: {  	v5 =	vmul.f32 v5, v4;
	_ =	sdelay $0x1  }
0x20c: {  	v5 =	vadd.f32 v5, v6;
	_ =	sdelay $0x1  }
0x20d: {  	v5 =	vmax.f32 v5, $0.0e+00  }
0x20e: {  	[tilespmem:s10+$0xFFFFFF80] =	vst v5  }
0x20f: {  	v5 =	vld [tilespmem:s11+$0x1B110];
	_ =	sdelay $0x1  }
0x210: {  	v57 =	vld [tilespmem:s10+$0xFFFFFF90];
	_ =	sdelay $0x2  }
0x211: {  	v5 =	vmul.f32 v5, v3;
	_ =	sdelay $0x1  }
0x212: {  	v5 =	vadd.f32 v5, v57;
	_ =	sdelay $0x1  }
0x213: {  	v5 =	vmax.f32 v5, $0.0e+00  }
0x214: {  	[tilespmem:s10+$0xFFFFFF90] =	vst v5  }
0x215: {  	v5 =	vld [tilespmem:s11+$0x1B120];
	_ =	sdelay $0x1  }
0x216: {  	v58 =	vld [tilespmem:s10+$0xFFFFFFA0];
	_ =	sdelay $0x2  }
0x217: {  	v5 =	vmul.f32 v5, v2;
	_ =	sdelay $0x1  }
0x218: {  	v5 =	vadd.f32 v5, v58;
	_ =	sdelay $0x1  }
0x219: {  	v5 =	vmax.f32 v5, $0.0e+00  }
0x21a: {  	[tilespmem:s10+$0xFFFFFFA0] =	vst v5  }
0x21b: {  	v5 =	vld [tilespmem:s11+$0x1B130];
	_ =	sdelay $0x1  }
0x21c: {  	v59 =	vld [tilespmem:s10+$0xFFFFFFB0];
	_ =	sdelay $0x2  }
0x21d: {  	v5 =	vmul.f32 v5, v1;
	_ =	sdelay $0x1  }
0x21e: {  	v5 =	vadd.f32 v5, v59;
	_ =	sdelay $0x1  }
0x21f: {  	v5 =	vmax.f32 v5, $0.0e+00  }
0x220: {  	[tilespmem:s10+$0xFFFFFFB0] =	vst v5  }
0x221: {  	v5 =	vld [tilespmem:s11+$0x1B140];
	_ =	sdelay $0x1  }
0x222: {  	v60 =	vld [tilespmem:s10+$0x0];
	_ =	sdelay $0x2  }
0x223: {  	v61 =	vmul.f32 v5, v4;
	_ =	sdelay $0x1  }
0x224: {  	v4 =	vadd.f32 v61, v60;
	_ =	sdelay $0x1  }
0x225: {  	v4 =	vmax.f32 v4, $0.0e+00  }
0x226: {  	[tilespmem:s10+$0x0] =	vst v4  }
0x227: {  	v4 =	vld [tilespmem:s11+$0x1B150];
	_ =	sdelay $0x1  }
0x228: {  	v62 =	vld [tilespmem:s10+$0x10];
	_ =	sdelay $0x2  }
0x229: {  	v3 =	vmul.f32 v4, v3;
	_ =	sdelay $0x1  }
0x22a: {  	v3 =	vadd.f32 v3, v62;
	_ =	sdelay $0x1  }
0x22b: {  	v3 =	vmax.f32 v3, $0.0e+00  }
0x22c: {  	[tilespmem:s10+$0x10] =	vst v3  }
0x22d: {  	v3 =	vld [tilespmem:s11+$0x1B160];
	_ =	sdelay $0x1  }
0x22e: {  	v63 =	vld [tilespmem:s10+$0x20];
	_ =	sdelay $0x2  }
0x22f: {  	v2 =	vmul.f32 v3, v2;
	_ =	sdelay $0x1  }
0x230: {  	v2 =	vadd.f32 v2, v63;
	_ =	sdelay $0x1  }
0x231: {  	v2 =	vmax.f32 v2, $0.0e+00  }
0x232: {  	[tilespmem:s10+$0x20] =	vst v2  }
0x233: {  	v2 =	vld [tilespmem:s11+$0x1B170];
	_ =	sdelay $0x1  }
0x234: {  	v3 =	vld [tilespmem:s10+$0x30];
	_ =	sdelay $0x2  }
0x235: {  	v1 =	vmul.f32 v2, v1;
	_ =	sdelay $0x1  }
0x236: {  	v1 =	vadd.f32 v1, v3;
	_ =	sdelay $0x1  }
0x237: {  	v1 =	vmax.f32 v1, $0.0e+00  }
0x238: {  	[tilespmem:s10+$0x30] =	vst v1  }
0x239: {  	_ =	swait.ge [sflag:s29], $0x50  }
0x23a: {  	[sflag:s29] =	ssyncset.done $0x0  }
0x23b: {  	[sflag:s29] =	ssyncadd.s32 $0xFFFFFFB0  }
0x23c: {  	[spmem:s4] =	stream.indirect.scatter.add.f32 [tilespmem:s18], [sflag:$0x5], $0x80, s19, s21, $0xb8;
	[tilespmem:$0x1D980] =	vst v63  }
.Ltmp9:
0x23d: {  	_ =	swait.ge [sflag:s2], $0x2800;
	(pc) =	sbr.rel @p0 .LBB2_19-.Ltmp9, $4  }
0x23e: {  	[sflag:s2] =	ssyncset.done $0x0  }
0x23f: {  	[sflag:s2] =	ssyncadd.s32 $0xFFFFD800  }
0x240: {  	[bflag:$0x0] =	sbarrier.arrive $0xFFFF  }
0x241: {  	s11 =	rddreg [dreg:$0x9]  }
0x242: {  	[tilespmem:s18], [sflag:$0x9] =	stream.linear.gather [spmem:s14], $0x2800, $0x38;
	[tilespmem:$0x1D980] =	vst v63  }
0x243: {  	_ =	swait.ge [sflag:s16], $0x2800  }
0x244: {  	[sflag:s16] =	ssyncset.done $0x0  }
0x245: {  	s10 =	sadd.s32 $0x0, s24;
	[sflag:s16] =	ssyncadd.s32 $0xFFFFD800  }
0x246: {  	[hbm4b:s10+s5] =	stream.linear.scatter [tilespmem:s18], [sflag:$0x9], $0x2800, $0x38;
	[tilespmem:$0x1D980] =	vst v63  }
0x247: {  	_ =	swait.ge [sflag:s16], $0x2800  }
0x248: {  	s11 =	smov.u32 s14;
	s10 =	simm.s32 $0x500;
	[sflag:s16] =	ssyncset.done $0x0  }
.LBB2_17:
0x249: {  	p1 =	sne.s32 s10, $0x7800;
	[sflag:s16] =	ssyncadd.s32 $0xFFFFD800;
	s11 =	sadd.s32 $0x2800, s11  }
0x24a: {  	[tilespmem:s18], [sflag:$0x9] =	stream.linear.gather [spmem:s11], $0x2800, $0x38;
	[tilespmem:$0x1D980] =	vst v63  }
0x24b: {  	s12 =	smov.u32 s10;
	s10 =	sadd.s32 $0x500, s10;
	_ =	swait.ge [sflag:s16], $0x2800  }
.Ltmp10:
0x24c: {  	[sflag:s16] =	ssyncset.done $0x0;
	(pc) =	sbr.rel @p1 .LBB2_17-.Ltmp10, $4  }
0x24d: {  	s12 =	sadd.s32 s12, s24;
	[sflag:s16] =	ssyncadd.s32 $0xFFFFD800  }
0x24e: {  	[hbm4b:s12+s5] =	stream.linear.scatter [tilespmem:s18], [sflag:$0x9], $0x2800, $0x38;
	[tilespmem:$0x1D980] =	vst v63  }
0x24f: {  	_ =	swait.ge [sflag:s16], $0x2800  }
0x250: {  	[sflag:s16] =	ssyncset.done $0x0  }
.Ltmp11:
0x251: {  	(pc) =	sbr.rel .LBB2_19-.Ltmp11, $2  }
0x252: {  	_ =	sdelay $0x2  }
0x253: {  	[sflag:s16] =	ssyncadd.s32 $0xFFFFD800;
	s11 =	rddreg [dreg:$0x9]  }
.LBB2_20:
0x254: {  	_ =	sfence.sel $0x180000  }
0x255: {  	[bflag:$0x0] =	sbarrier.arrive $0xFFFF  }
0x256: {  	_ =	strace $0x9000004D  }
0x257: {  	s0 =	stileid.u32;
	[bflag:$0x2] =	sbarrier.arrive $0xFFFF  }
0x258: {  	p0 =	sne.s32 s0, $0x0;
	s0 =	rddreg [dreg:$0x4]  }
0x259: {  	s0 =	sadd.s32 @!p0 $0x100000, s0  }
0x25a: {  	[sflag:s0] =	ssyncadd.tile.s32 @!p0 $0x1;
	_ =	shalt  }
.Lfunc_end2:
_tile_overlayer_lowered:
.L_overlay_start_2:
0x25b: {  	(tag) =	ssettag $0x2  }
0x25c: {  	s0 =	rddreg [dreg:$0x0];
	s2 =	stileid.u32  }
0x25d: {  	s1 =	rddreg [dreg:$0x1];
	p0 =	sne.s32 s2, $0x0  }
0x25e: {  	s3 =	rddreg [dreg:$0x2];
	[bflag:$0x3] =	sbarrier.arrive $0xFFFF;
	s2 =	simm.s32 @!p0 $0x1C09  }
0x25f: {  	[timem:s3], [sflag:s2] =	dma.local @!p0 [hbm:s0], s1  }
0x260: {  	s0 =	simm.s32 @!p0 $0x9  }
0x261: {  	_ =	swait.ge @!p0 [sflag:s0], s1  }
0x262: {  	s1 =	ssub.s32 @!p0 $0x0, s1;
	[sflag:s0] =	ssyncset.done @!p0 $0x0  }
0x263: {  	[sflag:s0] =	ssyncadd.s32 @!p0 s1  }
0x264: {  	[bflag:$0x3] =	sbarrier.arrive $0xFFFF  }
0x265: {  	_ =	shalt  }

</sc_bundles>
